<compile_context>
chip_gen: v7x
topology: tpu7x:2x2x1
jax: 0.10.2.dev20260603
libtpu: 0.0.44.dev20260713+nightly
codegen_flags: <defaults>
</compile_context>

<pallas_src>
import functools

import jax
import jax.numpy as jnp
from jax import lax
from jax.experimental import pallas as pl
from jax.experimental.pallas import tpu as pltpu
from jax.experimental.pallas import tpu_sc as plsc

M = 100000
B = 16384
D = 128
C = 100
CP = 128

NS = 16
HALF = M // 2
ESZ = 3128
ESZ_L = HALF - 15 * ESZ
ESP = 3136
NPV = ESP // 16
WIN = 136
NWIN = ESZ // WIN
WIN_L = ESZ_L - (NWIN - 1) * WIN
IDQ = 4
IDC = B // IDQ
NCHK = 25


def _body(bx_h, lb_h, by_h, bt_h, x_h, lnp_h, byn_h, idx_h, t_h,
          obx_h, oby_h, obt_h, olg_h,
          aidx, wloc, cdst1, csrc1, cdst2, csrc2, byv, tv, t_v,
          bxw, lgw, xrow, lnrow, byc, sem):
    c = lax.axis_index("c")
    s = lax.axis_index("s")
    e0 = c * HALF + s * ESZ
    esz = jnp.where(s < NS - 1, ESZ, ESZ_L)
    hi = e0 + esz

    pltpu.sync_copy(t_h, t_v)
    neg = jnp.full((16,), -1, jnp.int32)

    def finit(j, _):
        wloc[pl.ds(j * 16, 16)] = neg
        return 0

    lax.fori_loop(0, NPV, finit, 0)

    def ftv(j, _):
        tv[pl.ds(j * 16, 16)] = t_v[...]
        return 0

    lax.fori_loop(0, 8, ftv, 0)

    for q in range(IDQ):
        pltpu.sync_copy(idx_h.at[pl.ds(q * IDC, IDC)], aidx)

        def fscan(j, _, q=q):
            sl = pl.ds(j * 16, 16)
            ix = aidx[sl]
            iv = lax.iota(jnp.int32, 16) + (q * IDC + j * 16)
            m0 = (ix >= e0) & (ix < hi)
            rel = jnp.clip(ix - e0, 0, ESP - 1)

            def wbody(m):
                plsc.store_scatter(wloc, [rel], iv, mask=m)
                cur = plsc.load_gather(wloc, [rel], mask=m)
                return m & (cur < iv)

            lax.while_loop(jnp.any, wbody, m0)
            return 0

        lax.fori_loop(0, IDC // 16, fscan, 0)

    def fcomp(j, cnt):
        sl = pl.ds(j * 16, 16)
        wv = wloc[sl]
        dst = e0 + lax.iota(jnp.int32, 16) + j * 16
        win = wv >= 0
        wm = jnp.where(win, 1, 0)
        inc = plsc.cumsum(wm)
        pos = cnt + (inc - wm)
        plsc.store_scatter(cdst1, [pos], dst, mask=win)
        plsc.store_scatter(csrc1, [pos], wv, mask=win)
        plsc.store_scatter(cdst2, [pos >> 7, pos & 127], dst, mask=win)
        plsc.store_scatter(csrc2, [pos >> 7, pos & 127], wv, mask=win)
        return cnt + jnp.sum(wm)

    cnt = lax.fori_loop(0, NPV, fcomp, 0)

    @pl.when(cnt > 0)
    def _():
        def fpad(j, _):
            posv = lax.iota(jnp.int32, 16) + j * 16
            tl = posv >= cnt
            idxsrc = lax.rem(posv, jnp.full((16,), 1, jnp.int32) * cnt)
            cd = plsc.load_gather(cdst1, [idxsrc])
            cs = plsc.load_gather(csrc1, [idxsrc])
            plsc.store_scatter(cdst2, [posv >> 7, posv & 127], cd, mask=tl)
            plsc.store_scatter(csrc2, [posv >> 7, posv & 127], cs, mask=tl)
            return 0

        lax.fori_loop(0, NCHK * 8, fpad, 0)

    def copy_lg_window(r, rows, p):
        pltpu.sync_copy(lb_h.at[pl.ds(r, rows)], lgw.at[pl.ds(0, rows)])
        rend = r + rows

        def pcond(p):
            pv = jnp.full((16,), 1, jnp.int32) * p
            nxt = plsc.load_gather(cdst1, [pv])[0]
            return (p < cnt) & (nxt < rend)

        def pbody(p):
            @pl.when((p & 127) == 0)
            def _():
                pltpu.async_copy(lnp_h.at[csrc2.at[p >> 7]], lnrow, sem).wait()
            pv = jnp.full((16,), 1, jnp.int32) * p
            dstrow = plsc.load_gather(cdst1, [pv])[0] - r
            prow = p & 127
            for u in (0, 16, 32, 48, 64, 80, 84):
                lgw[dstrow, pl.ds(u, 16)] = lnrow[prow, pl.ds(u, 16)]
            return p + 1

        p = lax.while_loop(pcond, pbody, p)
        pltpu.sync_copy(lgw.at[pl.ds(0, rows)], olg_h.at[pl.ds(r, rows)])
        return p

    def fwin(wi, p):
        r = e0 + wi * WIN
        pltpu.sync_copy(bx_h.at[pl.ds(r, WIN)], bxw)
        pltpu.sync_copy(bxw, obx_h.at[pl.ds(r, WIN)])
        return copy_lg_window(r, WIN, p)

    nwin = jnp.where(s < NS - 1, NWIN, NWIN - 1)
    p = lax.fori_loop(0, nwin, fwin, 0)

    @pl.when(s == NS - 1)
    def _():
        r = e0 + (NWIN - 1) * WIN
        pltpu.sync_copy(bx_h.at[pl.ds(r, WIN_L)], bxw.at[pl.ds(0, WIN_L)])
        pltpu.sync_copy(bxw.at[pl.ds(0, WIN_L)], obx_h.at[pl.ds(r, WIN_L)])
        copy_lg_window(r, WIN_L, p)

    @pl.when(s < NS - 1)
    def _():
        pltpu.sync_copy(by_h.at[pl.ds(e0, ESZ)], byc)
        pltpu.sync_copy(byc, oby_h.at[pl.ds(e0, ESZ)])
        pltpu.sync_copy(bt_h.at[pl.ds(e0, ESZ)], byc)
        pltpu.sync_copy(byc, obt_h.at[pl.ds(e0, ESZ)])

    @pl.when(s == NS - 1)
    def _():
        pltpu.sync_copy(by_h.at[pl.ds(e0, ESZ_L)], byc.at[pl.ds(0, ESZ_L)])
        pltpu.sync_copy(byc.at[pl.ds(0, ESZ_L)], oby_h.at[pl.ds(e0, ESZ_L)])
        pltpu.sync_copy(bt_h.at[pl.ds(e0, ESZ_L)], byc.at[pl.ds(0, ESZ_L)])
        pltpu.sync_copy(byc.at[pl.ds(0, ESZ_L)], obt_h.at[pl.ds(e0, ESZ_L)])

    for k in range(NCHK):
        @pl.when(cnt > k * 128)
        def _(k=k):
            pltpu.async_copy(x_h.at[csrc2.at[k]], xrow, sem).wait()
            pltpu.async_copy(xrow, obx_h.at[cdst2.at[k]], sem).wait()
            pltpu.async_copy(byn_h.at[csrc2.at[k]], byv, sem).wait()
            pltpu.async_copy(byv, oby_h.at[cdst2.at[k]], sem).wait()
            pltpu.async_copy(tv, obt_h.at[cdst2.at[k]], sem).wait()

@jax.jit
def _run(bx, logits_buf, by_buf, bt_buf, x, lnp, by_new, idx, tarr):
    f = functools.partial(
        pl.kernel,
        mesh=plsc.VectorSubcoreMesh(core_axis_name="c", subcore_axis_name="s"),
        compiler_params=pltpu.CompilerParams(needs_layout_passes=False),
        out_type=[
            jax.ShapeDtypeStruct((M, D), jnp.float32),
            jax.ShapeDtypeStruct((M,), jnp.int32),
            jax.ShapeDtypeStruct((M,), jnp.int32),
            jax.ShapeDtypeStruct((M, C), jnp.float32),
        ],
        scratch_types=[
            pltpu.VMEM((IDC,), jnp.int32),
            pltpu.VMEM((ESP,), jnp.int32),
            pltpu.VMEM((ESP,), jnp.int32),
            pltpu.VMEM((ESP,), jnp.int32),
            pltpu.VMEM((NCHK, 128), jnp.int32),
            pltpu.VMEM((NCHK, 128), jnp.int32),
            pltpu.VMEM((128,), jnp.int32),
            pltpu.VMEM((128,), jnp.int32),
            pltpu.VMEM((16,), jnp.int32),
            pltpu.VMEM((WIN, D), jnp.float32),
            pltpu.VMEM((WIN, C), jnp.float32),
            pltpu.VMEM((128, D), jnp.float32),
            pltpu.VMEM((128, CP), jnp.float32),
            pltpu.VMEM((ESZ,), jnp.int32),
            pltpu.SemaphoreType.DMA,
        ],
    )(_body)
    return f(bx, logits_buf, by_buf, bt_buf, x, lnp, by_new, idx, tarr)


def kernel(bx, logits_buf, by_buf, bt_buf, x, logits_new, by_new, idx, t):
    tarr = jnp.full((16,), t, jnp.int32)
    lnp = jnp.pad(logits_new, ((0, 0), (0, CP - C)))
    return tuple(_run(bx, logits_buf, by_buf, bt_buf, x, lnp, by_new, idx, tarr))

# --- scband reference (transcript-rebuilt; emitter-appended) ---
"""Pipeline reference for scband-buffer-29635274342826 (READ-ONLY COPY).

The authoritative reference and input builder live on the scoring server;
editing this copy changes nothing except your own understanding.
"""

import jax, jax.numpy as jnp
import numpy as np

M = 100000  # buffer slots (args.mem_size, economy=1 since args.gen=False)
D = 128     # input_size
B = 16384   # incoming batch
C = 100     # n_classes


def setup_inputs(seed: int = 0) -> dict:
    key = jax.random.key(seed)
    k1, k2, k3, k4, k5, k6, k7 = jax.random.split(key, 7)
    bx = jax.random.normal(k1, (M, D), dtype=jnp.float32)
    logits_buf = jax.random.normal(k2, (M, C), dtype=jnp.float32)
    by_buf = jax.random.randint(k3, (M,), 0, C, dtype=jnp.int32)
    bt_buf = jnp.zeros((M,), dtype=jnp.int32)
    x = jax.random.normal(k4, (B, D), dtype=jnp.float32)
    logits_new = jax.random.normal(k5, (B, C), dtype=jnp.float32)
    by_new = jax.random.randint(k6, (B,), 0, C, dtype=jnp.int32)
    # reservoir indices: uniform in [0, n_seen_so_far) with n_seen_so_far = 2*M;
    # indices >= M are invalid and dropped (matches `valid_indices = indices < bx.size(0)`)
    idx = jax.random.randint(k7, (B,), 0, 2 * M, dtype=jnp.int32)
    t = 5
    return {"bx": bx, "logits_buf": logits_buf, "by_buf": by_buf, "bt_buf": bt_buf,
            "x": x, "logits_new": logits_new, "by_new": by_new, "idx": idx, "t": t}


def reference(bx, logits_buf, by_buf, bt_buf, x, logits_new, by_new, idx, t):
    # Faithful translation of Buffer.add_reservoir on a full buffer
    # (place_left == 0, so only the reservoir-overwrite path executes):
    #   self.bx[idx_buffer]     = x[idx_new_data]
    #   self.by[idx_buffer]     = y[idx_new_data]
    #   self.bt[idx_buffer]     = t
    #   self.logits[idx_buffer] = logits[idx_new_data]
    # Invalid indices (>= M) are filtered in torch via nonzero(); here mode='drop'
    # drops out-of-bounds scatter writes, which is equivalent.
    new_bx = bx.at[idx].set(x, mode="drop")
    new_by = by_buf.at[idx].set(by_new, mode="drop")
    new_bt = bt_buf.at[idx].set(jnp.full((idx.shape[0],), t, dtype=bt_buf.dtype), mode="drop")
    new_logits = logits_buf.at[idx].set(logits_new, mode="drop")
    return (new_bx, new_by, new_bt, new_logits)

if __name__ == "__main__":
    import jax
    _d = setup_inputs()
    print(jax.jit(kernel)(*tuple(_d.values())))

</pallas_src>

<mosaic_0001>
#map = affine_map<(d0, d1) -> (0, 0)>
#map1 = affine_map<(d0, d1) -> (0)>
module attributes {stable_mosaic.version = 14 : i64} {
  func.func @_body(%arg0: i32, %arg1: i32, %arg2: memref<100000x128xf32, #tpu.memory_space<hbm>>, %arg3: memref<100000x100xf32, #tpu.memory_space<hbm>>, %arg4: memref<100000xi32, #tpu.memory_space<hbm>>, %arg5: memref<100000xi32, #tpu.memory_space<hbm>>, %arg6: memref<16384x128xf32, #tpu.memory_space<hbm>>, %arg7: memref<16384x128xf32, #tpu.memory_space<hbm>>, %arg8: memref<16384xi32, #tpu.memory_space<hbm>>, %arg9: memref<16384xi32, #tpu.memory_space<hbm>>, %arg10: memref<16xi32, #tpu.memory_space<hbm>>, %arg11: memref<100000x128xf32, #tpu.memory_space<hbm>>, %arg12: memref<100000xi32, #tpu.memory_space<hbm>>, %arg13: memref<100000xi32, #tpu.memory_space<hbm>>, %arg14: memref<100000x100xf32, #tpu.memory_space<hbm>>, %arg15: memref<4096xi32, #tpu.memory_space<vmem>>, %arg16: memref<3136xi32, #tpu.memory_space<vmem>>, %arg17: memref<3136xi32, #tpu.memory_space<vmem>>, %arg18: memref<3136xi32, #tpu.memory_space<vmem>>, %arg19: memref<25x128xi32, #tpu.memory_space<vmem>>, %arg20: memref<25x128xi32, #tpu.memory_space<vmem>>, %arg21: memref<128xi32, #tpu.memory_space<vmem>>, %arg22: memref<128xi32, #tpu.memory_space<vmem>>, %arg23: memref<16xi32, #tpu.memory_space<vmem>>, %arg24: memref<136x128xf32, #tpu.memory_space<vmem>>, %arg25: memref<136x100xf32, #tpu.memory_space<vmem>>, %arg26: memref<128x128xf32, #tpu.memory_space<vmem>>, %arg27: memref<128x128xf32, #tpu.memory_space<vmem>>, %arg28: memref<3128xi32, #tpu.memory_space<vmem>>, %arg29: memref<!tpu.dma_semaphore, #tpu.memory_space<semaphore_mem>>) attributes {dimension_semantics = [#tpu.dimension_semantics<core_parallel>, #tpu.dimension_semantics<subcore_parallel>], iteration_bounds = array<i64: 2, 16>, scalar_prefetch = 0 : i64, scratch_operands = 15 : i64, tpu.core_type = #tpu.core_type<sc_vector_subcore>, window_params = [{transform_indices = #map}, {transform_indices = #map}, {transform_indices = #map1}, {transform_indices = #map1}, {transform_indices = #map}, {transform_indices = #map}, {transform_indices = #map1}, {transform_indices = #map1}, {transform_indices = #map1}, {transform_indices = #map}, {transform_indices = #map1}, {transform_indices = #map1}, {transform_indices = #map}]} {
    %mul3A = arith.constant 50000 : i32
    %mul3A_0 = arith.muli %arg0, %mul3A : i32
    %mul3A_1 = arith.constant 3128 : i32
    %mul3A_2 = arith.muli %arg1, %mul3A_1 : i32
    %add3A = arith.addi %mul3A_0, %mul3A_2 : i32
    %lt3A = arith.constant 15 : i32
    %lt3A_3 = arith.cmpi slt, %arg1, %lt3A : i32
    %jit3A = arith.constant 3128 : i32
    %jit3A_4 = arith.constant 3080 : i32
    %select_n3A = arith.select %lt3A_3, %jit3A, %jit3A_4 : i32
    %add3A_5 = arith.addi %add3A, %select_n3A : i32
    "tpu.region"() ({
      %run_scoped3A = tpu.sem_alloc : memref<!tpu.dma_semaphore, #tpu.memory_space<semaphore_mem>>
      tpu.enqueue_dma source(%arg10 : memref<16xi32, #tpu.memory_space<hbm>>) target(%arg23 : memref<16xi32, #tpu.memory_space<vmem>>) target_semaphore(%run_scoped3A : memref<!tpu.dma_semaphore, #tpu.memory_space<semaphore_mem>>)
      tpu.wait_dma2 semaphore(%run_scoped3A : memref<!tpu.dma_semaphore, #tpu.memory_space<semaphore_mem>>) src(%arg10 : memref<16xi32, #tpu.memory_space<hbm>>) dst(%arg23 : memref<16xi32, #tpu.memory_space<vmem>>)
      tpu.yield
    }) : () -> ()
    %broadcast_in_dim3A = arith.constant -1 : i32
    %broadcast_in_dim3A_6 = vector.broadcast %broadcast_in_dim3A : i32 to vector<16xi32>
    %scan3A = arith.constant 0 : i32
    %scan3A_7 = arith.constant 0 : i32
    %scan3A_8 = arith.constant 196 : i32
    %scan3A_9 = arith.addi %scan3A_7, %scan3A_8 : i32
    %scan3A_10 = arith.constant 1 : i32
    %scan3A_11 = scf.for %scan3A_212 = %scan3A_7 to %scan3A_9 step %scan3A_10 iter_args(%scan3A_213 = %scan3A) -> (i32)  : i32 {
      %mul3A_214 = arith.constant 16 : i32
      %mul3A_215 = arith.muli %scan3A_212, %mul3A_214 : i32
      %swap3A = arith.index_cast %mul3A_215 : i32 to index
      %swap3A_216 = tpu.vector_load %arg16[%swap3A] {strides = array<i32>} : memref<3136xi32, #tpu.memory_space<vmem>>, vector<16xi32>,
      tpu.vector_store %arg16[%swap3A], %broadcast_in_dim3A_6 {strides = array<i32>} : memref<3136xi32, #tpu.memory_space<vmem>>, vector<16xi32>,
      %scan3A_217 = arith.constant 0 : i32
      scf.yield %scan3A_217 : i32
    }
    %scan3A_12 = arith.constant 196 : i32
    %scan3A_13 = arith.constant 0 : i32
    %scan3A_14 = arith.constant 0 : i32
    %scan3A_15 = arith.constant 8 : i32
    %scan3A_16 = arith.addi %scan3A_14, %scan3A_15 : i32
    %scan3A_17 = arith.constant 1 : i32
    %scan3A_18 = scf.for %scan3A_212 = %scan3A_14 to %scan3A_16 step %scan3A_17 iter_args(%scan3A_213 = %scan3A_13) -> (i32)  : i32 {
      %get3A = arith.constant 0 : index
      %get3A_214 = tpu.vector_load %arg23[%get3A] {strides = array<i32>} : memref<16xi32, #tpu.memory_space<vmem>>, vector<16xi32>,
      %mul3A_215 = arith.constant 16 : i32
      %mul3A_216 = arith.muli %scan3A_212, %mul3A_215 : i32
      %swap3A = arith.index_cast %mul3A_216 : i32 to index
      %swap3A_217 = tpu.vector_load %arg22[%swap3A] {strides = array<i32>} : memref<128xi32, #tpu.memory_space<vmem>>, vector<16xi32>,
      tpu.vector_store %arg22[%swap3A], %get3A_214 {strides = array<i32>} : memref<128xi32, #tpu.memory_space<vmem>>, vector<16xi32>,
      %scan3A_218 = arith.constant 0 : i32
      scf.yield %scan3A_218 : i32
    }
    %scan3A_19 = arith.constant 8 : i32
    "tpu.region"() ({
      %run_scoped3A = tpu.sem_alloc : memref<!tpu.dma_semaphore, #tpu.memory_space<semaphore_mem>>
      %dma_start3A = arith.constant 0 : i32
      %dma_start3A_212 = tpu.memref_slice %arg9[%dma_start3A] : memref<16384xi32, #tpu.memory_space<hbm>> -> memref<4096xi32, #tpu.memory_space<hbm>>
      %dma_start3A_213 = arith.constant 0 : i32
      %dma_start3A_214 = tpu.memref_slice %arg9[%dma_start3A_213] : memref<16384xi32, #tpu.memory_space<hbm>> -> memref<4096xi32, #tpu.memory_space<hbm>>
      tpu.enqueue_dma source(%dma_start3A_214 : memref<4096xi32, #tpu.memory_space<hbm>>) target(%arg15 : memref<4096xi32, #tpu.memory_space<vmem>>) target_semaphore(%run_scoped3A : memref<!tpu.dma_semaphore, #tpu.memory_space<semaphore_mem>>)
      %dma_wait3A = arith.constant 0 : i32
      %dma_wait3A_215 = tpu.memref_slice %arg9[%dma_wait3A] : memref<16384xi32, #tpu.memory_space<hbm>> -> memref<4096xi32, #tpu.memory_space<hbm>>
      %dma_wait3A_216 = arith.constant 0 : i32
      %dma_wait3A_217 = tpu.memref_slice %arg9[%dma_wait3A_216] : memref<16384xi32, #tpu.memory_space<hbm>> -> memref<4096xi32, #tpu.memory_space<hbm>>
      tpu.wait_dma2 semaphore(%run_scoped3A : memref<!tpu.dma_semaphore, #tpu.memory_space<semaphore_mem>>) src(%dma_wait3A_217 : memref<4096xi32, #tpu.memory_space<hbm>>) dst(%arg15 : memref<4096xi32, #tpu.memory_space<vmem>>)
      tpu.yield
    }) : () -> ()
    %scan3A_20 = arith.constant 0 : i32
    %scan3A_21 = arith.constant 0 : i32
    %scan3A_22 = arith.constant 256 : i32
    %scan3A_23 = arith.addi %scan3A_21, %scan3A_22 : i32
    %scan3A_24 = arith.constant 1 : i32
    %scan3A_25 = scf.for %scan3A_212 = %scan3A_21 to %scan3A_23 step %scan3A_24 iter_args(%scan3A_213 = %scan3A_20) -> (i32)  : i32 {
      %mul3A_214 = arith.constant 16 : i32
      %mul3A_215 = arith.muli %scan3A_212, %mul3A_214 : i32
      %get3A = arith.index_cast %mul3A_215 : i32 to index
      %get3A_216 = tpu.vector_load %arg15[%get3A] {strides = array<i32>} : memref<4096xi32, #tpu.memory_space<vmem>>, vector<16xi32>,
      %iota3A = tpu.iota {dimensions = array<i32: 0>} : vector<16xi32>
      %mul3A_217 = arith.constant 16 : i32
      %mul3A_218 = arith.muli %scan3A_212, %mul3A_217 : i32
      %add3A_219 = arith.constant 0 : i32
      %add3A_220 = arith.addi %add3A_219, %mul3A_218 : i32
      %add3A_221 = vector.broadcast %add3A_220 : i32 to vector<16xi32>
      %add3A_222 = arith.addi %iota3A, %add3A_221 : vector<16xi32>
      %ge3A = vector.broadcast %add3A : i32 to vector<16xi32>
      %ge3A_223 = arith.cmpi sge, %get3A_216, %ge3A : vector<16xi32>
      %lt3A_224 = vector.broadcast %add3A_5 : i32 to vector<16xi32>
      %lt3A_225 = arith.cmpi slt, %get3A_216, %lt3A_224 : vector<16xi32>
      %and3A = arith.andi %ge3A_223, %lt3A_225 : vector<16xi1>
      %sub3A = vector.broadcast %add3A : i32 to vector<16xi32>
      %sub3A_226 = arith.subi %get3A_216, %sub3A : vector<16xi32>
      %jit3A_227 = arith.constant 0 : i32
      %jit3A_228 = arith.constant 3135 : i32
      %max3A = vector.broadcast %jit3A_227 : i32 to vector<16xi32>
      %max3A_229 = arith.maxsi %max3A, %sub3A_226 : vector<16xi32>
      %min3A = vector.broadcast %jit3A_228 : i32 to vector<16xi32>
      %min3A_230 = arith.minsi %min3A, %max3A_229 : vector<16xi32>
      %while3A_231 = scf.while (%while3A_233 = %and3A) : (vector<16xi1>) -> vector<16xi1> {
        %reduce_or3A = arith.constant 1.000000e+00 : f32
        %reduce_or3A_234 = arith.constant 0.000000e+00 : f32
        %reduce_or3A_235 = vector.broadcast %reduce_or3A : f32 to vector<16xf32>
        %reduce_or3A_236 = vector.broadcast %reduce_or3A_234 : f32 to vector<16xf32>
        %reduce_or3A_237 = arith.select %while3A_233, %reduce_or3A_235, %reduce_or3A_236 : vector<16xi1>, vector<16xf32>
        %reduce_or3A_238 = arith.constant true
        %reduce_or3A_239 = vector.broadcast %reduce_or3A_238 : i1 to vector<16xi1>
        %reduce_or3A_240 = tpu.scan <max>, %reduce_or3A_237 masked %reduce_or3A_239 : vector<16xf32>, vector<16xi1> -> vector<16xf32>
        %reduce_or3A_241 = vector.extract %reduce_or3A_240[15] : f32 from vector<16xf32>
        %reduce_or3A_242 = arith.constant 0.000000e+00 : f32
        %reduce_or3A_243 = arith.cmpf ogt, %reduce_or3A_241, %reduce_or3A_242 : f32
        scf.condition(%reduce_or3A_243) %while3A_233 : vector<16xi1>
      } do {
      ^bb0(%while3A_233: vector<16xi1>):
        tpu.vector_store_idx %arg16[%min3A_230], %add3A_222 masked %while3A_233 : memref<3136xi32, #tpu.memory_space<vmem>>[vector<16xi32>], vector<16xi32>, vector<16xi1>
        %gather3A = tpu.vector_load_idx %arg16[%min3A_230] masked %while3A_233 : memref<3136xi32, #tpu.memory_space<vmem>>[vector<16xi32>], vector<16xi32>, vector<16xi1>
        %lt3A_234 = arith.cmpi slt, %gather3A, %add3A_222 : vector<16xi32>
        %and3A_235 = arith.andi %while3A_233, %lt3A_234 : vector<16xi1>
        scf.yield %and3A_235 : vector<16xi1>
      }
      %scan3A_232 = arith.constant 0 : i32
      scf.yield %scan3A_232 : i32
    }
    %scan3A_26 = arith.constant 256 : i32
    "tpu.region"() ({
      %run_scoped3A = tpu.sem_alloc : memref<!tpu.dma_semaphore, #tpu.memory_space<semaphore_mem>>
      %dma_start3A = arith.constant 4096 : i32
      %dma_start3A_212 = tpu.memref_slice %arg9[%dma_start3A] : memref<16384xi32, #tpu.memory_space<hbm>> -> memref<4096xi32, #tpu.memory_space<hbm>>
      %dma_start3A_213 = arith.constant 4096 : i32
      %dma_start3A_214 = tpu.memref_slice %arg9[%dma_start3A_213] : memref<16384xi32, #tpu.memory_space<hbm>> -> memref<4096xi32, #tpu.memory_space<hbm>>
      tpu.enqueue_dma source(%dma_start3A_214 : memref<4096xi32, #tpu.memory_space<hbm>>) target(%arg15 : memref<4096xi32, #tpu.memory_space<vmem>>) target_semaphore(%run_scoped3A : memref<!tpu.dma_semaphore, #tpu.memory_space<semaphore_mem>>)
      %dma_wait3A = arith.constant 4096 : i32
      %dma_wait3A_215 = tpu.memref_slice %arg9[%dma_wait3A] : memref<16384xi32, #tpu.memory_space<hbm>> -> memref<4096xi32, #tpu.memory_space<hbm>>
      %dma_wait3A_216 = arith.constant 4096 : i32
      %dma_wait3A_217 = tpu.memref_slice %arg9[%dma_wait3A_216] : memref<16384xi32, #tpu.memory_space<hbm>> -> memref<4096xi32, #tpu.memory_space<hbm>>
      tpu.wait_dma2 semaphore(%run_scoped3A : memref<!tpu.dma_semaphore, #tpu.memory_space<semaphore_mem>>) src(%dma_wait3A_217 : memref<4096xi32, #tpu.memory_space<hbm>>) dst(%arg15 : memref<4096xi32, #tpu.memory_space<vmem>>)
      tpu.yield
    }) : () -> ()
    %scan3A_27 = arith.constant 0 : i32
    %scan3A_28 = arith.constant 0 : i32
    %scan3A_29 = arith.constant 256 : i32
    %scan3A_30 = arith.addi %scan3A_28, %scan3A_29 : i32
    %scan3A_31 = arith.constant 1 : i32
    %scan3A_32 = scf.for %scan3A_212 = %scan3A_28 to %scan3A_30 step %scan3A_31 iter_args(%scan3A_213 = %scan3A_27) -> (i32)  : i32 {
      %mul3A_214 = arith.constant 16 : i32
      %mul3A_215 = arith.muli %scan3A_212, %mul3A_214 : i32
      %get3A = arith.index_cast %mul3A_215 : i32 to index
      %get3A_216 = tpu.vector_load %arg15[%get3A] {strides = array<i32>} : memref<4096xi32, #tpu.memory_space<vmem>>, vector<16xi32>,
      %iota3A = tpu.iota {dimensions = array<i32: 0>} : vector<16xi32>
      %mul3A_217 = arith.constant 16 : i32
      %mul3A_218 = arith.muli %scan3A_212, %mul3A_217 : i32
      %add3A_219 = arith.constant 4096 : i32
      %add3A_220 = arith.addi %add3A_219, %mul3A_218 : i32
      %add3A_221 = vector.broadcast %add3A_220 : i32 to vector<16xi32>
      %add3A_222 = arith.addi %iota3A, %add3A_221 : vector<16xi32>
      %ge3A = vector.broadcast %add3A : i32 to vector<16xi32>
      %ge3A_223 = arith.cmpi sge, %get3A_216, %ge3A : vector<16xi32>
      %lt3A_224 = vector.broadcast %add3A_5 : i32 to vector<16xi32>
      %lt3A_225 = arith.cmpi slt, %get3A_216, %lt3A_224 : vector<16xi32>
      %and3A = arith.andi %ge3A_223, %lt3A_225 : vector<16xi1>
      %sub3A = vector.broadcast %add3A : i32 to vector<16xi32>
      %sub3A_226 = arith.subi %get3A_216, %sub3A : vector<16xi32>
      %jit3A_227 = arith.constant 0 : i32
      %jit3A_228 = arith.constant 3135 : i32
      %max3A = vector.broadcast %jit3A_227 : i32 to vector<16xi32>
      %max3A_229 = arith.maxsi %max3A, %sub3A_226 : vector<16xi32>
      %min3A = vector.broadcast %jit3A_228 : i32 to vector<16xi32>
      %min3A_230 = arith.minsi %min3A, %max3A_229 : vector<16xi32>
      %while3A_231 = scf.while (%while3A_233 = %and3A) : (vector<16xi1>) -> vector<16xi1> {
        %reduce_or3A = arith.constant 1.000000e+00 : f32
        %reduce_or3A_234 = arith.constant 0.000000e+00 : f32
        %reduce_or3A_235 = vector.broadcast %reduce_or3A : f32 to vector<16xf32>
        %reduce_or3A_236 = vector.broadcast %reduce_or3A_234 : f32 to vector<16xf32>
        %reduce_or3A_237 = arith.select %while3A_233, %reduce_or3A_235, %reduce_or3A_236 : vector<16xi1>, vector<16xf32>
        %reduce_or3A_238 = arith.constant true
        %reduce_or3A_239 = vector.broadcast %reduce_or3A_238 : i1 to vector<16xi1>
        %reduce_or3A_240 = tpu.scan <max>, %reduce_or3A_237 masked %reduce_or3A_239 : vector<16xf32>, vector<16xi1> -> vector<16xf32>
        %reduce_or3A_241 = vector.extract %reduce_or3A_240[15] : f32 from vector<16xf32>
        %reduce_or3A_242 = arith.constant 0.000000e+00 : f32
        %reduce_or3A_243 = arith.cmpf ogt, %reduce_or3A_241, %reduce_or3A_242 : f32
        scf.condition(%reduce_or3A_243) %while3A_233 : vector<16xi1>
      } do {
      ^bb0(%while3A_233: vector<16xi1>):
        tpu.vector_store_idx %arg16[%min3A_230], %add3A_222 masked %while3A_233 : memref<3136xi32, #tpu.memory_space<vmem>>[vector<16xi32>], vector<16xi32>, vector<16xi1>
        %gather3A = tpu.vector_load_idx %arg16[%min3A_230] masked %while3A_233 : memref<3136xi32, #tpu.memory_space<vmem>>[vector<16xi32>], vector<16xi32>, vector<16xi1>
        %lt3A_234 = arith.cmpi slt, %gather3A, %add3A_222 : vector<16xi32>
        %and3A_235 = arith.andi %while3A_233, %lt3A_234 : vector<16xi1>
        scf.yield %and3A_235 : vector<16xi1>
      }
      %scan3A_232 = arith.constant 0 : i32
      scf.yield %scan3A_232 : i32
    }
    %scan3A_33 = arith.constant 256 : i32
    "tpu.region"() ({
      %run_scoped3A = tpu.sem_alloc : memref<!tpu.dma_semaphore, #tpu.memory_space<semaphore_mem>>
      %dma_start3A = arith.constant 8192 : i32
      %dma_start3A_212 = tpu.memref_slice %arg9[%dma_start3A] : memref<16384xi32, #tpu.memory_space<hbm>> -> memref<4096xi32, #tpu.memory_space<hbm>>
      %dma_start3A_213 = arith.constant 8192 : i32
      %dma_start3A_214 = tpu.memref_slice %arg9[%dma_start3A_213] : memref<16384xi32, #tpu.memory_space<hbm>> -> memref<4096xi32, #tpu.memory_space<hbm>>
      tpu.enqueue_dma source(%dma_start3A_214 : memref<4096xi32, #tpu.memory_space<hbm>>) target(%arg15 : memref<4096xi32, #tpu.memory_space<vmem>>) target_semaphore(%run_scoped3A : memref<!tpu.dma_semaphore, #tpu.memory_space<semaphore_mem>>)
      %dma_wait3A = arith.constant 8192 : i32
      %dma_wait3A_215 = tpu.memref_slice %arg9[%dma_wait3A] : memref<16384xi32, #tpu.memory_space<hbm>> -> memref<4096xi32, #tpu.memory_space<hbm>>
      %dma_wait3A_216 = arith.constant 8192 : i32
      %dma_wait3A_217 = tpu.memref_slice %arg9[%dma_wait3A_216] : memref<16384xi32, #tpu.memory_space<hbm>> -> memref<4096xi32, #tpu.memory_space<hbm>>
      tpu.wait_dma2 semaphore(%run_scoped3A : memref<!tpu.dma_semaphore, #tpu.memory_space<semaphore_mem>>) src(%dma_wait3A_217 : memref<4096xi32, #tpu.memory_space<hbm>>) dst(%arg15 : memref<4096xi32, #tpu.memory_space<vmem>>)
      tpu.yield
    }) : () -> ()
    %scan3A_34 = arith.constant 0 : i32
    %scan3A_35 = arith.constant 0 : i32
    %scan3A_36 = arith.constant 256 : i32
    %scan3A_37 = arith.addi %scan3A_35, %scan3A_36 : i32
    %scan3A_38 = arith.constant 1 : i32
    %scan3A_39 = scf.for %scan3A_212 = %scan3A_35 to %scan3A_37 step %scan3A_38 iter_args(%scan3A_213 = %scan3A_34) -> (i32)  : i32 {
      %mul3A_214 = arith.constant 16 : i32
      %mul3A_215 = arith.muli %scan3A_212, %mul3A_214 : i32
      %get3A = arith.index_cast %mul3A_215 : i32 to index
      %get3A_216 = tpu.vector_load %arg15[%get3A] {strides = array<i32>} : memref<4096xi32, #tpu.memory_space<vmem>>, vector<16xi32>,
      %iota3A = tpu.iota {dimensions = array<i32: 0>} : vector<16xi32>
      %mul3A_217 = arith.constant 16 : i32
      %mul3A_218 = arith.muli %scan3A_212, %mul3A_217 : i32
      %add3A_219 = arith.constant 8192 : i32
      %add3A_220 = arith.addi %add3A_219, %mul3A_218 : i32
      %add3A_221 = vector.broadcast %add3A_220 : i32 to vector<16xi32>
      %add3A_222 = arith.addi %iota3A, %add3A_221 : vector<16xi32>
      %ge3A = vector.broadcast %add3A : i32 to vector<16xi32>
      %ge3A_223 = arith.cmpi sge, %get3A_216, %ge3A : vector<16xi32>
      %lt3A_224 = vector.broadcast %add3A_5 : i32 to vector<16xi32>
      %lt3A_225 = arith.cmpi slt, %get3A_216, %lt3A_224 : vector<16xi32>
      %and3A = arith.andi %ge3A_223, %lt3A_225 : vector<16xi1>
      %sub3A = vector.broadcast %add3A : i32 to vector<16xi32>
      %sub3A_226 = arith.subi %get3A_216, %sub3A : vector<16xi32>
      %jit3A_227 = arith.constant 0 : i32
      %jit3A_228 = arith.constant 3135 : i32
      %max3A = vector.broadcast %jit3A_227 : i32 to vector<16xi32>
      %max3A_229 = arith.maxsi %max3A, %sub3A_226 : vector<16xi32>
      %min3A = vector.broadcast %jit3A_228 : i32 to vector<16xi32>
      %min3A_230 = arith.minsi %min3A, %max3A_229 : vector<16xi32>
      %while3A_231 = scf.while (%while3A_233 = %and3A) : (vector<16xi1>) -> vector<16xi1> {
        %reduce_or3A = arith.constant 1.000000e+00 : f32
        %reduce_or3A_234 = arith.constant 0.000000e+00 : f32
        %reduce_or3A_235 = vector.broadcast %reduce_or3A : f32 to vector<16xf32>
        %reduce_or3A_236 = vector.broadcast %reduce_or3A_234 : f32 to vector<16xf32>
        %reduce_or3A_237 = arith.select %while3A_233, %reduce_or3A_235, %reduce_or3A_236 : vector<16xi1>, vector<16xf32>
        %reduce_or3A_238 = arith.constant true
        %reduce_or3A_239 = vector.broadcast %reduce_or3A_238 : i1 to vector<16xi1>
        %reduce_or3A_240 = tpu.scan <max>, %reduce_or3A_237 masked %reduce_or3A_239 : vector<16xf32>, vector<16xi1> -> vector<16xf32>
        %reduce_or3A_241 = vector.extract %reduce_or3A_240[15] : f32 from vector<16xf32>
        %reduce_or3A_242 = arith.constant 0.000000e+00 : f32
        %reduce_or3A_243 = arith.cmpf ogt, %reduce_or3A_241, %reduce_or3A_242 : f32
        scf.condition(%reduce_or3A_243) %while3A_233 : vector<16xi1>
      } do {
      ^bb0(%while3A_233: vector<16xi1>):
        tpu.vector_store_idx %arg16[%min3A_230], %add3A_222 masked %while3A_233 : memref<3136xi32, #tpu.memory_space<vmem>>[vector<16xi32>], vector<16xi32>, vector<16xi1>
        %gather3A = tpu.vector_load_idx %arg16[%min3A_230] masked %while3A_233 : memref<3136xi32, #tpu.memory_space<vmem>>[vector<16xi32>], vector<16xi32>, vector<16xi1>
        %lt3A_234 = arith.cmpi slt, %gather3A, %add3A_222 : vector<16xi32>
        %and3A_235 = arith.andi %while3A_233, %lt3A_234 : vector<16xi1>
        scf.yield %and3A_235 : vector<16xi1>
      }
      %scan3A_232 = arith.constant 0 : i32
      scf.yield %scan3A_232 : i32
    }
    %scan3A_40 = arith.constant 256 : i32
    "tpu.region"() ({
      %run_scoped3A = tpu.sem_alloc : memref<!tpu.dma_semaphore, #tpu.memory_space<semaphore_mem>>
      %dma_start3A = arith.constant 12288 : i32
      %dma_start3A_212 = tpu.memref_slice %arg9[%dma_start3A] : memref<16384xi32, #tpu.memory_space<hbm>> -> memref<4096xi32, #tpu.memory_space<hbm>>
      %dma_start3A_213 = arith.constant 12288 : i32
      %dma_start3A_214 = tpu.memref_slice %arg9[%dma_start3A_213] : memref<16384xi32, #tpu.memory_space<hbm>> -> memref<4096xi32, #tpu.memory_space<hbm>>
      tpu.enqueue_dma source(%dma_start3A_214 : memref<4096xi32, #tpu.memory_space<hbm>>) target(%arg15 : memref<4096xi32, #tpu.memory_space<vmem>>) target_semaphore(%run_scoped3A : memref<!tpu.dma_semaphore, #tpu.memory_space<semaphore_mem>>)
      %dma_wait3A = arith.constant 12288 : i32
      %dma_wait3A_215 = tpu.memref_slice %arg9[%dma_wait3A] : memref<16384xi32, #tpu.memory_space<hbm>> -> memref<4096xi32, #tpu.memory_space<hbm>>
      %dma_wait3A_216 = arith.constant 12288 : i32
      %dma_wait3A_217 = tpu.memref_slice %arg9[%dma_wait3A_216] : memref<16384xi32, #tpu.memory_space<hbm>> -> memref<4096xi32, #tpu.memory_space<hbm>>
      tpu.wait_dma2 semaphore(%run_scoped3A : memref<!tpu.dma_semaphore, #tpu.memory_space<semaphore_mem>>) src(%dma_wait3A_217 : memref<4096xi32, #tpu.memory_space<hbm>>) dst(%arg15 : memref<4096xi32, #tpu.memory_space<vmem>>)
      tpu.yield
    }) : () -> ()
    %scan3A_41 = arith.constant 0 : i32
    %scan3A_42 = arith.constant 0 : i32
    %scan3A_43 = arith.constant 256 : i32
    %scan3A_44 = arith.addi %scan3A_42, %scan3A_43 : i32
    %scan3A_45 = arith.constant 1 : i32
    %scan3A_46 = scf.for %scan3A_212 = %scan3A_42 to %scan3A_44 step %scan3A_45 iter_args(%scan3A_213 = %scan3A_41) -> (i32)  : i32 {
      %mul3A_214 = arith.constant 16 : i32
      %mul3A_215 = arith.muli %scan3A_212, %mul3A_214 : i32
      %get3A = arith.index_cast %mul3A_215 : i32 to index
      %get3A_216 = tpu.vector_load %arg15[%get3A] {strides = array<i32>} : memref<4096xi32, #tpu.memory_space<vmem>>, vector<16xi32>,
      %iota3A = tpu.iota {dimensions = array<i32: 0>} : vector<16xi32>
      %mul3A_217 = arith.constant 16 : i32
      %mul3A_218 = arith.muli %scan3A_212, %mul3A_217 : i32
      %add3A_219 = arith.constant 12288 : i32
      %add3A_220 = arith.addi %add3A_219, %mul3A_218 : i32
      %add3A_221 = vector.broadcast %add3A_220 : i32 to vector<16xi32>
      %add3A_222 = arith.addi %iota3A, %add3A_221 : vector<16xi32>
      %ge3A = vector.broadcast %add3A : i32 to vector<16xi32>
      %ge3A_223 = arith.cmpi sge, %get3A_216, %ge3A : vector<16xi32>
      %lt3A_224 = vector.broadcast %add3A_5 : i32 to vector<16xi32>
      %lt3A_225 = arith.cmpi slt, %get3A_216, %lt3A_224 : vector<16xi32>
      %and3A = arith.andi %ge3A_223, %lt3A_225 : vector<16xi1>
      %sub3A = vector.broadcast %add3A : i32 to vector<16xi32>
      %sub3A_226 = arith.subi %get3A_216, %sub3A : vector<16xi32>
      %jit3A_227 = arith.constant 0 : i32
      %jit3A_228 = arith.constant 3135 : i32
      %max3A = vector.broadcast %jit3A_227 : i32 to vector<16xi32>
      %max3A_229 = arith.maxsi %max3A, %sub3A_226 : vector<16xi32>
      %min3A = vector.broadcast %jit3A_228 : i32 to vector<16xi32>
      %min3A_230 = arith.minsi %min3A, %max3A_229 : vector<16xi32>
      %while3A_231 = scf.while (%while3A_233 = %and3A) : (vector<16xi1>) -> vector<16xi1> {
        %reduce_or3A = arith.constant 1.000000e+00 : f32
        %reduce_or3A_234 = arith.constant 0.000000e+00 : f32
        %reduce_or3A_235 = vector.broadcast %reduce_or3A : f32 to vector<16xf32>
        %reduce_or3A_236 = vector.broadcast %reduce_or3A_234 : f32 to vector<16xf32>
        %reduce_or3A_237 = arith.select %while3A_233, %reduce_or3A_235, %reduce_or3A_236 : vector<16xi1>, vector<16xf32>
        %reduce_or3A_238 = arith.constant true
        %reduce_or3A_239 = vector.broadcast %reduce_or3A_238 : i1 to vector<16xi1>
        %reduce_or3A_240 = tpu.scan <max>, %reduce_or3A_237 masked %reduce_or3A_239 : vector<16xf32>, vector<16xi1> -> vector<16xf32>
        %reduce_or3A_241 = vector.extract %reduce_or3A_240[15] : f32 from vector<16xf32>
        %reduce_or3A_242 = arith.constant 0.000000e+00 : f32
        %reduce_or3A_243 = arith.cmpf ogt, %reduce_or3A_241, %reduce_or3A_242 : f32
        scf.condition(%reduce_or3A_243) %while3A_233 : vector<16xi1>
      } do {
      ^bb0(%while3A_233: vector<16xi1>):
        tpu.vector_store_idx %arg16[%min3A_230], %add3A_222 masked %while3A_233 : memref<3136xi32, #tpu.memory_space<vmem>>[vector<16xi32>], vector<16xi32>, vector<16xi1>
        %gather3A = tpu.vector_load_idx %arg16[%min3A_230] masked %while3A_233 : memref<3136xi32, #tpu.memory_space<vmem>>[vector<16xi32>], vector<16xi32>, vector<16xi1>
        %lt3A_234 = arith.cmpi slt, %gather3A, %add3A_222 : vector<16xi32>
        %and3A_235 = arith.andi %while3A_233, %lt3A_234 : vector<16xi1>
        scf.yield %and3A_235 : vector<16xi1>
      }
      %scan3A_232 = arith.constant 0 : i32
      scf.yield %scan3A_232 : i32
    }
    %scan3A_47 = arith.constant 256 : i32
    %scan3A_48 = arith.constant 0 : i32
    %scan3A_49 = arith.constant 0 : i32
    %scan3A_50 = arith.constant 196 : i32
    %scan3A_51 = arith.addi %scan3A_49, %scan3A_50 : i32
    %scan3A_52 = arith.constant 1 : i32
    %scan3A_53 = scf.for %scan3A_212 = %scan3A_49 to %scan3A_51 step %scan3A_52 iter_args(%scan3A_213 = %scan3A_48) -> (i32)  : i32 {
      %mul3A_214 = arith.constant 16 : i32
      %mul3A_215 = arith.muli %scan3A_212, %mul3A_214 : i32
      %get3A = arith.index_cast %mul3A_215 : i32 to index
      %get3A_216 = tpu.vector_load %arg16[%get3A] {strides = array<i32>} : memref<3136xi32, #tpu.memory_space<vmem>>, vector<16xi32>,
      %iota3A = tpu.iota {dimensions = array<i32: 0>} : vector<16xi32>
      %add3A_217 = vector.broadcast %add3A : i32 to vector<16xi32>
      %add3A_218 = arith.addi %add3A_217, %iota3A : vector<16xi32>
      %mul3A_219 = arith.constant 16 : i32
      %mul3A_220 = arith.muli %scan3A_212, %mul3A_219 : i32
      %add3A_221 = vector.broadcast %mul3A_220 : i32 to vector<16xi32>
      %add3A_222 = arith.addi %add3A_218, %add3A_221 : vector<16xi32>
      %ge3A = arith.constant 0 : i32
      %ge3A_223 = vector.broadcast %ge3A : i32 to vector<16xi32>
      %ge3A_224 = arith.cmpi sge, %get3A_216, %ge3A_223 : vector<16xi32>
      %jit3A_225 = arith.constant 1 : i32
      %jit3A_226 = arith.constant 0 : i32
      %broadcast_in_dim3A_227 = vector.broadcast %jit3A_225 : i32 to vector<16xi32>
      %broadcast_in_dim3A_228 = vector.broadcast %jit3A_226 : i32 to vector<16xi32>
      %select_n3A_229 = arith.select %ge3A_224, %broadcast_in_dim3A_227, %broadcast_in_dim3A_228 : vector<16xi1>, vector<16xi32>
      %broadcast_in_dim3A_230 = arith.constant true
      %broadcast_in_dim3A_231 = vector.broadcast %broadcast_in_dim3A_230 : i1 to vector<16xi1>
      %masked_cumsum3A = tpu.scan <sum>, %select_n3A_229 masked %broadcast_in_dim3A_231 : vector<16xi32>, vector<16xi1> -> vector<16xi32>
      %sub3A = arith.subi %masked_cumsum3A, %select_n3A_229 : vector<16xi32>
      %add3A_232 = vector.broadcast %scan3A_213 : i32 to vector<16xi32>
      %add3A_233 = arith.addi %add3A_232, %sub3A : vector<16xi32>
      tpu.vector_store_idx %arg17[%add3A_233], %add3A_222 masked %ge3A_224 : memref<3136xi32, #tpu.memory_space<vmem>>[vector<16xi32>], vector<16xi32>, vector<16xi1>
      tpu.vector_store_idx %arg18[%add3A_233], %get3A_216 masked %ge3A_224 : memref<3136xi32, #tpu.memory_space<vmem>>[vector<16xi32>], vector<16xi32>, vector<16xi1>
      %shift_right_arithmetic3A = arith.constant 7 : i32
      %shift_right_arithmetic3A_234 = vector.broadcast %shift_right_arithmetic3A : i32 to vector<16xi32>
      %shift_right_arithmetic3A_235 = arith.shrsi %add3A_233, %shift_right_arithmetic3A_234 : vector<16xi32>
      %and3A = arith.constant 127 : i32
      %and3A_236 = vector.broadcast %and3A : i32 to vector<16xi32>
      %and3A_237 = arith.andi %add3A_233, %and3A_236 : vector<16xi32>
      tpu.vector_store_idx %arg19[%shift_right_arithmetic3A_235, %and3A_237], %add3A_222 masked %ge3A_224 : memref<25x128xi32, #tpu.memory_space<vmem>>[vector<16xi32>, vector<16xi32>], vector<16xi32>, vector<16xi1>
      %shift_right_arithmetic3A_238 = arith.constant 7 : i32
      %shift_right_arithmetic3A_239 = vector.broadcast %shift_right_arithmetic3A_238 : i32 to vector<16xi32>
      %shift_right_arithmetic3A_240 = arith.shrsi %add3A_233, %shift_right_arithmetic3A_239 : vector<16xi32>
      %and3A_241 = arith.constant 127 : i32
      %and3A_242 = vector.broadcast %and3A_241 : i32 to vector<16xi32>
      %and3A_243 = arith.andi %add3A_233, %and3A_242 : vector<16xi32>
      tpu.vector_store_idx %arg20[%shift_right_arithmetic3A_240, %and3A_243], %get3A_216 masked %ge3A_224 : memref<25x128xi32, #tpu.memory_space<vmem>>[vector<16xi32>, vector<16xi32>], vector<16xi32>, vector<16xi1>
      %reduce_sum3A = arith.constant true
      %reduce_sum3A_244 = vector.broadcast %reduce_sum3A : i1 to vector<16xi1>
      %reduce_sum3A_245 = tpu.scan <sum>, %select_n3A_229 masked %reduce_sum3A_244 : vector<16xi32>, vector<16xi1> -> vector<16xi32>
      %reduce_sum3A_246 = vector.extract %reduce_sum3A_245[15] : i32 from vector<16xi32>
      %add3A_247 = arith.addi %scan3A_213, %reduce_sum3A_246 : i32
      scf.yield %add3A_247 : i32
    }
    %scan3A_54 = arith.constant 196 : i32
    %gt3A = arith.constant 0 : i32
    %gt3A_55 = arith.cmpi sgt, %scan3A_53, %gt3A : i32
    %convert_element_type3A = arith.extui %gt3A_55 : i1 to i32
    %cond3A = arith.constant 0 : i32
    %cond3A_56 = arith.cmpi ne, %convert_element_type3A, %cond3A : i32
    scf.if %cond3A_56 {
      %scan3A_212 = arith.constant 0 : i32
      %scan3A_213 = arith.constant 0 : i32
      %scan3A_214 = arith.constant 200 : i32
      %scan3A_215 = arith.addi %scan3A_213, %scan3A_214 : i32
      %scan3A_216 = arith.constant 1 : i32
      %scan3A_217 = scf.for %scan3A_219 = %scan3A_213 to %scan3A_215 step %scan3A_216 iter_args(%scan3A_220 = %scan3A_212) -> (i32)  : i32 {
        %iota3A = tpu.iota {dimensions = array<i32: 0>} : vector<16xi32>
        %mul3A_221 = arith.constant 16 : i32
        %mul3A_222 = arith.muli %scan3A_219, %mul3A_221 : i32
        %add3A_223 = vector.broadcast %mul3A_222 : i32 to vector<16xi32>
        %add3A_224 = arith.addi %iota3A, %add3A_223 : vector<16xi32>
        %ge3A = vector.broadcast %scan3A_53 : i32 to vector<16xi32>
        %ge3A_225 = arith.cmpi sge, %add3A_224, %ge3A : vector<16xi32>
        %broadcast_in_dim3A_226 = arith.constant 1 : i32
        %broadcast_in_dim3A_227 = vector.broadcast %broadcast_in_dim3A_226 : i32 to vector<16xi32>
        %mul3A_228 = vector.broadcast %scan3A_53 : i32 to vector<16xi32>
        %mul3A_229 = arith.muli %broadcast_in_dim3A_227, %mul3A_228 : vector<16xi32>
        %rem3A = arith.remsi %add3A_224, %mul3A_229 : vector<16xi32>
        %gather3A = tpu.vector_load_idx %arg17[%rem3A] : memref<3136xi32, #tpu.memory_space<vmem>>[vector<16xi32>], vector<16xi32>,
        %gather3A_230 = tpu.vector_load_idx %arg18[%rem3A] : memref<3136xi32, #tpu.memory_space<vmem>>[vector<16xi32>], vector<16xi32>,
        %shift_right_arithmetic3A = arith.constant 7 : i32
        %shift_right_arithmetic3A_231 = vector.broadcast %shift_right_arithmetic3A : i32 to vector<16xi32>
        %shift_right_arithmetic3A_232 = arith.shrsi %add3A_224, %shift_right_arithmetic3A_231 : vector<16xi32>
        %and3A = arith.constant 127 : i32
        %and3A_233 = vector.broadcast %and3A : i32 to vector<16xi32>
        %and3A_234 = arith.andi %add3A_224, %and3A_233 : vector<16xi32>
        tpu.vector_store_idx %arg19[%shift_right_arithmetic3A_232, %and3A_234], %gather3A masked %ge3A_225 : memref<25x128xi32, #tpu.memory_space<vmem>>[vector<16xi32>, vector<16xi32>], vector<16xi32>, vector<16xi1>
        %shift_right_arithmetic3A_235 = arith.constant 7 : i32
        %shift_right_arithmetic3A_236 = vector.broadcast %shift_right_arithmetic3A_235 : i32 to vector<16xi32>
        %shift_right_arithmetic3A_237 = arith.shrsi %add3A_224, %shift_right_arithmetic3A_236 : vector<16xi32>
        %and3A_238 = arith.constant 127 : i32
        %and3A_239 = vector.broadcast %and3A_238 : i32 to vector<16xi32>
        %and3A_240 = arith.andi %add3A_224, %and3A_239 : vector<16xi32>
        tpu.vector_store_idx %arg20[%shift_right_arithmetic3A_237, %and3A_240], %gather3A_230 masked %ge3A_225 : memref<25x128xi32, #tpu.memory_space<vmem>>[vector<16xi32>, vector<16xi32>], vector<16xi32>, vector<16xi1>
        %scan3A_241 = arith.constant 0 : i32
        scf.yield %scan3A_241 : i32
      }
      %scan3A_218 = arith.constant 200 : i32
    } else {
    }
    %lt3A_57 = arith.constant 15 : i32
    %lt3A_58 = arith.cmpi slt, %arg1, %lt3A_57 : i32
    %jit3A_59 = arith.constant 23 : i32
    %jit3A_60 = arith.constant 22 : i32
    %select_n3A_61 = arith.select %lt3A_58, %jit3A_59, %jit3A_60 : i32
    %while3A = arith.constant 0 : i32
    %while3A_62 = arith.constant 0 : i32
    %while3A_63 = arith.subi %select_n3A_61, %while3A : i32
    %while3A_64 = arith.addi %while3A, %while3A_63 : i32
    %while3A_65 = arith.constant 1 : i32
    %while3A_66 = arith.divsi %while3A_63, %while3A_65 : i32
    %while3A_67 = arith.muli %while3A_66, %while3A_65 : i32
    %while3A_68 = arith.addi %while3A, %while3A_67 : i32
    %while3A_69 = arith.constant 1 : i32
    %while3A_70 = scf.for %while3A_212 = %while3A to %while3A_68 step %while3A_69 iter_args(%while3A_213 = %while3A_62) -> (i32)  : i32 {
      %mul3A_214 = arith.constant 136 : i32
      %mul3A_215 = arith.muli %while3A_212, %mul3A_214 : i32
      %add3A_216 = arith.addi %add3A, %mul3A_215 : i32
      "tpu.region"() ({
        %run_scoped3A = tpu.sem_alloc : memref<!tpu.dma_semaphore, #tpu.memory_space<semaphore_mem>>
        %dma_start3A = arith.constant 0 : i32
        %dma_start3A_220 = tpu.memref_slice %arg2[%add3A_216, %dma_start3A] : memref<100000x128xf32, #tpu.memory_space<hbm>> -> memref<136x128xf32, #tpu.memory_space<hbm>>
        %dma_start3A_221 = arith.constant 0 : i32
        %dma_start3A_222 = tpu.memref_slice %arg2[%add3A_216, %dma_start3A_221] : memref<100000x128xf32, #tpu.memory_space<hbm>> -> memref<136x128xf32, #tpu.memory_space<hbm>>
        tpu.enqueue_dma source(%dma_start3A_222 : memref<136x128xf32, #tpu.memory_space<hbm>>) target(%arg24 : memref<136x128xf32, #tpu.memory_space<vmem>>) target_semaphore(%run_scoped3A : memref<!tpu.dma_semaphore, #tpu.memory_space<semaphore_mem>>)
        %dma_wait3A = arith.constant 0 : i32
        %dma_wait3A_223 = tpu.memref_slice %arg2[%add3A_216, %dma_wait3A] : memref<100000x128xf32, #tpu.memory_space<hbm>> -> memref<136x128xf32, #tpu.memory_space<hbm>>
        %dma_wait3A_224 = arith.constant 0 : i32
        %dma_wait3A_225 = tpu.memref_slice %arg2[%add3A_216, %dma_wait3A_224] : memref<100000x128xf32, #tpu.memory_space<hbm>> -> memref<136x128xf32, #tpu.memory_space<hbm>>
        tpu.wait_dma2 semaphore(%run_scoped3A : memref<!tpu.dma_semaphore, #tpu.memory_space<semaphore_mem>>) src(%dma_wait3A_225 : memref<136x128xf32, #tpu.memory_space<hbm>>) dst(%arg24 : memref<136x128xf32, #tpu.memory_space<vmem>>)
        tpu.yield
      }) : () -> ()
      "tpu.region"() ({
        %run_scoped3A = tpu.sem_alloc : memref<!tpu.dma_semaphore, #tpu.memory_space<semaphore_mem>>
        %dma_start3A = arith.constant 0 : i32
        %dma_start3A_220 = tpu.memref_slice %arg11[%add3A_216, %dma_start3A] : memref<100000x128xf32, #tpu.memory_space<hbm>> -> memref<136x128xf32, #tpu.memory_space<hbm>>
        %dma_start3A_221 = arith.constant 0 : i32
        %dma_start3A_222 = tpu.memref_slice %arg11[%add3A_216, %dma_start3A_221] : memref<100000x128xf32, #tpu.memory_space<hbm>> -> memref<136x128xf32, #tpu.memory_space<hbm>>
        tpu.enqueue_dma source(%arg24 : memref<136x128xf32, #tpu.memory_space<vmem>>) target(%dma_start3A_222 : memref<136x128xf32, #tpu.memory_space<hbm>>) target_semaphore(%run_scoped3A : memref<!tpu.dma_semaphore, #tpu.memory_space<semaphore_mem>>)
        %dma_wait3A = arith.constant 0 : i32
        %dma_wait3A_223 = tpu.memref_slice %arg11[%add3A_216, %dma_wait3A] : memref<100000x128xf32, #tpu.memory_space<hbm>> -> memref<136x128xf32, #tpu.memory_space<hbm>>
        %dma_wait3A_224 = arith.constant 0 : i32
        %dma_wait3A_225 = tpu.memref_slice %arg11[%add3A_216, %dma_wait3A_224] : memref<100000x128xf32, #tpu.memory_space<hbm>> -> memref<136x128xf32, #tpu.memory_space<hbm>>
        tpu.wait_dma2 semaphore(%run_scoped3A : memref<!tpu.dma_semaphore, #tpu.memory_space<semaphore_mem>>) src(%arg24 : memref<136x128xf32, #tpu.memory_space<vmem>>) dst(%dma_wait3A_225 : memref<136x128xf32, #tpu.memory_space<hbm>>)
        tpu.yield
      }) : () -> ()
      "tpu.region"() ({
        %run_scoped3A = tpu.sem_alloc : memref<!tpu.dma_semaphore, #tpu.memory_space<semaphore_mem>>
        %dma_start3A = arith.constant 0 : i32
        %dma_start3A_220 = arith.constant 0 : i32
        %dma_start3A_221 = tpu.memref_slice %arg25[%dma_start3A, %dma_start3A_220] : memref<136x100xf32, #tpu.memory_space<vmem>> -> memref<136x100xf32, #tpu.memory_space<vmem>>
        %dma_start3A_222 = arith.constant 0 : i32
        %dma_start3A_223 = tpu.memref_slice %arg3[%add3A_216, %dma_start3A_222] : memref<100000x100xf32, #tpu.memory_space<hbm>> -> memref<136x100xf32, #tpu.memory_space<hbm>>
        %dma_start3A_224 = arith.constant 0 : i32
        %dma_start3A_225 = arith.constant 0 : i32
        %dma_start3A_226 = tpu.memref_slice %arg25[%dma_start3A_224, %dma_start3A_225] : memref<136x100xf32, #tpu.memory_space<vmem>> -> memref<136x100xf32, #tpu.memory_space<vmem>>
        %dma_start3A_227 = arith.constant 0 : i32
        %dma_start3A_228 = tpu.memref_slice %arg3[%add3A_216, %dma_start3A_227] : memref<100000x100xf32, #tpu.memory_space<hbm>> -> memref<136x100xf32, #tpu.memory_space<hbm>>
        tpu.enqueue_dma source(%dma_start3A_228 : memref<136x100xf32, #tpu.memory_space<hbm>>) target(%dma_start3A_226 : memref<136x100xf32, #tpu.memory_space<vmem>>) target_semaphore(%run_scoped3A : memref<!tpu.dma_semaphore, #tpu.memory_space<semaphore_mem>>)
        %dma_wait3A = arith.constant 0 : i32
        %dma_wait3A_229 = arith.constant 0 : i32
        %dma_wait3A_230 = tpu.memref_slice %arg25[%dma_wait3A, %dma_wait3A_229] : memref<136x100xf32, #tpu.memory_space<vmem>> -> memref<136x100xf32, #tpu.memory_space<vmem>>
        %dma_wait3A_231 = arith.constant 0 : i32
        %dma_wait3A_232 = tpu.memref_slice %arg3[%add3A_216, %dma_wait3A_231] : memref<100000x100xf32, #tpu.memory_space<hbm>> -> memref<136x100xf32, #tpu.memory_space<hbm>>
        %dma_wait3A_233 = arith.constant 0 : i32
        %dma_wait3A_234 = arith.constant 0 : i32
        %dma_wait3A_235 = tpu.memref_slice %arg25[%dma_wait3A_233, %dma_wait3A_234] : memref<136x100xf32, #tpu.memory_space<vmem>> -> memref<136x100xf32, #tpu.memory_space<vmem>>
        %dma_wait3A_236 = arith.constant 0 : i32
        %dma_wait3A_237 = tpu.memref_slice %arg3[%add3A_216, %dma_wait3A_236] : memref<100000x100xf32, #tpu.memory_space<hbm>> -> memref<136x100xf32, #tpu.memory_space<hbm>>
        tpu.wait_dma2 semaphore(%run_scoped3A : memref<!tpu.dma_semaphore, #tpu.memory_space<semaphore_mem>>) src(%dma_wait3A_237 : memref<136x100xf32, #tpu.memory_space<hbm>>) dst(%dma_wait3A_235 : memref<136x100xf32, #tpu.memory_space<vmem>>)
        tpu.yield
      }) : () -> ()
      %add3A_217 = arith.constant 136 : i32
      %add3A_218 = arith.addi %add3A_216, %add3A_217 : i32
      %while3A_219 = scf.while (%while3A_220 = %while3A_213) : (i32) -> i32 {
        %broadcast_in_dim3A_221 = arith.constant 1 : i32
        %broadcast_in_dim3A_222 = vector.broadcast %broadcast_in_dim3A_221 : i32 to vector<16xi32>
        %mul3A_223 = vector.broadcast %while3A_220 : i32 to vector<16xi32>
        %mul3A_224 = arith.muli %broadcast_in_dim3A_222, %mul3A_223 : vector<16xi32>
        %gather3A = tpu.vector_load_idx %arg17[%mul3A_224] : memref<3136xi32, #tpu.memory_space<vmem>>[vector<16xi32>], vector<16xi32>,
        %slice3A = vector.extract_strided_slice %gather3A {offsets = [0], sizes = [1], strides = [1]} : vector<16xi32> to vector<1xi32>
        %squeeze3A = vector.extract %slice3A[0] : i32 from vector<1xi32>
        %lt3A_225 = arith.cmpi slt, %while3A_220, %scan3A_53 : i32
        %lt3A_226 = arith.cmpi slt, %squeeze3A, %add3A_218 : i32
        %and3A = arith.andi %lt3A_225, %lt3A_226 : i1
        scf.condition(%and3A) %while3A_220 : i32
      } do {
      ^bb0(%while3A_220: i32):
        %and3A = arith.constant 127 : i32
        %and3A_221 = arith.andi %while3A_220, %and3A : i32
        %eq3A_222 = arith.constant 0 : i32
        %eq3A_223 = arith.cmpi eq, %and3A_221, %eq3A_222 : i32
        %convert_element_type3A_224 = arith.extui %eq3A_223 : i1 to i32
        %cond3A_225 = arith.constant 0 : i32
        %cond3A_226 = arith.cmpi ne, %convert_element_type3A_224, %cond3A_225 : i32
        scf.if %cond3A_226 {
          %shift_right_arithmetic3A = arith.constant 7 : i32
          %shift_right_arithmetic3A_275 = arith.shrsi %while3A_220, %shift_right_arithmetic3A : i32
          %dma_start3A = arith.constant 0 : i32
          %dma_start3A_276 = tpu.memref_slice %arg20[%shift_right_arithmetic3A_275, %dma_start3A] : memref<25x128xi32, #tpu.memory_space<vmem>> -> memref<1x128xi32, #tpu.memory_space<vmem>>
          %dma_start3A_277 = tpu.memref_squeeze %dma_start3A_276 : memref<1x128xi32, #tpu.memory_space<vmem>> -> memref<128xi32, #tpu.memory_space<vmem>>
          %dma_start3A_278 = arith.constant 0 : i32
          %dma_start3A_279 = arith.constant 0 : i32
          %dma_start3A_280 = tpu.memref_slice %arg7[%dma_start3A_278, %dma_start3A_279] : memref<16384x128xf32, #tpu.memory_space<hbm>> -> memref<16384x128xf32, #tpu.memory_space<hbm>>
          tpu.enqueue_indirect_dma source(%dma_start3A_280 : memref<16384x128xf32, #tpu.memory_space<hbm>>) target(%arg27 : memref<128x128xf32, #tpu.memory_space<vmem>>) offsets(%dma_start3A_277 : memref<128xi32, #tpu.memory_space<vmem>>) semaphore(%arg29 : memref<!tpu.dma_semaphore, #tpu.memory_space<semaphore_mem>>)
          %dma_wait3A = arith.constant 0 : i32
          %dma_wait3A_281 = tpu.memref_slice %arg20[%shift_right_arithmetic3A_275, %dma_wait3A] : memref<25x128xi32, #tpu.memory_space<vmem>> -> memref<1x128xi32, #tpu.memory_space<vmem>>
          %dma_wait3A_282 = tpu.memref_squeeze %dma_wait3A_281 : memref<1x128xi32, #tpu.memory_space<vmem>> -> memref<128xi32, #tpu.memory_space<vmem>>
          %dma_wait3A_283 = arith.constant 0 : i32
          %dma_wait3A_284 = arith.constant 0 : i32
          %dma_wait3A_285 = tpu.memref_slice %arg7[%dma_wait3A_283, %dma_wait3A_284] : memref<16384x128xf32, #tpu.memory_space<hbm>> -> memref<16384x128xf32, #tpu.memory_space<hbm>>
          tpu.wait_indirect_dma semaphore(%arg29 : memref<!tpu.dma_semaphore, #tpu.memory_space<semaphore_mem>>) src(%dma_wait3A_285 : memref<16384x128xf32, #tpu.memory_space<hbm>>) dst(%arg27 : memref<128x128xf32, #tpu.memory_space<vmem>>)
        } else {
        }
        %broadcast_in_dim3A_227 = arith.constant 1 : i32
        %broadcast_in_dim3A_228 = vector.broadcast %broadcast_in_dim3A_227 : i32 to vector<16xi32>
        %mul3A_229 = vector.broadcast %while3A_220 : i32 to vector<16xi32>
        %mul3A_230 = arith.muli %broadcast_in_dim3A_228, %mul3A_229 : vector<16xi32>
        %gather3A = tpu.vector_load_idx %arg17[%mul3A_230] : memref<3136xi32, #tpu.memory_space<vmem>>[vector<16xi32>], vector<16xi32>,
        %slice3A = vector.extract_strided_slice %gather3A {offsets = [0], sizes = [1], strides = [1]} : vector<16xi32> to vector<1xi32>
        %squeeze3A = vector.extract %slice3A[0] : i32 from vector<1xi32>
        %sub3A = arith.subi %squeeze3A, %add3A_216 : i32
        %and3A_231 = arith.constant 127 : i32
        %and3A_232 = arith.andi %while3A_220, %and3A_231 : i32
        %get3A = arith.index_cast %and3A_232 : i32 to index
        %get3A_233 = arith.constant 0 : index
        %get3A_234 = tpu.vector_load %arg27[%get3A, %get3A_233] {strides = array<i32>} : memref<128x128xf32, #tpu.memory_space<vmem>>, vector<16xf32>,
        %swap3A = arith.index_cast %sub3A : i32 to index
        %swap3A_235 = arith.constant 0 : index
        %swap3A_236 = tpu.vector_load %arg25[%swap3A, %swap3A_235] {strides = array<i32>} : memref<136x100xf32, #tpu.memory_space<vmem>>, vector<16xf32>,
        tpu.vector_store %arg25[%swap3A, %swap3A_235], %get3A_234 {strides = array<i32>} : memref<136x100xf32, #tpu.memory_space<vmem>>, vector<16xf32>,
        %get3A_237 = arith.index_cast %and3A_232 : i32 to index
        %get3A_238 = arith.constant 16 : index
        %get3A_239 = tpu.vector_load %arg27[%get3A_237, %get3A_238] {strides = array<i32>} : memref<128x128xf32, #tpu.memory_space<vmem>>, vector<16xf32>,
        %swap3A_240 = arith.index_cast %sub3A : i32 to index
        %swap3A_241 = arith.constant 16 : index
        %swap3A_242 = tpu.vector_load %arg25[%swap3A_240, %swap3A_241] {strides = array<i32>} : memref<136x100xf32, #tpu.memory_space<vmem>>, vector<16xf32>,
        tpu.vector_store %arg25[%swap3A_240, %swap3A_241], %get3A_239 {strides = array<i32>} : memref<136x100xf32, #tpu.memory_space<vmem>>, vector<16xf32>,
        %get3A_243 = arith.index_cast %and3A_232 : i32 to index
        %get3A_244 = arith.constant 32 : index
        %get3A_245 = tpu.vector_load %arg27[%get3A_243, %get3A_244] {strides = array<i32>} : memref<128x128xf32, #tpu.memory_space<vmem>>, vector<16xf32>,
        %swap3A_246 = arith.index_cast %sub3A : i32 to index
        %swap3A_247 = arith.constant 32 : index
        %swap3A_248 = tpu.vector_load %arg25[%swap3A_246, %swap3A_247] {strides = array<i32>} : memref<136x100xf32, #tpu.memory_space<vmem>>, vector<16xf32>,
        tpu.vector_store %arg25[%swap3A_246, %swap3A_247], %get3A_245 {strides = array<i32>} : memref<136x100xf32, #tpu.memory_space<vmem>>, vector<16xf32>,
        %get3A_249 = arith.index_cast %and3A_232 : i32 to index
        %get3A_250 = arith.constant 48 : index
        %get3A_251 = tpu.vector_load %arg27[%get3A_249, %get3A_250] {strides = array<i32>} : memref<128x128xf32, #tpu.memory_space<vmem>>, vector<16xf32>,
        %swap3A_252 = arith.index_cast %sub3A : i32 to index
        %swap3A_253 = arith.constant 48 : index
        %swap3A_254 = tpu.vector_load %arg25[%swap3A_252, %swap3A_253] {strides = array<i32>} : memref<136x100xf32, #tpu.memory_space<vmem>>, vector<16xf32>,
        tpu.vector_store %arg25[%swap3A_252, %swap3A_253], %get3A_251 {strides = array<i32>} : memref<136x100xf32, #tpu.memory_space<vmem>>, vector<16xf32>,
        %get3A_255 = arith.index_cast %and3A_232 : i32 to index
        %get3A_256 = arith.constant 64 : index
        %get3A_257 = tpu.vector_load %arg27[%get3A_255, %get3A_256] {strides = array<i32>} : memref<128x128xf32, #tpu.memory_space<vmem>>, vector<16xf32>,
        %swap3A_258 = arith.index_cast %sub3A : i32 to index
        %swap3A_259 = arith.constant 64 : index
        %swap3A_260 = tpu.vector_load %arg25[%swap3A_258, %swap3A_259] {strides = array<i32>} : memref<136x100xf32, #tpu.memory_space<vmem>>, vector<16xf32>,
        tpu.vector_store %arg25[%swap3A_258, %swap3A_259], %get3A_257 {strides = array<i32>} : memref<136x100xf32, #tpu.memory_space<vmem>>, vector<16xf32>,
        %get3A_261 = arith.index_cast %and3A_232 : i32 to index
        %get3A_262 = arith.constant 80 : index
        %get3A_263 = tpu.vector_load %arg27[%get3A_261, %get3A_262] {strides = array<i32>} : memref<128x128xf32, #tpu.memory_space<vmem>>, vector<16xf32>,
        %swap3A_264 = arith.index_cast %sub3A : i32 to index
        %swap3A_265 = arith.constant 80 : index
        %swap3A_266 = tpu.vector_load %arg25[%swap3A_264, %swap3A_265] {strides = array<i32>} : memref<136x100xf32, #tpu.memory_space<vmem>>, vector<16xf32>,
        tpu.vector_store %arg25[%swap3A_264, %swap3A_265], %get3A_263 {strides = array<i32>} : memref<136x100xf32, #tpu.memory_space<vmem>>, vector<16xf32>,
        %get3A_267 = arith.index_cast %and3A_232 : i32 to index
        %get3A_268 = arith.constant 84 : index
        %get3A_269 = tpu.vector_load %arg27[%get3A_267, %get3A_268] {strides = array<i32>} : memref<128x128xf32, #tpu.memory_space<vmem>>, vector<16xf32>,
        %swap3A_270 = arith.index_cast %sub3A : i32 to index
        %swap3A_271 = arith.constant 84 : index
        %swap3A_272 = tpu.vector_load %arg25[%swap3A_270, %swap3A_271] {strides = array<i32>} : memref<136x100xf32, #tpu.memory_space<vmem>>, vector<16xf32>,
        tpu.vector_store %arg25[%swap3A_270, %swap3A_271], %get3A_269 {strides = array<i32>} : memref<136x100xf32, #tpu.memory_space<vmem>>, vector<16xf32>,
        %add3A_273 = arith.constant 1 : i32
        %add3A_274 = arith.addi %while3A_220, %add3A_273 : i32
        scf.yield %add3A_274 : i32
      }
      "tpu.region"() ({
        %run_scoped3A = tpu.sem_alloc : memref<!tpu.dma_semaphore, #tpu.memory_space<semaphore_mem>>
        %dma_start3A = arith.constant 0 : i32
        %dma_start3A_220 = arith.constant 0 : i32
        %dma_start3A_221 = tpu.memref_slice %arg25[%dma_start3A, %dma_start3A_220] : memref<136x100xf32, #tpu.memory_space<vmem>> -> memref<136x100xf32, #tpu.memory_space<vmem>>
        %dma_start3A_222 = arith.constant 0 : i32
        %dma_start3A_223 = tpu.memref_slice %arg14[%add3A_216, %dma_start3A_222] : memref<100000x100xf32, #tpu.memory_space<hbm>> -> memref<136x100xf32, #tpu.memory_space<hbm>>
        %dma_start3A_224 = arith.constant 0 : i32
        %dma_start3A_225 = tpu.memref_slice %arg14[%add3A_216, %dma_start3A_224] : memref<100000x100xf32, #tpu.memory_space<hbm>> -> memref<136x100xf32, #tpu.memory_space<hbm>>
        %dma_start3A_226 = arith.constant 0 : i32
        %dma_start3A_227 = arith.constant 0 : i32
        %dma_start3A_228 = tpu.memref_slice %arg25[%dma_start3A_226, %dma_start3A_227] : memref<136x100xf32, #tpu.memory_space<vmem>> -> memref<136x100xf32, #tpu.memory_space<vmem>>
        tpu.enqueue_dma source(%dma_start3A_228 : memref<136x100xf32, #tpu.memory_space<vmem>>) target(%dma_start3A_225 : memref<136x100xf32, #tpu.memory_space<hbm>>) target_semaphore(%run_scoped3A : memref<!tpu.dma_semaphore, #tpu.memory_space<semaphore_mem>>)
        %dma_wait3A = arith.constant 0 : i32
        %dma_wait3A_229 = arith.constant 0 : i32
        %dma_wait3A_230 = tpu.memref_slice %arg25[%dma_wait3A, %dma_wait3A_229] : memref<136x100xf32, #tpu.memory_space<vmem>> -> memref<136x100xf32, #tpu.memory_space<vmem>>
        %dma_wait3A_231 = arith.constant 0 : i32
        %dma_wait3A_232 = tpu.memref_slice %arg14[%add3A_216, %dma_wait3A_231] : memref<100000x100xf32, #tpu.memory_space<hbm>> -> memref<136x100xf32, #tpu.memory_space<hbm>>
        %dma_wait3A_233 = arith.constant 0 : i32
        %dma_wait3A_234 = tpu.memref_slice %arg14[%add3A_216, %dma_wait3A_233] : memref<100000x100xf32, #tpu.memory_space<hbm>> -> memref<136x100xf32, #tpu.memory_space<hbm>>
        %dma_wait3A_235 = arith.constant 0 : i32
        %dma_wait3A_236 = arith.constant 0 : i32
        %dma_wait3A_237 = tpu.memref_slice %arg25[%dma_wait3A_235, %dma_wait3A_236] : memref<136x100xf32, #tpu.memory_space<vmem>> -> memref<136x100xf32, #tpu.memory_space<vmem>>
        tpu.wait_dma2 semaphore(%run_scoped3A : memref<!tpu.dma_semaphore, #tpu.memory_space<semaphore_mem>>) src(%dma_wait3A_237 : memref<136x100xf32, #tpu.memory_space<vmem>>) dst(%dma_wait3A_234 : memref<136x100xf32, #tpu.memory_space<hbm>>)
        tpu.yield
      }) : () -> ()
      scf.yield %while3A_219 : i32
    }
    %while3A_71 = arith.constant 1 : i32
    %while3A_72 = scf.for %while3A_212 = %while3A_68 to %while3A_64 step %while3A_71 iter_args(%while3A_213 = %while3A_70) -> (i32)  : i32 {
      %mul3A_214 = arith.constant 136 : i32
      %mul3A_215 = arith.muli %while3A_212, %mul3A_214 : i32
      %add3A_216 = arith.addi %add3A, %mul3A_215 : i32
      "tpu.region"() ({
        %run_scoped3A = tpu.sem_alloc : memref<!tpu.dma_semaphore, #tpu.memory_space<semaphore_mem>>
        %dma_start3A = arith.constant 0 : i32
        %dma_start3A_220 = tpu.memref_slice %arg2[%add3A_216, %dma_start3A] : memref<100000x128xf32, #tpu.memory_space<hbm>> -> memref<136x128xf32, #tpu.memory_space<hbm>>
        %dma_start3A_221 = arith.constant 0 : i32
        %dma_start3A_222 = tpu.memref_slice %arg2[%add3A_216, %dma_start3A_221] : memref<100000x128xf32, #tpu.memory_space<hbm>> -> memref<136x128xf32, #tpu.memory_space<hbm>>
        tpu.enqueue_dma source(%dma_start3A_222 : memref<136x128xf32, #tpu.memory_space<hbm>>) target(%arg24 : memref<136x128xf32, #tpu.memory_space<vmem>>) target_semaphore(%run_scoped3A : memref<!tpu.dma_semaphore, #tpu.memory_space<semaphore_mem>>)
        %dma_wait3A = arith.constant 0 : i32
        %dma_wait3A_223 = tpu.memref_slice %arg2[%add3A_216, %dma_wait3A] : memref<100000x128xf32, #tpu.memory_space<hbm>> -> memref<136x128xf32, #tpu.memory_space<hbm>>
        %dma_wait3A_224 = arith.constant 0 : i32
        %dma_wait3A_225 = tpu.memref_slice %arg2[%add3A_216, %dma_wait3A_224] : memref<100000x128xf32, #tpu.memory_space<hbm>> -> memref<136x128xf32, #tpu.memory_space<hbm>>
        tpu.wait_dma2 semaphore(%run_scoped3A : memref<!tpu.dma_semaphore, #tpu.memory_space<semaphore_mem>>) src(%dma_wait3A_225 : memref<136x128xf32, #tpu.memory_space<hbm>>) dst(%arg24 : memref<136x128xf32, #tpu.memory_space<vmem>>)
        tpu.yield
      }) : () -> ()
      "tpu.region"() ({
        %run_scoped3A = tpu.sem_alloc : memref<!tpu.dma_semaphore, #tpu.memory_space<semaphore_mem>>
        %dma_start3A = arith.constant 0 : i32
        %dma_start3A_220 = tpu.memref_slice %arg11[%add3A_216, %dma_start3A] : memref<100000x128xf32, #tpu.memory_space<hbm>> -> memref<136x128xf32, #tpu.memory_space<hbm>>
        %dma_start3A_221 = arith.constant 0 : i32
        %dma_start3A_222 = tpu.memref_slice %arg11[%add3A_216, %dma_start3A_221] : memref<100000x128xf32, #tpu.memory_space<hbm>> -> memref<136x128xf32, #tpu.memory_space<hbm>>
        tpu.enqueue_dma source(%arg24 : memref<136x128xf32, #tpu.memory_space<vmem>>) target(%dma_start3A_222 : memref<136x128xf32, #tpu.memory_space<hbm>>) target_semaphore(%run_scoped3A : memref<!tpu.dma_semaphore, #tpu.memory_space<semaphore_mem>>)
        %dma_wait3A = arith.constant 0 : i32
        %dma_wait3A_223 = tpu.memref_slice %arg11[%add3A_216, %dma_wait3A] : memref<100000x128xf32, #tpu.memory_space<hbm>> -> memref<136x128xf32, #tpu.memory_space<hbm>>
        %dma_wait3A_224 = arith.constant 0 : i32
        %dma_wait3A_225 = tpu.memref_slice %arg11[%add3A_216, %dma_wait3A_224] : memref<100000x128xf32, #tpu.memory_space<hbm>> -> memref<136x128xf32, #tpu.memory_space<hbm>>
        tpu.wait_dma2 semaphore(%run_scoped3A : memref<!tpu.dma_semaphore, #tpu.memory_space<semaphore_mem>>) src(%arg24 : memref<136x128xf32, #tpu.memory_space<vmem>>) dst(%dma_wait3A_225 : memref<136x128xf32, #tpu.memory_space<hbm>>)
        tpu.yield
      }) : () -> ()
      "tpu.region"() ({
        %run_scoped3A = tpu.sem_alloc : memref<!tpu.dma_semaphore, #tpu.memory_space<semaphore_mem>>
        %dma_start3A = arith.constant 0 : i32
        %dma_start3A_220 = arith.constant 0 : i32
        %dma_start3A_221 = tpu.memref_slice %arg25[%dma_start3A, %dma_start3A_220] : memref<136x100xf32, #tpu.memory_space<vmem>> -> memref<136x100xf32, #tpu.memory_space<vmem>>
        %dma_start3A_222 = arith.constant 0 : i32
        %dma_start3A_223 = tpu.memref_slice %arg3[%add3A_216, %dma_start3A_222] : memref<100000x100xf32, #tpu.memory_space<hbm>> -> memref<136x100xf32, #tpu.memory_space<hbm>>
        %dma_start3A_224 = arith.constant 0 : i32
        %dma_start3A_225 = arith.constant 0 : i32
        %dma_start3A_226 = tpu.memref_slice %arg25[%dma_start3A_224, %dma_start3A_225] : memref<136x100xf32, #tpu.memory_space<vmem>> -> memref<136x100xf32, #tpu.memory_space<vmem>>
        %dma_start3A_227 = arith.constant 0 : i32
        %dma_start3A_228 = tpu.memref_slice %arg3[%add3A_216, %dma_start3A_227] : memref<100000x100xf32, #tpu.memory_space<hbm>> -> memref<136x100xf32, #tpu.memory_space<hbm>>
        tpu.enqueue_dma source(%dma_start3A_228 : memref<136x100xf32, #tpu.memory_space<hbm>>) target(%dma_start3A_226 : memref<136x100xf32, #tpu.memory_space<vmem>>) target_semaphore(%run_scoped3A : memref<!tpu.dma_semaphore, #tpu.memory_space<semaphore_mem>>)
        %dma_wait3A = arith.constant 0 : i32
        %dma_wait3A_229 = arith.constant 0 : i32
        %dma_wait3A_230 = tpu.memref_slice %arg25[%dma_wait3A, %dma_wait3A_229] : memref<136x100xf32, #tpu.memory_space<vmem>> -> memref<136x100xf32, #tpu.memory_space<vmem>>
        %dma_wait3A_231 = arith.constant 0 : i32
        %dma_wait3A_232 = tpu.memref_slice %arg3[%add3A_216, %dma_wait3A_231] : memref<100000x100xf32, #tpu.memory_space<hbm>> -> memref<136x100xf32, #tpu.memory_space<hbm>>
        %dma_wait3A_233 = arith.constant 0 : i32
        %dma_wait3A_234 = arith.constant 0 : i32
        %dma_wait3A_235 = tpu.memref_slice %arg25[%dma_wait3A_233, %dma_wait3A_234] : memref<136x100xf32, #tpu.memory_space<vmem>> -> memref<136x100xf32, #tpu.memory_space<vmem>>
        %dma_wait3A_236 = arith.constant 0 : i32
        %dma_wait3A_237 = tpu.memref_slice %arg3[%add3A_216, %dma_wait3A_236] : memref<100000x100xf32, #tpu.memory_space<hbm>> -> memref<136x100xf32, #tpu.memory_space<hbm>>
        tpu.wait_dma2 semaphore(%run_scoped3A : memref<!tpu.dma_semaphore, #tpu.memory_space<semaphore_mem>>) src(%dma_wait3A_237 : memref<136x100xf32, #tpu.memory_space<hbm>>) dst(%dma_wait3A_235 : memref<136x100xf32, #tpu.memory_space<vmem>>)
        tpu.yield
      }) : () -> ()
      %add3A_217 = arith.constant 136 : i32
      %add3A_218 = arith.addi %add3A_216, %add3A_217 : i32
      %while3A_219 = scf.while (%while3A_220 = %while3A_213) : (i32) -> i32 {
        %broadcast_in_dim3A_221 = arith.constant 1 : i32
        %broadcast_in_dim3A_222 = vector.broadcast %broadcast_in_dim3A_221 : i32 to vector<16xi32>
        %mul3A_223 = vector.broadcast %while3A_220 : i32 to vector<16xi32>
        %mul3A_224 = arith.muli %broadcast_in_dim3A_222, %mul3A_223 : vector<16xi32>
        %gather3A = tpu.vector_load_idx %arg17[%mul3A_224] : memref<3136xi32, #tpu.memory_space<vmem>>[vector<16xi32>], vector<16xi32>,
        %slice3A = vector.extract_strided_slice %gather3A {offsets = [0], sizes = [1], strides = [1]} : vector<16xi32> to vector<1xi32>
        %squeeze3A = vector.extract %slice3A[0] : i32 from vector<1xi32>
        %lt3A_225 = arith.cmpi slt, %while3A_220, %scan3A_53 : i32
        %lt3A_226 = arith.cmpi slt, %squeeze3A, %add3A_218 : i32
        %and3A = arith.andi %lt3A_225, %lt3A_226 : i1
        scf.condition(%and3A) %while3A_220 : i32
      } do {
      ^bb0(%while3A_220: i32):
        %and3A = arith.constant 127 : i32
        %and3A_221 = arith.andi %while3A_220, %and3A : i32
        %eq3A_222 = arith.constant 0 : i32
        %eq3A_223 = arith.cmpi eq, %and3A_221, %eq3A_222 : i32
        %convert_element_type3A_224 = arith.extui %eq3A_223 : i1 to i32
        %cond3A_225 = arith.constant 0 : i32
        %cond3A_226 = arith.cmpi ne, %convert_element_type3A_224, %cond3A_225 : i32
        scf.if %cond3A_226 {
          %shift_right_arithmetic3A = arith.constant 7 : i32
          %shift_right_arithmetic3A_275 = arith.shrsi %while3A_220, %shift_right_arithmetic3A : i32
          %dma_start3A = arith.constant 0 : i32
          %dma_start3A_276 = tpu.memref_slice %arg20[%shift_right_arithmetic3A_275, %dma_start3A] : memref<25x128xi32, #tpu.memory_space<vmem>> -> memref<1x128xi32, #tpu.memory_space<vmem>>
          %dma_start3A_277 = tpu.memref_squeeze %dma_start3A_276 : memref<1x128xi32, #tpu.memory_space<vmem>> -> memref<128xi32, #tpu.memory_space<vmem>>
          %dma_start3A_278 = arith.constant 0 : i32
          %dma_start3A_279 = arith.constant 0 : i32
          %dma_start3A_280 = tpu.memref_slice %arg7[%dma_start3A_278, %dma_start3A_279] : memref<16384x128xf32, #tpu.memory_space<hbm>> -> memref<16384x128xf32, #tpu.memory_space<hbm>>
          tpu.enqueue_indirect_dma source(%dma_start3A_280 : memref<16384x128xf32, #tpu.memory_space<hbm>>) target(%arg27 : memref<128x128xf32, #tpu.memory_space<vmem>>) offsets(%dma_start3A_277 : memref<128xi32, #tpu.memory_space<vmem>>) semaphore(%arg29 : memref<!tpu.dma_semaphore, #tpu.memory_space<semaphore_mem>>)
          %dma_wait3A = arith.constant 0 : i32
          %dma_wait3A_281 = tpu.memref_slice %arg20[%shift_right_arithmetic3A_275, %dma_wait3A] : memref<25x128xi32, #tpu.memory_space<vmem>> -> memref<1x128xi32, #tpu.memory_space<vmem>>
          %dma_wait3A_282 = tpu.memref_squeeze %dma_wait3A_281 : memref<1x128xi32, #tpu.memory_space<vmem>> -> memref<128xi32, #tpu.memory_space<vmem>>
          %dma_wait3A_283 = arith.constant 0 : i32
          %dma_wait3A_284 = arith.constant 0 : i32
          %dma_wait3A_285 = tpu.memref_slice %arg7[%dma_wait3A_283, %dma_wait3A_284] : memref<16384x128xf32, #tpu.memory_space<hbm>> -> memref<16384x128xf32, #tpu.memory_space<hbm>>
          tpu.wait_indirect_dma semaphore(%arg29 : memref<!tpu.dma_semaphore, #tpu.memory_space<semaphore_mem>>) src(%dma_wait3A_285 : memref<16384x128xf32, #tpu.memory_space<hbm>>) dst(%arg27 : memref<128x128xf32, #tpu.memory_space<vmem>>)
        } else {
        }
        %broadcast_in_dim3A_227 = arith.constant 1 : i32
        %broadcast_in_dim3A_228 = vector.broadcast %broadcast_in_dim3A_227 : i32 to vector<16xi32>
        %mul3A_229 = vector.broadcast %while3A_220 : i32 to vector<16xi32>
        %mul3A_230 = arith.muli %broadcast_in_dim3A_228, %mul3A_229 : vector<16xi32>
        %gather3A = tpu.vector_load_idx %arg17[%mul3A_230] : memref<3136xi32, #tpu.memory_space<vmem>>[vector<16xi32>], vector<16xi32>,
        %slice3A = vector.extract_strided_slice %gather3A {offsets = [0], sizes = [1], strides = [1]} : vector<16xi32> to vector<1xi32>
        %squeeze3A = vector.extract %slice3A[0] : i32 from vector<1xi32>
        %sub3A = arith.subi %squeeze3A, %add3A_216 : i32
        %and3A_231 = arith.constant 127 : i32
        %and3A_232 = arith.andi %while3A_220, %and3A_231 : i32
        %get3A = arith.index_cast %and3A_232 : i32 to index
        %get3A_233 = arith.constant 0 : index
        %get3A_234 = tpu.vector_load %arg27[%get3A, %get3A_233] {strides = array<i32>} : memref<128x128xf32, #tpu.memory_space<vmem>>, vector<16xf32>,
        %swap3A = arith.index_cast %sub3A : i32 to index
        %swap3A_235 = arith.constant 0 : index
        %swap3A_236 = tpu.vector_load %arg25[%swap3A, %swap3A_235] {strides = array<i32>} : memref<136x100xf32, #tpu.memory_space<vmem>>, vector<16xf32>,
        tpu.vector_store %arg25[%swap3A, %swap3A_235], %get3A_234 {strides = array<i32>} : memref<136x100xf32, #tpu.memory_space<vmem>>, vector<16xf32>,
        %get3A_237 = arith.index_cast %and3A_232 : i32 to index
        %get3A_238 = arith.constant 16 : index
        %get3A_239 = tpu.vector_load %arg27[%get3A_237, %get3A_238] {strides = array<i32>} : memref<128x128xf32, #tpu.memory_space<vmem>>, vector<16xf32>,
        %swap3A_240 = arith.index_cast %sub3A : i32 to index
        %swap3A_241 = arith.constant 16 : index
        %swap3A_242 = tpu.vector_load %arg25[%swap3A_240, %swap3A_241] {strides = array<i32>} : memref<136x100xf32, #tpu.memory_space<vmem>>, vector<16xf32>,
        tpu.vector_store %arg25[%swap3A_240, %swap3A_241], %get3A_239 {strides = array<i32>} : memref<136x100xf32, #tpu.memory_space<vmem>>, vector<16xf32>,
        %get3A_243 = arith.index_cast %and3A_232 : i32 to index
        %get3A_244 = arith.constant 32 : index
        %get3A_245 = tpu.vector_load %arg27[%get3A_243, %get3A_244] {strides = array<i32>} : memref<128x128xf32, #tpu.memory_space<vmem>>, vector<16xf32>,
        %swap3A_246 = arith.index_cast %sub3A : i32 to index
        %swap3A_247 = arith.constant 32 : index
        %swap3A_248 = tpu.vector_load %arg25[%swap3A_246, %swap3A_247] {strides = array<i32>} : memref<136x100xf32, #tpu.memory_space<vmem>>, vector<16xf32>,
        tpu.vector_store %arg25[%swap3A_246, %swap3A_247], %get3A_245 {strides = array<i32>} : memref<136x100xf32, #tpu.memory_space<vmem>>, vector<16xf32>,
        %get3A_249 = arith.index_cast %and3A_232 : i32 to index
        %get3A_250 = arith.constant 48 : index
        %get3A_251 = tpu.vector_load %arg27[%get3A_249, %get3A_250] {strides = array<i32>} : memref<128x128xf32, #tpu.memory_space<vmem>>, vector<16xf32>,
        %swap3A_252 = arith.index_cast %sub3A : i32 to index
        %swap3A_253 = arith.constant 48 : index
        %swap3A_254 = tpu.vector_load %arg25[%swap3A_252, %swap3A_253] {strides = array<i32>} : memref<136x100xf32, #tpu.memory_space<vmem>>, vector<16xf32>,
        tpu.vector_store %arg25[%swap3A_252, %swap3A_253], %get3A_251 {strides = array<i32>} : memref<136x100xf32, #tpu.memory_space<vmem>>, vector<16xf32>,
        %get3A_255 = arith.index_cast %and3A_232 : i32 to index
        %get3A_256 = arith.constant 64 : index
        %get3A_257 = tpu.vector_load %arg27[%get3A_255, %get3A_256] {strides = array<i32>} : memref<128x128xf32, #tpu.memory_space<vmem>>, vector<16xf32>,
        %swap3A_258 = arith.index_cast %sub3A : i32 to index
        %swap3A_259 = arith.constant 64 : index
        %swap3A_260 = tpu.vector_load %arg25[%swap3A_258, %swap3A_259] {strides = array<i32>} : memref<136x100xf32, #tpu.memory_space<vmem>>, vector<16xf32>,
        tpu.vector_store %arg25[%swap3A_258, %swap3A_259], %get3A_257 {strides = array<i32>} : memref<136x100xf32, #tpu.memory_space<vmem>>, vector<16xf32>,
        %get3A_261 = arith.index_cast %and3A_232 : i32 to index
        %get3A_262 = arith.constant 80 : index
        %get3A_263 = tpu.vector_load %arg27[%get3A_261, %get3A_262] {strides = array<i32>} : memref<128x128xf32, #tpu.memory_space<vmem>>, vector<16xf32>,
        %swap3A_264 = arith.index_cast %sub3A : i32 to index
        %swap3A_265 = arith.constant 80 : index
        %swap3A_266 = tpu.vector_load %arg25[%swap3A_264, %swap3A_265] {strides = array<i32>} : memref<136x100xf32, #tpu.memory_space<vmem>>, vector<16xf32>,
        tpu.vector_store %arg25[%swap3A_264, %swap3A_265], %get3A_263 {strides = array<i32>} : memref<136x100xf32, #tpu.memory_space<vmem>>, vector<16xf32>,
        %get3A_267 = arith.index_cast %and3A_232 : i32 to index
        %get3A_268 = arith.constant 84 : index
        %get3A_269 = tpu.vector_load %arg27[%get3A_267, %get3A_268] {strides = array<i32>} : memref<128x128xf32, #tpu.memory_space<vmem>>, vector<16xf32>,
        %swap3A_270 = arith.index_cast %sub3A : i32 to index
        %swap3A_271 = arith.constant 84 : index
        %swap3A_272 = tpu.vector_load %arg25[%swap3A_270, %swap3A_271] {strides = array<i32>} : memref<136x100xf32, #tpu.memory_space<vmem>>, vector<16xf32>,
        tpu.vector_store %arg25[%swap3A_270, %swap3A_271], %get3A_269 {strides = array<i32>} : memref<136x100xf32, #tpu.memory_space<vmem>>, vector<16xf32>,
        %add3A_273 = arith.constant 1 : i32
        %add3A_274 = arith.addi %while3A_220, %add3A_273 : i32
        scf.yield %add3A_274 : i32
      }
      "tpu.region"() ({
        %run_scoped3A = tpu.sem_alloc : memref<!tpu.dma_semaphore, #tpu.memory_space<semaphore_mem>>
        %dma_start3A = arith.constant 0 : i32
        %dma_start3A_220 = arith.constant 0 : i32
        %dma_start3A_221 = tpu.memref_slice %arg25[%dma_start3A, %dma_start3A_220] : memref<136x100xf32, #tpu.memory_space<vmem>> -> memref<136x100xf32, #tpu.memory_space<vmem>>
        %dma_start3A_222 = arith.constant 0 : i32
        %dma_start3A_223 = tpu.memref_slice %arg14[%add3A_216, %dma_start3A_222] : memref<100000x100xf32, #tpu.memory_space<hbm>> -> memref<136x100xf32, #tpu.memory_space<hbm>>
        %dma_start3A_224 = arith.constant 0 : i32
        %dma_start3A_225 = tpu.memref_slice %arg14[%add3A_216, %dma_start3A_224] : memref<100000x100xf32, #tpu.memory_space<hbm>> -> memref<136x100xf32, #tpu.memory_space<hbm>>
        %dma_start3A_226 = arith.constant 0 : i32
        %dma_start3A_227 = arith.constant 0 : i32
        %dma_start3A_228 = tpu.memref_slice %arg25[%dma_start3A_226, %dma_start3A_227] : memref<136x100xf32, #tpu.memory_space<vmem>> -> memref<136x100xf32, #tpu.memory_space<vmem>>
        tpu.enqueue_dma source(%dma_start3A_228 : memref<136x100xf32, #tpu.memory_space<vmem>>) target(%dma_start3A_225 : memref<136x100xf32, #tpu.memory_space<hbm>>) target_semaphore(%run_scoped3A : memref<!tpu.dma_semaphore, #tpu.memory_space<semaphore_mem>>)
        %dma_wait3A = arith.constant 0 : i32
        %dma_wait3A_229 = arith.constant 0 : i32
        %dma_wait3A_230 = tpu.memref_slice %arg25[%dma_wait3A, %dma_wait3A_229] : memref<136x100xf32, #tpu.memory_space<vmem>> -> memref<136x100xf32, #tpu.memory_space<vmem>>
        %dma_wait3A_231 = arith.constant 0 : i32
        %dma_wait3A_232 = tpu.memref_slice %arg14[%add3A_216, %dma_wait3A_231] : memref<100000x100xf32, #tpu.memory_space<hbm>> -> memref<136x100xf32, #tpu.memory_space<hbm>>
        %dma_wait3A_233 = arith.constant 0 : i32
        %dma_wait3A_234 = tpu.memref_slice %arg14[%add3A_216, %dma_wait3A_233] : memref<100000x100xf32, #tpu.memory_space<hbm>> -> memref<136x100xf32, #tpu.memory_space<hbm>>
        %dma_wait3A_235 = arith.constant 0 : i32
        %dma_wait3A_236 = arith.constant 0 : i32
        %dma_wait3A_237 = tpu.memref_slice %arg25[%dma_wait3A_235, %dma_wait3A_236] : memref<136x100xf32, #tpu.memory_space<vmem>> -> memref<136x100xf32, #tpu.memory_space<vmem>>
        tpu.wait_dma2 semaphore(%run_scoped3A : memref<!tpu.dma_semaphore, #tpu.memory_space<semaphore_mem>>) src(%dma_wait3A_237 : memref<136x100xf32, #tpu.memory_space<vmem>>) dst(%dma_wait3A_234 : memref<136x100xf32, #tpu.memory_space<hbm>>)
        tpu.yield
      }) : () -> ()
      scf.yield %while3A_219 : i32
    }
    %eq3A = arith.constant 15 : i32
    %eq3A_73 = arith.cmpi eq, %arg1, %eq3A : i32
    %convert_element_type3A_74 = arith.extui %eq3A_73 : i1 to i32
    %cond3A_75 = arith.constant 0 : i32
    %cond3A_76 = arith.cmpi ne, %convert_element_type3A_74, %cond3A_75 : i32
    scf.if %cond3A_76 {
      %add3A_212 = arith.constant 2992 : i32
      %add3A_213 = arith.addi %add3A, %add3A_212 : i32
      "tpu.region"() ({
        %run_scoped3A = tpu.sem_alloc : memref<!tpu.dma_semaphore, #tpu.memory_space<semaphore_mem>>
        %dma_start3A = arith.constant 0 : i32
        %dma_start3A_217 = arith.constant 0 : i32
        %dma_start3A_218 = tpu.memref_slice %arg24[%dma_start3A, %dma_start3A_217] : memref<136x128xf32, #tpu.memory_space<vmem>> -> memref<88x128xf32, #tpu.memory_space<vmem>>
        %dma_start3A_219 = arith.constant 0 : i32
        %dma_start3A_220 = tpu.memref_slice %arg2[%add3A_213, %dma_start3A_219] : memref<100000x128xf32, #tpu.memory_space<hbm>> -> memref<88x128xf32, #tpu.memory_space<hbm>>
        %dma_start3A_221 = arith.constant 0 : i32
        %dma_start3A_222 = arith.constant 0 : i32
        %dma_start3A_223 = tpu.memref_slice %arg24[%dma_start3A_221, %dma_start3A_222] : memref<136x128xf32, #tpu.memory_space<vmem>> -> memref<88x128xf32, #tpu.memory_space<vmem>>
        %dma_start3A_224 = arith.constant 0 : i32
        %dma_start3A_225 = tpu.memref_slice %arg2[%add3A_213, %dma_start3A_224] : memref<100000x128xf32, #tpu.memory_space<hbm>> -> memref<88x128xf32, #tpu.memory_space<hbm>>
        tpu.enqueue_dma source(%dma_start3A_225 : memref<88x128xf32, #tpu.memory_space<hbm>>) target(%dma_start3A_223 : memref<88x128xf32, #tpu.memory_space<vmem>>) target_semaphore(%run_scoped3A : memref<!tpu.dma_semaphore, #tpu.memory_space<semaphore_mem>>)
        %dma_wait3A = arith.constant 0 : i32
        %dma_wait3A_226 = arith.constant 0 : i32
        %dma_wait3A_227 = tpu.memref_slice %arg24[%dma_wait3A, %dma_wait3A_226] : memref<136x128xf32, #tpu.memory_space<vmem>> -> memref<88x128xf32, #tpu.memory_space<vmem>>
        %dma_wait3A_228 = arith.constant 0 : i32
        %dma_wait3A_229 = tpu.memref_slice %arg2[%add3A_213, %dma_wait3A_228] : memref<100000x128xf32, #tpu.memory_space<hbm>> -> memref<88x128xf32, #tpu.memory_space<hbm>>
        %dma_wait3A_230 = arith.constant 0 : i32
        %dma_wait3A_231 = arith.constant 0 : i32
        %dma_wait3A_232 = tpu.memref_slice %arg24[%dma_wait3A_230, %dma_wait3A_231] : memref<136x128xf32, #tpu.memory_space<vmem>> -> memref<88x128xf32, #tpu.memory_space<vmem>>
        %dma_wait3A_233 = arith.constant 0 : i32
        %dma_wait3A_234 = tpu.memref_slice %arg2[%add3A_213, %dma_wait3A_233] : memref<100000x128xf32, #tpu.memory_space<hbm>> -> memref<88x128xf32, #tpu.memory_space<hbm>>
        tpu.wait_dma2 semaphore(%run_scoped3A : memref<!tpu.dma_semaphore, #tpu.memory_space<semaphore_mem>>) src(%dma_wait3A_234 : memref<88x128xf32, #tpu.memory_space<hbm>>) dst(%dma_wait3A_232 : memref<88x128xf32, #tpu.memory_space<vmem>>)
        tpu.yield
      }) : () -> ()
      "tpu.region"() ({
        %run_scoped3A = tpu.sem_alloc : memref<!tpu.dma_semaphore, #tpu.memory_space<semaphore_mem>>
        %dma_start3A = arith.constant 0 : i32
        %dma_start3A_217 = arith.constant 0 : i32
        %dma_start3A_218 = tpu.memref_slice %arg24[%dma_start3A, %dma_start3A_217] : memref<136x128xf32, #tpu.memory_space<vmem>> -> memref<88x128xf32, #tpu.memory_space<vmem>>
        %dma_start3A_219 = arith.constant 0 : i32
        %dma_start3A_220 = tpu.memref_slice %arg11[%add3A_213, %dma_start3A_219] : memref<100000x128xf32, #tpu.memory_space<hbm>> -> memref<88x128xf32, #tpu.memory_space<hbm>>
        %dma_start3A_221 = arith.constant 0 : i32
        %dma_start3A_222 = tpu.memref_slice %arg11[%add3A_213, %dma_start3A_221] : memref<100000x128xf32, #tpu.memory_space<hbm>> -> memref<88x128xf32, #tpu.memory_space<hbm>>
        %dma_start3A_223 = arith.constant 0 : i32
        %dma_start3A_224 = arith.constant 0 : i32
        %dma_start3A_225 = tpu.memref_slice %arg24[%dma_start3A_223, %dma_start3A_224] : memref<136x128xf32, #tpu.memory_space<vmem>> -> memref<88x128xf32, #tpu.memory_space<vmem>>
        tpu.enqueue_dma source(%dma_start3A_225 : memref<88x128xf32, #tpu.memory_space<vmem>>) target(%dma_start3A_222 : memref<88x128xf32, #tpu.memory_space<hbm>>) target_semaphore(%run_scoped3A : memref<!tpu.dma_semaphore, #tpu.memory_space<semaphore_mem>>)
        %dma_wait3A = arith.constant 0 : i32
        %dma_wait3A_226 = arith.constant 0 : i32
        %dma_wait3A_227 = tpu.memref_slice %arg24[%dma_wait3A, %dma_wait3A_226] : memref<136x128xf32, #tpu.memory_space<vmem>> -> memref<88x128xf32, #tpu.memory_space<vmem>>
        %dma_wait3A_228 = arith.constant 0 : i32
        %dma_wait3A_229 = tpu.memref_slice %arg11[%add3A_213, %dma_wait3A_228] : memref<100000x128xf32, #tpu.memory_space<hbm>> -> memref<88x128xf32, #tpu.memory_space<hbm>>
        %dma_wait3A_230 = arith.constant 0 : i32
        %dma_wait3A_231 = tpu.memref_slice %arg11[%add3A_213, %dma_wait3A_230] : memref<100000x128xf32, #tpu.memory_space<hbm>> -> memref<88x128xf32, #tpu.memory_space<hbm>>
        %dma_wait3A_232 = arith.constant 0 : i32
        %dma_wait3A_233 = arith.constant 0 : i32
        %dma_wait3A_234 = tpu.memref_slice %arg24[%dma_wait3A_232, %dma_wait3A_233] : memref<136x128xf32, #tpu.memory_space<vmem>> -> memref<88x128xf32, #tpu.memory_space<vmem>>
        tpu.wait_dma2 semaphore(%run_scoped3A : memref<!tpu.dma_semaphore, #tpu.memory_space<semaphore_mem>>) src(%dma_wait3A_234 : memref<88x128xf32, #tpu.memory_space<vmem>>) dst(%dma_wait3A_231 : memref<88x128xf32, #tpu.memory_space<hbm>>)
        tpu.yield
      }) : () -> ()
      "tpu.region"() ({
        %run_scoped3A = tpu.sem_alloc : memref<!tpu.dma_semaphore, #tpu.memory_space<semaphore_mem>>
        %dma_start3A = arith.constant 0 : i32
        %dma_start3A_217 = arith.constant 0 : i32
        %dma_start3A_218 = tpu.memref_slice %arg25[%dma_start3A, %dma_start3A_217] : memref<136x100xf32, #tpu.memory_space<vmem>> -> memref<88x100xf32, #tpu.memory_space<vmem>>
        %dma_start3A_219 = arith.constant 0 : i32
        %dma_start3A_220 = tpu.memref_slice %arg3[%add3A_213, %dma_start3A_219] : memref<100000x100xf32, #tpu.memory_space<hbm>> -> memref<88x100xf32, #tpu.memory_space<hbm>>
        %dma_start3A_221 = arith.constant 0 : i32
        %dma_start3A_222 = arith.constant 0 : i32
        %dma_start3A_223 = tpu.memref_slice %arg25[%dma_start3A_221, %dma_start3A_222] : memref<136x100xf32, #tpu.memory_space<vmem>> -> memref<88x100xf32, #tpu.memory_space<vmem>>
        %dma_start3A_224 = arith.constant 0 : i32
        %dma_start3A_225 = tpu.memref_slice %arg3[%add3A_213, %dma_start3A_224] : memref<100000x100xf32, #tpu.memory_space<hbm>> -> memref<88x100xf32, #tpu.memory_space<hbm>>
        tpu.enqueue_dma source(%dma_start3A_225 : memref<88x100xf32, #tpu.memory_space<hbm>>) target(%dma_start3A_223 : memref<88x100xf32, #tpu.memory_space<vmem>>) target_semaphore(%run_scoped3A : memref<!tpu.dma_semaphore, #tpu.memory_space<semaphore_mem>>)
        %dma_wait3A = arith.constant 0 : i32
        %dma_wait3A_226 = arith.constant 0 : i32
        %dma_wait3A_227 = tpu.memref_slice %arg25[%dma_wait3A, %dma_wait3A_226] : memref<136x100xf32, #tpu.memory_space<vmem>> -> memref<88x100xf32, #tpu.memory_space<vmem>>
        %dma_wait3A_228 = arith.constant 0 : i32
        %dma_wait3A_229 = tpu.memref_slice %arg3[%add3A_213, %dma_wait3A_228] : memref<100000x100xf32, #tpu.memory_space<hbm>> -> memref<88x100xf32, #tpu.memory_space<hbm>>
        %dma_wait3A_230 = arith.constant 0 : i32
        %dma_wait3A_231 = arith.constant 0 : i32
        %dma_wait3A_232 = tpu.memref_slice %arg25[%dma_wait3A_230, %dma_wait3A_231] : memref<136x100xf32, #tpu.memory_space<vmem>> -> memref<88x100xf32, #tpu.memory_space<vmem>>
        %dma_wait3A_233 = arith.constant 0 : i32
        %dma_wait3A_234 = tpu.memref_slice %arg3[%add3A_213, %dma_wait3A_233] : memref<100000x100xf32, #tpu.memory_space<hbm>> -> memref<88x100xf32, #tpu.memory_space<hbm>>
        tpu.wait_dma2 semaphore(%run_scoped3A : memref<!tpu.dma_semaphore, #tpu.memory_space<semaphore_mem>>) src(%dma_wait3A_234 : memref<88x100xf32, #tpu.memory_space<hbm>>) dst(%dma_wait3A_232 : memref<88x100xf32, #tpu.memory_space<vmem>>)
        tpu.yield
      }) : () -> ()
      %add3A_214 = arith.constant 88 : i32
      %add3A_215 = arith.addi %add3A_213, %add3A_214 : i32
      %while3A_216 = scf.while (%while3A_217 = %while3A_72) : (i32) -> i32 {
        %broadcast_in_dim3A_218 = arith.constant 1 : i32
        %broadcast_in_dim3A_219 = vector.broadcast %broadcast_in_dim3A_218 : i32 to vector<16xi32>
        %mul3A_220 = vector.broadcast %while3A_217 : i32 to vector<16xi32>
        %mul3A_221 = arith.muli %broadcast_in_dim3A_219, %mul3A_220 : vector<16xi32>
        %gather3A = tpu.vector_load_idx %arg17[%mul3A_221] : memref<3136xi32, #tpu.memory_space<vmem>>[vector<16xi32>], vector<16xi32>,
        %slice3A = vector.extract_strided_slice %gather3A {offsets = [0], sizes = [1], strides = [1]} : vector<16xi32> to vector<1xi32>
        %squeeze3A = vector.extract %slice3A[0] : i32 from vector<1xi32>
        %lt3A_222 = arith.cmpi slt, %while3A_217, %scan3A_53 : i32
        %lt3A_223 = arith.cmpi slt, %squeeze3A, %add3A_215 : i32
        %and3A = arith.andi %lt3A_222, %lt3A_223 : i1
        scf.condition(%and3A) %while3A_217 : i32
      } do {
      ^bb0(%while3A_217: i32):
        %and3A = arith.constant 127 : i32
        %and3A_218 = arith.andi %while3A_217, %and3A : i32
        %eq3A_219 = arith.constant 0 : i32
        %eq3A_220 = arith.cmpi eq, %and3A_218, %eq3A_219 : i32
        %convert_element_type3A_221 = arith.extui %eq3A_220 : i1 to i32
        %cond3A_222 = arith.constant 0 : i32
        %cond3A_223 = arith.cmpi ne, %convert_element_type3A_221, %cond3A_222 : i32
        scf.if %cond3A_223 {
          %shift_right_arithmetic3A = arith.constant 7 : i32
          %shift_right_arithmetic3A_272 = arith.shrsi %while3A_217, %shift_right_arithmetic3A : i32
          %dma_start3A = arith.constant 0 : i32
          %dma_start3A_273 = tpu.memref_slice %arg20[%shift_right_arithmetic3A_272, %dma_start3A] : memref<25x128xi32, #tpu.memory_space<vmem>> -> memref<1x128xi32, #tpu.memory_space<vmem>>
          %dma_start3A_274 = tpu.memref_squeeze %dma_start3A_273 : memref<1x128xi32, #tpu.memory_space<vmem>> -> memref<128xi32, #tpu.memory_space<vmem>>
          %dma_start3A_275 = arith.constant 0 : i32
          %dma_start3A_276 = arith.constant 0 : i32
          %dma_start3A_277 = tpu.memref_slice %arg7[%dma_start3A_275, %dma_start3A_276] : memref<16384x128xf32, #tpu.memory_space<hbm>> -> memref<16384x128xf32, #tpu.memory_space<hbm>>
          tpu.enqueue_indirect_dma source(%dma_start3A_277 : memref<16384x128xf32, #tpu.memory_space<hbm>>) target(%arg27 : memref<128x128xf32, #tpu.memory_space<vmem>>) offsets(%dma_start3A_274 : memref<128xi32, #tpu.memory_space<vmem>>) semaphore(%arg29 : memref<!tpu.dma_semaphore, #tpu.memory_space<semaphore_mem>>)
          %dma_wait3A = arith.constant 0 : i32
          %dma_wait3A_278 = tpu.memref_slice %arg20[%shift_right_arithmetic3A_272, %dma_wait3A] : memref<25x128xi32, #tpu.memory_space<vmem>> -> memref<1x128xi32, #tpu.memory_space<vmem>>
          %dma_wait3A_279 = tpu.memref_squeeze %dma_wait3A_278 : memref<1x128xi32, #tpu.memory_space<vmem>> -> memref<128xi32, #tpu.memory_space<vmem>>
          %dma_wait3A_280 = arith.constant 0 : i32
          %dma_wait3A_281 = arith.constant 0 : i32
          %dma_wait3A_282 = tpu.memref_slice %arg7[%dma_wait3A_280, %dma_wait3A_281] : memref<16384x128xf32, #tpu.memory_space<hbm>> -> memref<16384x128xf32, #tpu.memory_space<hbm>>
          tpu.wait_indirect_dma semaphore(%arg29 : memref<!tpu.dma_semaphore, #tpu.memory_space<semaphore_mem>>) src(%dma_wait3A_282 : memref<16384x128xf32, #tpu.memory_space<hbm>>) dst(%arg27 : memref<128x128xf32, #tpu.memory_space<vmem>>)
        } else {
        }
        %broadcast_in_dim3A_224 = arith.constant 1 : i32
        %broadcast_in_dim3A_225 = vector.broadcast %broadcast_in_dim3A_224 : i32 to vector<16xi32>
        %mul3A_226 = vector.broadcast %while3A_217 : i32 to vector<16xi32>
        %mul3A_227 = arith.muli %broadcast_in_dim3A_225, %mul3A_226 : vector<16xi32>
        %gather3A = tpu.vector_load_idx %arg17[%mul3A_227] : memref<3136xi32, #tpu.memory_space<vmem>>[vector<16xi32>], vector<16xi32>,
        %slice3A = vector.extract_strided_slice %gather3A {offsets = [0], sizes = [1], strides = [1]} : vector<16xi32> to vector<1xi32>
        %squeeze3A = vector.extract %slice3A[0] : i32 from vector<1xi32>
        %sub3A = arith.subi %squeeze3A, %add3A_213 : i32
        %and3A_228 = arith.constant 127 : i32
        %and3A_229 = arith.andi %while3A_217, %and3A_228 : i32
        %get3A = arith.index_cast %and3A_229 : i32 to index
        %get3A_230 = arith.constant 0 : index
        %get3A_231 = tpu.vector_load %arg27[%get3A, %get3A_230] {strides = array<i32>} : memref<128x128xf32, #tpu.memory_space<vmem>>, vector<16xf32>,
        %swap3A = arith.index_cast %sub3A : i32 to index
        %swap3A_232 = arith.constant 0 : index
        %swap3A_233 = tpu.vector_load %arg25[%swap3A, %swap3A_232] {strides = array<i32>} : memref<136x100xf32, #tpu.memory_space<vmem>>, vector<16xf32>,
        tpu.vector_store %arg25[%swap3A, %swap3A_232], %get3A_231 {strides = array<i32>} : memref<136x100xf32, #tpu.memory_space<vmem>>, vector<16xf32>,
        %get3A_234 = arith.index_cast %and3A_229 : i32 to index
        %get3A_235 = arith.constant 16 : index
        %get3A_236 = tpu.vector_load %arg27[%get3A_234, %get3A_235] {strides = array<i32>} : memref<128x128xf32, #tpu.memory_space<vmem>>, vector<16xf32>,
        %swap3A_237 = arith.index_cast %sub3A : i32 to index
        %swap3A_238 = arith.constant 16 : index
        %swap3A_239 = tpu.vector_load %arg25[%swap3A_237, %swap3A_238] {strides = array<i32>} : memref<136x100xf32, #tpu.memory_space<vmem>>, vector<16xf32>,
        tpu.vector_store %arg25[%swap3A_237, %swap3A_238], %get3A_236 {strides = array<i32>} : memref<136x100xf32, #tpu.memory_space<vmem>>, vector<16xf32>,
        %get3A_240 = arith.index_cast %and3A_229 : i32 to index
        %get3A_241 = arith.constant 32 : index
        %get3A_242 = tpu.vector_load %arg27[%get3A_240, %get3A_241] {strides = array<i32>} : memref<128x128xf32, #tpu.memory_space<vmem>>, vector<16xf32>,
        %swap3A_243 = arith.index_cast %sub3A : i32 to index
        %swap3A_244 = arith.constant 32 : index
        %swap3A_245 = tpu.vector_load %arg25[%swap3A_243, %swap3A_244] {strides = array<i32>} : memref<136x100xf32, #tpu.memory_space<vmem>>, vector<16xf32>,
        tpu.vector_store %arg25[%swap3A_243, %swap3A_244], %get3A_242 {strides = array<i32>} : memref<136x100xf32, #tpu.memory_space<vmem>>, vector<16xf32>,
        %get3A_246 = arith.index_cast %and3A_229 : i32 to index
        %get3A_247 = arith.constant 48 : index
        %get3A_248 = tpu.vector_load %arg27[%get3A_246, %get3A_247] {strides = array<i32>} : memref<128x128xf32, #tpu.memory_space<vmem>>, vector<16xf32>,
        %swap3A_249 = arith.index_cast %sub3A : i32 to index
        %swap3A_250 = arith.constant 48 : index
        %swap3A_251 = tpu.vector_load %arg25[%swap3A_249, %swap3A_250] {strides = array<i32>} : memref<136x100xf32, #tpu.memory_space<vmem>>, vector<16xf32>,
        tpu.vector_store %arg25[%swap3A_249, %swap3A_250], %get3A_248 {strides = array<i32>} : memref<136x100xf32, #tpu.memory_space<vmem>>, vector<16xf32>,
        %get3A_252 = arith.index_cast %and3A_229 : i32 to index
        %get3A_253 = arith.constant 64 : index
        %get3A_254 = tpu.vector_load %arg27[%get3A_252, %get3A_253] {strides = array<i32>} : memref<128x128xf32, #tpu.memory_space<vmem>>, vector<16xf32>,
        %swap3A_255 = arith.index_cast %sub3A : i32 to index
        %swap3A_256 = arith.constant 64 : index
        %swap3A_257 = tpu.vector_load %arg25[%swap3A_255, %swap3A_256] {strides = array<i32>} : memref<136x100xf32, #tpu.memory_space<vmem>>, vector<16xf32>,
        tpu.vector_store %arg25[%swap3A_255, %swap3A_256], %get3A_254 {strides = array<i32>} : memref<136x100xf32, #tpu.memory_space<vmem>>, vector<16xf32>,
        %get3A_258 = arith.index_cast %and3A_229 : i32 to index
        %get3A_259 = arith.constant 80 : index
        %get3A_260 = tpu.vector_load %arg27[%get3A_258, %get3A_259] {strides = array<i32>} : memref<128x128xf32, #tpu.memory_space<vmem>>, vector<16xf32>,
        %swap3A_261 = arith.index_cast %sub3A : i32 to index
        %swap3A_262 = arith.constant 80 : index
        %swap3A_263 = tpu.vector_load %arg25[%swap3A_261, %swap3A_262] {strides = array<i32>} : memref<136x100xf32, #tpu.memory_space<vmem>>, vector<16xf32>,
        tpu.vector_store %arg25[%swap3A_261, %swap3A_262], %get3A_260 {strides = array<i32>} : memref<136x100xf32, #tpu.memory_space<vmem>>, vector<16xf32>,
        %get3A_264 = arith.index_cast %and3A_229 : i32 to index
        %get3A_265 = arith.constant 84 : index
        %get3A_266 = tpu.vector_load %arg27[%get3A_264, %get3A_265] {strides = array<i32>} : memref<128x128xf32, #tpu.memory_space<vmem>>, vector<16xf32>,
        %swap3A_267 = arith.index_cast %sub3A : i32 to index
        %swap3A_268 = arith.constant 84 : index
        %swap3A_269 = tpu.vector_load %arg25[%swap3A_267, %swap3A_268] {strides = array<i32>} : memref<136x100xf32, #tpu.memory_space<vmem>>, vector<16xf32>,
        tpu.vector_store %arg25[%swap3A_267, %swap3A_268], %get3A_266 {strides = array<i32>} : memref<136x100xf32, #tpu.memory_space<vmem>>, vector<16xf32>,
        %add3A_270 = arith.constant 1 : i32
        %add3A_271 = arith.addi %while3A_217, %add3A_270 : i32
        scf.yield %add3A_271 : i32
      }
      "tpu.region"() ({
        %run_scoped3A = tpu.sem_alloc : memref<!tpu.dma_semaphore, #tpu.memory_space<semaphore_mem>>
        %dma_start3A = arith.constant 0 : i32
        %dma_start3A_217 = arith.constant 0 : i32
        %dma_start3A_218 = tpu.memref_slice %arg25[%dma_start3A, %dma_start3A_217] : memref<136x100xf32, #tpu.memory_space<vmem>> -> memref<88x100xf32, #tpu.memory_space<vmem>>
        %dma_start3A_219 = arith.constant 0 : i32
        %dma_start3A_220 = tpu.memref_slice %arg14[%add3A_213, %dma_start3A_219] : memref<100000x100xf32, #tpu.memory_space<hbm>> -> memref<88x100xf32, #tpu.memory_space<hbm>>
        %dma_start3A_221 = arith.constant 0 : i32
        %dma_start3A_222 = tpu.memref_slice %arg14[%add3A_213, %dma_start3A_221] : memref<100000x100xf32, #tpu.memory_space<hbm>> -> memref<88x100xf32, #tpu.memory_space<hbm>>
        %dma_start3A_223 = arith.constant 0 : i32
        %dma_start3A_224 = arith.constant 0 : i32
        %dma_start3A_225 = tpu.memref_slice %arg25[%dma_start3A_223, %dma_start3A_224] : memref<136x100xf32, #tpu.memory_space<vmem>> -> memref<88x100xf32, #tpu.memory_space<vmem>>
        tpu.enqueue_dma source(%dma_start3A_225 : memref<88x100xf32, #tpu.memory_space<vmem>>) target(%dma_start3A_222 : memref<88x100xf32, #tpu.memory_space<hbm>>) target_semaphore(%run_scoped3A : memref<!tpu.dma_semaphore, #tpu.memory_space<semaphore_mem>>)
        %dma_wait3A = arith.constant 0 : i32
        %dma_wait3A_226 = arith.constant 0 : i32
        %dma_wait3A_227 = tpu.memref_slice %arg25[%dma_wait3A, %dma_wait3A_226] : memref<136x100xf32, #tpu.memory_space<vmem>> -> memref<88x100xf32, #tpu.memory_space<vmem>>
        %dma_wait3A_228 = arith.constant 0 : i32
        %dma_wait3A_229 = tpu.memref_slice %arg14[%add3A_213, %dma_wait3A_228] : memref<100000x100xf32, #tpu.memory_space<hbm>> -> memref<88x100xf32, #tpu.memory_space<hbm>>
        %dma_wait3A_230 = arith.constant 0 : i32
        %dma_wait3A_231 = tpu.memref_slice %arg14[%add3A_213, %dma_wait3A_230] : memref<100000x100xf32, #tpu.memory_space<hbm>> -> memref<88x100xf32, #tpu.memory_space<hbm>>
        %dma_wait3A_232 = arith.constant 0 : i32
        %dma_wait3A_233 = arith.constant 0 : i32
        %dma_wait3A_234 = tpu.memref_slice %arg25[%dma_wait3A_232, %dma_wait3A_233] : memref<136x100xf32, #tpu.memory_space<vmem>> -> memref<88x100xf32, #tpu.memory_space<vmem>>
        tpu.wait_dma2 semaphore(%run_scoped3A : memref<!tpu.dma_semaphore, #tpu.memory_space<semaphore_mem>>) src(%dma_wait3A_234 : memref<88x100xf32, #tpu.memory_space<vmem>>) dst(%dma_wait3A_231 : memref<88x100xf32, #tpu.memory_space<hbm>>)
        tpu.yield
      }) : () -> ()
    } else {
    }
    %lt3A_77 = arith.constant 15 : i32
    %lt3A_78 = arith.cmpi slt, %arg1, %lt3A_77 : i32
    %convert_element_type3A_79 = arith.extui %lt3A_78 : i1 to i32
    %cond3A_80 = arith.constant 0 : i32
    %cond3A_81 = arith.cmpi ne, %convert_element_type3A_79, %cond3A_80 : i32
    scf.if %cond3A_81 {
      "tpu.region"() ({
        %run_scoped3A = tpu.sem_alloc : memref<!tpu.dma_semaphore, #tpu.memory_space<semaphore_mem>>
        %dma_start3A = tpu.memref_slice %arg4[%add3A] : memref<100000xi32, #tpu.memory_space<hbm>> -> memref<3128xi32, #tpu.memory_space<hbm>>
        %dma_start3A_212 = tpu.memref_slice %arg4[%add3A] : memref<100000xi32, #tpu.memory_space<hbm>> -> memref<3128xi32, #tpu.memory_space<hbm>>
        tpu.enqueue_dma source(%dma_start3A_212 : memref<3128xi32, #tpu.memory_space<hbm>>) target(%arg28 : memref<3128xi32, #tpu.memory_space<vmem>>) target_semaphore(%run_scoped3A : memref<!tpu.dma_semaphore, #tpu.memory_space<semaphore_mem>>)
        %dma_wait3A = tpu.memref_slice %arg4[%add3A] : memref<100000xi32, #tpu.memory_space<hbm>> -> memref<3128xi32, #tpu.memory_space<hbm>>
        %dma_wait3A_213 = tpu.memref_slice %arg4[%add3A] : memref<100000xi32, #tpu.memory_space<hbm>> -> memref<3128xi32, #tpu.memory_space<hbm>>
        tpu.wait_dma2 semaphore(%run_scoped3A : memref<!tpu.dma_semaphore, #tpu.memory_space<semaphore_mem>>) src(%dma_wait3A_213 : memref<3128xi32, #tpu.memory_space<hbm>>) dst(%arg28 : memref<3128xi32, #tpu.memory_space<vmem>>)
        tpu.yield
      }) : () -> ()
      "tpu.region"() ({
        %run_scoped3A = tpu.sem_alloc : memref<!tpu.dma_semaphore, #tpu.memory_space<semaphore_mem>>
        %dma_start3A = tpu.memref_slice %arg12[%add3A] : memref<100000xi32, #tpu.memory_space<hbm>> -> memref<3128xi32, #tpu.memory_space<hbm>>
        %dma_start3A_212 = tpu.memref_slice %arg12[%add3A] : memref<100000xi32, #tpu.memory_space<hbm>> -> memref<3128xi32, #tpu.memory_space<hbm>>
        tpu.enqueue_dma source(%arg28 : memref<3128xi32, #tpu.memory_space<vmem>>) target(%dma_start3A_212 : memref<3128xi32, #tpu.memory_space<hbm>>) target_semaphore(%run_scoped3A : memref<!tpu.dma_semaphore, #tpu.memory_space<semaphore_mem>>)
        %dma_wait3A = tpu.memref_slice %arg12[%add3A] : memref<100000xi32, #tpu.memory_space<hbm>> -> memref<3128xi32, #tpu.memory_space<hbm>>
        %dma_wait3A_213 = tpu.memref_slice %arg12[%add3A] : memref<100000xi32, #tpu.memory_space<hbm>> -> memref<3128xi32, #tpu.memory_space<hbm>>
        tpu.wait_dma2 semaphore(%run_scoped3A : memref<!tpu.dma_semaphore, #tpu.memory_space<semaphore_mem>>) src(%arg28 : memref<3128xi32, #tpu.memory_space<vmem>>) dst(%dma_wait3A_213 : memref<3128xi32, #tpu.memory_space<hbm>>)
        tpu.yield
      }) : () -> ()
      "tpu.region"() ({
        %run_scoped3A = tpu.sem_alloc : memref<!tpu.dma_semaphore, #tpu.memory_space<semaphore_mem>>
        %dma_start3A = tpu.memref_slice %arg5[%add3A] : memref<100000xi32, #tpu.memory_space<hbm>> -> memref<3128xi32, #tpu.memory_space<hbm>>
        %dma_start3A_212 = tpu.memref_slice %arg5[%add3A] : memref<100000xi32, #tpu.memory_space<hbm>> -> memref<3128xi32, #tpu.memory_space<hbm>>
        tpu.enqueue_dma source(%dma_start3A_212 : memref<3128xi32, #tpu.memory_space<hbm>>) target(%arg28 : memref<3128xi32, #tpu.memory_space<vmem>>) target_semaphore(%run_scoped3A : memref<!tpu.dma_semaphore, #tpu.memory_space<semaphore_mem>>)
        %dma_wait3A = tpu.memref_slice %arg5[%add3A] : memref<100000xi32, #tpu.memory_space<hbm>> -> memref<3128xi32, #tpu.memory_space<hbm>>
        %dma_wait3A_213 = tpu.memref_slice %arg5[%add3A] : memref<100000xi32, #tpu.memory_space<hbm>> -> memref<3128xi32, #tpu.memory_space<hbm>>
        tpu.wait_dma2 semaphore(%run_scoped3A : memref<!tpu.dma_semaphore, #tpu.memory_space<semaphore_mem>>) src(%dma_wait3A_213 : memref<3128xi32, #tpu.memory_space<hbm>>) dst(%arg28 : memref<3128xi32, #tpu.memory_space<vmem>>)
        tpu.yield
      }) : () -> ()
      "tpu.region"() ({
        %run_scoped3A = tpu.sem_alloc : memref<!tpu.dma_semaphore, #tpu.memory_space<semaphore_mem>>
        %dma_start3A = tpu.memref_slice %arg13[%add3A] : memref<100000xi32, #tpu.memory_space<hbm>> -> memref<3128xi32, #tpu.memory_space<hbm>>
        %dma_start3A_212 = tpu.memref_slice %arg13[%add3A] : memref<100000xi32, #tpu.memory_space<hbm>> -> memref<3128xi32, #tpu.memory_space<hbm>>
        tpu.enqueue_dma source(%arg28 : memref<3128xi32, #tpu.memory_space<vmem>>) target(%dma_start3A_212 : memref<3128xi32, #tpu.memory_space<hbm>>) target_semaphore(%run_scoped3A : memref<!tpu.dma_semaphore, #tpu.memory_space<semaphore_mem>>)
        %dma_wait3A = tpu.memref_slice %arg13[%add3A] : memref<100000xi32, #tpu.memory_space<hbm>> -> memref<3128xi32, #tpu.memory_space<hbm>>
        %dma_wait3A_213 = tpu.memref_slice %arg13[%add3A] : memref<100000xi32, #tpu.memory_space<hbm>> -> memref<3128xi32, #tpu.memory_space<hbm>>
        tpu.wait_dma2 semaphore(%run_scoped3A : memref<!tpu.dma_semaphore, #tpu.memory_space<semaphore_mem>>) src(%arg28 : memref<3128xi32, #tpu.memory_space<vmem>>) dst(%dma_wait3A_213 : memref<3128xi32, #tpu.memory_space<hbm>>)
        tpu.yield
      }) : () -> ()
    } else {
    }
    %eq3A_82 = arith.constant 15 : i32
    %eq3A_83 = arith.cmpi eq, %arg1, %eq3A_82 : i32
    %convert_element_type3A_84 = arith.extui %eq3A_83 : i1 to i32
    %cond3A_85 = arith.constant 0 : i32
    %cond3A_86 = arith.cmpi ne, %convert_element_type3A_84, %cond3A_85 : i32
    scf.if %cond3A_86 {
      "tpu.region"() ({
        %run_scoped3A = tpu.sem_alloc : memref<!tpu.dma_semaphore, #tpu.memory_space<semaphore_mem>>
        %dma_start3A = arith.constant 0 : i32
        %dma_start3A_212 = tpu.memref_slice %arg28[%dma_start3A] : memref<3128xi32, #tpu.memory_space<vmem>> -> memref<3080xi32, #tpu.memory_space<vmem>>
        %dma_start3A_213 = tpu.memref_slice %arg4[%add3A] : memref<100000xi32, #tpu.memory_space<hbm>> -> memref<3080xi32, #tpu.memory_space<hbm>>
        %dma_start3A_214 = arith.constant 0 : i32
        %dma_start3A_215 = tpu.memref_slice %arg28[%dma_start3A_214] : memref<3128xi32, #tpu.memory_space<vmem>> -> memref<3080xi32, #tpu.memory_space<vmem>>
        %dma_start3A_216 = tpu.memref_slice %arg4[%add3A] : memref<100000xi32, #tpu.memory_space<hbm>> -> memref<3080xi32, #tpu.memory_space<hbm>>
        tpu.enqueue_dma source(%dma_start3A_216 : memref<3080xi32, #tpu.memory_space<hbm>>) target(%dma_start3A_215 : memref<3080xi32, #tpu.memory_space<vmem>>) target_semaphore(%run_scoped3A : memref<!tpu.dma_semaphore, #tpu.memory_space<semaphore_mem>>)
        %dma_wait3A = arith.constant 0 : i32
        %dma_wait3A_217 = tpu.memref_slice %arg28[%dma_wait3A] : memref<3128xi32, #tpu.memory_space<vmem>> -> memref<3080xi32, #tpu.memory_space<vmem>>
        %dma_wait3A_218 = tpu.memref_slice %arg4[%add3A] : memref<100000xi32, #tpu.memory_space<hbm>> -> memref<3080xi32, #tpu.memory_space<hbm>>
        %dma_wait3A_219 = arith.constant 0 : i32
        %dma_wait3A_220 = tpu.memref_slice %arg28[%dma_wait3A_219] : memref<3128xi32, #tpu.memory_space<vmem>> -> memref<3080xi32, #tpu.memory_space<vmem>>
        %dma_wait3A_221 = tpu.memref_slice %arg4[%add3A] : memref<100000xi32, #tpu.memory_space<hbm>> -> memref<3080xi32, #tpu.memory_space<hbm>>
        tpu.wait_dma2 semaphore(%run_scoped3A : memref<!tpu.dma_semaphore, #tpu.memory_space<semaphore_mem>>) src(%dma_wait3A_221 : memref<3080xi32, #tpu.memory_space<hbm>>) dst(%dma_wait3A_220 : memref<3080xi32, #tpu.memory_space<vmem>>)
        tpu.yield
      }) : () -> ()
      "tpu.region"() ({
        %run_scoped3A = tpu.sem_alloc : memref<!tpu.dma_semaphore, #tpu.memory_space<semaphore_mem>>
        %dma_start3A = arith.constant 0 : i32
        %dma_start3A_212 = tpu.memref_slice %arg28[%dma_start3A] : memref<3128xi32, #tpu.memory_space<vmem>> -> memref<3080xi32, #tpu.memory_space<vmem>>
        %dma_start3A_213 = tpu.memref_slice %arg12[%add3A] : memref<100000xi32, #tpu.memory_space<hbm>> -> memref<3080xi32, #tpu.memory_space<hbm>>
        %dma_start3A_214 = tpu.memref_slice %arg12[%add3A] : memref<100000xi32, #tpu.memory_space<hbm>> -> memref<3080xi32, #tpu.memory_space<hbm>>
        %dma_start3A_215 = arith.constant 0 : i32
        %dma_start3A_216 = tpu.memref_slice %arg28[%dma_start3A_215] : memref<3128xi32, #tpu.memory_space<vmem>> -> memref<3080xi32, #tpu.memory_space<vmem>>
        tpu.enqueue_dma source(%dma_start3A_216 : memref<3080xi32, #tpu.memory_space<vmem>>) target(%dma_start3A_214 : memref<3080xi32, #tpu.memory_space<hbm>>) target_semaphore(%run_scoped3A : memref<!tpu.dma_semaphore, #tpu.memory_space<semaphore_mem>>)
        %dma_wait3A = arith.constant 0 : i32
        %dma_wait3A_217 = tpu.memref_slice %arg28[%dma_wait3A] : memref<3128xi32, #tpu.memory_space<vmem>> -> memref<3080xi32, #tpu.memory_space<vmem>>
        %dma_wait3A_218 = tpu.memref_slice %arg12[%add3A] : memref<100000xi32, #tpu.memory_space<hbm>> -> memref<3080xi32, #tpu.memory_space<hbm>>
        %dma_wait3A_219 = tpu.memref_slice %arg12[%add3A] : memref<100000xi32, #tpu.memory_space<hbm>> -> memref<3080xi32, #tpu.memory_space<hbm>>
        %dma_wait3A_220 = arith.constant 0 : i32
        %dma_wait3A_221 = tpu.memref_slice %arg28[%dma_wait3A_220] : memref<3128xi32, #tpu.memory_space<vmem>> -> memref<3080xi32, #tpu.memory_space<vmem>>
        tpu.wait_dma2 semaphore(%run_scoped3A : memref<!tpu.dma_semaphore, #tpu.memory_space<semaphore_mem>>) src(%dma_wait3A_221 : memref<3080xi32, #tpu.memory_space<vmem>>) dst(%dma_wait3A_219 : memref<3080xi32, #tpu.memory_space<hbm>>)
        tpu.yield
      }) : () -> ()
      "tpu.region"() ({
        %run_scoped3A = tpu.sem_alloc : memref<!tpu.dma_semaphore, #tpu.memory_space<semaphore_mem>>
        %dma_start3A = arith.constant 0 : i32
        %dma_start3A_212 = tpu.memref_slice %arg28[%dma_start3A] : memref<3128xi32, #tpu.memory_space<vmem>> -> memref<3080xi32, #tpu.memory_space<vmem>>
        %dma_start3A_213 = tpu.memref_slice %arg5[%add3A] : memref<100000xi32, #tpu.memory_space<hbm>> -> memref<3080xi32, #tpu.memory_space<hbm>>
        %dma_start3A_214 = arith.constant 0 : i32
        %dma_start3A_215 = tpu.memref_slice %arg28[%dma_start3A_214] : memref<3128xi32, #tpu.memory_space<vmem>> -> memref<3080xi32, #tpu.memory_space<vmem>>
        %dma_start3A_216 = tpu.memref_slice %arg5[%add3A] : memref<100000xi32, #tpu.memory_space<hbm>> -> memref<3080xi32, #tpu.memory_space<hbm>>
        tpu.enqueue_dma source(%dma_start3A_216 : memref<3080xi32, #tpu.memory_space<hbm>>) target(%dma_start3A_215 : memref<3080xi32, #tpu.memory_space<vmem>>) target_semaphore(%run_scoped3A : memref<!tpu.dma_semaphore, #tpu.memory_space<semaphore_mem>>)
        %dma_wait3A = arith.constant 0 : i32
        %dma_wait3A_217 = tpu.memref_slice %arg28[%dma_wait3A] : memref<3128xi32, #tpu.memory_space<vmem>> -> memref<3080xi32, #tpu.memory_space<vmem>>
        %dma_wait3A_218 = tpu.memref_slice %arg5[%add3A] : memref<100000xi32, #tpu.memory_space<hbm>> -> memref<3080xi32, #tpu.memory_space<hbm>>
        %dma_wait3A_219 = arith.constant 0 : i32
        %dma_wait3A_220 = tpu.memref_slice %arg28[%dma_wait3A_219] : memref<3128xi32, #tpu.memory_space<vmem>> -> memref<3080xi32, #tpu.memory_space<vmem>>
        %dma_wait3A_221 = tpu.memref_slice %arg5[%add3A] : memref<100000xi32, #tpu.memory_space<hbm>> -> memref<3080xi32, #tpu.memory_space<hbm>>
        tpu.wait_dma2 semaphore(%run_scoped3A : memref<!tpu.dma_semaphore, #tpu.memory_space<semaphore_mem>>) src(%dma_wait3A_221 : memref<3080xi32, #tpu.memory_space<hbm>>) dst(%dma_wait3A_220 : memref<3080xi32, #tpu.memory_space<vmem>>)
        tpu.yield
      }) : () -> ()
      "tpu.region"() ({
        %run_scoped3A = tpu.sem_alloc : memref<!tpu.dma_semaphore, #tpu.memory_space<semaphore_mem>>
        %dma_start3A = arith.constant 0 : i32
        %dma_start3A_212 = tpu.memref_slice %arg28[%dma_start3A] : memref<3128xi32, #tpu.memory_space<vmem>> -> memref<3080xi32, #tpu.memory_space<vmem>>
        %dma_start3A_213 = tpu.memref_slice %arg13[%add3A] : memref<100000xi32, #tpu.memory_space<hbm>> -> memref<3080xi32, #tpu.memory_space<hbm>>
        %dma_start3A_214 = tpu.memref_slice %arg13[%add3A] : memref<100000xi32, #tpu.memory_space<hbm>> -> memref<3080xi32, #tpu.memory_space<hbm>>
        %dma_start3A_215 = arith.constant 0 : i32
        %dma_start3A_216 = tpu.memref_slice %arg28[%dma_start3A_215] : memref<3128xi32, #tpu.memory_space<vmem>> -> memref<3080xi32, #tpu.memory_space<vmem>>
        tpu.enqueue_dma source(%dma_start3A_216 : memref<3080xi32, #tpu.memory_space<vmem>>) target(%dma_start3A_214 : memref<3080xi32, #tpu.memory_space<hbm>>) target_semaphore(%run_scoped3A : memref<!tpu.dma_semaphore, #tpu.memory_space<semaphore_mem>>)
        %dma_wait3A = arith.constant 0 : i32
        %dma_wait3A_217 = tpu.memref_slice %arg28[%dma_wait3A] : memref<3128xi32, #tpu.memory_space<vmem>> -> memref<3080xi32, #tpu.memory_space<vmem>>
        %dma_wait3A_218 = tpu.memref_slice %arg13[%add3A] : memref<100000xi32, #tpu.memory_space<hbm>> -> memref<3080xi32, #tpu.memory_space<hbm>>
        %dma_wait3A_219 = tpu.memref_slice %arg13[%add3A] : memref<100000xi32, #tpu.memory_space<hbm>> -> memref<3080xi32, #tpu.memory_space<hbm>>
        %dma_wait3A_220 = arith.constant 0 : i32
        %dma_wait3A_221 = tpu.memref_slice %arg28[%dma_wait3A_220] : memref<3128xi32, #tpu.memory_space<vmem>> -> memref<3080xi32, #tpu.memory_space<vmem>>
        tpu.wait_dma2 semaphore(%run_scoped3A : memref<!tpu.dma_semaphore, #tpu.memory_space<semaphore_mem>>) src(%dma_wait3A_221 : memref<3080xi32, #tpu.memory_space<vmem>>) dst(%dma_wait3A_219 : memref<3080xi32, #tpu.memory_space<hbm>>)
        tpu.yield
      }) : () -> ()
    } else {
    }
    %gt3A_87 = arith.constant 0 : i32
    %gt3A_88 = arith.cmpi sgt, %scan3A_53, %gt3A_87 : i32
    %convert_element_type3A_89 = arith.extui %gt3A_88 : i1 to i32
    %cond3A_90 = arith.constant 0 : i32
    %cond3A_91 = arith.cmpi ne, %convert_element_type3A_89, %cond3A_90 : i32
    scf.if %cond3A_91 {
      %dma_start3A = arith.constant 0 : i32
      %dma_start3A_212 = arith.constant 0 : i32
      %dma_start3A_213 = tpu.memref_slice %arg20[%dma_start3A, %dma_start3A_212] : memref<25x128xi32, #tpu.memory_space<vmem>> -> memref<1x128xi32, #tpu.memory_space<vmem>>
      %dma_start3A_214 = tpu.memref_squeeze %dma_start3A_213 : memref<1x128xi32, #tpu.memory_space<vmem>> -> memref<128xi32, #tpu.memory_space<vmem>>
      %dma_start3A_215 = arith.constant 0 : i32
      %dma_start3A_216 = arith.constant 0 : i32
      %dma_start3A_217 = tpu.memref_slice %arg6[%dma_start3A_215, %dma_start3A_216] : memref<16384x128xf32, #tpu.memory_space<hbm>> -> memref<16384x128xf32, #tpu.memory_space<hbm>>
      tpu.enqueue_indirect_dma source(%dma_start3A_217 : memref<16384x128xf32, #tpu.memory_space<hbm>>) target(%arg26 : memref<128x128xf32, #tpu.memory_space<vmem>>) offsets(%dma_start3A_214 : memref<128xi32, #tpu.memory_space<vmem>>) semaphore(%arg29 : memref<!tpu.dma_semaphore, #tpu.memory_space<semaphore_mem>>)
      %dma_wait3A = arith.constant 0 : i32
      %dma_wait3A_218 = arith.constant 0 : i32
      %dma_wait3A_219 = tpu.memref_slice %arg20[%dma_wait3A, %dma_wait3A_218] : memref<25x128xi32, #tpu.memory_space<vmem>> -> memref<1x128xi32, #tpu.memory_space<vmem>>
      %dma_wait3A_220 = tpu.memref_squeeze %dma_wait3A_219 : memref<1x128xi32, #tpu.memory_space<vmem>> -> memref<128xi32, #tpu.memory_space<vmem>>
      %dma_wait3A_221 = arith.constant 0 : i32
      %dma_wait3A_222 = arith.constant 0 : i32
      %dma_wait3A_223 = tpu.memref_slice %arg6[%dma_wait3A_221, %dma_wait3A_222] : memref<16384x128xf32, #tpu.memory_space<hbm>> -> memref<16384x128xf32, #tpu.memory_space<hbm>>
      tpu.wait_indirect_dma semaphore(%arg29 : memref<!tpu.dma_semaphore, #tpu.memory_space<semaphore_mem>>) src(%dma_wait3A_223 : memref<16384x128xf32, #tpu.memory_space<hbm>>) dst(%arg26 : memref<128x128xf32, #tpu.memory_space<vmem>>)
      %dma_start3A_224 = arith.constant 0 : i32
      %dma_start3A_225 = arith.constant 0 : i32
      %dma_start3A_226 = tpu.memref_slice %arg19[%dma_start3A_224, %dma_start3A_225] : memref<25x128xi32, #tpu.memory_space<vmem>> -> memref<1x128xi32, #tpu.memory_space<vmem>>
      %dma_start3A_227 = tpu.memref_squeeze %dma_start3A_226 : memref<1x128xi32, #tpu.memory_space<vmem>> -> memref<128xi32, #tpu.memory_space<vmem>>
      %dma_start3A_228 = arith.constant 0 : i32
      %dma_start3A_229 = arith.constant 0 : i32
      %dma_start3A_230 = tpu.memref_slice %arg11[%dma_start3A_228, %dma_start3A_229] : memref<100000x128xf32, #tpu.memory_space<hbm>> -> memref<100000x128xf32, #tpu.memory_space<hbm>>
      tpu.enqueue_indirect_dma source(%arg26 : memref<128x128xf32, #tpu.memory_space<vmem>>) target(%dma_start3A_230 : memref<100000x128xf32, #tpu.memory_space<hbm>>) offsets(%dma_start3A_227 : memref<128xi32, #tpu.memory_space<vmem>>) semaphore(%arg29 : memref<!tpu.dma_semaphore, #tpu.memory_space<semaphore_mem>>)
      %dma_wait3A_231 = arith.constant 0 : i32
      %dma_wait3A_232 = arith.constant 0 : i32
      %dma_wait3A_233 = tpu.memref_slice %arg19[%dma_wait3A_231, %dma_wait3A_232] : memref<25x128xi32, #tpu.memory_space<vmem>> -> memref<1x128xi32, #tpu.memory_space<vmem>>
      %dma_wait3A_234 = tpu.memref_squeeze %dma_wait3A_233 : memref<1x128xi32, #tpu.memory_space<vmem>> -> memref<128xi32, #tpu.memory_space<vmem>>
      %dma_wait3A_235 = arith.constant 0 : i32
      %dma_wait3A_236 = arith.constant 0 : i32
      %dma_wait3A_237 = tpu.memref_slice %arg11[%dma_wait3A_235, %dma_wait3A_236] : memref<100000x128xf32, #tpu.memory_space<hbm>> -> memref<100000x128xf32, #tpu.memory_space<hbm>>
      tpu.wait_indirect_dma semaphore(%arg29 : memref<!tpu.dma_semaphore, #tpu.memory_space<semaphore_mem>>) src(%arg26 : memref<128x128xf32, #tpu.memory_space<vmem>>) dst(%dma_wait3A_237 : memref<100000x128xf32, #tpu.memory_space<hbm>>)
      %dma_start3A_238 = arith.constant 0 : i32
      %dma_start3A_239 = arith.constant 0 : i32
      %dma_start3A_240 = tpu.memref_slice %arg20[%dma_start3A_238, %dma_start3A_239] : memref<25x128xi32, #tpu.memory_space<vmem>> -> memref<1x128xi32, #tpu.memory_space<vmem>>
      %dma_start3A_241 = tpu.memref_squeeze %dma_start3A_240 : memref<1x128xi32, #tpu.memory_space<vmem>> -> memref<128xi32, #tpu.memory_space<vmem>>
      %dma_start3A_242 = arith.constant 0 : i32
      %dma_start3A_243 = tpu.memref_slice %arg8[%dma_start3A_242] : memref<16384xi32, #tpu.memory_space<hbm>> -> memref<16384xi32, #tpu.memory_space<hbm>>
      tpu.enqueue_indirect_dma source(%dma_start3A_243 : memref<16384xi32, #tpu.memory_space<hbm>>) target(%arg21 : memref<128xi32, #tpu.memory_space<vmem>>) offsets(%dma_start3A_241 : memref<128xi32, #tpu.memory_space<vmem>>) semaphore(%arg29 : memref<!tpu.dma_semaphore, #tpu.memory_space<semaphore_mem>>)
      %dma_wait3A_244 = arith.constant 0 : i32
      %dma_wait3A_245 = arith.constant 0 : i32
      %dma_wait3A_246 = tpu.memref_slice %arg20[%dma_wait3A_244, %dma_wait3A_245] : memref<25x128xi32, #tpu.memory_space<vmem>> -> memref<1x128xi32, #tpu.memory_space<vmem>>
      %dma_wait3A_247 = tpu.memref_squeeze %dma_wait3A_246 : memref<1x128xi32, #tpu.memory_space<vmem>> -> memref<128xi32, #tpu.memory_space<vmem>>
      %dma_wait3A_248 = arith.constant 0 : i32
      %dma_wait3A_249 = tpu.memref_slice %arg8[%dma_wait3A_248] : memref<16384xi32, #tpu.memory_space<hbm>> -> memref<16384xi32, #tpu.memory_space<hbm>>
      tpu.wait_indirect_dma semaphore(%arg29 : memref<!tpu.dma_semaphore, #tpu.memory_space<semaphore_mem>>) src(%dma_wait3A_249 : memref<16384xi32, #tpu.memory_space<hbm>>) dst(%arg21 : memref<128xi32, #tpu.memory_space<vmem>>)
      %dma_start3A_250 = arith.constant 0 : i32
      %dma_start3A_251 = arith.constant 0 : i32
      %dma_start3A_252 = tpu.memref_slice %arg19[%dma_start3A_250, %dma_start3A_251] : memref<25x128xi32, #tpu.memory_space<vmem>> -> memref<1x128xi32, #tpu.memory_space<vmem>>
      %dma_start3A_253 = tpu.memref_squeeze %dma_start3A_252 : memref<1x128xi32, #tpu.memory_space<vmem>> -> memref<128xi32, #tpu.memory_space<vmem>>
      %dma_start3A_254 = arith.constant 0 : i32
      %dma_start3A_255 = tpu.memref_slice %arg12[%dma_start3A_254] : memref<100000xi32, #tpu.memory_space<hbm>> -> memref<100000xi32, #tpu.memory_space<hbm>>
      tpu.enqueue_indirect_dma source(%arg21 : memref<128xi32, #tpu.memory_space<vmem>>) target(%dma_start3A_255 : memref<100000xi32, #tpu.memory_space<hbm>>) offsets(%dma_start3A_253 : memref<128xi32, #tpu.memory_space<vmem>>) semaphore(%arg29 : memref<!tpu.dma_semaphore, #tpu.memory_space<semaphore_mem>>)
      %dma_wait3A_256 = arith.constant 0 : i32
      %dma_wait3A_257 = arith.constant 0 : i32
      %dma_wait3A_258 = tpu.memref_slice %arg19[%dma_wait3A_256, %dma_wait3A_257] : memref<25x128xi32, #tpu.memory_space<vmem>> -> memref<1x128xi32, #tpu.memory_space<vmem>>
      %dma_wait3A_259 = tpu.memref_squeeze %dma_wait3A_258 : memref<1x128xi32, #tpu.memory_space<vmem>> -> memref<128xi32, #tpu.memory_space<vmem>>
      %dma_wait3A_260 = arith.constant 0 : i32
      %dma_wait3A_261 = tpu.memref_slice %arg12[%dma_wait3A_260] : memref<100000xi32, #tpu.memory_space<hbm>> -> memref<100000xi32, #tpu.memory_space<hbm>>
      tpu.wait_indirect_dma semaphore(%arg29 : memref<!tpu.dma_semaphore, #tpu.memory_space<semaphore_mem>>) src(%arg21 : memref<128xi32, #tpu.memory_space<vmem>>) dst(%dma_wait3A_261 : memref<100000xi32, #tpu.memory_space<hbm>>)
      %dma_start3A_262 = arith.constant 0 : i32
      %dma_start3A_263 = arith.constant 0 : i32
      %dma_start3A_264 = tpu.memref_slice %arg19[%dma_start3A_262, %dma_start3A_263] : memref<25x128xi32, #tpu.memory_space<vmem>> -> memref<1x128xi32, #tpu.memory_space<vmem>>
      %dma_start3A_265 = tpu.memref_squeeze %dma_start3A_264 : memref<1x128xi32, #tpu.memory_space<vmem>> -> memref<128xi32, #tpu.memory_space<vmem>>
      %dma_start3A_266 = arith.constant 0 : i32
      %dma_start3A_267 = tpu.memref_slice %arg13[%dma_start3A_266] : memref<100000xi32, #tpu.memory_space<hbm>> -> memref<100000xi32, #tpu.memory_space<hbm>>
      tpu.enqueue_indirect_dma source(%arg22 : memref<128xi32, #tpu.memory_space<vmem>>) target(%dma_start3A_267 : memref<100000xi32, #tpu.memory_space<hbm>>) offsets(%dma_start3A_265 : memref<128xi32, #tpu.memory_space<vmem>>) semaphore(%arg29 : memref<!tpu.dma_semaphore, #tpu.memory_space<semaphore_mem>>)
      %dma_wait3A_268 = arith.constant 0 : i32
      %dma_wait3A_269 = arith.constant 0 : i32
      %dma_wait3A_270 = tpu.memref_slice %arg19[%dma_wait3A_268, %dma_wait3A_269] : memref<25x128xi32, #tpu.memory_space<vmem>> -> memref<1x128xi32, #tpu.memory_space<vmem>>
      %dma_wait3A_271 = tpu.memref_squeeze %dma_wait3A_270 : memref<1x128xi32, #tpu.memory_space<vmem>> -> memref<128xi32, #tpu.memory_space<vmem>>
      %dma_wait3A_272 = arith.constant 0 : i32
      %dma_wait3A_273 = tpu.memref_slice %arg13[%dma_wait3A_272] : memref<100000xi32, #tpu.memory_space<hbm>> -> memref<100000xi32, #tpu.memory_space<hbm>>
      tpu.wait_indirect_dma semaphore(%arg29 : memref<!tpu.dma_semaphore, #tpu.memory_space<semaphore_mem>>) src(%arg22 : memref<128xi32, #tpu.memory_space<vmem>>) dst(%dma_wait3A_273 : memref<100000xi32, #tpu.memory_space<hbm>>)
    } else {
    }
    %gt3A_92 = arith.constant 128 : i32
    %gt3A_93 = arith.cmpi sgt, %scan3A_53, %gt3A_92 : i32
    %convert_element_type3A_94 = arith.extui %gt3A_93 : i1 to i32
    %cond3A_95 = arith.constant 0 : i32
    %cond3A_96 = arith.cmpi ne, %convert_element_type3A_94, %cond3A_95 : i32
    scf.if %cond3A_96 {
      %dma_start3A = arith.constant 1 : i32
      %dma_start3A_212 = arith.constant 0 : i32
      %dma_start3A_213 = tpu.memref_slice %arg20[%dma_start3A, %dma_start3A_212] : memref<25x128xi32, #tpu.memory_space<vmem>> -> memref<1x128xi32, #tpu.memory_space<vmem>>
      %dma_start3A_214 = tpu.memref_squeeze %dma_start3A_213 : memref<1x128xi32, #tpu.memory_space<vmem>> -> memref<128xi32, #tpu.memory_space<vmem>>
      %dma_start3A_215 = arith.constant 0 : i32
      %dma_start3A_216 = arith.constant 0 : i32
      %dma_start3A_217 = tpu.memref_slice %arg6[%dma_start3A_215, %dma_start3A_216] : memref<16384x128xf32, #tpu.memory_space<hbm>> -> memref<16384x128xf32, #tpu.memory_space<hbm>>
      tpu.enqueue_indirect_dma source(%dma_start3A_217 : memref<16384x128xf32, #tpu.memory_space<hbm>>) target(%arg26 : memref<128x128xf32, #tpu.memory_space<vmem>>) offsets(%dma_start3A_214 : memref<128xi32, #tpu.memory_space<vmem>>) semaphore(%arg29 : memref<!tpu.dma_semaphore, #tpu.memory_space<semaphore_mem>>)
      %dma_wait3A = arith.constant 1 : i32
      %dma_wait3A_218 = arith.constant 0 : i32
      %dma_wait3A_219 = tpu.memref_slice %arg20[%dma_wait3A, %dma_wait3A_218] : memref<25x128xi32, #tpu.memory_space<vmem>> -> memref<1x128xi32, #tpu.memory_space<vmem>>
      %dma_wait3A_220 = tpu.memref_squeeze %dma_wait3A_219 : memref<1x128xi32, #tpu.memory_space<vmem>> -> memref<128xi32, #tpu.memory_space<vmem>>
      %dma_wait3A_221 = arith.constant 0 : i32
      %dma_wait3A_222 = arith.constant 0 : i32
      %dma_wait3A_223 = tpu.memref_slice %arg6[%dma_wait3A_221, %dma_wait3A_222] : memref<16384x128xf32, #tpu.memory_space<hbm>> -> memref<16384x128xf32, #tpu.memory_space<hbm>>
      tpu.wait_indirect_dma semaphore(%arg29 : memref<!tpu.dma_semaphore, #tpu.memory_space<semaphore_mem>>) src(%dma_wait3A_223 : memref<16384x128xf32, #tpu.memory_space<hbm>>) dst(%arg26 : memref<128x128xf32, #tpu.memory_space<vmem>>)
      %dma_start3A_224 = arith.constant 1 : i32
      %dma_start3A_225 = arith.constant 0 : i32
      %dma_start3A_226 = tpu.memref_slice %arg19[%dma_start3A_224, %dma_start3A_225] : memref<25x128xi32, #tpu.memory_space<vmem>> -> memref<1x128xi32, #tpu.memory_space<vmem>>
      %dma_start3A_227 = tpu.memref_squeeze %dma_start3A_226 : memref<1x128xi32, #tpu.memory_space<vmem>> -> memref<128xi32, #tpu.memory_space<vmem>>
      %dma_start3A_228 = arith.constant 0 : i32
      %dma_start3A_229 = arith.constant 0 : i32
      %dma_start3A_230 = tpu.memref_slice %arg11[%dma_start3A_228, %dma_start3A_229] : memref<100000x128xf32, #tpu.memory_space<hbm>> -> memref<100000x128xf32, #tpu.memory_space<hbm>>
      tpu.enqueue_indirect_dma source(%arg26 : memref<128x128xf32, #tpu.memory_space<vmem>>) target(%dma_start3A_230 : memref<100000x128xf32, #tpu.memory_space<hbm>>) offsets(%dma_start3A_227 : memref<128xi32, #tpu.memory_space<vmem>>) semaphore(%arg29 : memref<!tpu.dma_semaphore, #tpu.memory_space<semaphore_mem>>)
      %dma_wait3A_231 = arith.constant 1 : i32
      %dma_wait3A_232 = arith.constant 0 : i32
      %dma_wait3A_233 = tpu.memref_slice %arg19[%dma_wait3A_231, %dma_wait3A_232] : memref<25x128xi32, #tpu.memory_space<vmem>> -> memref<1x128xi32, #tpu.memory_space<vmem>>
      %dma_wait3A_234 = tpu.memref_squeeze %dma_wait3A_233 : memref<1x128xi32, #tpu.memory_space<vmem>> -> memref<128xi32, #tpu.memory_space<vmem>>
      %dma_wait3A_235 = arith.constant 0 : i32
      %dma_wait3A_236 = arith.constant 0 : i32
      %dma_wait3A_237 = tpu.memref_slice %arg11[%dma_wait3A_235, %dma_wait3A_236] : memref<100000x128xf32, #tpu.memory_space<hbm>> -> memref<100000x128xf32, #tpu.memory_space<hbm>>
      tpu.wait_indirect_dma semaphore(%arg29 : memref<!tpu.dma_semaphore, #tpu.memory_space<semaphore_mem>>) src(%arg26 : memref<128x128xf32, #tpu.memory_space<vmem>>) dst(%dma_wait3A_237 : memref<100000x128xf32, #tpu.memory_space<hbm>>)
      %dma_start3A_238 = arith.constant 1 : i32
      %dma_start3A_239 = arith.constant 0 : i32
      %dma_start3A_240 = tpu.memref_slice %arg20[%dma_start3A_238, %dma_start3A_239] : memref<25x128xi32, #tpu.memory_space<vmem>> -> memref<1x128xi32, #tpu.memory_space<vmem>>
      %dma_start3A_241 = tpu.memref_squeeze %dma_start3A_240 : memref<1x128xi32, #tpu.memory_space<vmem>> -> memref<128xi32, #tpu.memory_space<vmem>>
      %dma_start3A_242 = arith.constant 0 : i32
      %dma_start3A_243 = tpu.memref_slice %arg8[%dma_start3A_242] : memref<16384xi32, #tpu.memory_space<hbm>> -> memref<16384xi32, #tpu.memory_space<hbm>>
      tpu.enqueue_indirect_dma source(%dma_start3A_243 : memref<16384xi32, #tpu.memory_space<hbm>>) target(%arg21 : memref<128xi32, #tpu.memory_space<vmem>>) offsets(%dma_start3A_241 : memref<128xi32, #tpu.memory_space<vmem>>) semaphore(%arg29 : memref<!tpu.dma_semaphore, #tpu.memory_space<semaphore_mem>>)
      %dma_wait3A_244 = arith.constant 1 : i32
      %dma_wait3A_245 = arith.constant 0 : i32
      %dma_wait3A_246 = tpu.memref_slice %arg20[%dma_wait3A_244, %dma_wait3A_245] : memref<25x128xi32, #tpu.memory_space<vmem>> -> memref<1x128xi32, #tpu.memory_space<vmem>>
      %dma_wait3A_247 = tpu.memref_squeeze %dma_wait3A_246 : memref<1x128xi32, #tpu.memory_space<vmem>> -> memref<128xi32, #tpu.memory_space<vmem>>
      %dma_wait3A_248 = arith.constant 0 : i32
      %dma_wait3A_249 = tpu.memref_slice %arg8[%dma_wait3A_248] : memref<16384xi32, #tpu.memory_space<hbm>> -> memref<16384xi32, #tpu.memory_space<hbm>>
      tpu.wait_indirect_dma semaphore(%arg29 : memref<!tpu.dma_semaphore, #tpu.memory_space<semaphore_mem>>) src(%dma_wait3A_249 : memref<16384xi32, #tpu.memory_space<hbm>>) dst(%arg21 : memref<128xi32, #tpu.memory_space<vmem>>)
      %dma_start3A_250 = arith.constant 1 : i32
      %dma_start3A_251 = arith.constant 0 : i32
      %dma_start3A_252 = tpu.memref_slice %arg19[%dma_start3A_250, %dma_start3A_251] : memref<25x128xi32, #tpu.memory_space<vmem>> -> memref<1x128xi32, #tpu.memory_space<vmem>>
      %dma_start3A_253 = tpu.memref_squeeze %dma_start3A_252 : memref<1x128xi32, #tpu.memory_space<vmem>> -> memref<128xi32, #tpu.memory_space<vmem>>
      %dma_start3A_254 = arith.constant 0 : i32
      %dma_start3A_255 = tpu.memref_slice %arg12[%dma_start3A_254] : memref<100000xi32, #tpu.memory_space<hbm>> -> memref<100000xi32, #tpu.memory_space<hbm>>
      tpu.enqueue_indirect_dma source(%arg21 : memref<128xi32, #tpu.memory_space<vmem>>) target(%dma_start3A_255 : memref<100000xi32, #tpu.memory_space<hbm>>) offsets(%dma_start3A_253 : memref<128xi32, #tpu.memory_space<vmem>>) semaphore(%arg29 : memref<!tpu.dma_semaphore, #tpu.memory_space<semaphore_mem>>)
      %dma_wait3A_256 = arith.constant 1 : i32
      %dma_wait3A_257 = arith.constant 0 : i32
      %dma_wait3A_258 = tpu.memref_slice %arg19[%dma_wait3A_256, %dma_wait3A_257] : memref<25x128xi32, #tpu.memory_space<vmem>> -> memref<1x128xi32, #tpu.memory_space<vmem>>
      %dma_wait3A_259 = tpu.memref_squeeze %dma_wait3A_258 : memref<1x128xi32, #tpu.memory_space<vmem>> -> memref<128xi32, #tpu.memory_space<vmem>>
      %dma_wait3A_260 = arith.constant 0 : i32
      %dma_wait3A_261 = tpu.memref_slice %arg12[%dma_wait3A_260] : memref<100000xi32, #tpu.memory_space<hbm>> -> memref<100000xi32, #tpu.memory_space<hbm>>
      tpu.wait_indirect_dma semaphore(%arg29 : memref<!tpu.dma_semaphore, #tpu.memory_space<semaphore_mem>>) src(%arg21 : memref<128xi32, #tpu.memory_space<vmem>>) dst(%dma_wait3A_261 : memref<100000xi32, #tpu.memory_space<hbm>>)
      %dma_start3A_262 = arith.constant 1 : i32
      %dma_start3A_263 = arith.constant 0 : i32
      %dma_start3A_264 = tpu.memref_slice %arg19[%dma_start3A_262, %dma_start3A_263] : memref<25x128xi32, #tpu.memory_space<vmem>> -> memref<1x128xi32, #tpu.memory_space<vmem>>
      %dma_start3A_265 = tpu.memref_squeeze %dma_start3A_264 : memref<1x128xi32, #tpu.memory_space<vmem>> -> memref<128xi32, #tpu.memory_space<vmem>>
      %dma_start3A_266 = arith.constant 0 : i32
      %dma_start3A_267 = tpu.memref_slice %arg13[%dma_start3A_266] : memref<100000xi32, #tpu.memory_space<hbm>> -> memref<100000xi32, #tpu.memory_space<hbm>>
      tpu.enqueue_indirect_dma source(%arg22 : memref<128xi32, #tpu.memory_space<vmem>>) target(%dma_start3A_267 : memref<100000xi32, #tpu.memory_space<hbm>>) offsets(%dma_start3A_265 : memref<128xi32, #tpu.memory_space<vmem>>) semaphore(%arg29 : memref<!tpu.dma_semaphore, #tpu.memory_space<semaphore_mem>>)
      %dma_wait3A_268 = arith.constant 1 : i32
      %dma_wait3A_269 = arith.constant 0 : i32
      %dma_wait3A_270 = tpu.memref_slice %arg19[%dma_wait3A_268, %dma_wait3A_269] : memref<25x128xi32, #tpu.memory_space<vmem>> -> memref<1x128xi32, #tpu.memory_space<vmem>>
      %dma_wait3A_271 = tpu.memref_squeeze %dma_wait3A_270 : memref<1x128xi32, #tpu.memory_space<vmem>> -> memref<128xi32, #tpu.memory_space<vmem>>
      %dma_wait3A_272 = arith.constant 0 : i32
      %dma_wait3A_273 = tpu.memref_slice %arg13[%dma_wait3A_272] : memref<100000xi32, #tpu.memory_space<hbm>> -> memref<100000xi32, #tpu.memory_space<hbm>>
      tpu.wait_indirect_dma semaphore(%arg29 : memref<!tpu.dma_semaphore, #tpu.memory_space<semaphore_mem>>) src(%arg22 : memref<128xi32, #tpu.memory_space<vmem>>) dst(%dma_wait3A_273 : memref<100000xi32, #tpu.memory_space<hbm>>)
    } else {
    }
    %gt3A_97 = arith.constant 256 : i32
    %gt3A_98 = arith.cmpi sgt, %scan3A_53, %gt3A_97 : i32
    %convert_element_type3A_99 = arith.extui %gt3A_98 : i1 to i32
    %cond3A_100 = arith.constant 0 : i32
    %cond3A_101 = arith.cmpi ne, %convert_element_type3A_99, %cond3A_100 : i32
    scf.if %cond3A_101 {
      %dma_start3A = arith.constant 2 : i32
      %dma_start3A_212 = arith.constant 0 : i32
      %dma_start3A_213 = tpu.memref_slice %arg20[%dma_start3A, %dma_start3A_212] : memref<25x128xi32, #tpu.memory_space<vmem>> -> memref<1x128xi32, #tpu.memory_space<vmem>>
      %dma_start3A_214 = tpu.memref_squeeze %dma_start3A_213 : memref<1x128xi32, #tpu.memory_space<vmem>> -> memref<128xi32, #tpu.memory_space<vmem>>
      %dma_start3A_215 = arith.constant 0 : i32
      %dma_start3A_216 = arith.constant 0 : i32
      %dma_start3A_217 = tpu.memref_slice %arg6[%dma_start3A_215, %dma_start3A_216] : memref<16384x128xf32, #tpu.memory_space<hbm>> -> memref<16384x128xf32, #tpu.memory_space<hbm>>
      tpu.enqueue_indirect_dma source(%dma_start3A_217 : memref<16384x128xf32, #tpu.memory_space<hbm>>) target(%arg26 : memref<128x128xf32, #tpu.memory_space<vmem>>) offsets(%dma_start3A_214 : memref<128xi32, #tpu.memory_space<vmem>>) semaphore(%arg29 : memref<!tpu.dma_semaphore, #tpu.memory_space<semaphore_mem>>)
      %dma_wait3A = arith.constant 2 : i32
      %dma_wait3A_218 = arith.constant 0 : i32
      %dma_wait3A_219 = tpu.memref_slice %arg20[%dma_wait3A, %dma_wait3A_218] : memref<25x128xi32, #tpu.memory_space<vmem>> -> memref<1x128xi32, #tpu.memory_space<vmem>>
      %dma_wait3A_220 = tpu.memref_squeeze %dma_wait3A_219 : memref<1x128xi32, #tpu.memory_space<vmem>> -> memref<128xi32, #tpu.memory_space<vmem>>
      %dma_wait3A_221 = arith.constant 0 : i32
      %dma_wait3A_222 = arith.constant 0 : i32
      %dma_wait3A_223 = tpu.memref_slice %arg6[%dma_wait3A_221, %dma_wait3A_222] : memref<16384x128xf32, #tpu.memory_space<hbm>> -> memref<16384x128xf32, #tpu.memory_space<hbm>>
      tpu.wait_indirect_dma semaphore(%arg29 : memref<!tpu.dma_semaphore, #tpu.memory_space<semaphore_mem>>) src(%dma_wait3A_223 : memref<16384x128xf32, #tpu.memory_space<hbm>>) dst(%arg26 : memref<128x128xf32, #tpu.memory_space<vmem>>)
      %dma_start3A_224 = arith.constant 2 : i32
      %dma_start3A_225 = arith.constant 0 : i32
      %dma_start3A_226 = tpu.memref_slice %arg19[%dma_start3A_224, %dma_start3A_225] : memref<25x128xi32, #tpu.memory_space<vmem>> -> memref<1x128xi32, #tpu.memory_space<vmem>>
      %dma_start3A_227 = tpu.memref_squeeze %dma_start3A_226 : memref<1x128xi32, #tpu.memory_space<vmem>> -> memref<128xi32, #tpu.memory_space<vmem>>
      %dma_start3A_228 = arith.constant 0 : i32
      %dma_start3A_229 = arith.constant 0 : i32
      %dma_start3A_230 = tpu.memref_slice %arg11[%dma_start3A_228, %dma_start3A_229] : memref<100000x128xf32, #tpu.memory_space<hbm>> -> memref<100000x128xf32, #tpu.memory_space<hbm>>
      tpu.enqueue_indirect_dma source(%arg26 : memref<128x128xf32, #tpu.memory_space<vmem>>) target(%dma_start3A_230 : memref<100000x128xf32, #tpu.memory_space<hbm>>) offsets(%dma_start3A_227 : memref<128xi32, #tpu.memory_space<vmem>>) semaphore(%arg29 : memref<!tpu.dma_semaphore, #tpu.memory_space<semaphore_mem>>)
      %dma_wait3A_231 = arith.constant 2 : i32
      %dma_wait3A_232 = arith.constant 0 : i32
      %dma_wait3A_233 = tpu.memref_slice %arg19[%dma_wait3A_231, %dma_wait3A_232] : memref<25x128xi32, #tpu.memory_space<vmem>> -> memref<1x128xi32, #tpu.memory_space<vmem>>
      %dma_wait3A_234 = tpu.memref_squeeze %dma_wait3A_233 : memref<1x128xi32, #tpu.memory_space<vmem>> -> memref<128xi32, #tpu.memory_space<vmem>>
      %dma_wait3A_235 = arith.constant 0 : i32
      %dma_wait3A_236 = arith.constant 0 : i32
      %dma_wait3A_237 = tpu.memref_slice %arg11[%dma_wait3A_235, %dma_wait3A_236] : memref<100000x128xf32, #tpu.memory_space<hbm>> -> memref<100000x128xf32, #tpu.memory_space<hbm>>
      tpu.wait_indirect_dma semaphore(%arg29 : memref<!tpu.dma_semaphore, #tpu.memory_space<semaphore_mem>>) src(%arg26 : memref<128x128xf32, #tpu.memory_space<vmem>>) dst(%dma_wait3A_237 : memref<100000x128xf32, #tpu.memory_space<hbm>>)
      %dma_start3A_238 = arith.constant 2 : i32
      %dma_start3A_239 = arith.constant 0 : i32
      %dma_start3A_240 = tpu.memref_slice %arg20[%dma_start3A_238, %dma_start3A_239] : memref<25x128xi32, #tpu.memory_space<vmem>> -> memref<1x128xi32, #tpu.memory_space<vmem>>
      %dma_start3A_241 = tpu.memref_squeeze %dma_start3A_240 : memref<1x128xi32, #tpu.memory_space<vmem>> -> memref<128xi32, #tpu.memory_space<vmem>>
      %dma_start3A_242 = arith.constant 0 : i32
      %dma_start3A_243 = tpu.memref_slice %arg8[%dma_start3A_242] : memref<16384xi32, #tpu.memory_space<hbm>> -> memref<16384xi32, #tpu.memory_space<hbm>>
      tpu.enqueue_indirect_dma source(%dma_start3A_243 : memref<16384xi32, #tpu.memory_space<hbm>>) target(%arg21 : memref<128xi32, #tpu.memory_space<vmem>>) offsets(%dma_start3A_241 : memref<128xi32, #tpu.memory_space<vmem>>) semaphore(%arg29 : memref<!tpu.dma_semaphore, #tpu.memory_space<semaphore_mem>>)
      %dma_wait3A_244 = arith.constant 2 : i32
      %dma_wait3A_245 = arith.constant 0 : i32
      %dma_wait3A_246 = tpu.memref_slice %arg20[%dma_wait3A_244, %dma_wait3A_245] : memref<25x128xi32, #tpu.memory_space<vmem>> -> memref<1x128xi32, #tpu.memory_space<vmem>>
      %dma_wait3A_247 = tpu.memref_squeeze %dma_wait3A_246 : memref<1x128xi32, #tpu.memory_space<vmem>> -> memref<128xi32, #tpu.memory_space<vmem>>
      %dma_wait3A_248 = arith.constant 0 : i32
      %dma_wait3A_249 = tpu.memref_slice %arg8[%dma_wait3A_248] : memref<16384xi32, #tpu.memory_space<hbm>> -> memref<16384xi32, #tpu.memory_space<hbm>>
      tpu.wait_indirect_dma semaphore(%arg29 : memref<!tpu.dma_semaphore, #tpu.memory_space<semaphore_mem>>) src(%dma_wait3A_249 : memref<16384xi32, #tpu.memory_space<hbm>>) dst(%arg21 : memref<128xi32, #tpu.memory_space<vmem>>)
      %dma_start3A_250 = arith.constant 2 : i32
      %dma_start3A_251 = arith.constant 0 : i32
      %dma_start3A_252 = tpu.memref_slice %arg19[%dma_start3A_250, %dma_start3A_251] : memref<25x128xi32, #tpu.memory_space<vmem>> -> memref<1x128xi32, #tpu.memory_space<vmem>>
      %dma_start3A_253 = tpu.memref_squeeze %dma_start3A_252 : memref<1x128xi32, #tpu.memory_space<vmem>> -> memref<128xi32, #tpu.memory_space<vmem>>
      %dma_start3A_254 = arith.constant 0 : i32
      %dma_start3A_255 = tpu.memref_slice %arg12[%dma_start3A_254] : memref<100000xi32, #tpu.memory_space<hbm>> -> memref<100000xi32, #tpu.memory_space<hbm>>
      tpu.enqueue_indirect_dma source(%arg21 : memref<128xi32, #tpu.memory_space<vmem>>) target(%dma_start3A_255 : memref<100000xi32, #tpu.memory_space<hbm>>) offsets(%dma_start3A_253 : memref<128xi32, #tpu.memory_space<vmem>>) semaphore(%arg29 : memref<!tpu.dma_semaphore, #tpu.memory_space<semaphore_mem>>)
      %dma_wait3A_256 = arith.constant 2 : i32
      %dma_wait3A_257 = arith.constant 0 : i32
      %dma_wait3A_258 = tpu.memref_slice %arg19[%dma_wait3A_256, %dma_wait3A_257] : memref<25x128xi32, #tpu.memory_space<vmem>> -> memref<1x128xi32, #tpu.memory_space<vmem>>
      %dma_wait3A_259 = tpu.memref_squeeze %dma_wait3A_258 : memref<1x128xi32, #tpu.memory_space<vmem>> -> memref<128xi32, #tpu.memory_space<vmem>>
      %dma_wait3A_260 = arith.constant 0 : i32
      %dma_wait3A_261 = tpu.memref_slice %arg12[%dma_wait3A_260] : memref<100000xi32, #tpu.memory_space<hbm>> -> memref<100000xi32, #tpu.memory_space<hbm>>
      tpu.wait_indirect_dma semaphore(%arg29 : memref<!tpu.dma_semaphore, #tpu.memory_space<semaphore_mem>>) src(%arg21 : memref<128xi32, #tpu.memory_space<vmem>>) dst(%dma_wait3A_261 : memref<100000xi32, #tpu.memory_space<hbm>>)
      %dma_start3A_262 = arith.constant 2 : i32
      %dma_start3A_263 = arith.constant 0 : i32
      %dma_start3A_264 = tpu.memref_slice %arg19[%dma_start3A_262, %dma_start3A_263] : memref<25x128xi32, #tpu.memory_space<vmem>> -> memref<1x128xi32, #tpu.memory_space<vmem>>
      %dma_start3A_265 = tpu.memref_squeeze %dma_start3A_264 : memref<1x128xi32, #tpu.memory_space<vmem>> -> memref<128xi32, #tpu.memory_space<vmem>>
      %dma_start3A_266 = arith.constant 0 : i32
      %dma_start3A_267 = tpu.memref_slice %arg13[%dma_start3A_266] : memref<100000xi32, #tpu.memory_space<hbm>> -> memref<100000xi32, #tpu.memory_space<hbm>>
      tpu.enqueue_indirect_dma source(%arg22 : memref<128xi32, #tpu.memory_space<vmem>>) target(%dma_start3A_267 : memref<100000xi32, #tpu.memory_space<hbm>>) offsets(%dma_start3A_265 : memref<128xi32, #tpu.memory_space<vmem>>) semaphore(%arg29 : memref<!tpu.dma_semaphore, #tpu.memory_space<semaphore_mem>>)
      %dma_wait3A_268 = arith.constant 2 : i32
      %dma_wait3A_269 = arith.constant 0 : i32
      %dma_wait3A_270 = tpu.memref_slice %arg19[%dma_wait3A_268, %dma_wait3A_269] : memref<25x128xi32, #tpu.memory_space<vmem>> -> memref<1x128xi32, #tpu.memory_space<vmem>>
      %dma_wait3A_271 = tpu.memref_squeeze %dma_wait3A_270 : memref<1x128xi32, #tpu.memory_space<vmem>> -> memref<128xi32, #tpu.memory_space<vmem>>
      %dma_wait3A_272 = arith.constant 0 : i32
      %dma_wait3A_273 = tpu.memref_slice %arg13[%dma_wait3A_272] : memref<100000xi32, #tpu.memory_space<hbm>> -> memref<100000xi32, #tpu.memory_space<hbm>>
      tpu.wait_indirect_dma semaphore(%arg29 : memref<!tpu.dma_semaphore, #tpu.memory_space<semaphore_mem>>) src(%arg22 : memref<128xi32, #tpu.memory_space<vmem>>) dst(%dma_wait3A_273 : memref<100000xi32, #tpu.memory_space<hbm>>)
    } else {
    }
    %gt3A_102 = arith.constant 384 : i32
    %gt3A_103 = arith.cmpi sgt, %scan3A_53, %gt3A_102 : i32
    %convert_element_type3A_104 = arith.extui %gt3A_103 : i1 to i32
    %cond3A_105 = arith.constant 0 : i32
    %cond3A_106 = arith.cmpi ne, %convert_element_type3A_104, %cond3A_105 : i32
    scf.if %cond3A_106 {
      %dma_start3A = arith.constant 3 : i32
      %dma_start3A_212 = arith.constant 0 : i32
      %dma_start3A_213 = tpu.memref_slice %arg20[%dma_start3A, %dma_start3A_212] : memref<25x128xi32, #tpu.memory_space<vmem>> -> memref<1x128xi32, #tpu.memory_space<vmem>>
      %dma_start3A_214 = tpu.memref_squeeze %dma_start3A_213 : memref<1x128xi32, #tpu.memory_space<vmem>> -> memref<128xi32, #tpu.memory_space<vmem>>
      %dma_start3A_215 = arith.constant 0 : i32
      %dma_start3A_216 = arith.constant 0 : i32
      %dma_start3A_217 = tpu.memref_slice %arg6[%dma_start3A_215, %dma_start3A_216] : memref<16384x128xf32, #tpu.memory_space<hbm>> -> memref<16384x128xf32, #tpu.memory_space<hbm>>
      tpu.enqueue_indirect_dma source(%dma_start3A_217 : memref<16384x128xf32, #tpu.memory_space<hbm>>) target(%arg26 : memref<128x128xf32, #tpu.memory_space<vmem>>) offsets(%dma_start3A_214 : memref<128xi32, #tpu.memory_space<vmem>>) semaphore(%arg29 : memref<!tpu.dma_semaphore, #tpu.memory_space<semaphore_mem>>)
      %dma_wait3A = arith.constant 3 : i32
      %dma_wait3A_218 = arith.constant 0 : i32
      %dma_wait3A_219 = tpu.memref_slice %arg20[%dma_wait3A, %dma_wait3A_218] : memref<25x128xi32, #tpu.memory_space<vmem>> -> memref<1x128xi32, #tpu.memory_space<vmem>>
      %dma_wait3A_220 = tpu.memref_squeeze %dma_wait3A_219 : memref<1x128xi32, #tpu.memory_space<vmem>> -> memref<128xi32, #tpu.memory_space<vmem>>
      %dma_wait3A_221 = arith.constant 0 : i32
      %dma_wait3A_222 = arith.constant 0 : i32
      %dma_wait3A_223 = tpu.memref_slice %arg6[%dma_wait3A_221, %dma_wait3A_222] : memref<16384x128xf32, #tpu.memory_space<hbm>> -> memref<16384x128xf32, #tpu.memory_space<hbm>>
      tpu.wait_indirect_dma semaphore(%arg29 : memref<!tpu.dma_semaphore, #tpu.memory_space<semaphore_mem>>) src(%dma_wait3A_223 : memref<16384x128xf32, #tpu.memory_space<hbm>>) dst(%arg26 : memref<128x128xf32, #tpu.memory_space<vmem>>)
      %dma_start3A_224 = arith.constant 3 : i32
      %dma_start3A_225 = arith.constant 0 : i32
      %dma_start3A_226 = tpu.memref_slice %arg19[%dma_start3A_224, %dma_start3A_225] : memref<25x128xi32, #tpu.memory_space<vmem>> -> memref<1x128xi32, #tpu.memory_space<vmem>>
      %dma_start3A_227 = tpu.memref_squeeze %dma_start3A_226 : memref<1x128xi32, #tpu.memory_space<vmem>> -> memref<128xi32, #tpu.memory_space<vmem>>
      %dma_start3A_228 = arith.constant 0 : i32
      %dma_start3A_229 = arith.constant 0 : i32
      %dma_start3A_230 = tpu.memref_slice %arg11[%dma_start3A_228, %dma_start3A_229] : memref<100000x128xf32, #tpu.memory_space<hbm>> -> memref<100000x128xf32, #tpu.memory_space<hbm>>
      tpu.enqueue_indirect_dma source(%arg26 : memref<128x128xf32, #tpu.memory_space<vmem>>) target(%dma_start3A_230 : memref<100000x128xf32, #tpu.memory_space<hbm>>) offsets(%dma_start3A_227 : memref<128xi32, #tpu.memory_space<vmem>>) semaphore(%arg29 : memref<!tpu.dma_semaphore, #tpu.memory_space<semaphore_mem>>)
      %dma_wait3A_231 = arith.constant 3 : i32
      %dma_wait3A_232 = arith.constant 0 : i32
      %dma_wait3A_233 = tpu.memref_slice %arg19[%dma_wait3A_231, %dma_wait3A_232] : memref<25x128xi32, #tpu.memory_space<vmem>> -> memref<1x128xi32, #tpu.memory_space<vmem>>
      %dma_wait3A_234 = tpu.memref_squeeze %dma_wait3A_233 : memref<1x128xi32, #tpu.memory_space<vmem>> -> memref<128xi32, #tpu.memory_space<vmem>>
      %dma_wait3A_235 = arith.constant 0 : i32
      %dma_wait3A_236 = arith.constant 0 : i32
      %dma_wait3A_237 = tpu.memref_slice %arg11[%dma_wait3A_235, %dma_wait3A_236] : memref<100000x128xf32, #tpu.memory_space<hbm>> -> memref<100000x128xf32, #tpu.memory_space<hbm>>
      tpu.wait_indirect_dma semaphore(%arg29 : memref<!tpu.dma_semaphore, #tpu.memory_space<semaphore_mem>>) src(%arg26 : memref<128x128xf32, #tpu.memory_space<vmem>>) dst(%dma_wait3A_237 : memref<100000x128xf32, #tpu.memory_space<hbm>>)
      %dma_start3A_238 = arith.constant 3 : i32
      %dma_start3A_239 = arith.constant 0 : i32
      %dma_start3A_240 = tpu.memref_slice %arg20[%dma_start3A_238, %dma_start3A_239] : memref<25x128xi32, #tpu.memory_space<vmem>> -> memref<1x128xi32, #tpu.memory_space<vmem>>
      %dma_start3A_241 = tpu.memref_squeeze %dma_start3A_240 : memref<1x128xi32, #tpu.memory_space<vmem>> -> memref<128xi32, #tpu.memory_space<vmem>>
      %dma_start3A_242 = arith.constant 0 : i32
      %dma_start3A_243 = tpu.memref_slice %arg8[%dma_start3A_242] : memref<16384xi32, #tpu.memory_space<hbm>> -> memref<16384xi32, #tpu.memory_space<hbm>>
      tpu.enqueue_indirect_dma source(%dma_start3A_243 : memref<16384xi32, #tpu.memory_space<hbm>>) target(%arg21 : memref<128xi32, #tpu.memory_space<vmem>>) offsets(%dma_start3A_241 : memref<128xi32, #tpu.memory_space<vmem>>) semaphore(%arg29 : memref<!tpu.dma_semaphore, #tpu.memory_space<semaphore_mem>>)
      %dma_wait3A_244 = arith.constant 3 : i32
      %dma_wait3A_245 = arith.constant 0 : i32
      %dma_wait3A_246 = tpu.memref_slice %arg20[%dma_wait3A_244, %dma_wait3A_245] : memref<25x128xi32, #tpu.memory_space<vmem>> -> memref<1x128xi32, #tpu.memory_space<vmem>>
      %dma_wait3A_247 = tpu.memref_squeeze %dma_wait3A_246 : memref<1x128xi32, #tpu.memory_space<vmem>> -> memref<128xi32, #tpu.memory_space<vmem>>
      %dma_wait3A_248 = arith.constant 0 : i32
      %dma_wait3A_249 = tpu.memref_slice %arg8[%dma_wait3A_248] : memref<16384xi32, #tpu.memory_space<hbm>> -> memref<16384xi32, #tpu.memory_space<hbm>>
      tpu.wait_indirect_dma semaphore(%arg29 : memref<!tpu.dma_semaphore, #tpu.memory_space<semaphore_mem>>) src(%dma_wait3A_249 : memref<16384xi32, #tpu.memory_space<hbm>>) dst(%arg21 : memref<128xi32, #tpu.memory_space<vmem>>)
      %dma_start3A_250 = arith.constant 3 : i32
      %dma_start3A_251 = arith.constant 0 : i32
      %dma_start3A_252 = tpu.memref_slice %arg19[%dma_start3A_250, %dma_start3A_251] : memref<25x128xi32, #tpu.memory_space<vmem>> -> memref<1x128xi32, #tpu.memory_space<vmem>>
      %dma_start3A_253 = tpu.memref_squeeze %dma_start3A_252 : memref<1x128xi32, #tpu.memory_space<vmem>> -> memref<128xi32, #tpu.memory_space<vmem>>
      %dma_start3A_254 = arith.constant 0 : i32
      %dma_start3A_255 = tpu.memref_slice %arg12[%dma_start3A_254] : memref<100000xi32, #tpu.memory_space<hbm>> -> memref<100000xi32, #tpu.memory_space<hbm>>
      tpu.enqueue_indirect_dma source(%arg21 : memref<128xi32, #tpu.memory_space<vmem>>) target(%dma_start3A_255 : memref<100000xi32, #tpu.memory_space<hbm>>) offsets(%dma_start3A_253 : memref<128xi32, #tpu.memory_space<vmem>>) semaphore(%arg29 : memref<!tpu.dma_semaphore, #tpu.memory_space<semaphore_mem>>)
      %dma_wait3A_256 = arith.constant 3 : i32
      %dma_wait3A_257 = arith.constant 0 : i32
      %dma_wait3A_258 = tpu.memref_slice %arg19[%dma_wait3A_256, %dma_wait3A_257] : memref<25x128xi32, #tpu.memory_space<vmem>> -> memref<1x128xi32, #tpu.memory_space<vmem>>
      %dma_wait3A_259 = tpu.memref_squeeze %dma_wait3A_258 : memref<1x128xi32, #tpu.memory_space<vmem>> -> memref<128xi32, #tpu.memory_space<vmem>>
      %dma_wait3A_260 = arith.constant 0 : i32
      %dma_wait3A_261 = tpu.memref_slice %arg12[%dma_wait3A_260] : memref<100000xi32, #tpu.memory_space<hbm>> -> memref<100000xi32, #tpu.memory_space<hbm>>
      tpu.wait_indirect_dma semaphore(%arg29 : memref<!tpu.dma_semaphore, #tpu.memory_space<semaphore_mem>>) src(%arg21 : memref<128xi32, #tpu.memory_space<vmem>>) dst(%dma_wait3A_261 : memref<100000xi32, #tpu.memory_space<hbm>>)
      %dma_start3A_262 = arith.constant 3 : i32
      %dma_start3A_263 = arith.constant 0 : i32
      %dma_start3A_264 = tpu.memref_slice %arg19[%dma_start3A_262, %dma_start3A_263] : memref<25x128xi32, #tpu.memory_space<vmem>> -> memref<1x128xi32, #tpu.memory_space<vmem>>
      %dma_start3A_265 = tpu.memref_squeeze %dma_start3A_264 : memref<1x128xi32, #tpu.memory_space<vmem>> -> memref<128xi32, #tpu.memory_space<vmem>>
      %dma_start3A_266 = arith.constant 0 : i32
      %dma_start3A_267 = tpu.memref_slice %arg13[%dma_start3A_266] : memref<100000xi32, #tpu.memory_space<hbm>> -> memref<100000xi32, #tpu.memory_space<hbm>>
      tpu.enqueue_indirect_dma source(%arg22 : memref<128xi32, #tpu.memory_space<vmem>>) target(%dma_start3A_267 : memref<100000xi32, #tpu.memory_space<hbm>>) offsets(%dma_start3A_265 : memref<128xi32, #tpu.memory_space<vmem>>) semaphore(%arg29 : memref<!tpu.dma_semaphore, #tpu.memory_space<semaphore_mem>>)
      %dma_wait3A_268 = arith.constant 3 : i32
      %dma_wait3A_269 = arith.constant 0 : i32
      %dma_wait3A_270 = tpu.memref_slice %arg19[%dma_wait3A_268, %dma_wait3A_269] : memref<25x128xi32, #tpu.memory_space<vmem>> -> memref<1x128xi32, #tpu.memory_space<vmem>>
      %dma_wait3A_271 = tpu.memref_squeeze %dma_wait3A_270 : memref<1x128xi32, #tpu.memory_space<vmem>> -> memref<128xi32, #tpu.memory_space<vmem>>
      %dma_wait3A_272 = arith.constant 0 : i32
      %dma_wait3A_273 = tpu.memref_slice %arg13[%dma_wait3A_272] : memref<100000xi32, #tpu.memory_space<hbm>> -> memref<100000xi32, #tpu.memory_space<hbm>>
      tpu.wait_indirect_dma semaphore(%arg29 : memref<!tpu.dma_semaphore, #tpu.memory_space<semaphore_mem>>) src(%arg22 : memref<128xi32, #tpu.memory_space<vmem>>) dst(%dma_wait3A_273 : memref<100000xi32, #tpu.memory_space<hbm>>)
    } else {
    }
    %gt3A_107 = arith.constant 512 : i32
    %gt3A_108 = arith.cmpi sgt, %scan3A_53, %gt3A_107 : i32
    %convert_element_type3A_109 = arith.extui %gt3A_108 : i1 to i32
    %cond3A_110 = arith.constant 0 : i32
    %cond3A_111 = arith.cmpi ne, %convert_element_type3A_109, %cond3A_110 : i32
    scf.if %cond3A_111 {
      %dma_start3A = arith.constant 4 : i32
      %dma_start3A_212 = arith.constant 0 : i32
      %dma_start3A_213 = tpu.memref_slice %arg20[%dma_start3A, %dma_start3A_212] : memref<25x128xi32, #tpu.memory_space<vmem>> -> memref<1x128xi32, #tpu.memory_space<vmem>>
      %dma_start3A_214 = tpu.memref_squeeze %dma_start3A_213 : memref<1x128xi32, #tpu.memory_space<vmem>> -> memref<128xi32, #tpu.memory_space<vmem>>
      %dma_start3A_215 = arith.constant 0 : i32
      %dma_start3A_216 = arith.constant 0 : i32
      %dma_start3A_217 = tpu.memref_slice %arg6[%dma_start3A_215, %dma_start3A_216] : memref<16384x128xf32, #tpu.memory_space<hbm>> -> memref<16384x128xf32, #tpu.memory_space<hbm>>
      tpu.enqueue_indirect_dma source(%dma_start3A_217 : memref<16384x128xf32, #tpu.memory_space<hbm>>) target(%arg26 : memref<128x128xf32, #tpu.memory_space<vmem>>) offsets(%dma_start3A_214 : memref<128xi32, #tpu.memory_space<vmem>>) semaphore(%arg29 : memref<!tpu.dma_semaphore, #tpu.memory_space<semaphore_mem>>)
      %dma_wait3A = arith.constant 4 : i32
      %dma_wait3A_218 = arith.constant 0 : i32
      %dma_wait3A_219 = tpu.memref_slice %arg20[%dma_wait3A, %dma_wait3A_218] : memref<25x128xi32, #tpu.memory_space<vmem>> -> memref<1x128xi32, #tpu.memory_space<vmem>>
      %dma_wait3A_220 = tpu.memref_squeeze %dma_wait3A_219 : memref<1x128xi32, #tpu.memory_space<vmem>> -> memref<128xi32, #tpu.memory_space<vmem>>
      %dma_wait3A_221 = arith.constant 0 : i32
      %dma_wait3A_222 = arith.constant 0 : i32
      %dma_wait3A_223 = tpu.memref_slice %arg6[%dma_wait3A_221, %dma_wait3A_222] : memref<16384x128xf32, #tpu.memory_space<hbm>> -> memref<16384x128xf32, #tpu.memory_space<hbm>>
      tpu.wait_indirect_dma semaphore(%arg29 : memref<!tpu.dma_semaphore, #tpu.memory_space<semaphore_mem>>) src(%dma_wait3A_223 : memref<16384x128xf32, #tpu.memory_space<hbm>>) dst(%arg26 : memref<128x128xf32, #tpu.memory_space<vmem>>)
      %dma_start3A_224 = arith.constant 4 : i32
      %dma_start3A_225 = arith.constant 0 : i32
      %dma_start3A_226 = tpu.memref_slice %arg19[%dma_start3A_224, %dma_start3A_225] : memref<25x128xi32, #tpu.memory_space<vmem>> -> memref<1x128xi32, #tpu.memory_space<vmem>>
      %dma_start3A_227 = tpu.memref_squeeze %dma_start3A_226 : memref<1x128xi32, #tpu.memory_space<vmem>> -> memref<128xi32, #tpu.memory_space<vmem>>
      %dma_start3A_228 = arith.constant 0 : i32
      %dma_start3A_229 = arith.constant 0 : i32
      %dma_start3A_230 = tpu.memref_slice %arg11[%dma_start3A_228, %dma_start3A_229] : memref<100000x128xf32, #tpu.memory_space<hbm>> -> memref<100000x128xf32, #tpu.memory_space<hbm>>
      tpu.enqueue_indirect_dma source(%arg26 : memref<128x128xf32, #tpu.memory_space<vmem>>) target(%dma_start3A_230 : memref<100000x128xf32, #tpu.memory_space<hbm>>) offsets(%dma_start3A_227 : memref<128xi32, #tpu.memory_space<vmem>>) semaphore(%arg29 : memref<!tpu.dma_semaphore, #tpu.memory_space<semaphore_mem>>)
      %dma_wait3A_231 = arith.constant 4 : i32
      %dma_wait3A_232 = arith.constant 0 : i32
      %dma_wait3A_233 = tpu.memref_slice %arg19[%dma_wait3A_231, %dma_wait3A_232] : memref<25x128xi32, #tpu.memory_space<vmem>> -> memref<1x128xi32, #tpu.memory_space<vmem>>
      %dma_wait3A_234 = tpu.memref_squeeze %dma_wait3A_233 : memref<1x128xi32, #tpu.memory_space<vmem>> -> memref<128xi32, #tpu.memory_space<vmem>>
      %dma_wait3A_235 = arith.constant 0 : i32
      %dma_wait3A_236 = arith.constant 0 : i32
      %dma_wait3A_237 = tpu.memref_slice %arg11[%dma_wait3A_235, %dma_wait3A_236] : memref<100000x128xf32, #tpu.memory_space<hbm>> -> memref<100000x128xf32, #tpu.memory_space<hbm>>
      tpu.wait_indirect_dma semaphore(%arg29 : memref<!tpu.dma_semaphore, #tpu.memory_space<semaphore_mem>>) src(%arg26 : memref<128x128xf32, #tpu.memory_space<vmem>>) dst(%dma_wait3A_237 : memref<100000x128xf32, #tpu.memory_space<hbm>>)
      %dma_start3A_238 = arith.constant 4 : i32
      %dma_start3A_239 = arith.constant 0 : i32
      %dma_start3A_240 = tpu.memref_slice %arg20[%dma_start3A_238, %dma_start3A_239] : memref<25x128xi32, #tpu.memory_space<vmem>> -> memref<1x128xi32, #tpu.memory_space<vmem>>
      %dma_start3A_241 = tpu.memref_squeeze %dma_start3A_240 : memref<1x128xi32, #tpu.memory_space<vmem>> -> memref<128xi32, #tpu.memory_space<vmem>>
      %dma_start3A_242 = arith.constant 0 : i32
      %dma_start3A_243 = tpu.memref_slice %arg8[%dma_start3A_242] : memref<16384xi32, #tpu.memory_space<hbm>> -> memref<16384xi32, #tpu.memory_space<hbm>>
      tpu.enqueue_indirect_dma source(%dma_start3A_243 : memref<16384xi32, #tpu.memory_space<hbm>>) target(%arg21 : memref<128xi32, #tpu.memory_space<vmem>>) offsets(%dma_start3A_241 : memref<128xi32, #tpu.memory_space<vmem>>) semaphore(%arg29 : memref<!tpu.dma_semaphore, #tpu.memory_space<semaphore_mem>>)
      %dma_wait3A_244 = arith.constant 4 : i32
      %dma_wait3A_245 = arith.constant 0 : i32
      %dma_wait3A_246 = tpu.memref_slice %arg20[%dma_wait3A_244, %dma_wait3A_245] : memref<25x128xi32, #tpu.memory_space<vmem>> -> memref<1x128xi32, #tpu.memory_space<vmem>>
      %dma_wait3A_247 = tpu.memref_squeeze %dma_wait3A_246 : memref<1x128xi32, #tpu.memory_space<vmem>> -> memref<128xi32, #tpu.memory_space<vmem>>
      %dma_wait3A_248 = arith.constant 0 : i32
      %dma_wait3A_249 = tpu.memref_slice %arg8[%dma_wait3A_248] : memref<16384xi32, #tpu.memory_space<hbm>> -> memref<16384xi32, #tpu.memory_space<hbm>>
      tpu.wait_indirect_dma semaphore(%arg29 : memref<!tpu.dma_semaphore, #tpu.memory_space<semaphore_mem>>) src(%dma_wait3A_249 : memref<16384xi32, #tpu.memory_space<hbm>>) dst(%arg21 : memref<128xi32, #tpu.memory_space<vmem>>)
      %dma_start3A_250 = arith.constant 4 : i32
      %dma_start3A_251 = arith.constant 0 : i32
      %dma_start3A_252 = tpu.memref_slice %arg19[%dma_start3A_250, %dma_start3A_251] : memref<25x128xi32, #tpu.memory_space<vmem>> -> memref<1x128xi32, #tpu.memory_space<vmem>>
      %dma_start3A_253 = tpu.memref_squeeze %dma_start3A_252 : memref<1x128xi32, #tpu.memory_space<vmem>> -> memref<128xi32, #tpu.memory_space<vmem>>
      %dma_start3A_254 = arith.constant 0 : i32
      %dma_start3A_255 = tpu.memref_slice %arg12[%dma_start3A_254] : memref<100000xi32, #tpu.memory_space<hbm>> -> memref<100000xi32, #tpu.memory_space<hbm>>
      tpu.enqueue_indirect_dma source(%arg21 : memref<128xi32, #tpu.memory_space<vmem>>) target(%dma_start3A_255 : memref<100000xi32, #tpu.memory_space<hbm>>) offsets(%dma_start3A_253 : memref<128xi32, #tpu.memory_space<vmem>>) semaphore(%arg29 : memref<!tpu.dma_semaphore, #tpu.memory_space<semaphore_mem>>)
      %dma_wait3A_256 = arith.constant 4 : i32
      %dma_wait3A_257 = arith.constant 0 : i32
      %dma_wait3A_258 = tpu.memref_slice %arg19[%dma_wait3A_256, %dma_wait3A_257] : memref<25x128xi32, #tpu.memory_space<vmem>> -> memref<1x128xi32, #tpu.memory_space<vmem>>
      %dma_wait3A_259 = tpu.memref_squeeze %dma_wait3A_258 : memref<1x128xi32, #tpu.memory_space<vmem>> -> memref<128xi32, #tpu.memory_space<vmem>>
      %dma_wait3A_260 = arith.constant 0 : i32
      %dma_wait3A_261 = tpu.memref_slice %arg12[%dma_wait3A_260] : memref<100000xi32, #tpu.memory_space<hbm>> -> memref<100000xi32, #tpu.memory_space<hbm>>
      tpu.wait_indirect_dma semaphore(%arg29 : memref<!tpu.dma_semaphore, #tpu.memory_space<semaphore_mem>>) src(%arg21 : memref<128xi32, #tpu.memory_space<vmem>>) dst(%dma_wait3A_261 : memref<100000xi32, #tpu.memory_space<hbm>>)
      %dma_start3A_262 = arith.constant 4 : i32
      %dma_start3A_263 = arith.constant 0 : i32
      %dma_start3A_264 = tpu.memref_slice %arg19[%dma_start3A_262, %dma_start3A_263] : memref<25x128xi32, #tpu.memory_space<vmem>> -> memref<1x128xi32, #tpu.memory_space<vmem>>
      %dma_start3A_265 = tpu.memref_squeeze %dma_start3A_264 : memref<1x128xi32, #tpu.memory_space<vmem>> -> memref<128xi32, #tpu.memory_space<vmem>>
      %dma_start3A_266 = arith.constant 0 : i32
      %dma_start3A_267 = tpu.memref_slice %arg13[%dma_start3A_266] : memref<100000xi32, #tpu.memory_space<hbm>> -> memref<100000xi32, #tpu.memory_space<hbm>>
      tpu.enqueue_indirect_dma source(%arg22 : memref<128xi32, #tpu.memory_space<vmem>>) target(%dma_start3A_267 : memref<100000xi32, #tpu.memory_space<hbm>>) offsets(%dma_start3A_265 : memref<128xi32, #tpu.memory_space<vmem>>) semaphore(%arg29 : memref<!tpu.dma_semaphore, #tpu.memory_space<semaphore_mem>>)
      %dma_wait3A_268 = arith.constant 4 : i32
      %dma_wait3A_269 = arith.constant 0 : i32
      %dma_wait3A_270 = tpu.memref_slice %arg19[%dma_wait3A_268, %dma_wait3A_269] : memref<25x128xi32, #tpu.memory_space<vmem>> -> memref<1x128xi32, #tpu.memory_space<vmem>>
      %dma_wait3A_271 = tpu.memref_squeeze %dma_wait3A_270 : memref<1x128xi32, #tpu.memory_space<vmem>> -> memref<128xi32, #tpu.memory_space<vmem>>
      %dma_wait3A_272 = arith.constant 0 : i32
      %dma_wait3A_273 = tpu.memref_slice %arg13[%dma_wait3A_272] : memref<100000xi32, #tpu.memory_space<hbm>> -> memref<100000xi32, #tpu.memory_space<hbm>>
      tpu.wait_indirect_dma semaphore(%arg29 : memref<!tpu.dma_semaphore, #tpu.memory_space<semaphore_mem>>) src(%arg22 : memref<128xi32, #tpu.memory_space<vmem>>) dst(%dma_wait3A_273 : memref<100000xi32, #tpu.memory_space<hbm>>)
    } else {
    }
    %gt3A_112 = arith.constant 640 : i32
    %gt3A_113 = arith.cmpi sgt, %scan3A_53, %gt3A_112 : i32
    %convert_element_type3A_114 = arith.extui %gt3A_113 : i1 to i32
    %cond3A_115 = arith.constant 0 : i32
    %cond3A_116 = arith.cmpi ne, %convert_element_type3A_114, %cond3A_115 : i32
    scf.if %cond3A_116 {
      %dma_start3A = arith.constant 5 : i32
      %dma_start3A_212 = arith.constant 0 : i32
      %dma_start3A_213 = tpu.memref_slice %arg20[%dma_start3A, %dma_start3A_212] : memref<25x128xi32, #tpu.memory_space<vmem>> -> memref<1x128xi32, #tpu.memory_space<vmem>>
      %dma_start3A_214 = tpu.memref_squeeze %dma_start3A_213 : memref<1x128xi32, #tpu.memory_space<vmem>> -> memref<128xi32, #tpu.memory_space<vmem>>
      %dma_start3A_215 = arith.constant 0 : i32
      %dma_start3A_216 = arith.constant 0 : i32
      %dma_start3A_217 = tpu.memref_slice %arg6[%dma_start3A_215, %dma_start3A_216] : memref<16384x128xf32, #tpu.memory_space<hbm>> -> memref<16384x128xf32, #tpu.memory_space<hbm>>
      tpu.enqueue_indirect_dma source(%dma_start3A_217 : memref<16384x128xf32, #tpu.memory_space<hbm>>) target(%arg26 : memref<128x128xf32, #tpu.memory_space<vmem>>) offsets(%dma_start3A_214 : memref<128xi32, #tpu.memory_space<vmem>>) semaphore(%arg29 : memref<!tpu.dma_semaphore, #tpu.memory_space<semaphore_mem>>)
      %dma_wait3A = arith.constant 5 : i32
      %dma_wait3A_218 = arith.constant 0 : i32
      %dma_wait3A_219 = tpu.memref_slice %arg20[%dma_wait3A, %dma_wait3A_218] : memref<25x128xi32, #tpu.memory_space<vmem>> -> memref<1x128xi32, #tpu.memory_space<vmem>>
      %dma_wait3A_220 = tpu.memref_squeeze %dma_wait3A_219 : memref<1x128xi32, #tpu.memory_space<vmem>> -> memref<128xi32, #tpu.memory_space<vmem>>
      %dma_wait3A_221 = arith.constant 0 : i32
      %dma_wait3A_222 = arith.constant 0 : i32
      %dma_wait3A_223 = tpu.memref_slice %arg6[%dma_wait3A_221, %dma_wait3A_222] : memref<16384x128xf32, #tpu.memory_space<hbm>> -> memref<16384x128xf32, #tpu.memory_space<hbm>>
      tpu.wait_indirect_dma semaphore(%arg29 : memref<!tpu.dma_semaphore, #tpu.memory_space<semaphore_mem>>) src(%dma_wait3A_223 : memref<16384x128xf32, #tpu.memory_space<hbm>>) dst(%arg26 : memref<128x128xf32, #tpu.memory_space<vmem>>)
      %dma_start3A_224 = arith.constant 5 : i32
      %dma_start3A_225 = arith.constant 0 : i32
      %dma_start3A_226 = tpu.memref_slice %arg19[%dma_start3A_224, %dma_start3A_225] : memref<25x128xi32, #tpu.memory_space<vmem>> -> memref<1x128xi32, #tpu.memory_space<vmem>>
      %dma_start3A_227 = tpu.memref_squeeze %dma_start3A_226 : memref<1x128xi32, #tpu.memory_space<vmem>> -> memref<128xi32, #tpu.memory_space<vmem>>
      %dma_start3A_228 = arith.constant 0 : i32
      %dma_start3A_229 = arith.constant 0 : i32
      %dma_start3A_230 = tpu.memref_slice %arg11[%dma_start3A_228, %dma_start3A_229] : memref<100000x128xf32, #tpu.memory_space<hbm>> -> memref<100000x128xf32, #tpu.memory_space<hbm>>
      tpu.enqueue_indirect_dma source(%arg26 : memref<128x128xf32, #tpu.memory_space<vmem>>) target(%dma_start3A_230 : memref<100000x128xf32, #tpu.memory_space<hbm>>) offsets(%dma_start3A_227 : memref<128xi32, #tpu.memory_space<vmem>>) semaphore(%arg29 : memref<!tpu.dma_semaphore, #tpu.memory_space<semaphore_mem>>)
      %dma_wait3A_231 = arith.constant 5 : i32
      %dma_wait3A_232 = arith.constant 0 : i32
      %dma_wait3A_233 = tpu.memref_slice %arg19[%dma_wait3A_231, %dma_wait3A_232] : memref<25x128xi32, #tpu.memory_space<vmem>> -> memref<1x128xi32, #tpu.memory_space<vmem>>
      %dma_wait3A_234 = tpu.memref_squeeze %dma_wait3A_233 : memref<1x128xi32, #tpu.memory_space<vmem>> -> memref<128xi32, #tpu.memory_space<vmem>>
      %dma_wait3A_235 = arith.constant 0 : i32
      %dma_wait3A_236 = arith.constant 0 : i32
      %dma_wait3A_237 = tpu.memref_slice %arg11[%dma_wait3A_235, %dma_wait3A_236] : memref<100000x128xf32, #tpu.memory_space<hbm>> -> memref<100000x128xf32, #tpu.memory_space<hbm>>
      tpu.wait_indirect_dma semaphore(%arg29 : memref<!tpu.dma_semaphore, #tpu.memory_space<semaphore_mem>>) src(%arg26 : memref<128x128xf32, #tpu.memory_space<vmem>>) dst(%dma_wait3A_237 : memref<100000x128xf32, #tpu.memory_space<hbm>>)
      %dma_start3A_238 = arith.constant 5 : i32
      %dma_start3A_239 = arith.constant 0 : i32
      %dma_start3A_240 = tpu.memref_slice %arg20[%dma_start3A_238, %dma_start3A_239] : memref<25x128xi32, #tpu.memory_space<vmem>> -> memref<1x128xi32, #tpu.memory_space<vmem>>
      %dma_start3A_241 = tpu.memref_squeeze %dma_start3A_240 : memref<1x128xi32, #tpu.memory_space<vmem>> -> memref<128xi32, #tpu.memory_space<vmem>>
      %dma_start3A_242 = arith.constant 0 : i32
      %dma_start3A_243 = tpu.memref_slice %arg8[%dma_start3A_242] : memref<16384xi32, #tpu.memory_space<hbm>> -> memref<16384xi32, #tpu.memory_space<hbm>>
      tpu.enqueue_indirect_dma source(%dma_start3A_243 : memref<16384xi32, #tpu.memory_space<hbm>>) target(%arg21 : memref<128xi32, #tpu.memory_space<vmem>>) offsets(%dma_start3A_241 : memref<128xi32, #tpu.memory_space<vmem>>) semaphore(%arg29 : memref<!tpu.dma_semaphore, #tpu.memory_space<semaphore_mem>>)
      %dma_wait3A_244 = arith.constant 5 : i32
      %dma_wait3A_245 = arith.constant 0 : i32
      %dma_wait3A_246 = tpu.memref_slice %arg20[%dma_wait3A_244, %dma_wait3A_245] : memref<25x128xi32, #tpu.memory_space<vmem>> -> memref<1x128xi32, #tpu.memory_space<vmem>>
      %dma_wait3A_247 = tpu.memref_squeeze %dma_wait3A_246 : memref<1x128xi32, #tpu.memory_space<vmem>> -> memref<128xi32, #tpu.memory_space<vmem>>
      %dma_wait3A_248 = arith.constant 0 : i32
      %dma_wait3A_249 = tpu.memref_slice %arg8[%dma_wait3A_248] : memref<16384xi32, #tpu.memory_space<hbm>> -> memref<16384xi32, #tpu.memory_space<hbm>>
      tpu.wait_indirect_dma semaphore(%arg29 : memref<!tpu.dma_semaphore, #tpu.memory_space<semaphore_mem>>) src(%dma_wait3A_249 : memref<16384xi32, #tpu.memory_space<hbm>>) dst(%arg21 : memref<128xi32, #tpu.memory_space<vmem>>)
      %dma_start3A_250 = arith.constant 5 : i32
      %dma_start3A_251 = arith.constant 0 : i32
      %dma_start3A_252 = tpu.memref_slice %arg19[%dma_start3A_250, %dma_start3A_251] : memref<25x128xi32, #tpu.memory_space<vmem>> -> memref<1x128xi32, #tpu.memory_space<vmem>>
      %dma_start3A_253 = tpu.memref_squeeze %dma_start3A_252 : memref<1x128xi32, #tpu.memory_space<vmem>> -> memref<128xi32, #tpu.memory_space<vmem>>
      %dma_start3A_254 = arith.constant 0 : i32
      %dma_start3A_255 = tpu.memref_slice %arg12[%dma_start3A_254] : memref<100000xi32, #tpu.memory_space<hbm>> -> memref<100000xi32, #tpu.memory_space<hbm>>
      tpu.enqueue_indirect_dma source(%arg21 : memref<128xi32, #tpu.memory_space<vmem>>) target(%dma_start3A_255 : memref<100000xi32, #tpu.memory_space<hbm>>) offsets(%dma_start3A_253 : memref<128xi32, #tpu.memory_space<vmem>>) semaphore(%arg29 : memref<!tpu.dma_semaphore, #tpu.memory_space<semaphore_mem>>)
      %dma_wait3A_256 = arith.constant 5 : i32
      %dma_wait3A_257 = arith.constant 0 : i32
      %dma_wait3A_258 = tpu.memref_slice %arg19[%dma_wait3A_256, %dma_wait3A_257] : memref<25x128xi32, #tpu.memory_space<vmem>> -> memref<1x128xi32, #tpu.memory_space<vmem>>
      %dma_wait3A_259 = tpu.memref_squeeze %dma_wait3A_258 : memref<1x128xi32, #tpu.memory_space<vmem>> -> memref<128xi32, #tpu.memory_space<vmem>>
      %dma_wait3A_260 = arith.constant 0 : i32
      %dma_wait3A_261 = tpu.memref_slice %arg12[%dma_wait3A_260] : memref<100000xi32, #tpu.memory_space<hbm>> -> memref<100000xi32, #tpu.memory_space<hbm>>
      tpu.wait_indirect_dma semaphore(%arg29 : memref<!tpu.dma_semaphore, #tpu.memory_space<semaphore_mem>>) src(%arg21 : memref<128xi32, #tpu.memory_space<vmem>>) dst(%dma_wait3A_261 : memref<100000xi32, #tpu.memory_space<hbm>>)
      %dma_start3A_262 = arith.constant 5 : i32
      %dma_start3A_263 = arith.constant 0 : i32
      %dma_start3A_264 = tpu.memref_slice %arg19[%dma_start3A_262, %dma_start3A_263] : memref<25x128xi32, #tpu.memory_space<vmem>> -> memref<1x128xi32, #tpu.memory_space<vmem>>
      %dma_start3A_265 = tpu.memref_squeeze %dma_start3A_264 : memref<1x128xi32, #tpu.memory_space<vmem>> -> memref<128xi32, #tpu.memory_space<vmem>>
      %dma_start3A_266 = arith.constant 0 : i32
      %dma_start3A_267 = tpu.memref_slice %arg13[%dma_start3A_266] : memref<100000xi32, #tpu.memory_space<hbm>> -> memref<100000xi32, #tpu.memory_space<hbm>>
      tpu.enqueue_indirect_dma source(%arg22 : memref<128xi32, #tpu.memory_space<vmem>>) target(%dma_start3A_267 : memref<100000xi32, #tpu.memory_space<hbm>>) offsets(%dma_start3A_265 : memref<128xi32, #tpu.memory_space<vmem>>) semaphore(%arg29 : memref<!tpu.dma_semaphore, #tpu.memory_space<semaphore_mem>>)
      %dma_wait3A_268 = arith.constant 5 : i32
      %dma_wait3A_269 = arith.constant 0 : i32
      %dma_wait3A_270 = tpu.memref_slice %arg19[%dma_wait3A_268, %dma_wait3A_269] : memref<25x128xi32, #tpu.memory_space<vmem>> -> memref<1x128xi32, #tpu.memory_space<vmem>>
      %dma_wait3A_271 = tpu.memref_squeeze %dma_wait3A_270 : memref<1x128xi32, #tpu.memory_space<vmem>> -> memref<128xi32, #tpu.memory_space<vmem>>
      %dma_wait3A_272 = arith.constant 0 : i32
      %dma_wait3A_273 = tpu.memref_slice %arg13[%dma_wait3A_272] : memref<100000xi32, #tpu.memory_space<hbm>> -> memref<100000xi32, #tpu.memory_space<hbm>>
      tpu.wait_indirect_dma semaphore(%arg29 : memref<!tpu.dma_semaphore, #tpu.memory_space<semaphore_mem>>) src(%arg22 : memref<128xi32, #tpu.memory_space<vmem>>) dst(%dma_wait3A_273 : memref<100000xi32, #tpu.memory_space<hbm>>)
    } else {
    }
    %gt3A_117 = arith.constant 768 : i32
    %gt3A_118 = arith.cmpi sgt, %scan3A_53, %gt3A_117 : i32
    %convert_element_type3A_119 = arith.extui %gt3A_118 : i1 to i32
    %cond3A_120 = arith.constant 0 : i32
    %cond3A_121 = arith.cmpi ne, %convert_element_type3A_119, %cond3A_120 : i32
    scf.if %cond3A_121 {
      %dma_start3A = arith.constant 6 : i32
      %dma_start3A_212 = arith.constant 0 : i32
      %dma_start3A_213 = tpu.memref_slice %arg20[%dma_start3A, %dma_start3A_212] : memref<25x128xi32, #tpu.memory_space<vmem>> -> memref<1x128xi32, #tpu.memory_space<vmem>>
      %dma_start3A_214 = tpu.memref_squeeze %dma_start3A_213 : memref<1x128xi32, #tpu.memory_space<vmem>> -> memref<128xi32, #tpu.memory_space<vmem>>
      %dma_start3A_215 = arith.constant 0 : i32
      %dma_start3A_216 = arith.constant 0 : i32
      %dma_start3A_217 = tpu.memref_slice %arg6[%dma_start3A_215, %dma_start3A_216] : memref<16384x128xf32, #tpu.memory_space<hbm>> -> memref<16384x128xf32, #tpu.memory_space<hbm>>
      tpu.enqueue_indirect_dma source(%dma_start3A_217 : memref<16384x128xf32, #tpu.memory_space<hbm>>) target(%arg26 : memref<128x128xf32, #tpu.memory_space<vmem>>) offsets(%dma_start3A_214 : memref<128xi32, #tpu.memory_space<vmem>>) semaphore(%arg29 : memref<!tpu.dma_semaphore, #tpu.memory_space<semaphore_mem>>)
      %dma_wait3A = arith.constant 6 : i32
      %dma_wait3A_218 = arith.constant 0 : i32
      %dma_wait3A_219 = tpu.memref_slice %arg20[%dma_wait3A, %dma_wait3A_218] : memref<25x128xi32, #tpu.memory_space<vmem>> -> memref<1x128xi32, #tpu.memory_space<vmem>>
      %dma_wait3A_220 = tpu.memref_squeeze %dma_wait3A_219 : memref<1x128xi32, #tpu.memory_space<vmem>> -> memref<128xi32, #tpu.memory_space<vmem>>
      %dma_wait3A_221 = arith.constant 0 : i32
      %dma_wait3A_222 = arith.constant 0 : i32
      %dma_wait3A_223 = tpu.memref_slice %arg6[%dma_wait3A_221, %dma_wait3A_222] : memref<16384x128xf32, #tpu.memory_space<hbm>> -> memref<16384x128xf32, #tpu.memory_space<hbm>>
      tpu.wait_indirect_dma semaphore(%arg29 : memref<!tpu.dma_semaphore, #tpu.memory_space<semaphore_mem>>) src(%dma_wait3A_223 : memref<16384x128xf32, #tpu.memory_space<hbm>>) dst(%arg26 : memref<128x128xf32, #tpu.memory_space<vmem>>)
      %dma_start3A_224 = arith.constant 6 : i32
      %dma_start3A_225 = arith.constant 0 : i32
      %dma_start3A_226 = tpu.memref_slice %arg19[%dma_start3A_224, %dma_start3A_225] : memref<25x128xi32, #tpu.memory_space<vmem>> -> memref<1x128xi32, #tpu.memory_space<vmem>>
      %dma_start3A_227 = tpu.memref_squeeze %dma_start3A_226 : memref<1x128xi32, #tpu.memory_space<vmem>> -> memref<128xi32, #tpu.memory_space<vmem>>
      %dma_start3A_228 = arith.constant 0 : i32
      %dma_start3A_229 = arith.constant 0 : i32
      %dma_start3A_230 = tpu.memref_slice %arg11[%dma_start3A_228, %dma_start3A_229] : memref<100000x128xf32, #tpu.memory_space<hbm>> -> memref<100000x128xf32, #tpu.memory_space<hbm>>
      tpu.enqueue_indirect_dma source(%arg26 : memref<128x128xf32, #tpu.memory_space<vmem>>) target(%dma_start3A_230 : memref<100000x128xf32, #tpu.memory_space<hbm>>) offsets(%dma_start3A_227 : memref<128xi32, #tpu.memory_space<vmem>>) semaphore(%arg29 : memref<!tpu.dma_semaphore, #tpu.memory_space<semaphore_mem>>)
      %dma_wait3A_231 = arith.constant 6 : i32
      %dma_wait3A_232 = arith.constant 0 : i32
      %dma_wait3A_233 = tpu.memref_slice %arg19[%dma_wait3A_231, %dma_wait3A_232] : memref<25x128xi32, #tpu.memory_space<vmem>> -> memref<1x128xi32, #tpu.memory_space<vmem>>
      %dma_wait3A_234 = tpu.memref_squeeze %dma_wait3A_233 : memref<1x128xi32, #tpu.memory_space<vmem>> -> memref<128xi32, #tpu.memory_space<vmem>>
      %dma_wait3A_235 = arith.constant 0 : i32
      %dma_wait3A_236 = arith.constant 0 : i32
      %dma_wait3A_237 = tpu.memref_slice %arg11[%dma_wait3A_235, %dma_wait3A_236] : memref<100000x128xf32, #tpu.memory_space<hbm>> -> memref<100000x128xf32, #tpu.memory_space<hbm>>
      tpu.wait_indirect_dma semaphore(%arg29 : memref<!tpu.dma_semaphore, #tpu.memory_space<semaphore_mem>>) src(%arg26 : memref<128x128xf32, #tpu.memory_space<vmem>>) dst(%dma_wait3A_237 : memref<100000x128xf32, #tpu.memory_space<hbm>>)
      %dma_start3A_238 = arith.constant 6 : i32
      %dma_start3A_239 = arith.constant 0 : i32
      %dma_start3A_240 = tpu.memref_slice %arg20[%dma_start3A_238, %dma_start3A_239] : memref<25x128xi32, #tpu.memory_space<vmem>> -> memref<1x128xi32, #tpu.memory_space<vmem>>
      %dma_start3A_241 = tpu.memref_squeeze %dma_start3A_240 : memref<1x128xi32, #tpu.memory_space<vmem>> -> memref<128xi32, #tpu.memory_space<vmem>>
      %dma_start3A_242 = arith.constant 0 : i32
      %dma_start3A_243 = tpu.memref_slice %arg8[%dma_start3A_242] : memref<16384xi32, #tpu.memory_space<hbm>> -> memref<16384xi32, #tpu.memory_space<hbm>>
      tpu.enqueue_indirect_dma source(%dma_start3A_243 : memref<16384xi32, #tpu.memory_space<hbm>>) target(%arg21 : memref<128xi32, #tpu.memory_space<vmem>>) offsets(%dma_start3A_241 : memref<128xi32, #tpu.memory_space<vmem>>) semaphore(%arg29 : memref<!tpu.dma_semaphore, #tpu.memory_space<semaphore_mem>>)
      %dma_wait3A_244 = arith.constant 6 : i32
      %dma_wait3A_245 = arith.constant 0 : i32
      %dma_wait3A_246 = tpu.memref_slice %arg20[%dma_wait3A_244, %dma_wait3A_245] : memref<25x128xi32, #tpu.memory_space<vmem>> -> memref<1x128xi32, #tpu.memory_space<vmem>>
      %dma_wait3A_247 = tpu.memref_squeeze %dma_wait3A_246 : memref<1x128xi32, #tpu.memory_space<vmem>> -> memref<128xi32, #tpu.memory_space<vmem>>
      %dma_wait3A_248 = arith.constant 0 : i32
      %dma_wait3A_249 = tpu.memref_slice %arg8[%dma_wait3A_248] : memref<16384xi32, #tpu.memory_space<hbm>> -> memref<16384xi32, #tpu.memory_space<hbm>>
      tpu.wait_indirect_dma semaphore(%arg29 : memref<!tpu.dma_semaphore, #tpu.memory_space<semaphore_mem>>) src(%dma_wait3A_249 : memref<16384xi32, #tpu.memory_space<hbm>>) dst(%arg21 : memref<128xi32, #tpu.memory_space<vmem>>)
      %dma_start3A_250 = arith.constant 6 : i32
      %dma_start3A_251 = arith.constant 0 : i32
      %dma_start3A_252 = tpu.memref_slice %arg19[%dma_start3A_250, %dma_start3A_251] : memref<25x128xi32, #tpu.memory_space<vmem>> -> memref<1x128xi32, #tpu.memory_space<vmem>>
      %dma_start3A_253 = tpu.memref_squeeze %dma_start3A_252 : memref<1x128xi32, #tpu.memory_space<vmem>> -> memref<128xi32, #tpu.memory_space<vmem>>
      %dma_start3A_254 = arith.constant 0 : i32
      %dma_start3A_255 = tpu.memref_slice %arg12[%dma_start3A_254] : memref<100000xi32, #tpu.memory_space<hbm>> -> memref<100000xi32, #tpu.memory_space<hbm>>
      tpu.enqueue_indirect_dma source(%arg21 : memref<128xi32, #tpu.memory_space<vmem>>) target(%dma_start3A_255 : memref<100000xi32, #tpu.memory_space<hbm>>) offsets(%dma_start3A_253 : memref<128xi32, #tpu.memory_space<vmem>>) semaphore(%arg29 : memref<!tpu.dma_semaphore, #tpu.memory_space<semaphore_mem>>)
      %dma_wait3A_256 = arith.constant 6 : i32
      %dma_wait3A_257 = arith.constant 0 : i32
      %dma_wait3A_258 = tpu.memref_slice %arg19[%dma_wait3A_256, %dma_wait3A_257] : memref<25x128xi32, #tpu.memory_space<vmem>> -> memref<1x128xi32, #tpu.memory_space<vmem>>
      %dma_wait3A_259 = tpu.memref_squeeze %dma_wait3A_258 : memref<1x128xi32, #tpu.memory_space<vmem>> -> memref<128xi32, #tpu.memory_space<vmem>>
      %dma_wait3A_260 = arith.constant 0 : i32
      %dma_wait3A_261 = tpu.memref_slice %arg12[%dma_wait3A_260] : memref<100000xi32, #tpu.memory_space<hbm>> -> memref<100000xi32, #tpu.memory_space<hbm>>
      tpu.wait_indirect_dma semaphore(%arg29 : memref<!tpu.dma_semaphore, #tpu.memory_space<semaphore_mem>>) src(%arg21 : memref<128xi32, #tpu.memory_space<vmem>>) dst(%dma_wait3A_261 : memref<100000xi32, #tpu.memory_space<hbm>>)
      %dma_start3A_262 = arith.constant 6 : i32
      %dma_start3A_263 = arith.constant 0 : i32
      %dma_start3A_264 = tpu.memref_slice %arg19[%dma_start3A_262, %dma_start3A_263] : memref<25x128xi32, #tpu.memory_space<vmem>> -> memref<1x128xi32, #tpu.memory_space<vmem>>
      %dma_start3A_265 = tpu.memref_squeeze %dma_start3A_264 : memref<1x128xi32, #tpu.memory_space<vmem>> -> memref<128xi32, #tpu.memory_space<vmem>>
      %dma_start3A_266 = arith.constant 0 : i32
      %dma_start3A_267 = tpu.memref_slice %arg13[%dma_start3A_266] : memref<100000xi32, #tpu.memory_space<hbm>> -> memref<100000xi32, #tpu.memory_space<hbm>>
      tpu.enqueue_indirect_dma source(%arg22 : memref<128xi32, #tpu.memory_space<vmem>>) target(%dma_start3A_267 : memref<100000xi32, #tpu.memory_space<hbm>>) offsets(%dma_start3A_265 : memref<128xi32, #tpu.memory_space<vmem>>) semaphore(%arg29 : memref<!tpu.dma_semaphore, #tpu.memory_space<semaphore_mem>>)
      %dma_wait3A_268 = arith.constant 6 : i32
      %dma_wait3A_269 = arith.constant 0 : i32
      %dma_wait3A_270 = tpu.memref_slice %arg19[%dma_wait3A_268, %dma_wait3A_269] : memref<25x128xi32, #tpu.memory_space<vmem>> -> memref<1x128xi32, #tpu.memory_space<vmem>>
      %dma_wait3A_271 = tpu.memref_squeeze %dma_wait3A_270 : memref<1x128xi32, #tpu.memory_space<vmem>> -> memref<128xi32, #tpu.memory_space<vmem>>
      %dma_wait3A_272 = arith.constant 0 : i32
      %dma_wait3A_273 = tpu.memref_slice %arg13[%dma_wait3A_272] : memref<100000xi32, #tpu.memory_space<hbm>> -> memref<100000xi32, #tpu.memory_space<hbm>>
      tpu.wait_indirect_dma semaphore(%arg29 : memref<!tpu.dma_semaphore, #tpu.memory_space<semaphore_mem>>) src(%arg22 : memref<128xi32, #tpu.memory_space<vmem>>) dst(%dma_wait3A_273 : memref<100000xi32, #tpu.memory_space<hbm>>)
    } else {
    }
    %gt3A_122 = arith.constant 896 : i32
    %gt3A_123 = arith.cmpi sgt, %scan3A_53, %gt3A_122 : i32
    %convert_element_type3A_124 = arith.extui %gt3A_123 : i1 to i32
    %cond3A_125 = arith.constant 0 : i32
    %cond3A_126 = arith.cmpi ne, %convert_element_type3A_124, %cond3A_125 : i32
    scf.if %cond3A_126 {
      %dma_start3A = arith.constant 7 : i32
      %dma_start3A_212 = arith.constant 0 : i32
      %dma_start3A_213 = tpu.memref_slice %arg20[%dma_start3A, %dma_start3A_212] : memref<25x128xi32, #tpu.memory_space<vmem>> -> memref<1x128xi32, #tpu.memory_space<vmem>>
      %dma_start3A_214 = tpu.memref_squeeze %dma_start3A_213 : memref<1x128xi32, #tpu.memory_space<vmem>> -> memref<128xi32, #tpu.memory_space<vmem>>
      %dma_start3A_215 = arith.constant 0 : i32
      %dma_start3A_216 = arith.constant 0 : i32
      %dma_start3A_217 = tpu.memref_slice %arg6[%dma_start3A_215, %dma_start3A_216] : memref<16384x128xf32, #tpu.memory_space<hbm>> -> memref<16384x128xf32, #tpu.memory_space<hbm>>
      tpu.enqueue_indirect_dma source(%dma_start3A_217 : memref<16384x128xf32, #tpu.memory_space<hbm>>) target(%arg26 : memref<128x128xf32, #tpu.memory_space<vmem>>) offsets(%dma_start3A_214 : memref<128xi32, #tpu.memory_space<vmem>>) semaphore(%arg29 : memref<!tpu.dma_semaphore, #tpu.memory_space<semaphore_mem>>)
      %dma_wait3A = arith.constant 7 : i32
      %dma_wait3A_218 = arith.constant 0 : i32
      %dma_wait3A_219 = tpu.memref_slice %arg20[%dma_wait3A, %dma_wait3A_218] : memref<25x128xi32, #tpu.memory_space<vmem>> -> memref<1x128xi32, #tpu.memory_space<vmem>>
      %dma_wait3A_220 = tpu.memref_squeeze %dma_wait3A_219 : memref<1x128xi32, #tpu.memory_space<vmem>> -> memref<128xi32, #tpu.memory_space<vmem>>
      %dma_wait3A_221 = arith.constant 0 : i32
      %dma_wait3A_222 = arith.constant 0 : i32
      %dma_wait3A_223 = tpu.memref_slice %arg6[%dma_wait3A_221, %dma_wait3A_222] : memref<16384x128xf32, #tpu.memory_space<hbm>> -> memref<16384x128xf32, #tpu.memory_space<hbm>>
      tpu.wait_indirect_dma semaphore(%arg29 : memref<!tpu.dma_semaphore, #tpu.memory_space<semaphore_mem>>) src(%dma_wait3A_223 : memref<16384x128xf32, #tpu.memory_space<hbm>>) dst(%arg26 : memref<128x128xf32, #tpu.memory_space<vmem>>)
      %dma_start3A_224 = arith.constant 7 : i32
      %dma_start3A_225 = arith.constant 0 : i32
      %dma_start3A_226 = tpu.memref_slice %arg19[%dma_start3A_224, %dma_start3A_225] : memref<25x128xi32, #tpu.memory_space<vmem>> -> memref<1x128xi32, #tpu.memory_space<vmem>>
      %dma_start3A_227 = tpu.memref_squeeze %dma_start3A_226 : memref<1x128xi32, #tpu.memory_space<vmem>> -> memref<128xi32, #tpu.memory_space<vmem>>
      %dma_start3A_228 = arith.constant 0 : i32
      %dma_start3A_229 = arith.constant 0 : i32
      %dma_start3A_230 = tpu.memref_slice %arg11[%dma_start3A_228, %dma_start3A_229] : memref<100000x128xf32, #tpu.memory_space<hbm>> -> memref<100000x128xf32, #tpu.memory_space<hbm>>
      tpu.enqueue_indirect_dma source(%arg26 : memref<128x128xf32, #tpu.memory_space<vmem>>) target(%dma_start3A_230 : memref<100000x128xf32, #tpu.memory_space<hbm>>) offsets(%dma_start3A_227 : memref<128xi32, #tpu.memory_space<vmem>>) semaphore(%arg29 : memref<!tpu.dma_semaphore, #tpu.memory_space<semaphore_mem>>)
      %dma_wait3A_231 = arith.constant 7 : i32
      %dma_wait3A_232 = arith.constant 0 : i32
      %dma_wait3A_233 = tpu.memref_slice %arg19[%dma_wait3A_231, %dma_wait3A_232] : memref<25x128xi32, #tpu.memory_space<vmem>> -> memref<1x128xi32, #tpu.memory_space<vmem>>
      %dma_wait3A_234 = tpu.memref_squeeze %dma_wait3A_233 : memref<1x128xi32, #tpu.memory_space<vmem>> -> memref<128xi32, #tpu.memory_space<vmem>>
      %dma_wait3A_235 = arith.constant 0 : i32
      %dma_wait3A_236 = arith.constant 0 : i32
      %dma_wait3A_237 = tpu.memref_slice %arg11[%dma_wait3A_235, %dma_wait3A_236] : memref<100000x128xf32, #tpu.memory_space<hbm>> -> memref<100000x128xf32, #tpu.memory_space<hbm>>
      tpu.wait_indirect_dma semaphore(%arg29 : memref<!tpu.dma_semaphore, #tpu.memory_space<semaphore_mem>>) src(%arg26 : memref<128x128xf32, #tpu.memory_space<vmem>>) dst(%dma_wait3A_237 : memref<100000x128xf32, #tpu.memory_space<hbm>>)
      %dma_start3A_238 = arith.constant 7 : i32
      %dma_start3A_239 = arith.constant 0 : i32
      %dma_start3A_240 = tpu.memref_slice %arg20[%dma_start3A_238, %dma_start3A_239] : memref<25x128xi32, #tpu.memory_space<vmem>> -> memref<1x128xi32, #tpu.memory_space<vmem>>
      %dma_start3A_241 = tpu.memref_squeeze %dma_start3A_240 : memref<1x128xi32, #tpu.memory_space<vmem>> -> memref<128xi32, #tpu.memory_space<vmem>>
      %dma_start3A_242 = arith.constant 0 : i32
      %dma_start3A_243 = tpu.memref_slice %arg8[%dma_start3A_242] : memref<16384xi32, #tpu.memory_space<hbm>> -> memref<16384xi32, #tpu.memory_space<hbm>>
      tpu.enqueue_indirect_dma source(%dma_start3A_243 : memref<16384xi32, #tpu.memory_space<hbm>>) target(%arg21 : memref<128xi32, #tpu.memory_space<vmem>>) offsets(%dma_start3A_241 : memref<128xi32, #tpu.memory_space<vmem>>) semaphore(%arg29 : memref<!tpu.dma_semaphore, #tpu.memory_space<semaphore_mem>>)
      %dma_wait3A_244 = arith.constant 7 : i32
      %dma_wait3A_245 = arith.constant 0 : i32
      %dma_wait3A_246 = tpu.memref_slice %arg20[%dma_wait3A_244, %dma_wait3A_245] : memref<25x128xi32, #tpu.memory_space<vmem>> -> memref<1x128xi32, #tpu.memory_space<vmem>>
      %dma_wait3A_247 = tpu.memref_squeeze %dma_wait3A_246 : memref<1x128xi32, #tpu.memory_space<vmem>> -> memref<128xi32, #tpu.memory_space<vmem>>
      %dma_wait3A_248 = arith.constant 0 : i32
      %dma_wait3A_249 = tpu.memref_slice %arg8[%dma_wait3A_248] : memref<16384xi32, #tpu.memory_space<hbm>> -> memref<16384xi32, #tpu.memory_space<hbm>>
      tpu.wait_indirect_dma semaphore(%arg29 : memref<!tpu.dma_semaphore, #tpu.memory_space<semaphore_mem>>) src(%dma_wait3A_249 : memref<16384xi32, #tpu.memory_space<hbm>>) dst(%arg21 : memref<128xi32, #tpu.memory_space<vmem>>)
      %dma_start3A_250 = arith.constant 7 : i32
      %dma_start3A_251 = arith.constant 0 : i32
      %dma_start3A_252 = tpu.memref_slice %arg19[%dma_start3A_250, %dma_start3A_251] : memref<25x128xi32, #tpu.memory_space<vmem>> -> memref<1x128xi32, #tpu.memory_space<vmem>>
      %dma_start3A_253 = tpu.memref_squeeze %dma_start3A_252 : memref<1x128xi32, #tpu.memory_space<vmem>> -> memref<128xi32, #tpu.memory_space<vmem>>
      %dma_start3A_254 = arith.constant 0 : i32
      %dma_start3A_255 = tpu.memref_slice %arg12[%dma_start3A_254] : memref<100000xi32, #tpu.memory_space<hbm>> -> memref<100000xi32, #tpu.memory_space<hbm>>
      tpu.enqueue_indirect_dma source(%arg21 : memref<128xi32, #tpu.memory_space<vmem>>) target(%dma_start3A_255 : memref<100000xi32, #tpu.memory_space<hbm>>) offsets(%dma_start3A_253 : memref<128xi32, #tpu.memory_space<vmem>>) semaphore(%arg29 : memref<!tpu.dma_semaphore, #tpu.memory_space<semaphore_mem>>)
      %dma_wait3A_256 = arith.constant 7 : i32
      %dma_wait3A_257 = arith.constant 0 : i32
      %dma_wait3A_258 = tpu.memref_slice %arg19[%dma_wait3A_256, %dma_wait3A_257] : memref<25x128xi32, #tpu.memory_space<vmem>> -> memref<1x128xi32, #tpu.memory_space<vmem>>
      %dma_wait3A_259 = tpu.memref_squeeze %dma_wait3A_258 : memref<1x128xi32, #tpu.memory_space<vmem>> -> memref<128xi32, #tpu.memory_space<vmem>>
      %dma_wait3A_260 = arith.constant 0 : i32
      %dma_wait3A_261 = tpu.memref_slice %arg12[%dma_wait3A_260] : memref<100000xi32, #tpu.memory_space<hbm>> -> memref<100000xi32, #tpu.memory_space<hbm>>
      tpu.wait_indirect_dma semaphore(%arg29 : memref<!tpu.dma_semaphore, #tpu.memory_space<semaphore_mem>>) src(%arg21 : memref<128xi32, #tpu.memory_space<vmem>>) dst(%dma_wait3A_261 : memref<100000xi32, #tpu.memory_space<hbm>>)
      %dma_start3A_262 = arith.constant 7 : i32
      %dma_start3A_263 = arith.constant 0 : i32
      %dma_start3A_264 = tpu.memref_slice %arg19[%dma_start3A_262, %dma_start3A_263] : memref<25x128xi32, #tpu.memory_space<vmem>> -> memref<1x128xi32, #tpu.memory_space<vmem>>
      %dma_start3A_265 = tpu.memref_squeeze %dma_start3A_264 : memref<1x128xi32, #tpu.memory_space<vmem>> -> memref<128xi32, #tpu.memory_space<vmem>>
      %dma_start3A_266 = arith.constant 0 : i32
      %dma_start3A_267 = tpu.memref_slice %arg13[%dma_start3A_266] : memref<100000xi32, #tpu.memory_space<hbm>> -> memref<100000xi32, #tpu.memory_space<hbm>>
      tpu.enqueue_indirect_dma source(%arg22 : memref<128xi32, #tpu.memory_space<vmem>>) target(%dma_start3A_267 : memref<100000xi32, #tpu.memory_space<hbm>>) offsets(%dma_start3A_265 : memref<128xi32, #tpu.memory_space<vmem>>) semaphore(%arg29 : memref<!tpu.dma_semaphore, #tpu.memory_space<semaphore_mem>>)
      %dma_wait3A_268 = arith.constant 7 : i32
      %dma_wait3A_269 = arith.constant 0 : i32
      %dma_wait3A_270 = tpu.memref_slice %arg19[%dma_wait3A_268, %dma_wait3A_269] : memref<25x128xi32, #tpu.memory_space<vmem>> -> memref<1x128xi32, #tpu.memory_space<vmem>>
      %dma_wait3A_271 = tpu.memref_squeeze %dma_wait3A_270 : memref<1x128xi32, #tpu.memory_space<vmem>> -> memref<128xi32, #tpu.memory_space<vmem>>
      %dma_wait3A_272 = arith.constant 0 : i32
      %dma_wait3A_273 = tpu.memref_slice %arg13[%dma_wait3A_272] : memref<100000xi32, #tpu.memory_space<hbm>> -> memref<100000xi32, #tpu.memory_space<hbm>>
      tpu.wait_indirect_dma semaphore(%arg29 : memref<!tpu.dma_semaphore, #tpu.memory_space<semaphore_mem>>) src(%arg22 : memref<128xi32, #tpu.memory_space<vmem>>) dst(%dma_wait3A_273 : memref<100000xi32, #tpu.memory_space<hbm>>)
    } else {
    }
    %gt3A_127 = arith.constant 1024 : i32
    %gt3A_128 = arith.cmpi sgt, %scan3A_53, %gt3A_127 : i32
    %convert_element_type3A_129 = arith.extui %gt3A_128 : i1 to i32
    %cond3A_130 = arith.constant 0 : i32
    %cond3A_131 = arith.cmpi ne, %convert_element_type3A_129, %cond3A_130 : i32
    scf.if %cond3A_131 {
      %dma_start3A = arith.constant 8 : i32
      %dma_start3A_212 = arith.constant 0 : i32
      %dma_start3A_213 = tpu.memref_slice %arg20[%dma_start3A, %dma_start3A_212] : memref<25x128xi32, #tpu.memory_space<vmem>> -> memref<1x128xi32, #tpu.memory_space<vmem>>
      %dma_start3A_214 = tpu.memref_squeeze %dma_start3A_213 : memref<1x128xi32, #tpu.memory_space<vmem>> -> memref<128xi32, #tpu.memory_space<vmem>>
      %dma_start3A_215 = arith.constant 0 : i32
      %dma_start3A_216 = arith.constant 0 : i32
      %dma_start3A_217 = tpu.memref_slice %arg6[%dma_start3A_215, %dma_start3A_216] : memref<16384x128xf32, #tpu.memory_space<hbm>> -> memref<16384x128xf32, #tpu.memory_space<hbm>>
      tpu.enqueue_indirect_dma source(%dma_start3A_217 : memref<16384x128xf32, #tpu.memory_space<hbm>>) target(%arg26 : memref<128x128xf32, #tpu.memory_space<vmem>>) offsets(%dma_start3A_214 : memref<128xi32, #tpu.memory_space<vmem>>) semaphore(%arg29 : memref<!tpu.dma_semaphore, #tpu.memory_space<semaphore_mem>>)
      %dma_wait3A = arith.constant 8 : i32
      %dma_wait3A_218 = arith.constant 0 : i32
      %dma_wait3A_219 = tpu.memref_slice %arg20[%dma_wait3A, %dma_wait3A_218] : memref<25x128xi32, #tpu.memory_space<vmem>> -> memref<1x128xi32, #tpu.memory_space<vmem>>
      %dma_wait3A_220 = tpu.memref_squeeze %dma_wait3A_219 : memref<1x128xi32, #tpu.memory_space<vmem>> -> memref<128xi32, #tpu.memory_space<vmem>>
      %dma_wait3A_221 = arith.constant 0 : i32
      %dma_wait3A_222 = arith.constant 0 : i32
      %dma_wait3A_223 = tpu.memref_slice %arg6[%dma_wait3A_221, %dma_wait3A_222] : memref<16384x128xf32, #tpu.memory_space<hbm>> -> memref<16384x128xf32, #tpu.memory_space<hbm>>
      tpu.wait_indirect_dma semaphore(%arg29 : memref<!tpu.dma_semaphore, #tpu.memory_space<semaphore_mem>>) src(%dma_wait3A_223 : memref<16384x128xf32, #tpu.memory_space<hbm>>) dst(%arg26 : memref<128x128xf32, #tpu.memory_space<vmem>>)
      %dma_start3A_224 = arith.constant 8 : i32
      %dma_start3A_225 = arith.constant 0 : i32
      %dma_start3A_226 = tpu.memref_slice %arg19[%dma_start3A_224, %dma_start3A_225] : memref<25x128xi32, #tpu.memory_space<vmem>> -> memref<1x128xi32, #tpu.memory_space<vmem>>
      %dma_start3A_227 = tpu.memref_squeeze %dma_start3A_226 : memref<1x128xi32, #tpu.memory_space<vmem>> -> memref<128xi32, #tpu.memory_space<vmem>>
      %dma_start3A_228 = arith.constant 0 : i32
      %dma_start3A_229 = arith.constant 0 : i32
      %dma_start3A_230 = tpu.memref_slice %arg11[%dma_start3A_228, %dma_start3A_229] : memref<100000x128xf32, #tpu.memory_space<hbm>> -> memref<100000x128xf32, #tpu.memory_space<hbm>>
      tpu.enqueue_indirect_dma source(%arg26 : memref<128x128xf32, #tpu.memory_space<vmem>>) target(%dma_start3A_230 : memref<100000x128xf32, #tpu.memory_space<hbm>>) offsets(%dma_start3A_227 : memref<128xi32, #tpu.memory_space<vmem>>) semaphore(%arg29 : memref<!tpu.dma_semaphore, #tpu.memory_space<semaphore_mem>>)
      %dma_wait3A_231 = arith.constant 8 : i32
      %dma_wait3A_232 = arith.constant 0 : i32
      %dma_wait3A_233 = tpu.memref_slice %arg19[%dma_wait3A_231, %dma_wait3A_232] : memref<25x128xi32, #tpu.memory_space<vmem>> -> memref<1x128xi32, #tpu.memory_space<vmem>>
      %dma_wait3A_234 = tpu.memref_squeeze %dma_wait3A_233 : memref<1x128xi32, #tpu.memory_space<vmem>> -> memref<128xi32, #tpu.memory_space<vmem>>
      %dma_wait3A_235 = arith.constant 0 : i32
      %dma_wait3A_236 = arith.constant 0 : i32
      %dma_wait3A_237 = tpu.memref_slice %arg11[%dma_wait3A_235, %dma_wait3A_236] : memref<100000x128xf32, #tpu.memory_space<hbm>> -> memref<100000x128xf32, #tpu.memory_space<hbm>>
      tpu.wait_indirect_dma semaphore(%arg29 : memref<!tpu.dma_semaphore, #tpu.memory_space<semaphore_mem>>) src(%arg26 : memref<128x128xf32, #tpu.memory_space<vmem>>) dst(%dma_wait3A_237 : memref<100000x128xf32, #tpu.memory_space<hbm>>)
      %dma_start3A_238 = arith.constant 8 : i32
      %dma_start3A_239 = arith.constant 0 : i32
      %dma_start3A_240 = tpu.memref_slice %arg20[%dma_start3A_238, %dma_start3A_239] : memref<25x128xi32, #tpu.memory_space<vmem>> -> memref<1x128xi32, #tpu.memory_space<vmem>>
      %dma_start3A_241 = tpu.memref_squeeze %dma_start3A_240 : memref<1x128xi32, #tpu.memory_space<vmem>> -> memref<128xi32, #tpu.memory_space<vmem>>
      %dma_start3A_242 = arith.constant 0 : i32
      %dma_start3A_243 = tpu.memref_slice %arg8[%dma_start3A_242] : memref<16384xi32, #tpu.memory_space<hbm>> -> memref<16384xi32, #tpu.memory_space<hbm>>
      tpu.enqueue_indirect_dma source(%dma_start3A_243 : memref<16384xi32, #tpu.memory_space<hbm>>) target(%arg21 : memref<128xi32, #tpu.memory_space<vmem>>) offsets(%dma_start3A_241 : memref<128xi32, #tpu.memory_space<vmem>>) semaphore(%arg29 : memref<!tpu.dma_semaphore, #tpu.memory_space<semaphore_mem>>)
      %dma_wait3A_244 = arith.constant 8 : i32
      %dma_wait3A_245 = arith.constant 0 : i32
      %dma_wait3A_246 = tpu.memref_slice %arg20[%dma_wait3A_244, %dma_wait3A_245] : memref<25x128xi32, #tpu.memory_space<vmem>> -> memref<1x128xi32, #tpu.memory_space<vmem>>
      %dma_wait3A_247 = tpu.memref_squeeze %dma_wait3A_246 : memref<1x128xi32, #tpu.memory_space<vmem>> -> memref<128xi32, #tpu.memory_space<vmem>>
      %dma_wait3A_248 = arith.constant 0 : i32
      %dma_wait3A_249 = tpu.memref_slice %arg8[%dma_wait3A_248] : memref<16384xi32, #tpu.memory_space<hbm>> -> memref<16384xi32, #tpu.memory_space<hbm>>
      tpu.wait_indirect_dma semaphore(%arg29 : memref<!tpu.dma_semaphore, #tpu.memory_space<semaphore_mem>>) src(%dma_wait3A_249 : memref<16384xi32, #tpu.memory_space<hbm>>) dst(%arg21 : memref<128xi32, #tpu.memory_space<vmem>>)
      %dma_start3A_250 = arith.constant 8 : i32
      %dma_start3A_251 = arith.constant 0 : i32
      %dma_start3A_252 = tpu.memref_slice %arg19[%dma_start3A_250, %dma_start3A_251] : memref<25x128xi32, #tpu.memory_space<vmem>> -> memref<1x128xi32, #tpu.memory_space<vmem>>
      %dma_start3A_253 = tpu.memref_squeeze %dma_start3A_252 : memref<1x128xi32, #tpu.memory_space<vmem>> -> memref<128xi32, #tpu.memory_space<vmem>>
      %dma_start3A_254 = arith.constant 0 : i32
      %dma_start3A_255 = tpu.memref_slice %arg12[%dma_start3A_254] : memref<100000xi32, #tpu.memory_space<hbm>> -> memref<100000xi32, #tpu.memory_space<hbm>>
      tpu.enqueue_indirect_dma source(%arg21 : memref<128xi32, #tpu.memory_space<vmem>>) target(%dma_start3A_255 : memref<100000xi32, #tpu.memory_space<hbm>>) offsets(%dma_start3A_253 : memref<128xi32, #tpu.memory_space<vmem>>) semaphore(%arg29 : memref<!tpu.dma_semaphore, #tpu.memory_space<semaphore_mem>>)
      %dma_wait3A_256 = arith.constant 8 : i32
      %dma_wait3A_257 = arith.constant 0 : i32
      %dma_wait3A_258 = tpu.memref_slice %arg19[%dma_wait3A_256, %dma_wait3A_257] : memref<25x128xi32, #tpu.memory_space<vmem>> -> memref<1x128xi32, #tpu.memory_space<vmem>>
      %dma_wait3A_259 = tpu.memref_squeeze %dma_wait3A_258 : memref<1x128xi32, #tpu.memory_space<vmem>> -> memref<128xi32, #tpu.memory_space<vmem>>
      %dma_wait3A_260 = arith.constant 0 : i32
      %dma_wait3A_261 = tpu.memref_slice %arg12[%dma_wait3A_260] : memref<100000xi32, #tpu.memory_space<hbm>> -> memref<100000xi32, #tpu.memory_space<hbm>>
      tpu.wait_indirect_dma semaphore(%arg29 : memref<!tpu.dma_semaphore, #tpu.memory_space<semaphore_mem>>) src(%arg21 : memref<128xi32, #tpu.memory_space<vmem>>) dst(%dma_wait3A_261 : memref<100000xi32, #tpu.memory_space<hbm>>)
      %dma_start3A_262 = arith.constant 8 : i32
      %dma_start3A_263 = arith.constant 0 : i32
      %dma_start3A_264 = tpu.memref_slice %arg19[%dma_start3A_262, %dma_start3A_263] : memref<25x128xi32, #tpu.memory_space<vmem>> -> memref<1x128xi32, #tpu.memory_space<vmem>>
      %dma_start3A_265 = tpu.memref_squeeze %dma_start3A_264 : memref<1x128xi32, #tpu.memory_space<vmem>> -> memref<128xi32, #tpu.memory_space<vmem>>
      %dma_start3A_266 = arith.constant 0 : i32
      %dma_start3A_267 = tpu.memref_slice %arg13[%dma_start3A_266] : memref<100000xi32, #tpu.memory_space<hbm>> -> memref<100000xi32, #tpu.memory_space<hbm>>
      tpu.enqueue_indirect_dma source(%arg22 : memref<128xi32, #tpu.memory_space<vmem>>) target(%dma_start3A_267 : memref<100000xi32, #tpu.memory_space<hbm>>) offsets(%dma_start3A_265 : memref<128xi32, #tpu.memory_space<vmem>>) semaphore(%arg29 : memref<!tpu.dma_semaphore, #tpu.memory_space<semaphore_mem>>)
      %dma_wait3A_268 = arith.constant 8 : i32
      %dma_wait3A_269 = arith.constant 0 : i32
      %dma_wait3A_270 = tpu.memref_slice %arg19[%dma_wait3A_268, %dma_wait3A_269] : memref<25x128xi32, #tpu.memory_space<vmem>> -> memref<1x128xi32, #tpu.memory_space<vmem>>
      %dma_wait3A_271 = tpu.memref_squeeze %dma_wait3A_270 : memref<1x128xi32, #tpu.memory_space<vmem>> -> memref<128xi32, #tpu.memory_space<vmem>>
      %dma_wait3A_272 = arith.constant 0 : i32
      %dma_wait3A_273 = tpu.memref_slice %arg13[%dma_wait3A_272] : memref<100000xi32, #tpu.memory_space<hbm>> -> memref<100000xi32, #tpu.memory_space<hbm>>
      tpu.wait_indirect_dma semaphore(%arg29 : memref<!tpu.dma_semaphore, #tpu.memory_space<semaphore_mem>>) src(%arg22 : memref<128xi32, #tpu.memory_space<vmem>>) dst(%dma_wait3A_273 : memref<100000xi32, #tpu.memory_space<hbm>>)
    } else {
    }
    %gt3A_132 = arith.constant 1152 : i32
    %gt3A_133 = arith.cmpi sgt, %scan3A_53, %gt3A_132 : i32
    %convert_element_type3A_134 = arith.extui %gt3A_133 : i1 to i32
    %cond3A_135 = arith.constant 0 : i32
    %cond3A_136 = arith.cmpi ne, %convert_element_type3A_134, %cond3A_135 : i32
    scf.if %cond3A_136 {
      %dma_start3A = arith.constant 9 : i32
      %dma_start3A_212 = arith.constant 0 : i32
      %dma_start3A_213 = tpu.memref_slice %arg20[%dma_start3A, %dma_start3A_212] : memref<25x128xi32, #tpu.memory_space<vmem>> -> memref<1x128xi32, #tpu.memory_space<vmem>>
      %dma_start3A_214 = tpu.memref_squeeze %dma_start3A_213 : memref<1x128xi32, #tpu.memory_space<vmem>> -> memref<128xi32, #tpu.memory_space<vmem>>
      %dma_start3A_215 = arith.constant 0 : i32
      %dma_start3A_216 = arith.constant 0 : i32
      %dma_start3A_217 = tpu.memref_slice %arg6[%dma_start3A_215, %dma_start3A_216] : memref<16384x128xf32, #tpu.memory_space<hbm>> -> memref<16384x128xf32, #tpu.memory_space<hbm>>
      tpu.enqueue_indirect_dma source(%dma_start3A_217 : memref<16384x128xf32, #tpu.memory_space<hbm>>) target(%arg26 : memref<128x128xf32, #tpu.memory_space<vmem>>) offsets(%dma_start3A_214 : memref<128xi32, #tpu.memory_space<vmem>>) semaphore(%arg29 : memref<!tpu.dma_semaphore, #tpu.memory_space<semaphore_mem>>)
      %dma_wait3A = arith.constant 9 : i32
      %dma_wait3A_218 = arith.constant 0 : i32
      %dma_wait3A_219 = tpu.memref_slice %arg20[%dma_wait3A, %dma_wait3A_218] : memref<25x128xi32, #tpu.memory_space<vmem>> -> memref<1x128xi32, #tpu.memory_space<vmem>>
      %dma_wait3A_220 = tpu.memref_squeeze %dma_wait3A_219 : memref<1x128xi32, #tpu.memory_space<vmem>> -> memref<128xi32, #tpu.memory_space<vmem>>
      %dma_wait3A_221 = arith.constant 0 : i32
      %dma_wait3A_222 = arith.constant 0 : i32
      %dma_wait3A_223 = tpu.memref_slice %arg6[%dma_wait3A_221, %dma_wait3A_222] : memref<16384x128xf32, #tpu.memory_space<hbm>> -> memref<16384x128xf32, #tpu.memory_space<hbm>>
      tpu.wait_indirect_dma semaphore(%arg29 : memref<!tpu.dma_semaphore, #tpu.memory_space<semaphore_mem>>) src(%dma_wait3A_223 : memref<16384x128xf32, #tpu.memory_space<hbm>>) dst(%arg26 : memref<128x128xf32, #tpu.memory_space<vmem>>)
      %dma_start3A_224 = arith.constant 9 : i32
      %dma_start3A_225 = arith.constant 0 : i32
      %dma_start3A_226 = tpu.memref_slice %arg19[%dma_start3A_224, %dma_start3A_225] : memref<25x128xi32, #tpu.memory_space<vmem>> -> memref<1x128xi32, #tpu.memory_space<vmem>>
      %dma_start3A_227 = tpu.memref_squeeze %dma_start3A_226 : memref<1x128xi32, #tpu.memory_space<vmem>> -> memref<128xi32, #tpu.memory_space<vmem>>
      %dma_start3A_228 = arith.constant 0 : i32
      %dma_start3A_229 = arith.constant 0 : i32
      %dma_start3A_230 = tpu.memref_slice %arg11[%dma_start3A_228, %dma_start3A_229] : memref<100000x128xf32, #tpu.memory_space<hbm>> -> memref<100000x128xf32, #tpu.memory_space<hbm>>
      tpu.enqueue_indirect_dma source(%arg26 : memref<128x128xf32, #tpu.memory_space<vmem>>) target(%dma_start3A_230 : memref<100000x128xf32, #tpu.memory_space<hbm>>) offsets(%dma_start3A_227 : memref<128xi32, #tpu.memory_space<vmem>>) semaphore(%arg29 : memref<!tpu.dma_semaphore, #tpu.memory_space<semaphore_mem>>)
      %dma_wait3A_231 = arith.constant 9 : i32
      %dma_wait3A_232 = arith.constant 0 : i32
      %dma_wait3A_233 = tpu.memref_slice %arg19[%dma_wait3A_231, %dma_wait3A_232] : memref<25x128xi32, #tpu.memory_space<vmem>> -> memref<1x128xi32, #tpu.memory_space<vmem>>
      %dma_wait3A_234 = tpu.memref_squeeze %dma_wait3A_233 : memref<1x128xi32, #tpu.memory_space<vmem>> -> memref<128xi32, #tpu.memory_space<vmem>>
      %dma_wait3A_235 = arith.constant 0 : i32
      %dma_wait3A_236 = arith.constant 0 : i32
      %dma_wait3A_237 = tpu.memref_slice %arg11[%dma_wait3A_235, %dma_wait3A_236] : memref<100000x128xf32, #tpu.memory_space<hbm>> -> memref<100000x128xf32, #tpu.memory_space<hbm>>
      tpu.wait_indirect_dma semaphore(%arg29 : memref<!tpu.dma_semaphore, #tpu.memory_space<semaphore_mem>>) src(%arg26 : memref<128x128xf32, #tpu.memory_space<vmem>>) dst(%dma_wait3A_237 : memref<100000x128xf32, #tpu.memory_space<hbm>>)
      %dma_start3A_238 = arith.constant 9 : i32
      %dma_start3A_239 = arith.constant 0 : i32
      %dma_start3A_240 = tpu.memref_slice %arg20[%dma_start3A_238, %dma_start3A_239] : memref<25x128xi32, #tpu.memory_space<vmem>> -> memref<1x128xi32, #tpu.memory_space<vmem>>
      %dma_start3A_241 = tpu.memref_squeeze %dma_start3A_240 : memref<1x128xi32, #tpu.memory_space<vmem>> -> memref<128xi32, #tpu.memory_space<vmem>>
      %dma_start3A_242 = arith.constant 0 : i32
      %dma_start3A_243 = tpu.memref_slice %arg8[%dma_start3A_242] : memref<16384xi32, #tpu.memory_space<hbm>> -> memref<16384xi32, #tpu.memory_space<hbm>>
      tpu.enqueue_indirect_dma source(%dma_start3A_243 : memref<16384xi32, #tpu.memory_space<hbm>>) target(%arg21 : memref<128xi32, #tpu.memory_space<vmem>>) offsets(%dma_start3A_241 : memref<128xi32, #tpu.memory_space<vmem>>) semaphore(%arg29 : memref<!tpu.dma_semaphore, #tpu.memory_space<semaphore_mem>>)
      %dma_wait3A_244 = arith.constant 9 : i32
      %dma_wait3A_245 = arith.constant 0 : i32
      %dma_wait3A_246 = tpu.memref_slice %arg20[%dma_wait3A_244, %dma_wait3A_245] : memref<25x128xi32, #tpu.memory_space<vmem>> -> memref<1x128xi32, #tpu.memory_space<vmem>>
      %dma_wait3A_247 = tpu.memref_squeeze %dma_wait3A_246 : memref<1x128xi32, #tpu.memory_space<vmem>> -> memref<128xi32, #tpu.memory_space<vmem>>
      %dma_wait3A_248 = arith.constant 0 : i32
      %dma_wait3A_249 = tpu.memref_slice %arg8[%dma_wait3A_248] : memref<16384xi32, #tpu.memory_space<hbm>> -> memref<16384xi32, #tpu.memory_space<hbm>>
      tpu.wait_indirect_dma semaphore(%arg29 : memref<!tpu.dma_semaphore, #tpu.memory_space<semaphore_mem>>) src(%dma_wait3A_249 : memref<16384xi32, #tpu.memory_space<hbm>>) dst(%arg21 : memref<128xi32, #tpu.memory_space<vmem>>)
      %dma_start3A_250 = arith.constant 9 : i32
      %dma_start3A_251 = arith.constant 0 : i32
      %dma_start3A_252 = tpu.memref_slice %arg19[%dma_start3A_250, %dma_start3A_251] : memref<25x128xi32, #tpu.memory_space<vmem>> -> memref<1x128xi32, #tpu.memory_space<vmem>>
      %dma_start3A_253 = tpu.memref_squeeze %dma_start3A_252 : memref<1x128xi32, #tpu.memory_space<vmem>> -> memref<128xi32, #tpu.memory_space<vmem>>
      %dma_start3A_254 = arith.constant 0 : i32
      %dma_start3A_255 = tpu.memref_slice %arg12[%dma_start3A_254] : memref<100000xi32, #tpu.memory_space<hbm>> -> memref<100000xi32, #tpu.memory_space<hbm>>
      tpu.enqueue_indirect_dma source(%arg21 : memref<128xi32, #tpu.memory_space<vmem>>) target(%dma_start3A_255 : memref<100000xi32, #tpu.memory_space<hbm>>) offsets(%dma_start3A_253 : memref<128xi32, #tpu.memory_space<vmem>>) semaphore(%arg29 : memref<!tpu.dma_semaphore, #tpu.memory_space<semaphore_mem>>)
      %dma_wait3A_256 = arith.constant 9 : i32
      %dma_wait3A_257 = arith.constant 0 : i32
      %dma_wait3A_258 = tpu.memref_slice %arg19[%dma_wait3A_256, %dma_wait3A_257] : memref<25x128xi32, #tpu.memory_space<vmem>> -> memref<1x128xi32, #tpu.memory_space<vmem>>
      %dma_wait3A_259 = tpu.memref_squeeze %dma_wait3A_258 : memref<1x128xi32, #tpu.memory_space<vmem>> -> memref<128xi32, #tpu.memory_space<vmem>>
      %dma_wait3A_260 = arith.constant 0 : i32
      %dma_wait3A_261 = tpu.memref_slice %arg12[%dma_wait3A_260] : memref<100000xi32, #tpu.memory_space<hbm>> -> memref<100000xi32, #tpu.memory_space<hbm>>
      tpu.wait_indirect_dma semaphore(%arg29 : memref<!tpu.dma_semaphore, #tpu.memory_space<semaphore_mem>>) src(%arg21 : memref<128xi32, #tpu.memory_space<vmem>>) dst(%dma_wait3A_261 : memref<100000xi32, #tpu.memory_space<hbm>>)
      %dma_start3A_262 = arith.constant 9 : i32
      %dma_start3A_263 = arith.constant 0 : i32
      %dma_start3A_264 = tpu.memref_slice %arg19[%dma_start3A_262, %dma_start3A_263] : memref<25x128xi32, #tpu.memory_space<vmem>> -> memref<1x128xi32, #tpu.memory_space<vmem>>
      %dma_start3A_265 = tpu.memref_squeeze %dma_start3A_264 : memref<1x128xi32, #tpu.memory_space<vmem>> -> memref<128xi32, #tpu.memory_space<vmem>>
      %dma_start3A_266 = arith.constant 0 : i32
      %dma_start3A_267 = tpu.memref_slice %arg13[%dma_start3A_266] : memref<100000xi32, #tpu.memory_space<hbm>> -> memref<100000xi32, #tpu.memory_space<hbm>>
      tpu.enqueue_indirect_dma source(%arg22 : memref<128xi32, #tpu.memory_space<vmem>>) target(%dma_start3A_267 : memref<100000xi32, #tpu.memory_space<hbm>>) offsets(%dma_start3A_265 : memref<128xi32, #tpu.memory_space<vmem>>) semaphore(%arg29 : memref<!tpu.dma_semaphore, #tpu.memory_space<semaphore_mem>>)
      %dma_wait3A_268 = arith.constant 9 : i32
      %dma_wait3A_269 = arith.constant 0 : i32
      %dma_wait3A_270 = tpu.memref_slice %arg19[%dma_wait3A_268, %dma_wait3A_269] : memref<25x128xi32, #tpu.memory_space<vmem>> -> memref<1x128xi32, #tpu.memory_space<vmem>>
      %dma_wait3A_271 = tpu.memref_squeeze %dma_wait3A_270 : memref<1x128xi32, #tpu.memory_space<vmem>> -> memref<128xi32, #tpu.memory_space<vmem>>
      %dma_wait3A_272 = arith.constant 0 : i32
      %dma_wait3A_273 = tpu.memref_slice %arg13[%dma_wait3A_272] : memref<100000xi32, #tpu.memory_space<hbm>> -> memref<100000xi32, #tpu.memory_space<hbm>>
      tpu.wait_indirect_dma semaphore(%arg29 : memref<!tpu.dma_semaphore, #tpu.memory_space<semaphore_mem>>) src(%arg22 : memref<128xi32, #tpu.memory_space<vmem>>) dst(%dma_wait3A_273 : memref<100000xi32, #tpu.memory_space<hbm>>)
    } else {
    }
    %gt3A_137 = arith.constant 1280 : i32
    %gt3A_138 = arith.cmpi sgt, %scan3A_53, %gt3A_137 : i32
    %convert_element_type3A_139 = arith.extui %gt3A_138 : i1 to i32
    %cond3A_140 = arith.constant 0 : i32
    %cond3A_141 = arith.cmpi ne, %convert_element_type3A_139, %cond3A_140 : i32
    scf.if %cond3A_141 {
      %dma_start3A = arith.constant 10 : i32
      %dma_start3A_212 = arith.constant 0 : i32
      %dma_start3A_213 = tpu.memref_slice %arg20[%dma_start3A, %dma_start3A_212] : memref<25x128xi32, #tpu.memory_space<vmem>> -> memref<1x128xi32, #tpu.memory_space<vmem>>
      %dma_start3A_214 = tpu.memref_squeeze %dma_start3A_213 : memref<1x128xi32, #tpu.memory_space<vmem>> -> memref<128xi32, #tpu.memory_space<vmem>>
      %dma_start3A_215 = arith.constant 0 : i32
      %dma_start3A_216 = arith.constant 0 : i32
      %dma_start3A_217 = tpu.memref_slice %arg6[%dma_start3A_215, %dma_start3A_216] : memref<16384x128xf32, #tpu.memory_space<hbm>> -> memref<16384x128xf32, #tpu.memory_space<hbm>>
      tpu.enqueue_indirect_dma source(%dma_start3A_217 : memref<16384x128xf32, #tpu.memory_space<hbm>>) target(%arg26 : memref<128x128xf32, #tpu.memory_space<vmem>>) offsets(%dma_start3A_214 : memref<128xi32, #tpu.memory_space<vmem>>) semaphore(%arg29 : memref<!tpu.dma_semaphore, #tpu.memory_space<semaphore_mem>>)
      %dma_wait3A = arith.constant 10 : i32
      %dma_wait3A_218 = arith.constant 0 : i32
      %dma_wait3A_219 = tpu.memref_slice %arg20[%dma_wait3A, %dma_wait3A_218] : memref<25x128xi32, #tpu.memory_space<vmem>> -> memref<1x128xi32, #tpu.memory_space<vmem>>
      %dma_wait3A_220 = tpu.memref_squeeze %dma_wait3A_219 : memref<1x128xi32, #tpu.memory_space<vmem>> -> memref<128xi32, #tpu.memory_space<vmem>>
      %dma_wait3A_221 = arith.constant 0 : i32
      %dma_wait3A_222 = arith.constant 0 : i32
      %dma_wait3A_223 = tpu.memref_slice %arg6[%dma_wait3A_221, %dma_wait3A_222] : memref<16384x128xf32, #tpu.memory_space<hbm>> -> memref<16384x128xf32, #tpu.memory_space<hbm>>
      tpu.wait_indirect_dma semaphore(%arg29 : memref<!tpu.dma_semaphore, #tpu.memory_space<semaphore_mem>>) src(%dma_wait3A_223 : memref<16384x128xf32, #tpu.memory_space<hbm>>) dst(%arg26 : memref<128x128xf32, #tpu.memory_space<vmem>>)
      %dma_start3A_224 = arith.constant 10 : i32
      %dma_start3A_225 = arith.constant 0 : i32
      %dma_start3A_226 = tpu.memref_slice %arg19[%dma_start3A_224, %dma_start3A_225] : memref<25x128xi32, #tpu.memory_space<vmem>> -> memref<1x128xi32, #tpu.memory_space<vmem>>
      %dma_start3A_227 = tpu.memref_squeeze %dma_start3A_226 : memref<1x128xi32, #tpu.memory_space<vmem>> -> memref<128xi32, #tpu.memory_space<vmem>>
      %dma_start3A_228 = arith.constant 0 : i32
      %dma_start3A_229 = arith.constant 0 : i32
      %dma_start3A_230 = tpu.memref_slice %arg11[%dma_start3A_228, %dma_start3A_229] : memref<100000x128xf32, #tpu.memory_space<hbm>> -> memref<100000x128xf32, #tpu.memory_space<hbm>>
      tpu.enqueue_indirect_dma source(%arg26 : memref<128x128xf32, #tpu.memory_space<vmem>>) target(%dma_start3A_230 : memref<100000x128xf32, #tpu.memory_space<hbm>>) offsets(%dma_start3A_227 : memref<128xi32, #tpu.memory_space<vmem>>) semaphore(%arg29 : memref<!tpu.dma_semaphore, #tpu.memory_space<semaphore_mem>>)
      %dma_wait3A_231 = arith.constant 10 : i32
      %dma_wait3A_232 = arith.constant 0 : i32
      %dma_wait3A_233 = tpu.memref_slice %arg19[%dma_wait3A_231, %dma_wait3A_232] : memref<25x128xi32, #tpu.memory_space<vmem>> -> memref<1x128xi32, #tpu.memory_space<vmem>>
      %dma_wait3A_234 = tpu.memref_squeeze %dma_wait3A_233 : memref<1x128xi32, #tpu.memory_space<vmem>> -> memref<128xi32, #tpu.memory_space<vmem>>
      %dma_wait3A_235 = arith.constant 0 : i32
      %dma_wait3A_236 = arith.constant 0 : i32
      %dma_wait3A_237 = tpu.memref_slice %arg11[%dma_wait3A_235, %dma_wait3A_236] : memref<100000x128xf32, #tpu.memory_space<hbm>> -> memref<100000x128xf32, #tpu.memory_space<hbm>>
      tpu.wait_indirect_dma semaphore(%arg29 : memref<!tpu.dma_semaphore, #tpu.memory_space<semaphore_mem>>) src(%arg26 : memref<128x128xf32, #tpu.memory_space<vmem>>) dst(%dma_wait3A_237 : memref<100000x128xf32, #tpu.memory_space<hbm>>)
      %dma_start3A_238 = arith.constant 10 : i32
      %dma_start3A_239 = arith.constant 0 : i32
      %dma_start3A_240 = tpu.memref_slice %arg20[%dma_start3A_238, %dma_start3A_239] : memref<25x128xi32, #tpu.memory_space<vmem>> -> memref<1x128xi32, #tpu.memory_space<vmem>>
      %dma_start3A_241 = tpu.memref_squeeze %dma_start3A_240 : memref<1x128xi32, #tpu.memory_space<vmem>> -> memref<128xi32, #tpu.memory_space<vmem>>
      %dma_start3A_242 = arith.constant 0 : i32
      %dma_start3A_243 = tpu.memref_slice %arg8[%dma_start3A_242] : memref<16384xi32, #tpu.memory_space<hbm>> -> memref<16384xi32, #tpu.memory_space<hbm>>
      tpu.enqueue_indirect_dma source(%dma_start3A_243 : memref<16384xi32, #tpu.memory_space<hbm>>) target(%arg21 : memref<128xi32, #tpu.memory_space<vmem>>) offsets(%dma_start3A_241 : memref<128xi32, #tpu.memory_space<vmem>>) semaphore(%arg29 : memref<!tpu.dma_semaphore, #tpu.memory_space<semaphore_mem>>)
      %dma_wait3A_244 = arith.constant 10 : i32
      %dma_wait3A_245 = arith.constant 0 : i32
      %dma_wait3A_246 = tpu.memref_slice %arg20[%dma_wait3A_244, %dma_wait3A_245] : memref<25x128xi32, #tpu.memory_space<vmem>> -> memref<1x128xi32, #tpu.memory_space<vmem>>
      %dma_wait3A_247 = tpu.memref_squeeze %dma_wait3A_246 : memref<1x128xi32, #tpu.memory_space<vmem>> -> memref<128xi32, #tpu.memory_space<vmem>>
      %dma_wait3A_248 = arith.constant 0 : i32
      %dma_wait3A_249 = tpu.memref_slice %arg8[%dma_wait3A_248] : memref<16384xi32, #tpu.memory_space<hbm>> -> memref<16384xi32, #tpu.memory_space<hbm>>
      tpu.wait_indirect_dma semaphore(%arg29 : memref<!tpu.dma_semaphore, #tpu.memory_space<semaphore_mem>>) src(%dma_wait3A_249 : memref<16384xi32, #tpu.memory_space<hbm>>) dst(%arg21 : memref<128xi32, #tpu.memory_space<vmem>>)
      %dma_start3A_250 = arith.constant 10 : i32
      %dma_start3A_251 = arith.constant 0 : i32
      %dma_start3A_252 = tpu.memref_slice %arg19[%dma_start3A_250, %dma_start3A_251] : memref<25x128xi32, #tpu.memory_space<vmem>> -> memref<1x128xi32, #tpu.memory_space<vmem>>
      %dma_start3A_253 = tpu.memref_squeeze %dma_start3A_252 : memref<1x128xi32, #tpu.memory_space<vmem>> -> memref<128xi32, #tpu.memory_space<vmem>>
      %dma_start3A_254 = arith.constant 0 : i32
      %dma_start3A_255 = tpu.memref_slice %arg12[%dma_start3A_254] : memref<100000xi32, #tpu.memory_space<hbm>> -> memref<100000xi32, #tpu.memory_space<hbm>>
      tpu.enqueue_indirect_dma source(%arg21 : memref<128xi32, #tpu.memory_space<vmem>>) target(%dma_start3A_255 : memref<100000xi32, #tpu.memory_space<hbm>>) offsets(%dma_start3A_253 : memref<128xi32, #tpu.memory_space<vmem>>) semaphore(%arg29 : memref<!tpu.dma_semaphore, #tpu.memory_space<semaphore_mem>>)
      %dma_wait3A_256 = arith.constant 10 : i32
      %dma_wait3A_257 = arith.constant 0 : i32
      %dma_wait3A_258 = tpu.memref_slice %arg19[%dma_wait3A_256, %dma_wait3A_257] : memref<25x128xi32, #tpu.memory_space<vmem>> -> memref<1x128xi32, #tpu.memory_space<vmem>>
      %dma_wait3A_259 = tpu.memref_squeeze %dma_wait3A_258 : memref<1x128xi32, #tpu.memory_space<vmem>> -> memref<128xi32, #tpu.memory_space<vmem>>
      %dma_wait3A_260 = arith.constant 0 : i32
      %dma_wait3A_261 = tpu.memref_slice %arg12[%dma_wait3A_260] : memref<100000xi32, #tpu.memory_space<hbm>> -> memref<100000xi32, #tpu.memory_space<hbm>>
      tpu.wait_indirect_dma semaphore(%arg29 : memref<!tpu.dma_semaphore, #tpu.memory_space<semaphore_mem>>) src(%arg21 : memref<128xi32, #tpu.memory_space<vmem>>) dst(%dma_wait3A_261 : memref<100000xi32, #tpu.memory_space<hbm>>)
      %dma_start3A_262 = arith.constant 10 : i32
      %dma_start3A_263 = arith.constant 0 : i32
      %dma_start3A_264 = tpu.memref_slice %arg19[%dma_start3A_262, %dma_start3A_263] : memref<25x128xi32, #tpu.memory_space<vmem>> -> memref<1x128xi32, #tpu.memory_space<vmem>>
      %dma_start3A_265 = tpu.memref_squeeze %dma_start3A_264 : memref<1x128xi32, #tpu.memory_space<vmem>> -> memref<128xi32, #tpu.memory_space<vmem>>
      %dma_start3A_266 = arith.constant 0 : i32
      %dma_start3A_267 = tpu.memref_slice %arg13[%dma_start3A_266] : memref<100000xi32, #tpu.memory_space<hbm>> -> memref<100000xi32, #tpu.memory_space<hbm>>
      tpu.enqueue_indirect_dma source(%arg22 : memref<128xi32, #tpu.memory_space<vmem>>) target(%dma_start3A_267 : memref<100000xi32, #tpu.memory_space<hbm>>) offsets(%dma_start3A_265 : memref<128xi32, #tpu.memory_space<vmem>>) semaphore(%arg29 : memref<!tpu.dma_semaphore, #tpu.memory_space<semaphore_mem>>)
      %dma_wait3A_268 = arith.constant 10 : i32
      %dma_wait3A_269 = arith.constant 0 : i32
      %dma_wait3A_270 = tpu.memref_slice %arg19[%dma_wait3A_268, %dma_wait3A_269] : memref<25x128xi32, #tpu.memory_space<vmem>> -> memref<1x128xi32, #tpu.memory_space<vmem>>
      %dma_wait3A_271 = tpu.memref_squeeze %dma_wait3A_270 : memref<1x128xi32, #tpu.memory_space<vmem>> -> memref<128xi32, #tpu.memory_space<vmem>>
      %dma_wait3A_272 = arith.constant 0 : i32
      %dma_wait3A_273 = tpu.memref_slice %arg13[%dma_wait3A_272] : memref<100000xi32, #tpu.memory_space<hbm>> -> memref<100000xi32, #tpu.memory_space<hbm>>
      tpu.wait_indirect_dma semaphore(%arg29 : memref<!tpu.dma_semaphore, #tpu.memory_space<semaphore_mem>>) src(%arg22 : memref<128xi32, #tpu.memory_space<vmem>>) dst(%dma_wait3A_273 : memref<100000xi32, #tpu.memory_space<hbm>>)
    } else {
    }
    %gt3A_142 = arith.constant 1408 : i32
    %gt3A_143 = arith.cmpi sgt, %scan3A_53, %gt3A_142 : i32
    %convert_element_type3A_144 = arith.extui %gt3A_143 : i1 to i32
    %cond3A_145 = arith.constant 0 : i32
    %cond3A_146 = arith.cmpi ne, %convert_element_type3A_144, %cond3A_145 : i32
    scf.if %cond3A_146 {
      %dma_start3A = arith.constant 11 : i32
      %dma_start3A_212 = arith.constant 0 : i32
      %dma_start3A_213 = tpu.memref_slice %arg20[%dma_start3A, %dma_start3A_212] : memref<25x128xi32, #tpu.memory_space<vmem>> -> memref<1x128xi32, #tpu.memory_space<vmem>>
      %dma_start3A_214 = tpu.memref_squeeze %dma_start3A_213 : memref<1x128xi32, #tpu.memory_space<vmem>> -> memref<128xi32, #tpu.memory_space<vmem>>
      %dma_start3A_215 = arith.constant 0 : i32
      %dma_start3A_216 = arith.constant 0 : i32
      %dma_start3A_217 = tpu.memref_slice %arg6[%dma_start3A_215, %dma_start3A_216] : memref<16384x128xf32, #tpu.memory_space<hbm>> -> memref<16384x128xf32, #tpu.memory_space<hbm>>
      tpu.enqueue_indirect_dma source(%dma_start3A_217 : memref<16384x128xf32, #tpu.memory_space<hbm>>) target(%arg26 : memref<128x128xf32, #tpu.memory_space<vmem>>) offsets(%dma_start3A_214 : memref<128xi32, #tpu.memory_space<vmem>>) semaphore(%arg29 : memref<!tpu.dma_semaphore, #tpu.memory_space<semaphore_mem>>)
      %dma_wait3A = arith.constant 11 : i32
      %dma_wait3A_218 = arith.constant 0 : i32
      %dma_wait3A_219 = tpu.memref_slice %arg20[%dma_wait3A, %dma_wait3A_218] : memref<25x128xi32, #tpu.memory_space<vmem>> -> memref<1x128xi32, #tpu.memory_space<vmem>>
      %dma_wait3A_220 = tpu.memref_squeeze %dma_wait3A_219 : memref<1x128xi32, #tpu.memory_space<vmem>> -> memref<128xi32, #tpu.memory_space<vmem>>
      %dma_wait3A_221 = arith.constant 0 : i32
      %dma_wait3A_222 = arith.constant 0 : i32
      %dma_wait3A_223 = tpu.memref_slice %arg6[%dma_wait3A_221, %dma_wait3A_222] : memref<16384x128xf32, #tpu.memory_space<hbm>> -> memref<16384x128xf32, #tpu.memory_space<hbm>>
      tpu.wait_indirect_dma semaphore(%arg29 : memref<!tpu.dma_semaphore, #tpu.memory_space<semaphore_mem>>) src(%dma_wait3A_223 : memref<16384x128xf32, #tpu.memory_space<hbm>>) dst(%arg26 : memref<128x128xf32, #tpu.memory_space<vmem>>)
      %dma_start3A_224 = arith.constant 11 : i32
      %dma_start3A_225 = arith.constant 0 : i32
      %dma_start3A_226 = tpu.memref_slice %arg19[%dma_start3A_224, %dma_start3A_225] : memref<25x128xi32, #tpu.memory_space<vmem>> -> memref<1x128xi32, #tpu.memory_space<vmem>>
      %dma_start3A_227 = tpu.memref_squeeze %dma_start3A_226 : memref<1x128xi32, #tpu.memory_space<vmem>> -> memref<128xi32, #tpu.memory_space<vmem>>
      %dma_start3A_228 = arith.constant 0 : i32
      %dma_start3A_229 = arith.constant 0 : i32
      %dma_start3A_230 = tpu.memref_slice %arg11[%dma_start3A_228, %dma_start3A_229] : memref<100000x128xf32, #tpu.memory_space<hbm>> -> memref<100000x128xf32, #tpu.memory_space<hbm>>
      tpu.enqueue_indirect_dma source(%arg26 : memref<128x128xf32, #tpu.memory_space<vmem>>) target(%dma_start3A_230 : memref<100000x128xf32, #tpu.memory_space<hbm>>) offsets(%dma_start3A_227 : memref<128xi32, #tpu.memory_space<vmem>>) semaphore(%arg29 : memref<!tpu.dma_semaphore, #tpu.memory_space<semaphore_mem>>)
      %dma_wait3A_231 = arith.constant 11 : i32
      %dma_wait3A_232 = arith.constant 0 : i32
      %dma_wait3A_233 = tpu.memref_slice %arg19[%dma_wait3A_231, %dma_wait3A_232] : memref<25x128xi32, #tpu.memory_space<vmem>> -> memref<1x128xi32, #tpu.memory_space<vmem>>
      %dma_wait3A_234 = tpu.memref_squeeze %dma_wait3A_233 : memref<1x128xi32, #tpu.memory_space<vmem>> -> memref<128xi32, #tpu.memory_space<vmem>>
      %dma_wait3A_235 = arith.constant 0 : i32
      %dma_wait3A_236 = arith.constant 0 : i32
      %dma_wait3A_237 = tpu.memref_slice %arg11[%dma_wait3A_235, %dma_wait3A_236] : memref<100000x128xf32, #tpu.memory_space<hbm>> -> memref<100000x128xf32, #tpu.memory_space<hbm>>
      tpu.wait_indirect_dma semaphore(%arg29 : memref<!tpu.dma_semaphore, #tpu.memory_space<semaphore_mem>>) src(%arg26 : memref<128x128xf32, #tpu.memory_space<vmem>>) dst(%dma_wait3A_237 : memref<100000x128xf32, #tpu.memory_space<hbm>>)
      %dma_start3A_238 = arith.constant 11 : i32
      %dma_start3A_239 = arith.constant 0 : i32
      %dma_start3A_240 = tpu.memref_slice %arg20[%dma_start3A_238, %dma_start3A_239] : memref<25x128xi32, #tpu.memory_space<vmem>> -> memref<1x128xi32, #tpu.memory_space<vmem>>
      %dma_start3A_241 = tpu.memref_squeeze %dma_start3A_240 : memref<1x128xi32, #tpu.memory_space<vmem>> -> memref<128xi32, #tpu.memory_space<vmem>>
      %dma_start3A_242 = arith.constant 0 : i32
      %dma_start3A_243 = tpu.memref_slice %arg8[%dma_start3A_242] : memref<16384xi32, #tpu.memory_space<hbm>> -> memref<16384xi32, #tpu.memory_space<hbm>>
      tpu.enqueue_indirect_dma source(%dma_start3A_243 : memref<16384xi32, #tpu.memory_space<hbm>>) target(%arg21 : memref<128xi32, #tpu.memory_space<vmem>>) offsets(%dma_start3A_241 : memref<128xi32, #tpu.memory_space<vmem>>) semaphore(%arg29 : memref<!tpu.dma_semaphore, #tpu.memory_space<semaphore_mem>>)
      %dma_wait3A_244 = arith.constant 11 : i32
      %dma_wait3A_245 = arith.constant 0 : i32
      %dma_wait3A_246 = tpu.memref_slice %arg20[%dma_wait3A_244, %dma_wait3A_245] : memref<25x128xi32, #tpu.memory_space<vmem>> -> memref<1x128xi32, #tpu.memory_space<vmem>>
      %dma_wait3A_247 = tpu.memref_squeeze %dma_wait3A_246 : memref<1x128xi32, #tpu.memory_space<vmem>> -> memref<128xi32, #tpu.memory_space<vmem>>
      %dma_wait3A_248 = arith.constant 0 : i32
      %dma_wait3A_249 = tpu.memref_slice %arg8[%dma_wait3A_248] : memref<16384xi32, #tpu.memory_space<hbm>> -> memref<16384xi32, #tpu.memory_space<hbm>>
      tpu.wait_indirect_dma semaphore(%arg29 : memref<!tpu.dma_semaphore, #tpu.memory_space<semaphore_mem>>) src(%dma_wait3A_249 : memref<16384xi32, #tpu.memory_space<hbm>>) dst(%arg21 : memref<128xi32, #tpu.memory_space<vmem>>)
      %dma_start3A_250 = arith.constant 11 : i32
      %dma_start3A_251 = arith.constant 0 : i32
      %dma_start3A_252 = tpu.memref_slice %arg19[%dma_start3A_250, %dma_start3A_251] : memref<25x128xi32, #tpu.memory_space<vmem>> -> memref<1x128xi32, #tpu.memory_space<vmem>>
      %dma_start3A_253 = tpu.memref_squeeze %dma_start3A_252 : memref<1x128xi32, #tpu.memory_space<vmem>> -> memref<128xi32, #tpu.memory_space<vmem>>
      %dma_start3A_254 = arith.constant 0 : i32
      %dma_start3A_255 = tpu.memref_slice %arg12[%dma_start3A_254] : memref<100000xi32, #tpu.memory_space<hbm>> -> memref<100000xi32, #tpu.memory_space<hbm>>
      tpu.enqueue_indirect_dma source(%arg21 : memref<128xi32, #tpu.memory_space<vmem>>) target(%dma_start3A_255 : memref<100000xi32, #tpu.memory_space<hbm>>) offsets(%dma_start3A_253 : memref<128xi32, #tpu.memory_space<vmem>>) semaphore(%arg29 : memref<!tpu.dma_semaphore, #tpu.memory_space<semaphore_mem>>)
      %dma_wait3A_256 = arith.constant 11 : i32
      %dma_wait3A_257 = arith.constant 0 : i32
      %dma_wait3A_258 = tpu.memref_slice %arg19[%dma_wait3A_256, %dma_wait3A_257] : memref<25x128xi32, #tpu.memory_space<vmem>> -> memref<1x128xi32, #tpu.memory_space<vmem>>
      %dma_wait3A_259 = tpu.memref_squeeze %dma_wait3A_258 : memref<1x128xi32, #tpu.memory_space<vmem>> -> memref<128xi32, #tpu.memory_space<vmem>>
      %dma_wait3A_260 = arith.constant 0 : i32
      %dma_wait3A_261 = tpu.memref_slice %arg12[%dma_wait3A_260] : memref<100000xi32, #tpu.memory_space<hbm>> -> memref<100000xi32, #tpu.memory_space<hbm>>
      tpu.wait_indirect_dma semaphore(%arg29 : memref<!tpu.dma_semaphore, #tpu.memory_space<semaphore_mem>>) src(%arg21 : memref<128xi32, #tpu.memory_space<vmem>>) dst(%dma_wait3A_261 : memref<100000xi32, #tpu.memory_space<hbm>>)
      %dma_start3A_262 = arith.constant 11 : i32
      %dma_start3A_263 = arith.constant 0 : i32
      %dma_start3A_264 = tpu.memref_slice %arg19[%dma_start3A_262, %dma_start3A_263] : memref<25x128xi32, #tpu.memory_space<vmem>> -> memref<1x128xi32, #tpu.memory_space<vmem>>
      %dma_start3A_265 = tpu.memref_squeeze %dma_start3A_264 : memref<1x128xi32, #tpu.memory_space<vmem>> -> memref<128xi32, #tpu.memory_space<vmem>>
      %dma_start3A_266 = arith.constant 0 : i32
      %dma_start3A_267 = tpu.memref_slice %arg13[%dma_start3A_266] : memref<100000xi32, #tpu.memory_space<hbm>> -> memref<100000xi32, #tpu.memory_space<hbm>>
      tpu.enqueue_indirect_dma source(%arg22 : memref<128xi32, #tpu.memory_space<vmem>>) target(%dma_start3A_267 : memref<100000xi32, #tpu.memory_space<hbm>>) offsets(%dma_start3A_265 : memref<128xi32, #tpu.memory_space<vmem>>) semaphore(%arg29 : memref<!tpu.dma_semaphore, #tpu.memory_space<semaphore_mem>>)
      %dma_wait3A_268 = arith.constant 11 : i32
      %dma_wait3A_269 = arith.constant 0 : i32
      %dma_wait3A_270 = tpu.memref_slice %arg19[%dma_wait3A_268, %dma_wait3A_269] : memref<25x128xi32, #tpu.memory_space<vmem>> -> memref<1x128xi32, #tpu.memory_space<vmem>>
      %dma_wait3A_271 = tpu.memref_squeeze %dma_wait3A_270 : memref<1x128xi32, #tpu.memory_space<vmem>> -> memref<128xi32, #tpu.memory_space<vmem>>
      %dma_wait3A_272 = arith.constant 0 : i32
      %dma_wait3A_273 = tpu.memref_slice %arg13[%dma_wait3A_272] : memref<100000xi32, #tpu.memory_space<hbm>> -> memref<100000xi32, #tpu.memory_space<hbm>>
      tpu.wait_indirect_dma semaphore(%arg29 : memref<!tpu.dma_semaphore, #tpu.memory_space<semaphore_mem>>) src(%arg22 : memref<128xi32, #tpu.memory_space<vmem>>) dst(%dma_wait3A_273 : memref<100000xi32, #tpu.memory_space<hbm>>)
    } else {
    }
    %gt3A_147 = arith.constant 1536 : i32
    %gt3A_148 = arith.cmpi sgt, %scan3A_53, %gt3A_147 : i32
    %convert_element_type3A_149 = arith.extui %gt3A_148 : i1 to i32
    %cond3A_150 = arith.constant 0 : i32
    %cond3A_151 = arith.cmpi ne, %convert_element_type3A_149, %cond3A_150 : i32
    scf.if %cond3A_151 {
      %dma_start3A = arith.constant 12 : i32
      %dma_start3A_212 = arith.constant 0 : i32
      %dma_start3A_213 = tpu.memref_slice %arg20[%dma_start3A, %dma_start3A_212] : memref<25x128xi32, #tpu.memory_space<vmem>> -> memref<1x128xi32, #tpu.memory_space<vmem>>
      %dma_start3A_214 = tpu.memref_squeeze %dma_start3A_213 : memref<1x128xi32, #tpu.memory_space<vmem>> -> memref<128xi32, #tpu.memory_space<vmem>>
      %dma_start3A_215 = arith.constant 0 : i32
      %dma_start3A_216 = arith.constant 0 : i32
      %dma_start3A_217 = tpu.memref_slice %arg6[%dma_start3A_215, %dma_start3A_216] : memref<16384x128xf32, #tpu.memory_space<hbm>> -> memref<16384x128xf32, #tpu.memory_space<hbm>>
      tpu.enqueue_indirect_dma source(%dma_start3A_217 : memref<16384x128xf32, #tpu.memory_space<hbm>>) target(%arg26 : memref<128x128xf32, #tpu.memory_space<vmem>>) offsets(%dma_start3A_214 : memref<128xi32, #tpu.memory_space<vmem>>) semaphore(%arg29 : memref<!tpu.dma_semaphore, #tpu.memory_space<semaphore_mem>>)
      %dma_wait3A = arith.constant 12 : i32
      %dma_wait3A_218 = arith.constant 0 : i32
      %dma_wait3A_219 = tpu.memref_slice %arg20[%dma_wait3A, %dma_wait3A_218] : memref<25x128xi32, #tpu.memory_space<vmem>> -> memref<1x128xi32, #tpu.memory_space<vmem>>
      %dma_wait3A_220 = tpu.memref_squeeze %dma_wait3A_219 : memref<1x128xi32, #tpu.memory_space<vmem>> -> memref<128xi32, #tpu.memory_space<vmem>>
      %dma_wait3A_221 = arith.constant 0 : i32
      %dma_wait3A_222 = arith.constant 0 : i32
      %dma_wait3A_223 = tpu.memref_slice %arg6[%dma_wait3A_221, %dma_wait3A_222] : memref<16384x128xf32, #tpu.memory_space<hbm>> -> memref<16384x128xf32, #tpu.memory_space<hbm>>
      tpu.wait_indirect_dma semaphore(%arg29 : memref<!tpu.dma_semaphore, #tpu.memory_space<semaphore_mem>>) src(%dma_wait3A_223 : memref<16384x128xf32, #tpu.memory_space<hbm>>) dst(%arg26 : memref<128x128xf32, #tpu.memory_space<vmem>>)
      %dma_start3A_224 = arith.constant 12 : i32
      %dma_start3A_225 = arith.constant 0 : i32
      %dma_start3A_226 = tpu.memref_slice %arg19[%dma_start3A_224, %dma_start3A_225] : memref<25x128xi32, #tpu.memory_space<vmem>> -> memref<1x128xi32, #tpu.memory_space<vmem>>
      %dma_start3A_227 = tpu.memref_squeeze %dma_start3A_226 : memref<1x128xi32, #tpu.memory_space<vmem>> -> memref<128xi32, #tpu.memory_space<vmem>>
      %dma_start3A_228 = arith.constant 0 : i32
      %dma_start3A_229 = arith.constant 0 : i32
      %dma_start3A_230 = tpu.memref_slice %arg11[%dma_start3A_228, %dma_start3A_229] : memref<100000x128xf32, #tpu.memory_space<hbm>> -> memref<100000x128xf32, #tpu.memory_space<hbm>>
      tpu.enqueue_indirect_dma source(%arg26 : memref<128x128xf32, #tpu.memory_space<vmem>>) target(%dma_start3A_230 : memref<100000x128xf32, #tpu.memory_space<hbm>>) offsets(%dma_start3A_227 : memref<128xi32, #tpu.memory_space<vmem>>) semaphore(%arg29 : memref<!tpu.dma_semaphore, #tpu.memory_space<semaphore_mem>>)
      %dma_wait3A_231 = arith.constant 12 : i32
      %dma_wait3A_232 = arith.constant 0 : i32
      %dma_wait3A_233 = tpu.memref_slice %arg19[%dma_wait3A_231, %dma_wait3A_232] : memref<25x128xi32, #tpu.memory_space<vmem>> -> memref<1x128xi32, #tpu.memory_space<vmem>>
      %dma_wait3A_234 = tpu.memref_squeeze %dma_wait3A_233 : memref<1x128xi32, #tpu.memory_space<vmem>> -> memref<128xi32, #tpu.memory_space<vmem>>
      %dma_wait3A_235 = arith.constant 0 : i32
      %dma_wait3A_236 = arith.constant 0 : i32
      %dma_wait3A_237 = tpu.memref_slice %arg11[%dma_wait3A_235, %dma_wait3A_236] : memref<100000x128xf32, #tpu.memory_space<hbm>> -> memref<100000x128xf32, #tpu.memory_space<hbm>>
      tpu.wait_indirect_dma semaphore(%arg29 : memref<!tpu.dma_semaphore, #tpu.memory_space<semaphore_mem>>) src(%arg26 : memref<128x128xf32, #tpu.memory_space<vmem>>) dst(%dma_wait3A_237 : memref<100000x128xf32, #tpu.memory_space<hbm>>)
      %dma_start3A_238 = arith.constant 12 : i32
      %dma_start3A_239 = arith.constant 0 : i32
      %dma_start3A_240 = tpu.memref_slice %arg20[%dma_start3A_238, %dma_start3A_239] : memref<25x128xi32, #tpu.memory_space<vmem>> -> memref<1x128xi32, #tpu.memory_space<vmem>>
      %dma_start3A_241 = tpu.memref_squeeze %dma_start3A_240 : memref<1x128xi32, #tpu.memory_space<vmem>> -> memref<128xi32, #tpu.memory_space<vmem>>
      %dma_start3A_242 = arith.constant 0 : i32
      %dma_start3A_243 = tpu.memref_slice %arg8[%dma_start3A_242] : memref<16384xi32, #tpu.memory_space<hbm>> -> memref<16384xi32, #tpu.memory_space<hbm>>
      tpu.enqueue_indirect_dma source(%dma_start3A_243 : memref<16384xi32, #tpu.memory_space<hbm>>) target(%arg21 : memref<128xi32, #tpu.memory_space<vmem>>) offsets(%dma_start3A_241 : memref<128xi32, #tpu.memory_space<vmem>>) semaphore(%arg29 : memref<!tpu.dma_semaphore, #tpu.memory_space<semaphore_mem>>)
      %dma_wait3A_244 = arith.constant 12 : i32
      %dma_wait3A_245 = arith.constant 0 : i32
      %dma_wait3A_246 = tpu.memref_slice %arg20[%dma_wait3A_244, %dma_wait3A_245] : memref<25x128xi32, #tpu.memory_space<vmem>> -> memref<1x128xi32, #tpu.memory_space<vmem>>
      %dma_wait3A_247 = tpu.memref_squeeze %dma_wait3A_246 : memref<1x128xi32, #tpu.memory_space<vmem>> -> memref<128xi32, #tpu.memory_space<vmem>>
      %dma_wait3A_248 = arith.constant 0 : i32
      %dma_wait3A_249 = tpu.memref_slice %arg8[%dma_wait3A_248] : memref<16384xi32, #tpu.memory_space<hbm>> -> memref<16384xi32, #tpu.memory_space<hbm>>
      tpu.wait_indirect_dma semaphore(%arg29 : memref<!tpu.dma_semaphore, #tpu.memory_space<semaphore_mem>>) src(%dma_wait3A_249 : memref<16384xi32, #tpu.memory_space<hbm>>) dst(%arg21 : memref<128xi32, #tpu.memory_space<vmem>>)
      %dma_start3A_250 = arith.constant 12 : i32
      %dma_start3A_251 = arith.constant 0 : i32
      %dma_start3A_252 = tpu.memref_slice %arg19[%dma_start3A_250, %dma_start3A_251] : memref<25x128xi32, #tpu.memory_space<vmem>> -> memref<1x128xi32, #tpu.memory_space<vmem>>
      %dma_start3A_253 = tpu.memref_squeeze %dma_start3A_252 : memref<1x128xi32, #tpu.memory_space<vmem>> -> memref<128xi32, #tpu.memory_space<vmem>>
      %dma_start3A_254 = arith.constant 0 : i32
      %dma_start3A_255 = tpu.memref_slice %arg12[%dma_start3A_254] : memref<100000xi32, #tpu.memory_space<hbm>> -> memref<100000xi32, #tpu.memory_space<hbm>>
      tpu.enqueue_indirect_dma source(%arg21 : memref<128xi32, #tpu.memory_space<vmem>>) target(%dma_start3A_255 : memref<100000xi32, #tpu.memory_space<hbm>>) offsets(%dma_start3A_253 : memref<128xi32, #tpu.memory_space<vmem>>) semaphore(%arg29 : memref<!tpu.dma_semaphore, #tpu.memory_space<semaphore_mem>>)
      %dma_wait3A_256 = arith.constant 12 : i32
      %dma_wait3A_257 = arith.constant 0 : i32
      %dma_wait3A_258 = tpu.memref_slice %arg19[%dma_wait3A_256, %dma_wait3A_257] : memref<25x128xi32, #tpu.memory_space<vmem>> -> memref<1x128xi32, #tpu.memory_space<vmem>>
      %dma_wait3A_259 = tpu.memref_squeeze %dma_wait3A_258 : memref<1x128xi32, #tpu.memory_space<vmem>> -> memref<128xi32, #tpu.memory_space<vmem>>
      %dma_wait3A_260 = arith.constant 0 : i32
      %dma_wait3A_261 = tpu.memref_slice %arg12[%dma_wait3A_260] : memref<100000xi32, #tpu.memory_space<hbm>> -> memref<100000xi32, #tpu.memory_space<hbm>>
      tpu.wait_indirect_dma semaphore(%arg29 : memref<!tpu.dma_semaphore, #tpu.memory_space<semaphore_mem>>) src(%arg21 : memref<128xi32, #tpu.memory_space<vmem>>) dst(%dma_wait3A_261 : memref<100000xi32, #tpu.memory_space<hbm>>)
      %dma_start3A_262 = arith.constant 12 : i32
      %dma_start3A_263 = arith.constant 0 : i32
      %dma_start3A_264 = tpu.memref_slice %arg19[%dma_start3A_262, %dma_start3A_263] : memref<25x128xi32, #tpu.memory_space<vmem>> -> memref<1x128xi32, #tpu.memory_space<vmem>>
      %dma_start3A_265 = tpu.memref_squeeze %dma_start3A_264 : memref<1x128xi32, #tpu.memory_space<vmem>> -> memref<128xi32, #tpu.memory_space<vmem>>
      %dma_start3A_266 = arith.constant 0 : i32
      %dma_start3A_267 = tpu.memref_slice %arg13[%dma_start3A_266] : memref<100000xi32, #tpu.memory_space<hbm>> -> memref<100000xi32, #tpu.memory_space<hbm>>
      tpu.enqueue_indirect_dma source(%arg22 : memref<128xi32, #tpu.memory_space<vmem>>) target(%dma_start3A_267 : memref<100000xi32, #tpu.memory_space<hbm>>) offsets(%dma_start3A_265 : memref<128xi32, #tpu.memory_space<vmem>>) semaphore(%arg29 : memref<!tpu.dma_semaphore, #tpu.memory_space<semaphore_mem>>)
      %dma_wait3A_268 = arith.constant 12 : i32
      %dma_wait3A_269 = arith.constant 0 : i32
      %dma_wait3A_270 = tpu.memref_slice %arg19[%dma_wait3A_268, %dma_wait3A_269] : memref<25x128xi32, #tpu.memory_space<vmem>> -> memref<1x128xi32, #tpu.memory_space<vmem>>
      %dma_wait3A_271 = tpu.memref_squeeze %dma_wait3A_270 : memref<1x128xi32, #tpu.memory_space<vmem>> -> memref<128xi32, #tpu.memory_space<vmem>>
      %dma_wait3A_272 = arith.constant 0 : i32
      %dma_wait3A_273 = tpu.memref_slice %arg13[%dma_wait3A_272] : memref<100000xi32, #tpu.memory_space<hbm>> -> memref<100000xi32, #tpu.memory_space<hbm>>
      tpu.wait_indirect_dma semaphore(%arg29 : memref<!tpu.dma_semaphore, #tpu.memory_space<semaphore_mem>>) src(%arg22 : memref<128xi32, #tpu.memory_space<vmem>>) dst(%dma_wait3A_273 : memref<100000xi32, #tpu.memory_space<hbm>>)
    } else {
    }
    %gt3A_152 = arith.constant 1664 : i32
    %gt3A_153 = arith.cmpi sgt, %scan3A_53, %gt3A_152 : i32
    %convert_element_type3A_154 = arith.extui %gt3A_153 : i1 to i32
    %cond3A_155 = arith.constant 0 : i32
    %cond3A_156 = arith.cmpi ne, %convert_element_type3A_154, %cond3A_155 : i32
    scf.if %cond3A_156 {
      %dma_start3A = arith.constant 13 : i32
      %dma_start3A_212 = arith.constant 0 : i32
      %dma_start3A_213 = tpu.memref_slice %arg20[%dma_start3A, %dma_start3A_212] : memref<25x128xi32, #tpu.memory_space<vmem>> -> memref<1x128xi32, #tpu.memory_space<vmem>>
      %dma_start3A_214 = tpu.memref_squeeze %dma_start3A_213 : memref<1x128xi32, #tpu.memory_space<vmem>> -> memref<128xi32, #tpu.memory_space<vmem>>
      %dma_start3A_215 = arith.constant 0 : i32
      %dma_start3A_216 = arith.constant 0 : i32
      %dma_start3A_217 = tpu.memref_slice %arg6[%dma_start3A_215, %dma_start3A_216] : memref<16384x128xf32, #tpu.memory_space<hbm>> -> memref<16384x128xf32, #tpu.memory_space<hbm>>
      tpu.enqueue_indirect_dma source(%dma_start3A_217 : memref<16384x128xf32, #tpu.memory_space<hbm>>) target(%arg26 : memref<128x128xf32, #tpu.memory_space<vmem>>) offsets(%dma_start3A_214 : memref<128xi32, #tpu.memory_space<vmem>>) semaphore(%arg29 : memref<!tpu.dma_semaphore, #tpu.memory_space<semaphore_mem>>)
      %dma_wait3A = arith.constant 13 : i32
      %dma_wait3A_218 = arith.constant 0 : i32
      %dma_wait3A_219 = tpu.memref_slice %arg20[%dma_wait3A, %dma_wait3A_218] : memref<25x128xi32, #tpu.memory_space<vmem>> -> memref<1x128xi32, #tpu.memory_space<vmem>>
      %dma_wait3A_220 = tpu.memref_squeeze %dma_wait3A_219 : memref<1x128xi32, #tpu.memory_space<vmem>> -> memref<128xi32, #tpu.memory_space<vmem>>
      %dma_wait3A_221 = arith.constant 0 : i32
      %dma_wait3A_222 = arith.constant 0 : i32
      %dma_wait3A_223 = tpu.memref_slice %arg6[%dma_wait3A_221, %dma_wait3A_222] : memref<16384x128xf32, #tpu.memory_space<hbm>> -> memref<16384x128xf32, #tpu.memory_space<hbm>>
      tpu.wait_indirect_dma semaphore(%arg29 : memref<!tpu.dma_semaphore, #tpu.memory_space<semaphore_mem>>) src(%dma_wait3A_223 : memref<16384x128xf32, #tpu.memory_space<hbm>>) dst(%arg26 : memref<128x128xf32, #tpu.memory_space<vmem>>)
      %dma_start3A_224 = arith.constant 13 : i32
      %dma_start3A_225 = arith.constant 0 : i32
      %dma_start3A_226 = tpu.memref_slice %arg19[%dma_start3A_224, %dma_start3A_225] : memref<25x128xi32, #tpu.memory_space<vmem>> -> memref<1x128xi32, #tpu.memory_space<vmem>>
      %dma_start3A_227 = tpu.memref_squeeze %dma_start3A_226 : memref<1x128xi32, #tpu.memory_space<vmem>> -> memref<128xi32, #tpu.memory_space<vmem>>
      %dma_start3A_228 = arith.constant 0 : i32
      %dma_start3A_229 = arith.constant 0 : i32
      %dma_start3A_230 = tpu.memref_slice %arg11[%dma_start3A_228, %dma_start3A_229] : memref<100000x128xf32, #tpu.memory_space<hbm>> -> memref<100000x128xf32, #tpu.memory_space<hbm>>
      tpu.enqueue_indirect_dma source(%arg26 : memref<128x128xf32, #tpu.memory_space<vmem>>) target(%dma_start3A_230 : memref<100000x128xf32, #tpu.memory_space<hbm>>) offsets(%dma_start3A_227 : memref<128xi32, #tpu.memory_space<vmem>>) semaphore(%arg29 : memref<!tpu.dma_semaphore, #tpu.memory_space<semaphore_mem>>)
      %dma_wait3A_231 = arith.constant 13 : i32
      %dma_wait3A_232 = arith.constant 0 : i32
      %dma_wait3A_233 = tpu.memref_slice %arg19[%dma_wait3A_231, %dma_wait3A_232] : memref<25x128xi32, #tpu.memory_space<vmem>> -> memref<1x128xi32, #tpu.memory_space<vmem>>
      %dma_wait3A_234 = tpu.memref_squeeze %dma_wait3A_233 : memref<1x128xi32, #tpu.memory_space<vmem>> -> memref<128xi32, #tpu.memory_space<vmem>>
      %dma_wait3A_235 = arith.constant 0 : i32
      %dma_wait3A_236 = arith.constant 0 : i32
      %dma_wait3A_237 = tpu.memref_slice %arg11[%dma_wait3A_235, %dma_wait3A_236] : memref<100000x128xf32, #tpu.memory_space<hbm>> -> memref<100000x128xf32, #tpu.memory_space<hbm>>
      tpu.wait_indirect_dma semaphore(%arg29 : memref<!tpu.dma_semaphore, #tpu.memory_space<semaphore_mem>>) src(%arg26 : memref<128x128xf32, #tpu.memory_space<vmem>>) dst(%dma_wait3A_237 : memref<100000x128xf32, #tpu.memory_space<hbm>>)
      %dma_start3A_238 = arith.constant 13 : i32
      %dma_start3A_239 = arith.constant 0 : i32
      %dma_start3A_240 = tpu.memref_slice %arg20[%dma_start3A_238, %dma_start3A_239] : memref<25x128xi32, #tpu.memory_space<vmem>> -> memref<1x128xi32, #tpu.memory_space<vmem>>
      %dma_start3A_241 = tpu.memref_squeeze %dma_start3A_240 : memref<1x128xi32, #tpu.memory_space<vmem>> -> memref<128xi32, #tpu.memory_space<vmem>>
      %dma_start3A_242 = arith.constant 0 : i32
      %dma_start3A_243 = tpu.memref_slice %arg8[%dma_start3A_242] : memref<16384xi32, #tpu.memory_space<hbm>> -> memref<16384xi32, #tpu.memory_space<hbm>>
      tpu.enqueue_indirect_dma source(%dma_start3A_243 : memref<16384xi32, #tpu.memory_space<hbm>>) target(%arg21 : memref<128xi32, #tpu.memory_space<vmem>>) offsets(%dma_start3A_241 : memref<128xi32, #tpu.memory_space<vmem>>) semaphore(%arg29 : memref<!tpu.dma_semaphore, #tpu.memory_space<semaphore_mem>>)
      %dma_wait3A_244 = arith.constant 13 : i32
      %dma_wait3A_245 = arith.constant 0 : i32
      %dma_wait3A_246 = tpu.memref_slice %arg20[%dma_wait3A_244, %dma_wait3A_245] : memref<25x128xi32, #tpu.memory_space<vmem>> -> memref<1x128xi32, #tpu.memory_space<vmem>>
      %dma_wait3A_247 = tpu.memref_squeeze %dma_wait3A_246 : memref<1x128xi32, #tpu.memory_space<vmem>> -> memref<128xi32, #tpu.memory_space<vmem>>
      %dma_wait3A_248 = arith.constant 0 : i32
      %dma_wait3A_249 = tpu.memref_slice %arg8[%dma_wait3A_248] : memref<16384xi32, #tpu.memory_space<hbm>> -> memref<16384xi32, #tpu.memory_space<hbm>>
      tpu.wait_indirect_dma semaphore(%arg29 : memref<!tpu.dma_semaphore, #tpu.memory_space<semaphore_mem>>) src(%dma_wait3A_249 : memref<16384xi32, #tpu.memory_space<hbm>>) dst(%arg21 : memref<128xi32, #tpu.memory_space<vmem>>)
      %dma_start3A_250 = arith.constant 13 : i32
      %dma_start3A_251 = arith.constant 0 : i32
      %dma_start3A_252 = tpu.memref_slice %arg19[%dma_start3A_250, %dma_start3A_251] : memref<25x128xi32, #tpu.memory_space<vmem>> -> memref<1x128xi32, #tpu.memory_space<vmem>>
      %dma_start3A_253 = tpu.memref_squeeze %dma_start3A_252 : memref<1x128xi32, #tpu.memory_space<vmem>> -> memref<128xi32, #tpu.memory_space<vmem>>
      %dma_start3A_254 = arith.constant 0 : i32
      %dma_start3A_255 = tpu.memref_slice %arg12[%dma_start3A_254] : memref<100000xi32, #tpu.memory_space<hbm>> -> memref<100000xi32, #tpu.memory_space<hbm>>
      tpu.enqueue_indirect_dma source(%arg21 : memref<128xi32, #tpu.memory_space<vmem>>) target(%dma_start3A_255 : memref<100000xi32, #tpu.memory_space<hbm>>) offsets(%dma_start3A_253 : memref<128xi32, #tpu.memory_space<vmem>>) semaphore(%arg29 : memref<!tpu.dma_semaphore, #tpu.memory_space<semaphore_mem>>)
      %dma_wait3A_256 = arith.constant 13 : i32
      %dma_wait3A_257 = arith.constant 0 : i32
      %dma_wait3A_258 = tpu.memref_slice %arg19[%dma_wait3A_256, %dma_wait3A_257] : memref<25x128xi32, #tpu.memory_space<vmem>> -> memref<1x128xi32, #tpu.memory_space<vmem>>
      %dma_wait3A_259 = tpu.memref_squeeze %dma_wait3A_258 : memref<1x128xi32, #tpu.memory_space<vmem>> -> memref<128xi32, #tpu.memory_space<vmem>>
      %dma_wait3A_260 = arith.constant 0 : i32
      %dma_wait3A_261 = tpu.memref_slice %arg12[%dma_wait3A_260] : memref<100000xi32, #tpu.memory_space<hbm>> -> memref<100000xi32, #tpu.memory_space<hbm>>
      tpu.wait_indirect_dma semaphore(%arg29 : memref<!tpu.dma_semaphore, #tpu.memory_space<semaphore_mem>>) src(%arg21 : memref<128xi32, #tpu.memory_space<vmem>>) dst(%dma_wait3A_261 : memref<100000xi32, #tpu.memory_space<hbm>>)
      %dma_start3A_262 = arith.constant 13 : i32
      %dma_start3A_263 = arith.constant 0 : i32
      %dma_start3A_264 = tpu.memref_slice %arg19[%dma_start3A_262, %dma_start3A_263] : memref<25x128xi32, #tpu.memory_space<vmem>> -> memref<1x128xi32, #tpu.memory_space<vmem>>
      %dma_start3A_265 = tpu.memref_squeeze %dma_start3A_264 : memref<1x128xi32, #tpu.memory_space<vmem>> -> memref<128xi32, #tpu.memory_space<vmem>>
      %dma_start3A_266 = arith.constant 0 : i32
      %dma_start3A_267 = tpu.memref_slice %arg13[%dma_start3A_266] : memref<100000xi32, #tpu.memory_space<hbm>> -> memref<100000xi32, #tpu.memory_space<hbm>>
      tpu.enqueue_indirect_dma source(%arg22 : memref<128xi32, #tpu.memory_space<vmem>>) target(%dma_start3A_267 : memref<100000xi32, #tpu.memory_space<hbm>>) offsets(%dma_start3A_265 : memref<128xi32, #tpu.memory_space<vmem>>) semaphore(%arg29 : memref<!tpu.dma_semaphore, #tpu.memory_space<semaphore_mem>>)
      %dma_wait3A_268 = arith.constant 13 : i32
      %dma_wait3A_269 = arith.constant 0 : i32
      %dma_wait3A_270 = tpu.memref_slice %arg19[%dma_wait3A_268, %dma_wait3A_269] : memref<25x128xi32, #tpu.memory_space<vmem>> -> memref<1x128xi32, #tpu.memory_space<vmem>>
      %dma_wait3A_271 = tpu.memref_squeeze %dma_wait3A_270 : memref<1x128xi32, #tpu.memory_space<vmem>> -> memref<128xi32, #tpu.memory_space<vmem>>
      %dma_wait3A_272 = arith.constant 0 : i32
      %dma_wait3A_273 = tpu.memref_slice %arg13[%dma_wait3A_272] : memref<100000xi32, #tpu.memory_space<hbm>> -> memref<100000xi32, #tpu.memory_space<hbm>>
      tpu.wait_indirect_dma semaphore(%arg29 : memref<!tpu.dma_semaphore, #tpu.memory_space<semaphore_mem>>) src(%arg22 : memref<128xi32, #tpu.memory_space<vmem>>) dst(%dma_wait3A_273 : memref<100000xi32, #tpu.memory_space<hbm>>)
    } else {
    }
    %gt3A_157 = arith.constant 1792 : i32
    %gt3A_158 = arith.cmpi sgt, %scan3A_53, %gt3A_157 : i32
    %convert_element_type3A_159 = arith.extui %gt3A_158 : i1 to i32
    %cond3A_160 = arith.constant 0 : i32
    %cond3A_161 = arith.cmpi ne, %convert_element_type3A_159, %cond3A_160 : i32
    scf.if %cond3A_161 {
      %dma_start3A = arith.constant 14 : i32
      %dma_start3A_212 = arith.constant 0 : i32
      %dma_start3A_213 = tpu.memref_slice %arg20[%dma_start3A, %dma_start3A_212] : memref<25x128xi32, #tpu.memory_space<vmem>> -> memref<1x128xi32, #tpu.memory_space<vmem>>
      %dma_start3A_214 = tpu.memref_squeeze %dma_start3A_213 : memref<1x128xi32, #tpu.memory_space<vmem>> -> memref<128xi32, #tpu.memory_space<vmem>>
      %dma_start3A_215 = arith.constant 0 : i32
      %dma_start3A_216 = arith.constant 0 : i32
      %dma_start3A_217 = tpu.memref_slice %arg6[%dma_start3A_215, %dma_start3A_216] : memref<16384x128xf32, #tpu.memory_space<hbm>> -> memref<16384x128xf32, #tpu.memory_space<hbm>>
      tpu.enqueue_indirect_dma source(%dma_start3A_217 : memref<16384x128xf32, #tpu.memory_space<hbm>>) target(%arg26 : memref<128x128xf32, #tpu.memory_space<vmem>>) offsets(%dma_start3A_214 : memref<128xi32, #tpu.memory_space<vmem>>) semaphore(%arg29 : memref<!tpu.dma_semaphore, #tpu.memory_space<semaphore_mem>>)
      %dma_wait3A = arith.constant 14 : i32
      %dma_wait3A_218 = arith.constant 0 : i32
      %dma_wait3A_219 = tpu.memref_slice %arg20[%dma_wait3A, %dma_wait3A_218] : memref<25x128xi32, #tpu.memory_space<vmem>> -> memref<1x128xi32, #tpu.memory_space<vmem>>
      %dma_wait3A_220 = tpu.memref_squeeze %dma_wait3A_219 : memref<1x128xi32, #tpu.memory_space<vmem>> -> memref<128xi32, #tpu.memory_space<vmem>>
      %dma_wait3A_221 = arith.constant 0 : i32
      %dma_wait3A_222 = arith.constant 0 : i32
      %dma_wait3A_223 = tpu.memref_slice %arg6[%dma_wait3A_221, %dma_wait3A_222] : memref<16384x128xf32, #tpu.memory_space<hbm>> -> memref<16384x128xf32, #tpu.memory_space<hbm>>
      tpu.wait_indirect_dma semaphore(%arg29 : memref<!tpu.dma_semaphore, #tpu.memory_space<semaphore_mem>>) src(%dma_wait3A_223 : memref<16384x128xf32, #tpu.memory_space<hbm>>) dst(%arg26 : memref<128x128xf32, #tpu.memory_space<vmem>>)
      %dma_start3A_224 = arith.constant 14 : i32
      %dma_start3A_225 = arith.constant 0 : i32
      %dma_start3A_226 = tpu.memref_slice %arg19[%dma_start3A_224, %dma_start3A_225] : memref<25x128xi32, #tpu.memory_space<vmem>> -> memref<1x128xi32, #tpu.memory_space<vmem>>
      %dma_start3A_227 = tpu.memref_squeeze %dma_start3A_226 : memref<1x128xi32, #tpu.memory_space<vmem>> -> memref<128xi32, #tpu.memory_space<vmem>>
      %dma_start3A_228 = arith.constant 0 : i32
      %dma_start3A_229 = arith.constant 0 : i32
      %dma_start3A_230 = tpu.memref_slice %arg11[%dma_start3A_228, %dma_start3A_229] : memref<100000x128xf32, #tpu.memory_space<hbm>> -> memref<100000x128xf32, #tpu.memory_space<hbm>>
      tpu.enqueue_indirect_dma source(%arg26 : memref<128x128xf32, #tpu.memory_space<vmem>>) target(%dma_start3A_230 : memref<100000x128xf32, #tpu.memory_space<hbm>>) offsets(%dma_start3A_227 : memref<128xi32, #tpu.memory_space<vmem>>) semaphore(%arg29 : memref<!tpu.dma_semaphore, #tpu.memory_space<semaphore_mem>>)
      %dma_wait3A_231 = arith.constant 14 : i32
      %dma_wait3A_232 = arith.constant 0 : i32
      %dma_wait3A_233 = tpu.memref_slice %arg19[%dma_wait3A_231, %dma_wait3A_232] : memref<25x128xi32, #tpu.memory_space<vmem>> -> memref<1x128xi32, #tpu.memory_space<vmem>>
      %dma_wait3A_234 = tpu.memref_squeeze %dma_wait3A_233 : memref<1x128xi32, #tpu.memory_space<vmem>> -> memref<128xi32, #tpu.memory_space<vmem>>
      %dma_wait3A_235 = arith.constant 0 : i32
      %dma_wait3A_236 = arith.constant 0 : i32
      %dma_wait3A_237 = tpu.memref_slice %arg11[%dma_wait3A_235, %dma_wait3A_236] : memref<100000x128xf32, #tpu.memory_space<hbm>> -> memref<100000x128xf32, #tpu.memory_space<hbm>>
      tpu.wait_indirect_dma semaphore(%arg29 : memref<!tpu.dma_semaphore, #tpu.memory_space<semaphore_mem>>) src(%arg26 : memref<128x128xf32, #tpu.memory_space<vmem>>) dst(%dma_wait3A_237 : memref<100000x128xf32, #tpu.memory_space<hbm>>)
      %dma_start3A_238 = arith.constant 14 : i32
      %dma_start3A_239 = arith.constant 0 : i32
      %dma_start3A_240 = tpu.memref_slice %arg20[%dma_start3A_238, %dma_start3A_239] : memref<25x128xi32, #tpu.memory_space<vmem>> -> memref<1x128xi32, #tpu.memory_space<vmem>>
      %dma_start3A_241 = tpu.memref_squeeze %dma_start3A_240 : memref<1x128xi32, #tpu.memory_space<vmem>> -> memref<128xi32, #tpu.memory_space<vmem>>
      %dma_start3A_242 = arith.constant 0 : i32
      %dma_start3A_243 = tpu.memref_slice %arg8[%dma_start3A_242] : memref<16384xi32, #tpu.memory_space<hbm>> -> memref<16384xi32, #tpu.memory_space<hbm>>
      tpu.enqueue_indirect_dma source(%dma_start3A_243 : memref<16384xi32, #tpu.memory_space<hbm>>) target(%arg21 : memref<128xi32, #tpu.memory_space<vmem>>) offsets(%dma_start3A_241 : memref<128xi32, #tpu.memory_space<vmem>>) semaphore(%arg29 : memref<!tpu.dma_semaphore, #tpu.memory_space<semaphore_mem>>)
      %dma_wait3A_244 = arith.constant 14 : i32
      %dma_wait3A_245 = arith.constant 0 : i32
      %dma_wait3A_246 = tpu.memref_slice %arg20[%dma_wait3A_244, %dma_wait3A_245] : memref<25x128xi32, #tpu.memory_space<vmem>> -> memref<1x128xi32, #tpu.memory_space<vmem>>
      %dma_wait3A_247 = tpu.memref_squeeze %dma_wait3A_246 : memref<1x128xi32, #tpu.memory_space<vmem>> -> memref<128xi32, #tpu.memory_space<vmem>>
      %dma_wait3A_248 = arith.constant 0 : i32
      %dma_wait3A_249 = tpu.memref_slice %arg8[%dma_wait3A_248] : memref<16384xi32, #tpu.memory_space<hbm>> -> memref<16384xi32, #tpu.memory_space<hbm>>
      tpu.wait_indirect_dma semaphore(%arg29 : memref<!tpu.dma_semaphore, #tpu.memory_space<semaphore_mem>>) src(%dma_wait3A_249 : memref<16384xi32, #tpu.memory_space<hbm>>) dst(%arg21 : memref<128xi32, #tpu.memory_space<vmem>>)
      %dma_start3A_250 = arith.constant 14 : i32
      %dma_start3A_251 = arith.constant 0 : i32
      %dma_start3A_252 = tpu.memref_slice %arg19[%dma_start3A_250, %dma_start3A_251] : memref<25x128xi32, #tpu.memory_space<vmem>> -> memref<1x128xi32, #tpu.memory_space<vmem>>
      %dma_start3A_253 = tpu.memref_squeeze %dma_start3A_252 : memref<1x128xi32, #tpu.memory_space<vmem>> -> memref<128xi32, #tpu.memory_space<vmem>>
      %dma_start3A_254 = arith.constant 0 : i32
      %dma_start3A_255 = tpu.memref_slice %arg12[%dma_start3A_254] : memref<100000xi32, #tpu.memory_space<hbm>> -> memref<100000xi32, #tpu.memory_space<hbm>>
      tpu.enqueue_indirect_dma source(%arg21 : memref<128xi32, #tpu.memory_space<vmem>>) target(%dma_start3A_255 : memref<100000xi32, #tpu.memory_space<hbm>>) offsets(%dma_start3A_253 : memref<128xi32, #tpu.memory_space<vmem>>) semaphore(%arg29 : memref<!tpu.dma_semaphore, #tpu.memory_space<semaphore_mem>>)
      %dma_wait3A_256 = arith.constant 14 : i32
      %dma_wait3A_257 = arith.constant 0 : i32
      %dma_wait3A_258 = tpu.memref_slice %arg19[%dma_wait3A_256, %dma_wait3A_257] : memref<25x128xi32, #tpu.memory_space<vmem>> -> memref<1x128xi32, #tpu.memory_space<vmem>>
      %dma_wait3A_259 = tpu.memref_squeeze %dma_wait3A_258 : memref<1x128xi32, #tpu.memory_space<vmem>> -> memref<128xi32, #tpu.memory_space<vmem>>
      %dma_wait3A_260 = arith.constant 0 : i32
      %dma_wait3A_261 = tpu.memref_slice %arg12[%dma_wait3A_260] : memref<100000xi32, #tpu.memory_space<hbm>> -> memref<100000xi32, #tpu.memory_space<hbm>>
      tpu.wait_indirect_dma semaphore(%arg29 : memref<!tpu.dma_semaphore, #tpu.memory_space<semaphore_mem>>) src(%arg21 : memref<128xi32, #tpu.memory_space<vmem>>) dst(%dma_wait3A_261 : memref<100000xi32, #tpu.memory_space<hbm>>)
      %dma_start3A_262 = arith.constant 14 : i32
      %dma_start3A_263 = arith.constant 0 : i32
      %dma_start3A_264 = tpu.memref_slice %arg19[%dma_start3A_262, %dma_start3A_263] : memref<25x128xi32, #tpu.memory_space<vmem>> -> memref<1x128xi32, #tpu.memory_space<vmem>>
      %dma_start3A_265 = tpu.memref_squeeze %dma_start3A_264 : memref<1x128xi32, #tpu.memory_space<vmem>> -> memref<128xi32, #tpu.memory_space<vmem>>
      %dma_start3A_266 = arith.constant 0 : i32
      %dma_start3A_267 = tpu.memref_slice %arg13[%dma_start3A_266] : memref<100000xi32, #tpu.memory_space<hbm>> -> memref<100000xi32, #tpu.memory_space<hbm>>
      tpu.enqueue_indirect_dma source(%arg22 : memref<128xi32, #tpu.memory_space<vmem>>) target(%dma_start3A_267 : memref<100000xi32, #tpu.memory_space<hbm>>) offsets(%dma_start3A_265 : memref<128xi32, #tpu.memory_space<vmem>>) semaphore(%arg29 : memref<!tpu.dma_semaphore, #tpu.memory_space<semaphore_mem>>)
      %dma_wait3A_268 = arith.constant 14 : i32
      %dma_wait3A_269 = arith.constant 0 : i32
      %dma_wait3A_270 = tpu.memref_slice %arg19[%dma_wait3A_268, %dma_wait3A_269] : memref<25x128xi32, #tpu.memory_space<vmem>> -> memref<1x128xi32, #tpu.memory_space<vmem>>
      %dma_wait3A_271 = tpu.memref_squeeze %dma_wait3A_270 : memref<1x128xi32, #tpu.memory_space<vmem>> -> memref<128xi32, #tpu.memory_space<vmem>>
      %dma_wait3A_272 = arith.constant 0 : i32
      %dma_wait3A_273 = tpu.memref_slice %arg13[%dma_wait3A_272] : memref<100000xi32, #tpu.memory_space<hbm>> -> memref<100000xi32, #tpu.memory_space<hbm>>
      tpu.wait_indirect_dma semaphore(%arg29 : memref<!tpu.dma_semaphore, #tpu.memory_space<semaphore_mem>>) src(%arg22 : memref<128xi32, #tpu.memory_space<vmem>>) dst(%dma_wait3A_273 : memref<100000xi32, #tpu.memory_space<hbm>>)
    } else {
    }
    %gt3A_162 = arith.constant 1920 : i32
    %gt3A_163 = arith.cmpi sgt, %scan3A_53, %gt3A_162 : i32
    %convert_element_type3A_164 = arith.extui %gt3A_163 : i1 to i32
    %cond3A_165 = arith.constant 0 : i32
    %cond3A_166 = arith.cmpi ne, %convert_element_type3A_164, %cond3A_165 : i32
    scf.if %cond3A_166 {
      %dma_start3A = arith.constant 15 : i32
      %dma_start3A_212 = arith.constant 0 : i32
      %dma_start3A_213 = tpu.memref_slice %arg20[%dma_start3A, %dma_start3A_212] : memref<25x128xi32, #tpu.memory_space<vmem>> -> memref<1x128xi32, #tpu.memory_space<vmem>>
      %dma_start3A_214 = tpu.memref_squeeze %dma_start3A_213 : memref<1x128xi32, #tpu.memory_space<vmem>> -> memref<128xi32, #tpu.memory_space<vmem>>
      %dma_start3A_215 = arith.constant 0 : i32
      %dma_start3A_216 = arith.constant 0 : i32
      %dma_start3A_217 = tpu.memref_slice %arg6[%dma_start3A_215, %dma_start3A_216] : memref<16384x128xf32, #tpu.memory_space<hbm>> -> memref<16384x128xf32, #tpu.memory_space<hbm>>
      tpu.enqueue_indirect_dma source(%dma_start3A_217 : memref<16384x128xf32, #tpu.memory_space<hbm>>) target(%arg26 : memref<128x128xf32, #tpu.memory_space<vmem>>) offsets(%dma_start3A_214 : memref<128xi32, #tpu.memory_space<vmem>>) semaphore(%arg29 : memref<!tpu.dma_semaphore, #tpu.memory_space<semaphore_mem>>)
      %dma_wait3A = arith.constant 15 : i32
      %dma_wait3A_218 = arith.constant 0 : i32
      %dma_wait3A_219 = tpu.memref_slice %arg20[%dma_wait3A, %dma_wait3A_218] : memref<25x128xi32, #tpu.memory_space<vmem>> -> memref<1x128xi32, #tpu.memory_space<vmem>>
      %dma_wait3A_220 = tpu.memref_squeeze %dma_wait3A_219 : memref<1x128xi32, #tpu.memory_space<vmem>> -> memref<128xi32, #tpu.memory_space<vmem>>
      %dma_wait3A_221 = arith.constant 0 : i32
      %dma_wait3A_222 = arith.constant 0 : i32
      %dma_wait3A_223 = tpu.memref_slice %arg6[%dma_wait3A_221, %dma_wait3A_222] : memref<16384x128xf32, #tpu.memory_space<hbm>> -> memref<16384x128xf32, #tpu.memory_space<hbm>>
      tpu.wait_indirect_dma semaphore(%arg29 : memref<!tpu.dma_semaphore, #tpu.memory_space<semaphore_mem>>) src(%dma_wait3A_223 : memref<16384x128xf32, #tpu.memory_space<hbm>>) dst(%arg26 : memref<128x128xf32, #tpu.memory_space<vmem>>)
      %dma_start3A_224 = arith.constant 15 : i32
      %dma_start3A_225 = arith.constant 0 : i32
      %dma_start3A_226 = tpu.memref_slice %arg19[%dma_start3A_224, %dma_start3A_225] : memref<25x128xi32, #tpu.memory_space<vmem>> -> memref<1x128xi32, #tpu.memory_space<vmem>>
      %dma_start3A_227 = tpu.memref_squeeze %dma_start3A_226 : memref<1x128xi32, #tpu.memory_space<vmem>> -> memref<128xi32, #tpu.memory_space<vmem>>
      %dma_start3A_228 = arith.constant 0 : i32
      %dma_start3A_229 = arith.constant 0 : i32
      %dma_start3A_230 = tpu.memref_slice %arg11[%dma_start3A_228, %dma_start3A_229] : memref<100000x128xf32, #tpu.memory_space<hbm>> -> memref<100000x128xf32, #tpu.memory_space<hbm>>
      tpu.enqueue_indirect_dma source(%arg26 : memref<128x128xf32, #tpu.memory_space<vmem>>) target(%dma_start3A_230 : memref<100000x128xf32, #tpu.memory_space<hbm>>) offsets(%dma_start3A_227 : memref<128xi32, #tpu.memory_space<vmem>>) semaphore(%arg29 : memref<!tpu.dma_semaphore, #tpu.memory_space<semaphore_mem>>)
      %dma_wait3A_231 = arith.constant 15 : i32
      %dma_wait3A_232 = arith.constant 0 : i32
      %dma_wait3A_233 = tpu.memref_slice %arg19[%dma_wait3A_231, %dma_wait3A_232] : memref<25x128xi32, #tpu.memory_space<vmem>> -> memref<1x128xi32, #tpu.memory_space<vmem>>
      %dma_wait3A_234 = tpu.memref_squeeze %dma_wait3A_233 : memref<1x128xi32, #tpu.memory_space<vmem>> -> memref<128xi32, #tpu.memory_space<vmem>>
      %dma_wait3A_235 = arith.constant 0 : i32
      %dma_wait3A_236 = arith.constant 0 : i32
      %dma_wait3A_237 = tpu.memref_slice %arg11[%dma_wait3A_235, %dma_wait3A_236] : memref<100000x128xf32, #tpu.memory_space<hbm>> -> memref<100000x128xf32, #tpu.memory_space<hbm>>
      tpu.wait_indirect_dma semaphore(%arg29 : memref<!tpu.dma_semaphore, #tpu.memory_space<semaphore_mem>>) src(%arg26 : memref<128x128xf32, #tpu.memory_space<vmem>>) dst(%dma_wait3A_237 : memref<100000x128xf32, #tpu.memory_space<hbm>>)
      %dma_start3A_238 = arith.constant 15 : i32
      %dma_start3A_239 = arith.constant 0 : i32
      %dma_start3A_240 = tpu.memref_slice %arg20[%dma_start3A_238, %dma_start3A_239] : memref<25x128xi32, #tpu.memory_space<vmem>> -> memref<1x128xi32, #tpu.memory_space<vmem>>
      %dma_start3A_241 = tpu.memref_squeeze %dma_start3A_240 : memref<1x128xi32, #tpu.memory_space<vmem>> -> memref<128xi32, #tpu.memory_space<vmem>>
      %dma_start3A_242 = arith.constant 0 : i32
      %dma_start3A_243 = tpu.memref_slice %arg8[%dma_start3A_242] : memref<16384xi32, #tpu.memory_space<hbm>> -> memref<16384xi32, #tpu.memory_space<hbm>>
      tpu.enqueue_indirect_dma source(%dma_start3A_243 : memref<16384xi32, #tpu.memory_space<hbm>>) target(%arg21 : memref<128xi32, #tpu.memory_space<vmem>>) offsets(%dma_start3A_241 : memref<128xi32, #tpu.memory_space<vmem>>) semaphore(%arg29 : memref<!tpu.dma_semaphore, #tpu.memory_space<semaphore_mem>>)
      %dma_wait3A_244 = arith.constant 15 : i32
      %dma_wait3A_245 = arith.constant 0 : i32
      %dma_wait3A_246 = tpu.memref_slice %arg20[%dma_wait3A_244, %dma_wait3A_245] : memref<25x128xi32, #tpu.memory_space<vmem>> -> memref<1x128xi32, #tpu.memory_space<vmem>>
      %dma_wait3A_247 = tpu.memref_squeeze %dma_wait3A_246 : memref<1x128xi32, #tpu.memory_space<vmem>> -> memref<128xi32, #tpu.memory_space<vmem>>
      %dma_wait3A_248 = arith.constant 0 : i32
      %dma_wait3A_249 = tpu.memref_slice %arg8[%dma_wait3A_248] : memref<16384xi32, #tpu.memory_space<hbm>> -> memref<16384xi32, #tpu.memory_space<hbm>>
      tpu.wait_indirect_dma semaphore(%arg29 : memref<!tpu.dma_semaphore, #tpu.memory_space<semaphore_mem>>) src(%dma_wait3A_249 : memref<16384xi32, #tpu.memory_space<hbm>>) dst(%arg21 : memref<128xi32, #tpu.memory_space<vmem>>)
      %dma_start3A_250 = arith.constant 15 : i32
      %dma_start3A_251 = arith.constant 0 : i32
      %dma_start3A_252 = tpu.memref_slice %arg19[%dma_start3A_250, %dma_start3A_251] : memref<25x128xi32, #tpu.memory_space<vmem>> -> memref<1x128xi32, #tpu.memory_space<vmem>>
      %dma_start3A_253 = tpu.memref_squeeze %dma_start3A_252 : memref<1x128xi32, #tpu.memory_space<vmem>> -> memref<128xi32, #tpu.memory_space<vmem>>
      %dma_start3A_254 = arith.constant 0 : i32
      %dma_start3A_255 = tpu.memref_slice %arg12[%dma_start3A_254] : memref<100000xi32, #tpu.memory_space<hbm>> -> memref<100000xi32, #tpu.memory_space<hbm>>
      tpu.enqueue_indirect_dma source(%arg21 : memref<128xi32, #tpu.memory_space<vmem>>) target(%dma_start3A_255 : memref<100000xi32, #tpu.memory_space<hbm>>) offsets(%dma_start3A_253 : memref<128xi32, #tpu.memory_space<vmem>>) semaphore(%arg29 : memref<!tpu.dma_semaphore, #tpu.memory_space<semaphore_mem>>)
      %dma_wait3A_256 = arith.constant 15 : i32
      %dma_wait3A_257 = arith.constant 0 : i32
      %dma_wait3A_258 = tpu.memref_slice %arg19[%dma_wait3A_256, %dma_wait3A_257] : memref<25x128xi32, #tpu.memory_space<vmem>> -> memref<1x128xi32, #tpu.memory_space<vmem>>
      %dma_wait3A_259 = tpu.memref_squeeze %dma_wait3A_258 : memref<1x128xi32, #tpu.memory_space<vmem>> -> memref<128xi32, #tpu.memory_space<vmem>>
      %dma_wait3A_260 = arith.constant 0 : i32
      %dma_wait3A_261 = tpu.memref_slice %arg12[%dma_wait3A_260] : memref<100000xi32, #tpu.memory_space<hbm>> -> memref<100000xi32, #tpu.memory_space<hbm>>
      tpu.wait_indirect_dma semaphore(%arg29 : memref<!tpu.dma_semaphore, #tpu.memory_space<semaphore_mem>>) src(%arg21 : memref<128xi32, #tpu.memory_space<vmem>>) dst(%dma_wait3A_261 : memref<100000xi32, #tpu.memory_space<hbm>>)
      %dma_start3A_262 = arith.constant 15 : i32
      %dma_start3A_263 = arith.constant 0 : i32
      %dma_start3A_264 = tpu.memref_slice %arg19[%dma_start3A_262, %dma_start3A_263] : memref<25x128xi32, #tpu.memory_space<vmem>> -> memref<1x128xi32, #tpu.memory_space<vmem>>
      %dma_start3A_265 = tpu.memref_squeeze %dma_start3A_264 : memref<1x128xi32, #tpu.memory_space<vmem>> -> memref<128xi32, #tpu.memory_space<vmem>>
      %dma_start3A_266 = arith.constant 0 : i32
      %dma_start3A_267 = tpu.memref_slice %arg13[%dma_start3A_266] : memref<100000xi32, #tpu.memory_space<hbm>> -> memref<100000xi32, #tpu.memory_space<hbm>>
      tpu.enqueue_indirect_dma source(%arg22 : memref<128xi32, #tpu.memory_space<vmem>>) target(%dma_start3A_267 : memref<100000xi32, #tpu.memory_space<hbm>>) offsets(%dma_start3A_265 : memref<128xi32, #tpu.memory_space<vmem>>) semaphore(%arg29 : memref<!tpu.dma_semaphore, #tpu.memory_space<semaphore_mem>>)
      %dma_wait3A_268 = arith.constant 15 : i32
      %dma_wait3A_269 = arith.constant 0 : i32
      %dma_wait3A_270 = tpu.memref_slice %arg19[%dma_wait3A_268, %dma_wait3A_269] : memref<25x128xi32, #tpu.memory_space<vmem>> -> memref<1x128xi32, #tpu.memory_space<vmem>>
      %dma_wait3A_271 = tpu.memref_squeeze %dma_wait3A_270 : memref<1x128xi32, #tpu.memory_space<vmem>> -> memref<128xi32, #tpu.memory_space<vmem>>
      %dma_wait3A_272 = arith.constant 0 : i32
      %dma_wait3A_273 = tpu.memref_slice %arg13[%dma_wait3A_272] : memref<100000xi32, #tpu.memory_space<hbm>> -> memref<100000xi32, #tpu.memory_space<hbm>>
      tpu.wait_indirect_dma semaphore(%arg29 : memref<!tpu.dma_semaphore, #tpu.memory_space<semaphore_mem>>) src(%arg22 : memref<128xi32, #tpu.memory_space<vmem>>) dst(%dma_wait3A_273 : memref<100000xi32, #tpu.memory_space<hbm>>)
    } else {
    }
    %gt3A_167 = arith.constant 2048 : i32
    %gt3A_168 = arith.cmpi sgt, %scan3A_53, %gt3A_167 : i32
    %convert_element_type3A_169 = arith.extui %gt3A_168 : i1 to i32
    %cond3A_170 = arith.constant 0 : i32
    %cond3A_171 = arith.cmpi ne, %convert_element_type3A_169, %cond3A_170 : i32
    scf.if %cond3A_171 {
      %dma_start3A = arith.constant 16 : i32
      %dma_start3A_212 = arith.constant 0 : i32
      %dma_start3A_213 = tpu.memref_slice %arg20[%dma_start3A, %dma_start3A_212] : memref<25x128xi32, #tpu.memory_space<vmem>> -> memref<1x128xi32, #tpu.memory_space<vmem>>
      %dma_start3A_214 = tpu.memref_squeeze %dma_start3A_213 : memref<1x128xi32, #tpu.memory_space<vmem>> -> memref<128xi32, #tpu.memory_space<vmem>>
      %dma_start3A_215 = arith.constant 0 : i32
      %dma_start3A_216 = arith.constant 0 : i32
      %dma_start3A_217 = tpu.memref_slice %arg6[%dma_start3A_215, %dma_start3A_216] : memref<16384x128xf32, #tpu.memory_space<hbm>> -> memref<16384x128xf32, #tpu.memory_space<hbm>>
      tpu.enqueue_indirect_dma source(%dma_start3A_217 : memref<16384x128xf32, #tpu.memory_space<hbm>>) target(%arg26 : memref<128x128xf32, #tpu.memory_space<vmem>>) offsets(%dma_start3A_214 : memref<128xi32, #tpu.memory_space<vmem>>) semaphore(%arg29 : memref<!tpu.dma_semaphore, #tpu.memory_space<semaphore_mem>>)
      %dma_wait3A = arith.constant 16 : i32
      %dma_wait3A_218 = arith.constant 0 : i32
      %dma_wait3A_219 = tpu.memref_slice %arg20[%dma_wait3A, %dma_wait3A_218] : memref<25x128xi32, #tpu.memory_space<vmem>> -> memref<1x128xi32, #tpu.memory_space<vmem>>
      %dma_wait3A_220 = tpu.memref_squeeze %dma_wait3A_219 : memref<1x128xi32, #tpu.memory_space<vmem>> -> memref<128xi32, #tpu.memory_space<vmem>>
      %dma_wait3A_221 = arith.constant 0 : i32
      %dma_wait3A_222 = arith.constant 0 : i32
      %dma_wait3A_223 = tpu.memref_slice %arg6[%dma_wait3A_221, %dma_wait3A_222] : memref<16384x128xf32, #tpu.memory_space<hbm>> -> memref<16384x128xf32, #tpu.memory_space<hbm>>
      tpu.wait_indirect_dma semaphore(%arg29 : memref<!tpu.dma_semaphore, #tpu.memory_space<semaphore_mem>>) src(%dma_wait3A_223 : memref<16384x128xf32, #tpu.memory_space<hbm>>) dst(%arg26 : memref<128x128xf32, #tpu.memory_space<vmem>>)
      %dma_start3A_224 = arith.constant 16 : i32
      %dma_start3A_225 = arith.constant 0 : i32
      %dma_start3A_226 = tpu.memref_slice %arg19[%dma_start3A_224, %dma_start3A_225] : memref<25x128xi32, #tpu.memory_space<vmem>> -> memref<1x128xi32, #tpu.memory_space<vmem>>
      %dma_start3A_227 = tpu.memref_squeeze %dma_start3A_226 : memref<1x128xi32, #tpu.memory_space<vmem>> -> memref<128xi32, #tpu.memory_space<vmem>>
      %dma_start3A_228 = arith.constant 0 : i32
      %dma_start3A_229 = arith.constant 0 : i32
      %dma_start3A_230 = tpu.memref_slice %arg11[%dma_start3A_228, %dma_start3A_229] : memref<100000x128xf32, #tpu.memory_space<hbm>> -> memref<100000x128xf32, #tpu.memory_space<hbm>>
      tpu.enqueue_indirect_dma source(%arg26 : memref<128x128xf32, #tpu.memory_space<vmem>>) target(%dma_start3A_230 : memref<100000x128xf32, #tpu.memory_space<hbm>>) offsets(%dma_start3A_227 : memref<128xi32, #tpu.memory_space<vmem>>) semaphore(%arg29 : memref<!tpu.dma_semaphore, #tpu.memory_space<semaphore_mem>>)
      %dma_wait3A_231 = arith.constant 16 : i32
      %dma_wait3A_232 = arith.constant 0 : i32
      %dma_wait3A_233 = tpu.memref_slice %arg19[%dma_wait3A_231, %dma_wait3A_232] : memref<25x128xi32, #tpu.memory_space<vmem>> -> memref<1x128xi32, #tpu.memory_space<vmem>>
      %dma_wait3A_234 = tpu.memref_squeeze %dma_wait3A_233 : memref<1x128xi32, #tpu.memory_space<vmem>> -> memref<128xi32, #tpu.memory_space<vmem>>
      %dma_wait3A_235 = arith.constant 0 : i32
      %dma_wait3A_236 = arith.constant 0 : i32
      %dma_wait3A_237 = tpu.memref_slice %arg11[%dma_wait3A_235, %dma_wait3A_236] : memref<100000x128xf32, #tpu.memory_space<hbm>> -> memref<100000x128xf32, #tpu.memory_space<hbm>>
      tpu.wait_indirect_dma semaphore(%arg29 : memref<!tpu.dma_semaphore, #tpu.memory_space<semaphore_mem>>) src(%arg26 : memref<128x128xf32, #tpu.memory_space<vmem>>) dst(%dma_wait3A_237 : memref<100000x128xf32, #tpu.memory_space<hbm>>)
      %dma_start3A_238 = arith.constant 16 : i32
      %dma_start3A_239 = arith.constant 0 : i32
      %dma_start3A_240 = tpu.memref_slice %arg20[%dma_start3A_238, %dma_start3A_239] : memref<25x128xi32, #tpu.memory_space<vmem>> -> memref<1x128xi32, #tpu.memory_space<vmem>>
      %dma_start3A_241 = tpu.memref_squeeze %dma_start3A_240 : memref<1x128xi32, #tpu.memory_space<vmem>> -> memref<128xi32, #tpu.memory_space<vmem>>
      %dma_start3A_242 = arith.constant 0 : i32
      %dma_start3A_243 = tpu.memref_slice %arg8[%dma_start3A_242] : memref<16384xi32, #tpu.memory_space<hbm>> -> memref<16384xi32, #tpu.memory_space<hbm>>
      tpu.enqueue_indirect_dma source(%dma_start3A_243 : memref<16384xi32, #tpu.memory_space<hbm>>) target(%arg21 : memref<128xi32, #tpu.memory_space<vmem>>) offsets(%dma_start3A_241 : memref<128xi32, #tpu.memory_space<vmem>>) semaphore(%arg29 : memref<!tpu.dma_semaphore, #tpu.memory_space<semaphore_mem>>)
      %dma_wait3A_244 = arith.constant 16 : i32
      %dma_wait3A_245 = arith.constant 0 : i32
      %dma_wait3A_246 = tpu.memref_slice %arg20[%dma_wait3A_244, %dma_wait3A_245] : memref<25x128xi32, #tpu.memory_space<vmem>> -> memref<1x128xi32, #tpu.memory_space<vmem>>
      %dma_wait3A_247 = tpu.memref_squeeze %dma_wait3A_246 : memref<1x128xi32, #tpu.memory_space<vmem>> -> memref<128xi32, #tpu.memory_space<vmem>>
      %dma_wait3A_248 = arith.constant 0 : i32
      %dma_wait3A_249 = tpu.memref_slice %arg8[%dma_wait3A_248] : memref<16384xi32, #tpu.memory_space<hbm>> -> memref<16384xi32, #tpu.memory_space<hbm>>
      tpu.wait_indirect_dma semaphore(%arg29 : memref<!tpu.dma_semaphore, #tpu.memory_space<semaphore_mem>>) src(%dma_wait3A_249 : memref<16384xi32, #tpu.memory_space<hbm>>) dst(%arg21 : memref<128xi32, #tpu.memory_space<vmem>>)
      %dma_start3A_250 = arith.constant 16 : i32
      %dma_start3A_251 = arith.constant 0 : i32
      %dma_start3A_252 = tpu.memref_slice %arg19[%dma_start3A_250, %dma_start3A_251] : memref<25x128xi32, #tpu.memory_space<vmem>> -> memref<1x128xi32, #tpu.memory_space<vmem>>
      %dma_start3A_253 = tpu.memref_squeeze %dma_start3A_252 : memref<1x128xi32, #tpu.memory_space<vmem>> -> memref<128xi32, #tpu.memory_space<vmem>>
      %dma_start3A_254 = arith.constant 0 : i32
      %dma_start3A_255 = tpu.memref_slice %arg12[%dma_start3A_254] : memref<100000xi32, #tpu.memory_space<hbm>> -> memref<100000xi32, #tpu.memory_space<hbm>>
      tpu.enqueue_indirect_dma source(%arg21 : memref<128xi32, #tpu.memory_space<vmem>>) target(%dma_start3A_255 : memref<100000xi32, #tpu.memory_space<hbm>>) offsets(%dma_start3A_253 : memref<128xi32, #tpu.memory_space<vmem>>) semaphore(%arg29 : memref<!tpu.dma_semaphore, #tpu.memory_space<semaphore_mem>>)
      %dma_wait3A_256 = arith.constant 16 : i32
      %dma_wait3A_257 = arith.constant 0 : i32
      %dma_wait3A_258 = tpu.memref_slice %arg19[%dma_wait3A_256, %dma_wait3A_257] : memref<25x128xi32, #tpu.memory_space<vmem>> -> memref<1x128xi32, #tpu.memory_space<vmem>>
      %dma_wait3A_259 = tpu.memref_squeeze %dma_wait3A_258 : memref<1x128xi32, #tpu.memory_space<vmem>> -> memref<128xi32, #tpu.memory_space<vmem>>
      %dma_wait3A_260 = arith.constant 0 : i32
      %dma_wait3A_261 = tpu.memref_slice %arg12[%dma_wait3A_260] : memref<100000xi32, #tpu.memory_space<hbm>> -> memref<100000xi32, #tpu.memory_space<hbm>>
      tpu.wait_indirect_dma semaphore(%arg29 : memref<!tpu.dma_semaphore, #tpu.memory_space<semaphore_mem>>) src(%arg21 : memref<128xi32, #tpu.memory_space<vmem>>) dst(%dma_wait3A_261 : memref<100000xi32, #tpu.memory_space<hbm>>)
      %dma_start3A_262 = arith.constant 16 : i32
      %dma_start3A_263 = arith.constant 0 : i32
      %dma_start3A_264 = tpu.memref_slice %arg19[%dma_start3A_262, %dma_start3A_263] : memref<25x128xi32, #tpu.memory_space<vmem>> -> memref<1x128xi32, #tpu.memory_space<vmem>>
      %dma_start3A_265 = tpu.memref_squeeze %dma_start3A_264 : memref<1x128xi32, #tpu.memory_space<vmem>> -> memref<128xi32, #tpu.memory_space<vmem>>
      %dma_start3A_266 = arith.constant 0 : i32
      %dma_start3A_267 = tpu.memref_slice %arg13[%dma_start3A_266] : memref<100000xi32, #tpu.memory_space<hbm>> -> memref<100000xi32, #tpu.memory_space<hbm>>
      tpu.enqueue_indirect_dma source(%arg22 : memref<128xi32, #tpu.memory_space<vmem>>) target(%dma_start3A_267 : memref<100000xi32, #tpu.memory_space<hbm>>) offsets(%dma_start3A_265 : memref<128xi32, #tpu.memory_space<vmem>>) semaphore(%arg29 : memref<!tpu.dma_semaphore, #tpu.memory_space<semaphore_mem>>)
      %dma_wait3A_268 = arith.constant 16 : i32
      %dma_wait3A_269 = arith.constant 0 : i32
      %dma_wait3A_270 = tpu.memref_slice %arg19[%dma_wait3A_268, %dma_wait3A_269] : memref<25x128xi32, #tpu.memory_space<vmem>> -> memref<1x128xi32, #tpu.memory_space<vmem>>
      %dma_wait3A_271 = tpu.memref_squeeze %dma_wait3A_270 : memref<1x128xi32, #tpu.memory_space<vmem>> -> memref<128xi32, #tpu.memory_space<vmem>>
      %dma_wait3A_272 = arith.constant 0 : i32
      %dma_wait3A_273 = tpu.memref_slice %arg13[%dma_wait3A_272] : memref<100000xi32, #tpu.memory_space<hbm>> -> memref<100000xi32, #tpu.memory_space<hbm>>
      tpu.wait_indirect_dma semaphore(%arg29 : memref<!tpu.dma_semaphore, #tpu.memory_space<semaphore_mem>>) src(%arg22 : memref<128xi32, #tpu.memory_space<vmem>>) dst(%dma_wait3A_273 : memref<100000xi32, #tpu.memory_space<hbm>>)
    } else {
    }
    %gt3A_172 = arith.constant 2176 : i32
    %gt3A_173 = arith.cmpi sgt, %scan3A_53, %gt3A_172 : i32
    %convert_element_type3A_174 = arith.extui %gt3A_173 : i1 to i32
    %cond3A_175 = arith.constant 0 : i32
    %cond3A_176 = arith.cmpi ne, %convert_element_type3A_174, %cond3A_175 : i32
    scf.if %cond3A_176 {
      %dma_start3A = arith.constant 17 : i32
      %dma_start3A_212 = arith.constant 0 : i32
      %dma_start3A_213 = tpu.memref_slice %arg20[%dma_start3A, %dma_start3A_212] : memref<25x128xi32, #tpu.memory_space<vmem>> -> memref<1x128xi32, #tpu.memory_space<vmem>>
      %dma_start3A_214 = tpu.memref_squeeze %dma_start3A_213 : memref<1x128xi32, #tpu.memory_space<vmem>> -> memref<128xi32, #tpu.memory_space<vmem>>
      %dma_start3A_215 = arith.constant 0 : i32
      %dma_start3A_216 = arith.constant 0 : i32
      %dma_start3A_217 = tpu.memref_slice %arg6[%dma_start3A_215, %dma_start3A_216] : memref<16384x128xf32, #tpu.memory_space<hbm>> -> memref<16384x128xf32, #tpu.memory_space<hbm>>
      tpu.enqueue_indirect_dma source(%dma_start3A_217 : memref<16384x128xf32, #tpu.memory_space<hbm>>) target(%arg26 : memref<128x128xf32, #tpu.memory_space<vmem>>) offsets(%dma_start3A_214 : memref<128xi32, #tpu.memory_space<vmem>>) semaphore(%arg29 : memref<!tpu.dma_semaphore, #tpu.memory_space<semaphore_mem>>)
      %dma_wait3A = arith.constant 17 : i32
      %dma_wait3A_218 = arith.constant 0 : i32
      %dma_wait3A_219 = tpu.memref_slice %arg20[%dma_wait3A, %dma_wait3A_218] : memref<25x128xi32, #tpu.memory_space<vmem>> -> memref<1x128xi32, #tpu.memory_space<vmem>>
      %dma_wait3A_220 = tpu.memref_squeeze %dma_wait3A_219 : memref<1x128xi32, #tpu.memory_space<vmem>> -> memref<128xi32, #tpu.memory_space<vmem>>
      %dma_wait3A_221 = arith.constant 0 : i32
      %dma_wait3A_222 = arith.constant 0 : i32
      %dma_wait3A_223 = tpu.memref_slice %arg6[%dma_wait3A_221, %dma_wait3A_222] : memref<16384x128xf32, #tpu.memory_space<hbm>> -> memref<16384x128xf32, #tpu.memory_space<hbm>>
      tpu.wait_indirect_dma semaphore(%arg29 : memref<!tpu.dma_semaphore, #tpu.memory_space<semaphore_mem>>) src(%dma_wait3A_223 : memref<16384x128xf32, #tpu.memory_space<hbm>>) dst(%arg26 : memref<128x128xf32, #tpu.memory_space<vmem>>)
      %dma_start3A_224 = arith.constant 17 : i32
      %dma_start3A_225 = arith.constant 0 : i32
      %dma_start3A_226 = tpu.memref_slice %arg19[%dma_start3A_224, %dma_start3A_225] : memref<25x128xi32, #tpu.memory_space<vmem>> -> memref<1x128xi32, #tpu.memory_space<vmem>>
      %dma_start3A_227 = tpu.memref_squeeze %dma_start3A_226 : memref<1x128xi32, #tpu.memory_space<vmem>> -> memref<128xi32, #tpu.memory_space<vmem>>
      %dma_start3A_228 = arith.constant 0 : i32
      %dma_start3A_229 = arith.constant 0 : i32
      %dma_start3A_230 = tpu.memref_slice %arg11[%dma_start3A_228, %dma_start3A_229] : memref<100000x128xf32, #tpu.memory_space<hbm>> -> memref<100000x128xf32, #tpu.memory_space<hbm>>
      tpu.enqueue_indirect_dma source(%arg26 : memref<128x128xf32, #tpu.memory_space<vmem>>) target(%dma_start3A_230 : memref<100000x128xf32, #tpu.memory_space<hbm>>) offsets(%dma_start3A_227 : memref<128xi32, #tpu.memory_space<vmem>>) semaphore(%arg29 : memref<!tpu.dma_semaphore, #tpu.memory_space<semaphore_mem>>)
      %dma_wait3A_231 = arith.constant 17 : i32
      %dma_wait3A_232 = arith.constant 0 : i32
      %dma_wait3A_233 = tpu.memref_slice %arg19[%dma_wait3A_231, %dma_wait3A_232] : memref<25x128xi32, #tpu.memory_space<vmem>> -> memref<1x128xi32, #tpu.memory_space<vmem>>
      %dma_wait3A_234 = tpu.memref_squeeze %dma_wait3A_233 : memref<1x128xi32, #tpu.memory_space<vmem>> -> memref<128xi32, #tpu.memory_space<vmem>>
      %dma_wait3A_235 = arith.constant 0 : i32
      %dma_wait3A_236 = arith.constant 0 : i32
      %dma_wait3A_237 = tpu.memref_slice %arg11[%dma_wait3A_235, %dma_wait3A_236] : memref<100000x128xf32, #tpu.memory_space<hbm>> -> memref<100000x128xf32, #tpu.memory_space<hbm>>
      tpu.wait_indirect_dma semaphore(%arg29 : memref<!tpu.dma_semaphore, #tpu.memory_space<semaphore_mem>>) src(%arg26 : memref<128x128xf32, #tpu.memory_space<vmem>>) dst(%dma_wait3A_237 : memref<100000x128xf32, #tpu.memory_space<hbm>>)
      %dma_start3A_238 = arith.constant 17 : i32
      %dma_start3A_239 = arith.constant 0 : i32
      %dma_start3A_240 = tpu.memref_slice %arg20[%dma_start3A_238, %dma_start3A_239] : memref<25x128xi32, #tpu.memory_space<vmem>> -> memref<1x128xi32, #tpu.memory_space<vmem>>
      %dma_start3A_241 = tpu.memref_squeeze %dma_start3A_240 : memref<1x128xi32, #tpu.memory_space<vmem>> -> memref<128xi32, #tpu.memory_space<vmem>>
      %dma_start3A_242 = arith.constant 0 : i32
      %dma_start3A_243 = tpu.memref_slice %arg8[%dma_start3A_242] : memref<16384xi32, #tpu.memory_space<hbm>> -> memref<16384xi32, #tpu.memory_space<hbm>>
      tpu.enqueue_indirect_dma source(%dma_start3A_243 : memref<16384xi32, #tpu.memory_space<hbm>>) target(%arg21 : memref<128xi32, #tpu.memory_space<vmem>>) offsets(%dma_start3A_241 : memref<128xi32, #tpu.memory_space<vmem>>) semaphore(%arg29 : memref<!tpu.dma_semaphore, #tpu.memory_space<semaphore_mem>>)
      %dma_wait3A_244 = arith.constant 17 : i32
      %dma_wait3A_245 = arith.constant 0 : i32
      %dma_wait3A_246 = tpu.memref_slice %arg20[%dma_wait3A_244, %dma_wait3A_245] : memref<25x128xi32, #tpu.memory_space<vmem>> -> memref<1x128xi32, #tpu.memory_space<vmem>>
      %dma_wait3A_247 = tpu.memref_squeeze %dma_wait3A_246 : memref<1x128xi32, #tpu.memory_space<vmem>> -> memref<128xi32, #tpu.memory_space<vmem>>
      %dma_wait3A_248 = arith.constant 0 : i32
      %dma_wait3A_249 = tpu.memref_slice %arg8[%dma_wait3A_248] : memref<16384xi32, #tpu.memory_space<hbm>> -> memref<16384xi32, #tpu.memory_space<hbm>>
      tpu.wait_indirect_dma semaphore(%arg29 : memref<!tpu.dma_semaphore, #tpu.memory_space<semaphore_mem>>) src(%dma_wait3A_249 : memref<16384xi32, #tpu.memory_space<hbm>>) dst(%arg21 : memref<128xi32, #tpu.memory_space<vmem>>)
      %dma_start3A_250 = arith.constant 17 : i32
      %dma_start3A_251 = arith.constant 0 : i32
      %dma_start3A_252 = tpu.memref_slice %arg19[%dma_start3A_250, %dma_start3A_251] : memref<25x128xi32, #tpu.memory_space<vmem>> -> memref<1x128xi32, #tpu.memory_space<vmem>>
      %dma_start3A_253 = tpu.memref_squeeze %dma_start3A_252 : memref<1x128xi32, #tpu.memory_space<vmem>> -> memref<128xi32, #tpu.memory_space<vmem>>
      %dma_start3A_254 = arith.constant 0 : i32
      %dma_start3A_255 = tpu.memref_slice %arg12[%dma_start3A_254] : memref<100000xi32, #tpu.memory_space<hbm>> -> memref<100000xi32, #tpu.memory_space<hbm>>
      tpu.enqueue_indirect_dma source(%arg21 : memref<128xi32, #tpu.memory_space<vmem>>) target(%dma_start3A_255 : memref<100000xi32, #tpu.memory_space<hbm>>) offsets(%dma_start3A_253 : memref<128xi32, #tpu.memory_space<vmem>>) semaphore(%arg29 : memref<!tpu.dma_semaphore, #tpu.memory_space<semaphore_mem>>)
      %dma_wait3A_256 = arith.constant 17 : i32
      %dma_wait3A_257 = arith.constant 0 : i32
      %dma_wait3A_258 = tpu.memref_slice %arg19[%dma_wait3A_256, %dma_wait3A_257] : memref<25x128xi32, #tpu.memory_space<vmem>> -> memref<1x128xi32, #tpu.memory_space<vmem>>
      %dma_wait3A_259 = tpu.memref_squeeze %dma_wait3A_258 : memref<1x128xi32, #tpu.memory_space<vmem>> -> memref<128xi32, #tpu.memory_space<vmem>>
      %dma_wait3A_260 = arith.constant 0 : i32
      %dma_wait3A_261 = tpu.memref_slice %arg12[%dma_wait3A_260] : memref<100000xi32, #tpu.memory_space<hbm>> -> memref<100000xi32, #tpu.memory_space<hbm>>
      tpu.wait_indirect_dma semaphore(%arg29 : memref<!tpu.dma_semaphore, #tpu.memory_space<semaphore_mem>>) src(%arg21 : memref<128xi32, #tpu.memory_space<vmem>>) dst(%dma_wait3A_261 : memref<100000xi32, #tpu.memory_space<hbm>>)
      %dma_start3A_262 = arith.constant 17 : i32
      %dma_start3A_263 = arith.constant 0 : i32
      %dma_start3A_264 = tpu.memref_slice %arg19[%dma_start3A_262, %dma_start3A_263] : memref<25x128xi32, #tpu.memory_space<vmem>> -> memref<1x128xi32, #tpu.memory_space<vmem>>
      %dma_start3A_265 = tpu.memref_squeeze %dma_start3A_264 : memref<1x128xi32, #tpu.memory_space<vmem>> -> memref<128xi32, #tpu.memory_space<vmem>>
      %dma_start3A_266 = arith.constant 0 : i32
      %dma_start3A_267 = tpu.memref_slice %arg13[%dma_start3A_266] : memref<100000xi32, #tpu.memory_space<hbm>> -> memref<100000xi32, #tpu.memory_space<hbm>>
      tpu.enqueue_indirect_dma source(%arg22 : memref<128xi32, #tpu.memory_space<vmem>>) target(%dma_start3A_267 : memref<100000xi32, #tpu.memory_space<hbm>>) offsets(%dma_start3A_265 : memref<128xi32, #tpu.memory_space<vmem>>) semaphore(%arg29 : memref<!tpu.dma_semaphore, #tpu.memory_space<semaphore_mem>>)
      %dma_wait3A_268 = arith.constant 17 : i32
      %dma_wait3A_269 = arith.constant 0 : i32
      %dma_wait3A_270 = tpu.memref_slice %arg19[%dma_wait3A_268, %dma_wait3A_269] : memref<25x128xi32, #tpu.memory_space<vmem>> -> memref<1x128xi32, #tpu.memory_space<vmem>>
      %dma_wait3A_271 = tpu.memref_squeeze %dma_wait3A_270 : memref<1x128xi32, #tpu.memory_space<vmem>> -> memref<128xi32, #tpu.memory_space<vmem>>
      %dma_wait3A_272 = arith.constant 0 : i32
      %dma_wait3A_273 = tpu.memref_slice %arg13[%dma_wait3A_272] : memref<100000xi32, #tpu.memory_space<hbm>> -> memref<100000xi32, #tpu.memory_space<hbm>>
      tpu.wait_indirect_dma semaphore(%arg29 : memref<!tpu.dma_semaphore, #tpu.memory_space<semaphore_mem>>) src(%arg22 : memref<128xi32, #tpu.memory_space<vmem>>) dst(%dma_wait3A_273 : memref<100000xi32, #tpu.memory_space<hbm>>)
    } else {
    }
    %gt3A_177 = arith.constant 2304 : i32
    %gt3A_178 = arith.cmpi sgt, %scan3A_53, %gt3A_177 : i32
    %convert_element_type3A_179 = arith.extui %gt3A_178 : i1 to i32
    %cond3A_180 = arith.constant 0 : i32
    %cond3A_181 = arith.cmpi ne, %convert_element_type3A_179, %cond3A_180 : i32
    scf.if %cond3A_181 {
      %dma_start3A = arith.constant 18 : i32
      %dma_start3A_212 = arith.constant 0 : i32
      %dma_start3A_213 = tpu.memref_slice %arg20[%dma_start3A, %dma_start3A_212] : memref<25x128xi32, #tpu.memory_space<vmem>> -> memref<1x128xi32, #tpu.memory_space<vmem>>
      %dma_start3A_214 = tpu.memref_squeeze %dma_start3A_213 : memref<1x128xi32, #tpu.memory_space<vmem>> -> memref<128xi32, #tpu.memory_space<vmem>>
      %dma_start3A_215 = arith.constant 0 : i32
      %dma_start3A_216 = arith.constant 0 : i32
      %dma_start3A_217 = tpu.memref_slice %arg6[%dma_start3A_215, %dma_start3A_216] : memref<16384x128xf32, #tpu.memory_space<hbm>> -> memref<16384x128xf32, #tpu.memory_space<hbm>>
      tpu.enqueue_indirect_dma source(%dma_start3A_217 : memref<16384x128xf32, #tpu.memory_space<hbm>>) target(%arg26 : memref<128x128xf32, #tpu.memory_space<vmem>>) offsets(%dma_start3A_214 : memref<128xi32, #tpu.memory_space<vmem>>) semaphore(%arg29 : memref<!tpu.dma_semaphore, #tpu.memory_space<semaphore_mem>>)
      %dma_wait3A = arith.constant 18 : i32
      %dma_wait3A_218 = arith.constant 0 : i32
      %dma_wait3A_219 = tpu.memref_slice %arg20[%dma_wait3A, %dma_wait3A_218] : memref<25x128xi32, #tpu.memory_space<vmem>> -> memref<1x128xi32, #tpu.memory_space<vmem>>
      %dma_wait3A_220 = tpu.memref_squeeze %dma_wait3A_219 : memref<1x128xi32, #tpu.memory_space<vmem>> -> memref<128xi32, #tpu.memory_space<vmem>>
      %dma_wait3A_221 = arith.constant 0 : i32
      %dma_wait3A_222 = arith.constant 0 : i32
      %dma_wait3A_223 = tpu.memref_slice %arg6[%dma_wait3A_221, %dma_wait3A_222] : memref<16384x128xf32, #tpu.memory_space<hbm>> -> memref<16384x128xf32, #tpu.memory_space<hbm>>
      tpu.wait_indirect_dma semaphore(%arg29 : memref<!tpu.dma_semaphore, #tpu.memory_space<semaphore_mem>>) src(%dma_wait3A_223 : memref<16384x128xf32, #tpu.memory_space<hbm>>) dst(%arg26 : memref<128x128xf32, #tpu.memory_space<vmem>>)
      %dma_start3A_224 = arith.constant 18 : i32
      %dma_start3A_225 = arith.constant 0 : i32
      %dma_start3A_226 = tpu.memref_slice %arg19[%dma_start3A_224, %dma_start3A_225] : memref<25x128xi32, #tpu.memory_space<vmem>> -> memref<1x128xi32, #tpu.memory_space<vmem>>
      %dma_start3A_227 = tpu.memref_squeeze %dma_start3A_226 : memref<1x128xi32, #tpu.memory_space<vmem>> -> memref<128xi32, #tpu.memory_space<vmem>>
      %dma_start3A_228 = arith.constant 0 : i32
      %dma_start3A_229 = arith.constant 0 : i32
      %dma_start3A_230 = tpu.memref_slice %arg11[%dma_start3A_228, %dma_start3A_229] : memref<100000x128xf32, #tpu.memory_space<hbm>> -> memref<100000x128xf32, #tpu.memory_space<hbm>>
      tpu.enqueue_indirect_dma source(%arg26 : memref<128x128xf32, #tpu.memory_space<vmem>>) target(%dma_start3A_230 : memref<100000x128xf32, #tpu.memory_space<hbm>>) offsets(%dma_start3A_227 : memref<128xi32, #tpu.memory_space<vmem>>) semaphore(%arg29 : memref<!tpu.dma_semaphore, #tpu.memory_space<semaphore_mem>>)
      %dma_wait3A_231 = arith.constant 18 : i32
      %dma_wait3A_232 = arith.constant 0 : i32
      %dma_wait3A_233 = tpu.memref_slice %arg19[%dma_wait3A_231, %dma_wait3A_232] : memref<25x128xi32, #tpu.memory_space<vmem>> -> memref<1x128xi32, #tpu.memory_space<vmem>>
      %dma_wait3A_234 = tpu.memref_squeeze %dma_wait3A_233 : memref<1x128xi32, #tpu.memory_space<vmem>> -> memref<128xi32, #tpu.memory_space<vmem>>
      %dma_wait3A_235 = arith.constant 0 : i32
      %dma_wait3A_236 = arith.constant 0 : i32
      %dma_wait3A_237 = tpu.memref_slice %arg11[%dma_wait3A_235, %dma_wait3A_236] : memref<100000x128xf32, #tpu.memory_space<hbm>> -> memref<100000x128xf32, #tpu.memory_space<hbm>>
      tpu.wait_indirect_dma semaphore(%arg29 : memref<!tpu.dma_semaphore, #tpu.memory_space<semaphore_mem>>) src(%arg26 : memref<128x128xf32, #tpu.memory_space<vmem>>) dst(%dma_wait3A_237 : memref<100000x128xf32, #tpu.memory_space<hbm>>)
      %dma_start3A_238 = arith.constant 18 : i32
      %dma_start3A_239 = arith.constant 0 : i32
      %dma_start3A_240 = tpu.memref_slice %arg20[%dma_start3A_238, %dma_start3A_239] : memref<25x128xi32, #tpu.memory_space<vmem>> -> memref<1x128xi32, #tpu.memory_space<vmem>>
      %dma_start3A_241 = tpu.memref_squeeze %dma_start3A_240 : memref<1x128xi32, #tpu.memory_space<vmem>> -> memref<128xi32, #tpu.memory_space<vmem>>
      %dma_start3A_242 = arith.constant 0 : i32
      %dma_start3A_243 = tpu.memref_slice %arg8[%dma_start3A_242] : memref<16384xi32, #tpu.memory_space<hbm>> -> memref<16384xi32, #tpu.memory_space<hbm>>
      tpu.enqueue_indirect_dma source(%dma_start3A_243 : memref<16384xi32, #tpu.memory_space<hbm>>) target(%arg21 : memref<128xi32, #tpu.memory_space<vmem>>) offsets(%dma_start3A_241 : memref<128xi32, #tpu.memory_space<vmem>>) semaphore(%arg29 : memref<!tpu.dma_semaphore, #tpu.memory_space<semaphore_mem>>)
      %dma_wait3A_244 = arith.constant 18 : i32
      %dma_wait3A_245 = arith.constant 0 : i32
      %dma_wait3A_246 = tpu.memref_slice %arg20[%dma_wait3A_244, %dma_wait3A_245] : memref<25x128xi32, #tpu.memory_space<vmem>> -> memref<1x128xi32, #tpu.memory_space<vmem>>
      %dma_wait3A_247 = tpu.memref_squeeze %dma_wait3A_246 : memref<1x128xi32, #tpu.memory_space<vmem>> -> memref<128xi32, #tpu.memory_space<vmem>>
      %dma_wait3A_248 = arith.constant 0 : i32
      %dma_wait3A_249 = tpu.memref_slice %arg8[%dma_wait3A_248] : memref<16384xi32, #tpu.memory_space<hbm>> -> memref<16384xi32, #tpu.memory_space<hbm>>
      tpu.wait_indirect_dma semaphore(%arg29 : memref<!tpu.dma_semaphore, #tpu.memory_space<semaphore_mem>>) src(%dma_wait3A_249 : memref<16384xi32, #tpu.memory_space<hbm>>) dst(%arg21 : memref<128xi32, #tpu.memory_space<vmem>>)
      %dma_start3A_250 = arith.constant 18 : i32
      %dma_start3A_251 = arith.constant 0 : i32
      %dma_start3A_252 = tpu.memref_slice %arg19[%dma_start3A_250, %dma_start3A_251] : memref<25x128xi32, #tpu.memory_space<vmem>> -> memref<1x128xi32, #tpu.memory_space<vmem>>
      %dma_start3A_253 = tpu.memref_squeeze %dma_start3A_252 : memref<1x128xi32, #tpu.memory_space<vmem>> -> memref<128xi32, #tpu.memory_space<vmem>>
      %dma_start3A_254 = arith.constant 0 : i32
      %dma_start3A_255 = tpu.memref_slice %arg12[%dma_start3A_254] : memref<100000xi32, #tpu.memory_space<hbm>> -> memref<100000xi32, #tpu.memory_space<hbm>>
      tpu.enqueue_indirect_dma source(%arg21 : memref<128xi32, #tpu.memory_space<vmem>>) target(%dma_start3A_255 : memref<100000xi32, #tpu.memory_space<hbm>>) offsets(%dma_start3A_253 : memref<128xi32, #tpu.memory_space<vmem>>) semaphore(%arg29 : memref<!tpu.dma_semaphore, #tpu.memory_space<semaphore_mem>>)
      %dma_wait3A_256 = arith.constant 18 : i32
      %dma_wait3A_257 = arith.constant 0 : i32
      %dma_wait3A_258 = tpu.memref_slice %arg19[%dma_wait3A_256, %dma_wait3A_257] : memref<25x128xi32, #tpu.memory_space<vmem>> -> memref<1x128xi32, #tpu.memory_space<vmem>>
      %dma_wait3A_259 = tpu.memref_squeeze %dma_wait3A_258 : memref<1x128xi32, #tpu.memory_space<vmem>> -> memref<128xi32, #tpu.memory_space<vmem>>
      %dma_wait3A_260 = arith.constant 0 : i32
      %dma_wait3A_261 = tpu.memref_slice %arg12[%dma_wait3A_260] : memref<100000xi32, #tpu.memory_space<hbm>> -> memref<100000xi32, #tpu.memory_space<hbm>>
      tpu.wait_indirect_dma semaphore(%arg29 : memref<!tpu.dma_semaphore, #tpu.memory_space<semaphore_mem>>) src(%arg21 : memref<128xi32, #tpu.memory_space<vmem>>) dst(%dma_wait3A_261 : memref<100000xi32, #tpu.memory_space<hbm>>)
      %dma_start3A_262 = arith.constant 18 : i32
      %dma_start3A_263 = arith.constant 0 : i32
      %dma_start3A_264 = tpu.memref_slice %arg19[%dma_start3A_262, %dma_start3A_263] : memref<25x128xi32, #tpu.memory_space<vmem>> -> memref<1x128xi32, #tpu.memory_space<vmem>>
      %dma_start3A_265 = tpu.memref_squeeze %dma_start3A_264 : memref<1x128xi32, #tpu.memory_space<vmem>> -> memref<128xi32, #tpu.memory_space<vmem>>
      %dma_start3A_266 = arith.constant 0 : i32
      %dma_start3A_267 = tpu.memref_slice %arg13[%dma_start3A_266] : memref<100000xi32, #tpu.memory_space<hbm>> -> memref<100000xi32, #tpu.memory_space<hbm>>
      tpu.enqueue_indirect_dma source(%arg22 : memref<128xi32, #tpu.memory_space<vmem>>) target(%dma_start3A_267 : memref<100000xi32, #tpu.memory_space<hbm>>) offsets(%dma_start3A_265 : memref<128xi32, #tpu.memory_space<vmem>>) semaphore(%arg29 : memref<!tpu.dma_semaphore, #tpu.memory_space<semaphore_mem>>)
      %dma_wait3A_268 = arith.constant 18 : i32
      %dma_wait3A_269 = arith.constant 0 : i32
      %dma_wait3A_270 = tpu.memref_slice %arg19[%dma_wait3A_268, %dma_wait3A_269] : memref<25x128xi32, #tpu.memory_space<vmem>> -> memref<1x128xi32, #tpu.memory_space<vmem>>
      %dma_wait3A_271 = tpu.memref_squeeze %dma_wait3A_270 : memref<1x128xi32, #tpu.memory_space<vmem>> -> memref<128xi32, #tpu.memory_space<vmem>>
      %dma_wait3A_272 = arith.constant 0 : i32
      %dma_wait3A_273 = tpu.memref_slice %arg13[%dma_wait3A_272] : memref<100000xi32, #tpu.memory_space<hbm>> -> memref<100000xi32, #tpu.memory_space<hbm>>
      tpu.wait_indirect_dma semaphore(%arg29 : memref<!tpu.dma_semaphore, #tpu.memory_space<semaphore_mem>>) src(%arg22 : memref<128xi32, #tpu.memory_space<vmem>>) dst(%dma_wait3A_273 : memref<100000xi32, #tpu.memory_space<hbm>>)
    } else {
    }
    %gt3A_182 = arith.constant 2432 : i32
    %gt3A_183 = arith.cmpi sgt, %scan3A_53, %gt3A_182 : i32
    %convert_element_type3A_184 = arith.extui %gt3A_183 : i1 to i32
    %cond3A_185 = arith.constant 0 : i32
    %cond3A_186 = arith.cmpi ne, %convert_element_type3A_184, %cond3A_185 : i32
    scf.if %cond3A_186 {
      %dma_start3A = arith.constant 19 : i32
      %dma_start3A_212 = arith.constant 0 : i32
      %dma_start3A_213 = tpu.memref_slice %arg20[%dma_start3A, %dma_start3A_212] : memref<25x128xi32, #tpu.memory_space<vmem>> -> memref<1x128xi32, #tpu.memory_space<vmem>>
      %dma_start3A_214 = tpu.memref_squeeze %dma_start3A_213 : memref<1x128xi32, #tpu.memory_space<vmem>> -> memref<128xi32, #tpu.memory_space<vmem>>
      %dma_start3A_215 = arith.constant 0 : i32
      %dma_start3A_216 = arith.constant 0 : i32
      %dma_start3A_217 = tpu.memref_slice %arg6[%dma_start3A_215, %dma_start3A_216] : memref<16384x128xf32, #tpu.memory_space<hbm>> -> memref<16384x128xf32, #tpu.memory_space<hbm>>
      tpu.enqueue_indirect_dma source(%dma_start3A_217 : memref<16384x128xf32, #tpu.memory_space<hbm>>) target(%arg26 : memref<128x128xf32, #tpu.memory_space<vmem>>) offsets(%dma_start3A_214 : memref<128xi32, #tpu.memory_space<vmem>>) semaphore(%arg29 : memref<!tpu.dma_semaphore, #tpu.memory_space<semaphore_mem>>)
      %dma_wait3A = arith.constant 19 : i32
      %dma_wait3A_218 = arith.constant 0 : i32
      %dma_wait3A_219 = tpu.memref_slice %arg20[%dma_wait3A, %dma_wait3A_218] : memref<25x128xi32, #tpu.memory_space<vmem>> -> memref<1x128xi32, #tpu.memory_space<vmem>>
      %dma_wait3A_220 = tpu.memref_squeeze %dma_wait3A_219 : memref<1x128xi32, #tpu.memory_space<vmem>> -> memref<128xi32, #tpu.memory_space<vmem>>
      %dma_wait3A_221 = arith.constant 0 : i32
      %dma_wait3A_222 = arith.constant 0 : i32
      %dma_wait3A_223 = tpu.memref_slice %arg6[%dma_wait3A_221, %dma_wait3A_222] : memref<16384x128xf32, #tpu.memory_space<hbm>> -> memref<16384x128xf32, #tpu.memory_space<hbm>>
      tpu.wait_indirect_dma semaphore(%arg29 : memref<!tpu.dma_semaphore, #tpu.memory_space<semaphore_mem>>) src(%dma_wait3A_223 : memref<16384x128xf32, #tpu.memory_space<hbm>>) dst(%arg26 : memref<128x128xf32, #tpu.memory_space<vmem>>)
      %dma_start3A_224 = arith.constant 19 : i32
      %dma_start3A_225 = arith.constant 0 : i32
      %dma_start3A_226 = tpu.memref_slice %arg19[%dma_start3A_224, %dma_start3A_225] : memref<25x128xi32, #tpu.memory_space<vmem>> -> memref<1x128xi32, #tpu.memory_space<vmem>>
      %dma_start3A_227 = tpu.memref_squeeze %dma_start3A_226 : memref<1x128xi32, #tpu.memory_space<vmem>> -> memref<128xi32, #tpu.memory_space<vmem>>
      %dma_start3A_228 = arith.constant 0 : i32
      %dma_start3A_229 = arith.constant 0 : i32
      %dma_start3A_230 = tpu.memref_slice %arg11[%dma_start3A_228, %dma_start3A_229] : memref<100000x128xf32, #tpu.memory_space<hbm>> -> memref<100000x128xf32, #tpu.memory_space<hbm>>
      tpu.enqueue_indirect_dma source(%arg26 : memref<128x128xf32, #tpu.memory_space<vmem>>) target(%dma_start3A_230 : memref<100000x128xf32, #tpu.memory_space<hbm>>) offsets(%dma_start3A_227 : memref<128xi32, #tpu.memory_space<vmem>>) semaphore(%arg29 : memref<!tpu.dma_semaphore, #tpu.memory_space<semaphore_mem>>)
      %dma_wait3A_231 = arith.constant 19 : i32
      %dma_wait3A_232 = arith.constant 0 : i32
      %dma_wait3A_233 = tpu.memref_slice %arg19[%dma_wait3A_231, %dma_wait3A_232] : memref<25x128xi32, #tpu.memory_space<vmem>> -> memref<1x128xi32, #tpu.memory_space<vmem>>
      %dma_wait3A_234 = tpu.memref_squeeze %dma_wait3A_233 : memref<1x128xi32, #tpu.memory_space<vmem>> -> memref<128xi32, #tpu.memory_space<vmem>>
      %dma_wait3A_235 = arith.constant 0 : i32
      %dma_wait3A_236 = arith.constant 0 : i32
      %dma_wait3A_237 = tpu.memref_slice %arg11[%dma_wait3A_235, %dma_wait3A_236] : memref<100000x128xf32, #tpu.memory_space<hbm>> -> memref<100000x128xf32, #tpu.memory_space<hbm>>
      tpu.wait_indirect_dma semaphore(%arg29 : memref<!tpu.dma_semaphore, #tpu.memory_space<semaphore_mem>>) src(%arg26 : memref<128x128xf32, #tpu.memory_space<vmem>>) dst(%dma_wait3A_237 : memref<100000x128xf32, #tpu.memory_space<hbm>>)
      %dma_start3A_238 = arith.constant 19 : i32
      %dma_start3A_239 = arith.constant 0 : i32
      %dma_start3A_240 = tpu.memref_slice %arg20[%dma_start3A_238, %dma_start3A_239] : memref<25x128xi32, #tpu.memory_space<vmem>> -> memref<1x128xi32, #tpu.memory_space<vmem>>
      %dma_start3A_241 = tpu.memref_squeeze %dma_start3A_240 : memref<1x128xi32, #tpu.memory_space<vmem>> -> memref<128xi32, #tpu.memory_space<vmem>>
      %dma_start3A_242 = arith.constant 0 : i32
      %dma_start3A_243 = tpu.memref_slice %arg8[%dma_start3A_242] : memref<16384xi32, #tpu.memory_space<hbm>> -> memref<16384xi32, #tpu.memory_space<hbm>>
      tpu.enqueue_indirect_dma source(%dma_start3A_243 : memref<16384xi32, #tpu.memory_space<hbm>>) target(%arg21 : memref<128xi32, #tpu.memory_space<vmem>>) offsets(%dma_start3A_241 : memref<128xi32, #tpu.memory_space<vmem>>) semaphore(%arg29 : memref<!tpu.dma_semaphore, #tpu.memory_space<semaphore_mem>>)
      %dma_wait3A_244 = arith.constant 19 : i32
      %dma_wait3A_245 = arith.constant 0 : i32
      %dma_wait3A_246 = tpu.memref_slice %arg20[%dma_wait3A_244, %dma_wait3A_245] : memref<25x128xi32, #tpu.memory_space<vmem>> -> memref<1x128xi32, #tpu.memory_space<vmem>>
      %dma_wait3A_247 = tpu.memref_squeeze %dma_wait3A_246 : memref<1x128xi32, #tpu.memory_space<vmem>> -> memref<128xi32, #tpu.memory_space<vmem>>
      %dma_wait3A_248 = arith.constant 0 : i32
      %dma_wait3A_249 = tpu.memref_slice %arg8[%dma_wait3A_248] : memref<16384xi32, #tpu.memory_space<hbm>> -> memref<16384xi32, #tpu.memory_space<hbm>>
      tpu.wait_indirect_dma semaphore(%arg29 : memref<!tpu.dma_semaphore, #tpu.memory_space<semaphore_mem>>) src(%dma_wait3A_249 : memref<16384xi32, #tpu.memory_space<hbm>>) dst(%arg21 : memref<128xi32, #tpu.memory_space<vmem>>)
      %dma_start3A_250 = arith.constant 19 : i32
      %dma_start3A_251 = arith.constant 0 : i32
      %dma_start3A_252 = tpu.memref_slice %arg19[%dma_start3A_250, %dma_start3A_251] : memref<25x128xi32, #tpu.memory_space<vmem>> -> memref<1x128xi32, #tpu.memory_space<vmem>>
      %dma_start3A_253 = tpu.memref_squeeze %dma_start3A_252 : memref<1x128xi32, #tpu.memory_space<vmem>> -> memref<128xi32, #tpu.memory_space<vmem>>
      %dma_start3A_254 = arith.constant 0 : i32
      %dma_start3A_255 = tpu.memref_slice %arg12[%dma_start3A_254] : memref<100000xi32, #tpu.memory_space<hbm>> -> memref<100000xi32, #tpu.memory_space<hbm>>
      tpu.enqueue_indirect_dma source(%arg21 : memref<128xi32, #tpu.memory_space<vmem>>) target(%dma_start3A_255 : memref<100000xi32, #tpu.memory_space<hbm>>) offsets(%dma_start3A_253 : memref<128xi32, #tpu.memory_space<vmem>>) semaphore(%arg29 : memref<!tpu.dma_semaphore, #tpu.memory_space<semaphore_mem>>)
      %dma_wait3A_256 = arith.constant 19 : i32
      %dma_wait3A_257 = arith.constant 0 : i32
      %dma_wait3A_258 = tpu.memref_slice %arg19[%dma_wait3A_256, %dma_wait3A_257] : memref<25x128xi32, #tpu.memory_space<vmem>> -> memref<1x128xi32, #tpu.memory_space<vmem>>
      %dma_wait3A_259 = tpu.memref_squeeze %dma_wait3A_258 : memref<1x128xi32, #tpu.memory_space<vmem>> -> memref<128xi32, #tpu.memory_space<vmem>>
      %dma_wait3A_260 = arith.constant 0 : i32
      %dma_wait3A_261 = tpu.memref_slice %arg12[%dma_wait3A_260] : memref<100000xi32, #tpu.memory_space<hbm>> -> memref<100000xi32, #tpu.memory_space<hbm>>
      tpu.wait_indirect_dma semaphore(%arg29 : memref<!tpu.dma_semaphore, #tpu.memory_space<semaphore_mem>>) src(%arg21 : memref<128xi32, #tpu.memory_space<vmem>>) dst(%dma_wait3A_261 : memref<100000xi32, #tpu.memory_space<hbm>>)
      %dma_start3A_262 = arith.constant 19 : i32
      %dma_start3A_263 = arith.constant 0 : i32
      %dma_start3A_264 = tpu.memref_slice %arg19[%dma_start3A_262, %dma_start3A_263] : memref<25x128xi32, #tpu.memory_space<vmem>> -> memref<1x128xi32, #tpu.memory_space<vmem>>
      %dma_start3A_265 = tpu.memref_squeeze %dma_start3A_264 : memref<1x128xi32, #tpu.memory_space<vmem>> -> memref<128xi32, #tpu.memory_space<vmem>>
      %dma_start3A_266 = arith.constant 0 : i32
      %dma_start3A_267 = tpu.memref_slice %arg13[%dma_start3A_266] : memref<100000xi32, #tpu.memory_space<hbm>> -> memref<100000xi32, #tpu.memory_space<hbm>>
      tpu.enqueue_indirect_dma source(%arg22 : memref<128xi32, #tpu.memory_space<vmem>>) target(%dma_start3A_267 : memref<100000xi32, #tpu.memory_space<hbm>>) offsets(%dma_start3A_265 : memref<128xi32, #tpu.memory_space<vmem>>) semaphore(%arg29 : memref<!tpu.dma_semaphore, #tpu.memory_space<semaphore_mem>>)
      %dma_wait3A_268 = arith.constant 19 : i32
      %dma_wait3A_269 = arith.constant 0 : i32
      %dma_wait3A_270 = tpu.memref_slice %arg19[%dma_wait3A_268, %dma_wait3A_269] : memref<25x128xi32, #tpu.memory_space<vmem>> -> memref<1x128xi32, #tpu.memory_space<vmem>>
      %dma_wait3A_271 = tpu.memref_squeeze %dma_wait3A_270 : memref<1x128xi32, #tpu.memory_space<vmem>> -> memref<128xi32, #tpu.memory_space<vmem>>
      %dma_wait3A_272 = arith.constant 0 : i32
      %dma_wait3A_273 = tpu.memref_slice %arg13[%dma_wait3A_272] : memref<100000xi32, #tpu.memory_space<hbm>> -> memref<100000xi32, #tpu.memory_space<hbm>>
      tpu.wait_indirect_dma semaphore(%arg29 : memref<!tpu.dma_semaphore, #tpu.memory_space<semaphore_mem>>) src(%arg22 : memref<128xi32, #tpu.memory_space<vmem>>) dst(%dma_wait3A_273 : memref<100000xi32, #tpu.memory_space<hbm>>)
    } else {
    }
    %gt3A_187 = arith.constant 2560 : i32
    %gt3A_188 = arith.cmpi sgt, %scan3A_53, %gt3A_187 : i32
    %convert_element_type3A_189 = arith.extui %gt3A_188 : i1 to i32
    %cond3A_190 = arith.constant 0 : i32
    %cond3A_191 = arith.cmpi ne, %convert_element_type3A_189, %cond3A_190 : i32
    scf.if %cond3A_191 {
      %dma_start3A = arith.constant 20 : i32
      %dma_start3A_212 = arith.constant 0 : i32
      %dma_start3A_213 = tpu.memref_slice %arg20[%dma_start3A, %dma_start3A_212] : memref<25x128xi32, #tpu.memory_space<vmem>> -> memref<1x128xi32, #tpu.memory_space<vmem>>
      %dma_start3A_214 = tpu.memref_squeeze %dma_start3A_213 : memref<1x128xi32, #tpu.memory_space<vmem>> -> memref<128xi32, #tpu.memory_space<vmem>>
      %dma_start3A_215 = arith.constant 0 : i32
      %dma_start3A_216 = arith.constant 0 : i32
      %dma_start3A_217 = tpu.memref_slice %arg6[%dma_start3A_215, %dma_start3A_216] : memref<16384x128xf32, #tpu.memory_space<hbm>> -> memref<16384x128xf32, #tpu.memory_space<hbm>>
      tpu.enqueue_indirect_dma source(%dma_start3A_217 : memref<16384x128xf32, #tpu.memory_space<hbm>>) target(%arg26 : memref<128x128xf32, #tpu.memory_space<vmem>>) offsets(%dma_start3A_214 : memref<128xi32, #tpu.memory_space<vmem>>) semaphore(%arg29 : memref<!tpu.dma_semaphore, #tpu.memory_space<semaphore_mem>>)
      %dma_wait3A = arith.constant 20 : i32
      %dma_wait3A_218 = arith.constant 0 : i32
      %dma_wait3A_219 = tpu.memref_slice %arg20[%dma_wait3A, %dma_wait3A_218] : memref<25x128xi32, #tpu.memory_space<vmem>> -> memref<1x128xi32, #tpu.memory_space<vmem>>
      %dma_wait3A_220 = tpu.memref_squeeze %dma_wait3A_219 : memref<1x128xi32, #tpu.memory_space<vmem>> -> memref<128xi32, #tpu.memory_space<vmem>>
      %dma_wait3A_221 = arith.constant 0 : i32
      %dma_wait3A_222 = arith.constant 0 : i32
      %dma_wait3A_223 = tpu.memref_slice %arg6[%dma_wait3A_221, %dma_wait3A_222] : memref<16384x128xf32, #tpu.memory_space<hbm>> -> memref<16384x128xf32, #tpu.memory_space<hbm>>
      tpu.wait_indirect_dma semaphore(%arg29 : memref<!tpu.dma_semaphore, #tpu.memory_space<semaphore_mem>>) src(%dma_wait3A_223 : memref<16384x128xf32, #tpu.memory_space<hbm>>) dst(%arg26 : memref<128x128xf32, #tpu.memory_space<vmem>>)
      %dma_start3A_224 = arith.constant 20 : i32
      %dma_start3A_225 = arith.constant 0 : i32
      %dma_start3A_226 = tpu.memref_slice %arg19[%dma_start3A_224, %dma_start3A_225] : memref<25x128xi32, #tpu.memory_space<vmem>> -> memref<1x128xi32, #tpu.memory_space<vmem>>
      %dma_start3A_227 = tpu.memref_squeeze %dma_start3A_226 : memref<1x128xi32, #tpu.memory_space<vmem>> -> memref<128xi32, #tpu.memory_space<vmem>>
      %dma_start3A_228 = arith.constant 0 : i32
      %dma_start3A_229 = arith.constant 0 : i32
      %dma_start3A_230 = tpu.memref_slice %arg11[%dma_start3A_228, %dma_start3A_229] : memref<100000x128xf32, #tpu.memory_space<hbm>> -> memref<100000x128xf32, #tpu.memory_space<hbm>>
      tpu.enqueue_indirect_dma source(%arg26 : memref<128x128xf32, #tpu.memory_space<vmem>>) target(%dma_start3A_230 : memref<100000x128xf32, #tpu.memory_space<hbm>>) offsets(%dma_start3A_227 : memref<128xi32, #tpu.memory_space<vmem>>) semaphore(%arg29 : memref<!tpu.dma_semaphore, #tpu.memory_space<semaphore_mem>>)
      %dma_wait3A_231 = arith.constant 20 : i32
      %dma_wait3A_232 = arith.constant 0 : i32
      %dma_wait3A_233 = tpu.memref_slice %arg19[%dma_wait3A_231, %dma_wait3A_232] : memref<25x128xi32, #tpu.memory_space<vmem>> -> memref<1x128xi32, #tpu.memory_space<vmem>>
      %dma_wait3A_234 = tpu.memref_squeeze %dma_wait3A_233 : memref<1x128xi32, #tpu.memory_space<vmem>> -> memref<128xi32, #tpu.memory_space<vmem>>
      %dma_wait3A_235 = arith.constant 0 : i32
      %dma_wait3A_236 = arith.constant 0 : i32
      %dma_wait3A_237 = tpu.memref_slice %arg11[%dma_wait3A_235, %dma_wait3A_236] : memref<100000x128xf32, #tpu.memory_space<hbm>> -> memref<100000x128xf32, #tpu.memory_space<hbm>>
      tpu.wait_indirect_dma semaphore(%arg29 : memref<!tpu.dma_semaphore, #tpu.memory_space<semaphore_mem>>) src(%arg26 : memref<128x128xf32, #tpu.memory_space<vmem>>) dst(%dma_wait3A_237 : memref<100000x128xf32, #tpu.memory_space<hbm>>)
      %dma_start3A_238 = arith.constant 20 : i32
      %dma_start3A_239 = arith.constant 0 : i32
      %dma_start3A_240 = tpu.memref_slice %arg20[%dma_start3A_238, %dma_start3A_239] : memref<25x128xi32, #tpu.memory_space<vmem>> -> memref<1x128xi32, #tpu.memory_space<vmem>>
      %dma_start3A_241 = tpu.memref_squeeze %dma_start3A_240 : memref<1x128xi32, #tpu.memory_space<vmem>> -> memref<128xi32, #tpu.memory_space<vmem>>
      %dma_start3A_242 = arith.constant 0 : i32
      %dma_start3A_243 = tpu.memref_slice %arg8[%dma_start3A_242] : memref<16384xi32, #tpu.memory_space<hbm>> -> memref<16384xi32, #tpu.memory_space<hbm>>
      tpu.enqueue_indirect_dma source(%dma_start3A_243 : memref<16384xi32, #tpu.memory_space<hbm>>) target(%arg21 : memref<128xi32, #tpu.memory_space<vmem>>) offsets(%dma_start3A_241 : memref<128xi32, #tpu.memory_space<vmem>>) semaphore(%arg29 : memref<!tpu.dma_semaphore, #tpu.memory_space<semaphore_mem>>)
      %dma_wait3A_244 = arith.constant 20 : i32
      %dma_wait3A_245 = arith.constant 0 : i32
      %dma_wait3A_246 = tpu.memref_slice %arg20[%dma_wait3A_244, %dma_wait3A_245] : memref<25x128xi32, #tpu.memory_space<vmem>> -> memref<1x128xi32, #tpu.memory_space<vmem>>
      %dma_wait3A_247 = tpu.memref_squeeze %dma_wait3A_246 : memref<1x128xi32, #tpu.memory_space<vmem>> -> memref<128xi32, #tpu.memory_space<vmem>>
      %dma_wait3A_248 = arith.constant 0 : i32
      %dma_wait3A_249 = tpu.memref_slice %arg8[%dma_wait3A_248] : memref<16384xi32, #tpu.memory_space<hbm>> -> memref<16384xi32, #tpu.memory_space<hbm>>
      tpu.wait_indirect_dma semaphore(%arg29 : memref<!tpu.dma_semaphore, #tpu.memory_space<semaphore_mem>>) src(%dma_wait3A_249 : memref<16384xi32, #tpu.memory_space<hbm>>) dst(%arg21 : memref<128xi32, #tpu.memory_space<vmem>>)
      %dma_start3A_250 = arith.constant 20 : i32
      %dma_start3A_251 = arith.constant 0 : i32
      %dma_start3A_252 = tpu.memref_slice %arg19[%dma_start3A_250, %dma_start3A_251] : memref<25x128xi32, #tpu.memory_space<vmem>> -> memref<1x128xi32, #tpu.memory_space<vmem>>
      %dma_start3A_253 = tpu.memref_squeeze %dma_start3A_252 : memref<1x128xi32, #tpu.memory_space<vmem>> -> memref<128xi32, #tpu.memory_space<vmem>>
      %dma_start3A_254 = arith.constant 0 : i32
      %dma_start3A_255 = tpu.memref_slice %arg12[%dma_start3A_254] : memref<100000xi32, #tpu.memory_space<hbm>> -> memref<100000xi32, #tpu.memory_space<hbm>>
      tpu.enqueue_indirect_dma source(%arg21 : memref<128xi32, #tpu.memory_space<vmem>>) target(%dma_start3A_255 : memref<100000xi32, #tpu.memory_space<hbm>>) offsets(%dma_start3A_253 : memref<128xi32, #tpu.memory_space<vmem>>) semaphore(%arg29 : memref<!tpu.dma_semaphore, #tpu.memory_space<semaphore_mem>>)
      %dma_wait3A_256 = arith.constant 20 : i32
      %dma_wait3A_257 = arith.constant 0 : i32
      %dma_wait3A_258 = tpu.memref_slice %arg19[%dma_wait3A_256, %dma_wait3A_257] : memref<25x128xi32, #tpu.memory_space<vmem>> -> memref<1x128xi32, #tpu.memory_space<vmem>>
      %dma_wait3A_259 = tpu.memref_squeeze %dma_wait3A_258 : memref<1x128xi32, #tpu.memory_space<vmem>> -> memref<128xi32, #tpu.memory_space<vmem>>
      %dma_wait3A_260 = arith.constant 0 : i32
      %dma_wait3A_261 = tpu.memref_slice %arg12[%dma_wait3A_260] : memref<100000xi32, #tpu.memory_space<hbm>> -> memref<100000xi32, #tpu.memory_space<hbm>>
      tpu.wait_indirect_dma semaphore(%arg29 : memref<!tpu.dma_semaphore, #tpu.memory_space<semaphore_mem>>) src(%arg21 : memref<128xi32, #tpu.memory_space<vmem>>) dst(%dma_wait3A_261 : memref<100000xi32, #tpu.memory_space<hbm>>)
      %dma_start3A_262 = arith.constant 20 : i32
      %dma_start3A_263 = arith.constant 0 : i32
      %dma_start3A_264 = tpu.memref_slice %arg19[%dma_start3A_262, %dma_start3A_263] : memref<25x128xi32, #tpu.memory_space<vmem>> -> memref<1x128xi32, #tpu.memory_space<vmem>>
      %dma_start3A_265 = tpu.memref_squeeze %dma_start3A_264 : memref<1x128xi32, #tpu.memory_space<vmem>> -> memref<128xi32, #tpu.memory_space<vmem>>
      %dma_start3A_266 = arith.constant 0 : i32
      %dma_start3A_267 = tpu.memref_slice %arg13[%dma_start3A_266] : memref<100000xi32, #tpu.memory_space<hbm>> -> memref<100000xi32, #tpu.memory_space<hbm>>
      tpu.enqueue_indirect_dma source(%arg22 : memref<128xi32, #tpu.memory_space<vmem>>) target(%dma_start3A_267 : memref<100000xi32, #tpu.memory_space<hbm>>) offsets(%dma_start3A_265 : memref<128xi32, #tpu.memory_space<vmem>>) semaphore(%arg29 : memref<!tpu.dma_semaphore, #tpu.memory_space<semaphore_mem>>)
      %dma_wait3A_268 = arith.constant 20 : i32
      %dma_wait3A_269 = arith.constant 0 : i32
      %dma_wait3A_270 = tpu.memref_slice %arg19[%dma_wait3A_268, %dma_wait3A_269] : memref<25x128xi32, #tpu.memory_space<vmem>> -> memref<1x128xi32, #tpu.memory_space<vmem>>
      %dma_wait3A_271 = tpu.memref_squeeze %dma_wait3A_270 : memref<1x128xi32, #tpu.memory_space<vmem>> -> memref<128xi32, #tpu.memory_space<vmem>>
      %dma_wait3A_272 = arith.constant 0 : i32
      %dma_wait3A_273 = tpu.memref_slice %arg13[%dma_wait3A_272] : memref<100000xi32, #tpu.memory_space<hbm>> -> memref<100000xi32, #tpu.memory_space<hbm>>
      tpu.wait_indirect_dma semaphore(%arg29 : memref<!tpu.dma_semaphore, #tpu.memory_space<semaphore_mem>>) src(%arg22 : memref<128xi32, #tpu.memory_space<vmem>>) dst(%dma_wait3A_273 : memref<100000xi32, #tpu.memory_space<hbm>>)
    } else {
    }
    %gt3A_192 = arith.constant 2688 : i32
    %gt3A_193 = arith.cmpi sgt, %scan3A_53, %gt3A_192 : i32
    %convert_element_type3A_194 = arith.extui %gt3A_193 : i1 to i32
    %cond3A_195 = arith.constant 0 : i32
    %cond3A_196 = arith.cmpi ne, %convert_element_type3A_194, %cond3A_195 : i32
    scf.if %cond3A_196 {
      %dma_start3A = arith.constant 21 : i32
      %dma_start3A_212 = arith.constant 0 : i32
      %dma_start3A_213 = tpu.memref_slice %arg20[%dma_start3A, %dma_start3A_212] : memref<25x128xi32, #tpu.memory_space<vmem>> -> memref<1x128xi32, #tpu.memory_space<vmem>>
      %dma_start3A_214 = tpu.memref_squeeze %dma_start3A_213 : memref<1x128xi32, #tpu.memory_space<vmem>> -> memref<128xi32, #tpu.memory_space<vmem>>
      %dma_start3A_215 = arith.constant 0 : i32
      %dma_start3A_216 = arith.constant 0 : i32
      %dma_start3A_217 = tpu.memref_slice %arg6[%dma_start3A_215, %dma_start3A_216] : memref<16384x128xf32, #tpu.memory_space<hbm>> -> memref<16384x128xf32, #tpu.memory_space<hbm>>
      tpu.enqueue_indirect_dma source(%dma_start3A_217 : memref<16384x128xf32, #tpu.memory_space<hbm>>) target(%arg26 : memref<128x128xf32, #tpu.memory_space<vmem>>) offsets(%dma_start3A_214 : memref<128xi32, #tpu.memory_space<vmem>>) semaphore(%arg29 : memref<!tpu.dma_semaphore, #tpu.memory_space<semaphore_mem>>)
      %dma_wait3A = arith.constant 21 : i32
      %dma_wait3A_218 = arith.constant 0 : i32
      %dma_wait3A_219 = tpu.memref_slice %arg20[%dma_wait3A, %dma_wait3A_218] : memref<25x128xi32, #tpu.memory_space<vmem>> -> memref<1x128xi32, #tpu.memory_space<vmem>>
      %dma_wait3A_220 = tpu.memref_squeeze %dma_wait3A_219 : memref<1x128xi32, #tpu.memory_space<vmem>> -> memref<128xi32, #tpu.memory_space<vmem>>
      %dma_wait3A_221 = arith.constant 0 : i32
      %dma_wait3A_222 = arith.constant 0 : i32
      %dma_wait3A_223 = tpu.memref_slice %arg6[%dma_wait3A_221, %dma_wait3A_222] : memref<16384x128xf32, #tpu.memory_space<hbm>> -> memref<16384x128xf32, #tpu.memory_space<hbm>>
      tpu.wait_indirect_dma semaphore(%arg29 : memref<!tpu.dma_semaphore, #tpu.memory_space<semaphore_mem>>) src(%dma_wait3A_223 : memref<16384x128xf32, #tpu.memory_space<hbm>>) dst(%arg26 : memref<128x128xf32, #tpu.memory_space<vmem>>)
      %dma_start3A_224 = arith.constant 21 : i32
      %dma_start3A_225 = arith.constant 0 : i32
      %dma_start3A_226 = tpu.memref_slice %arg19[%dma_start3A_224, %dma_start3A_225] : memref<25x128xi32, #tpu.memory_space<vmem>> -> memref<1x128xi32, #tpu.memory_space<vmem>>
      %dma_start3A_227 = tpu.memref_squeeze %dma_start3A_226 : memref<1x128xi32, #tpu.memory_space<vmem>> -> memref<128xi32, #tpu.memory_space<vmem>>
      %dma_start3A_228 = arith.constant 0 : i32
      %dma_start3A_229 = arith.constant 0 : i32
      %dma_start3A_230 = tpu.memref_slice %arg11[%dma_start3A_228, %dma_start3A_229] : memref<100000x128xf32, #tpu.memory_space<hbm>> -> memref<100000x128xf32, #tpu.memory_space<hbm>>
      tpu.enqueue_indirect_dma source(%arg26 : memref<128x128xf32, #tpu.memory_space<vmem>>) target(%dma_start3A_230 : memref<100000x128xf32, #tpu.memory_space<hbm>>) offsets(%dma_start3A_227 : memref<128xi32, #tpu.memory_space<vmem>>) semaphore(%arg29 : memref<!tpu.dma_semaphore, #tpu.memory_space<semaphore_mem>>)
      %dma_wait3A_231 = arith.constant 21 : i32
      %dma_wait3A_232 = arith.constant 0 : i32
      %dma_wait3A_233 = tpu.memref_slice %arg19[%dma_wait3A_231, %dma_wait3A_232] : memref<25x128xi32, #tpu.memory_space<vmem>> -> memref<1x128xi32, #tpu.memory_space<vmem>>
      %dma_wait3A_234 = tpu.memref_squeeze %dma_wait3A_233 : memref<1x128xi32, #tpu.memory_space<vmem>> -> memref<128xi32, #tpu.memory_space<vmem>>
      %dma_wait3A_235 = arith.constant 0 : i32
      %dma_wait3A_236 = arith.constant 0 : i32
      %dma_wait3A_237 = tpu.memref_slice %arg11[%dma_wait3A_235, %dma_wait3A_236] : memref<100000x128xf32, #tpu.memory_space<hbm>> -> memref<100000x128xf32, #tpu.memory_space<hbm>>
      tpu.wait_indirect_dma semaphore(%arg29 : memref<!tpu.dma_semaphore, #tpu.memory_space<semaphore_mem>>) src(%arg26 : memref<128x128xf32, #tpu.memory_space<vmem>>) dst(%dma_wait3A_237 : memref<100000x128xf32, #tpu.memory_space<hbm>>)
      %dma_start3A_238 = arith.constant 21 : i32
      %dma_start3A_239 = arith.constant 0 : i32
      %dma_start3A_240 = tpu.memref_slice %arg20[%dma_start3A_238, %dma_start3A_239] : memref<25x128xi32, #tpu.memory_space<vmem>> -> memref<1x128xi32, #tpu.memory_space<vmem>>
      %dma_start3A_241 = tpu.memref_squeeze %dma_start3A_240 : memref<1x128xi32, #tpu.memory_space<vmem>> -> memref<128xi32, #tpu.memory_space<vmem>>
      %dma_start3A_242 = arith.constant 0 : i32
      %dma_start3A_243 = tpu.memref_slice %arg8[%dma_start3A_242] : memref<16384xi32, #tpu.memory_space<hbm>> -> memref<16384xi32, #tpu.memory_space<hbm>>
      tpu.enqueue_indirect_dma source(%dma_start3A_243 : memref<16384xi32, #tpu.memory_space<hbm>>) target(%arg21 : memref<128xi32, #tpu.memory_space<vmem>>) offsets(%dma_start3A_241 : memref<128xi32, #tpu.memory_space<vmem>>) semaphore(%arg29 : memref<!tpu.dma_semaphore, #tpu.memory_space<semaphore_mem>>)
      %dma_wait3A_244 = arith.constant 21 : i32
      %dma_wait3A_245 = arith.constant 0 : i32
      %dma_wait3A_246 = tpu.memref_slice %arg20[%dma_wait3A_244, %dma_wait3A_245] : memref<25x128xi32, #tpu.memory_space<vmem>> -> memref<1x128xi32, #tpu.memory_space<vmem>>
      %dma_wait3A_247 = tpu.memref_squeeze %dma_wait3A_246 : memref<1x128xi32, #tpu.memory_space<vmem>> -> memref<128xi32, #tpu.memory_space<vmem>>
      %dma_wait3A_248 = arith.constant 0 : i32
      %dma_wait3A_249 = tpu.memref_slice %arg8[%dma_wait3A_248] : memref<16384xi32, #tpu.memory_space<hbm>> -> memref<16384xi32, #tpu.memory_space<hbm>>
      tpu.wait_indirect_dma semaphore(%arg29 : memref<!tpu.dma_semaphore, #tpu.memory_space<semaphore_mem>>) src(%dma_wait3A_249 : memref<16384xi32, #tpu.memory_space<hbm>>) dst(%arg21 : memref<128xi32, #tpu.memory_space<vmem>>)
      %dma_start3A_250 = arith.constant 21 : i32
      %dma_start3A_251 = arith.constant 0 : i32
      %dma_start3A_252 = tpu.memref_slice %arg19[%dma_start3A_250, %dma_start3A_251] : memref<25x128xi32, #tpu.memory_space<vmem>> -> memref<1x128xi32, #tpu.memory_space<vmem>>
      %dma_start3A_253 = tpu.memref_squeeze %dma_start3A_252 : memref<1x128xi32, #tpu.memory_space<vmem>> -> memref<128xi32, #tpu.memory_space<vmem>>
      %dma_start3A_254 = arith.constant 0 : i32
      %dma_start3A_255 = tpu.memref_slice %arg12[%dma_start3A_254] : memref<100000xi32, #tpu.memory_space<hbm>> -> memref<100000xi32, #tpu.memory_space<hbm>>
      tpu.enqueue_indirect_dma source(%arg21 : memref<128xi32, #tpu.memory_space<vmem>>) target(%dma_start3A_255 : memref<100000xi32, #tpu.memory_space<hbm>>) offsets(%dma_start3A_253 : memref<128xi32, #tpu.memory_space<vmem>>) semaphore(%arg29 : memref<!tpu.dma_semaphore, #tpu.memory_space<semaphore_mem>>)
      %dma_wait3A_256 = arith.constant 21 : i32
      %dma_wait3A_257 = arith.constant 0 : i32
      %dma_wait3A_258 = tpu.memref_slice %arg19[%dma_wait3A_256, %dma_wait3A_257] : memref<25x128xi32, #tpu.memory_space<vmem>> -> memref<1x128xi32, #tpu.memory_space<vmem>>
      %dma_wait3A_259 = tpu.memref_squeeze %dma_wait3A_258 : memref<1x128xi32, #tpu.memory_space<vmem>> -> memref<128xi32, #tpu.memory_space<vmem>>
      %dma_wait3A_260 = arith.constant 0 : i32
      %dma_wait3A_261 = tpu.memref_slice %arg12[%dma_wait3A_260] : memref<100000xi32, #tpu.memory_space<hbm>> -> memref<100000xi32, #tpu.memory_space<hbm>>
      tpu.wait_indirect_dma semaphore(%arg29 : memref<!tpu.dma_semaphore, #tpu.memory_space<semaphore_mem>>) src(%arg21 : memref<128xi32, #tpu.memory_space<vmem>>) dst(%dma_wait3A_261 : memref<100000xi32, #tpu.memory_space<hbm>>)
      %dma_start3A_262 = arith.constant 21 : i32
      %dma_start3A_263 = arith.constant 0 : i32
      %dma_start3A_264 = tpu.memref_slice %arg19[%dma_start3A_262, %dma_start3A_263] : memref<25x128xi32, #tpu.memory_space<vmem>> -> memref<1x128xi32, #tpu.memory_space<vmem>>
      %dma_start3A_265 = tpu.memref_squeeze %dma_start3A_264 : memref<1x128xi32, #tpu.memory_space<vmem>> -> memref<128xi32, #tpu.memory_space<vmem>>
      %dma_start3A_266 = arith.constant 0 : i32
      %dma_start3A_267 = tpu.memref_slice %arg13[%dma_start3A_266] : memref<100000xi32, #tpu.memory_space<hbm>> -> memref<100000xi32, #tpu.memory_space<hbm>>
      tpu.enqueue_indirect_dma source(%arg22 : memref<128xi32, #tpu.memory_space<vmem>>) target(%dma_start3A_267 : memref<100000xi32, #tpu.memory_space<hbm>>) offsets(%dma_start3A_265 : memref<128xi32, #tpu.memory_space<vmem>>) semaphore(%arg29 : memref<!tpu.dma_semaphore, #tpu.memory_space<semaphore_mem>>)
      %dma_wait3A_268 = arith.constant 21 : i32
      %dma_wait3A_269 = arith.constant 0 : i32
      %dma_wait3A_270 = tpu.memref_slice %arg19[%dma_wait3A_268, %dma_wait3A_269] : memref<25x128xi32, #tpu.memory_space<vmem>> -> memref<1x128xi32, #tpu.memory_space<vmem>>
      %dma_wait3A_271 = tpu.memref_squeeze %dma_wait3A_270 : memref<1x128xi32, #tpu.memory_space<vmem>> -> memref<128xi32, #tpu.memory_space<vmem>>
      %dma_wait3A_272 = arith.constant 0 : i32
      %dma_wait3A_273 = tpu.memref_slice %arg13[%dma_wait3A_272] : memref<100000xi32, #tpu.memory_space<hbm>> -> memref<100000xi32, #tpu.memory_space<hbm>>
      tpu.wait_indirect_dma semaphore(%arg29 : memref<!tpu.dma_semaphore, #tpu.memory_space<semaphore_mem>>) src(%arg22 : memref<128xi32, #tpu.memory_space<vmem>>) dst(%dma_wait3A_273 : memref<100000xi32, #tpu.memory_space<hbm>>)
    } else {
    }
    %gt3A_197 = arith.constant 2816 : i32
    %gt3A_198 = arith.cmpi sgt, %scan3A_53, %gt3A_197 : i32
    %convert_element_type3A_199 = arith.extui %gt3A_198 : i1 to i32
    %cond3A_200 = arith.constant 0 : i32
    %cond3A_201 = arith.cmpi ne, %convert_element_type3A_199, %cond3A_200 : i32
    scf.if %cond3A_201 {
      %dma_start3A = arith.constant 22 : i32
      %dma_start3A_212 = arith.constant 0 : i32
      %dma_start3A_213 = tpu.memref_slice %arg20[%dma_start3A, %dma_start3A_212] : memref<25x128xi32, #tpu.memory_space<vmem>> -> memref<1x128xi32, #tpu.memory_space<vmem>>
      %dma_start3A_214 = tpu.memref_squeeze %dma_start3A_213 : memref<1x128xi32, #tpu.memory_space<vmem>> -> memref<128xi32, #tpu.memory_space<vmem>>
      %dma_start3A_215 = arith.constant 0 : i32
      %dma_start3A_216 = arith.constant 0 : i32
      %dma_start3A_217 = tpu.memref_slice %arg6[%dma_start3A_215, %dma_start3A_216] : memref<16384x128xf32, #tpu.memory_space<hbm>> -> memref<16384x128xf32, #tpu.memory_space<hbm>>
      tpu.enqueue_indirect_dma source(%dma_start3A_217 : memref<16384x128xf32, #tpu.memory_space<hbm>>) target(%arg26 : memref<128x128xf32, #tpu.memory_space<vmem>>) offsets(%dma_start3A_214 : memref<128xi32, #tpu.memory_space<vmem>>) semaphore(%arg29 : memref<!tpu.dma_semaphore, #tpu.memory_space<semaphore_mem>>)
      %dma_wait3A = arith.constant 22 : i32
      %dma_wait3A_218 = arith.constant 0 : i32
      %dma_wait3A_219 = tpu.memref_slice %arg20[%dma_wait3A, %dma_wait3A_218] : memref<25x128xi32, #tpu.memory_space<vmem>> -> memref<1x128xi32, #tpu.memory_space<vmem>>
      %dma_wait3A_220 = tpu.memref_squeeze %dma_wait3A_219 : memref<1x128xi32, #tpu.memory_space<vmem>> -> memref<128xi32, #tpu.memory_space<vmem>>
      %dma_wait3A_221 = arith.constant 0 : i32
      %dma_wait3A_222 = arith.constant 0 : i32
      %dma_wait3A_223 = tpu.memref_slice %arg6[%dma_wait3A_221, %dma_wait3A_222] : memref<16384x128xf32, #tpu.memory_space<hbm>> -> memref<16384x128xf32, #tpu.memory_space<hbm>>
      tpu.wait_indirect_dma semaphore(%arg29 : memref<!tpu.dma_semaphore, #tpu.memory_space<semaphore_mem>>) src(%dma_wait3A_223 : memref<16384x128xf32, #tpu.memory_space<hbm>>) dst(%arg26 : memref<128x128xf32, #tpu.memory_space<vmem>>)
      %dma_start3A_224 = arith.constant 22 : i32
      %dma_start3A_225 = arith.constant 0 : i32
      %dma_start3A_226 = tpu.memref_slice %arg19[%dma_start3A_224, %dma_start3A_225] : memref<25x128xi32, #tpu.memory_space<vmem>> -> memref<1x128xi32, #tpu.memory_space<vmem>>
      %dma_start3A_227 = tpu.memref_squeeze %dma_start3A_226 : memref<1x128xi32, #tpu.memory_space<vmem>> -> memref<128xi32, #tpu.memory_space<vmem>>
      %dma_start3A_228 = arith.constant 0 : i32
      %dma_start3A_229 = arith.constant 0 : i32
      %dma_start3A_230 = tpu.memref_slice %arg11[%dma_start3A_228, %dma_start3A_229] : memref<100000x128xf32, #tpu.memory_space<hbm>> -> memref<100000x128xf32, #tpu.memory_space<hbm>>
      tpu.enqueue_indirect_dma source(%arg26 : memref<128x128xf32, #tpu.memory_space<vmem>>) target(%dma_start3A_230 : memref<100000x128xf32, #tpu.memory_space<hbm>>) offsets(%dma_start3A_227 : memref<128xi32, #tpu.memory_space<vmem>>) semaphore(%arg29 : memref<!tpu.dma_semaphore, #tpu.memory_space<semaphore_mem>>)
      %dma_wait3A_231 = arith.constant 22 : i32
      %dma_wait3A_232 = arith.constant 0 : i32
      %dma_wait3A_233 = tpu.memref_slice %arg19[%dma_wait3A_231, %dma_wait3A_232] : memref<25x128xi32, #tpu.memory_space<vmem>> -> memref<1x128xi32, #tpu.memory_space<vmem>>
      %dma_wait3A_234 = tpu.memref_squeeze %dma_wait3A_233 : memref<1x128xi32, #tpu.memory_space<vmem>> -> memref<128xi32, #tpu.memory_space<vmem>>
      %dma_wait3A_235 = arith.constant 0 : i32
      %dma_wait3A_236 = arith.constant 0 : i32
      %dma_wait3A_237 = tpu.memref_slice %arg11[%dma_wait3A_235, %dma_wait3A_236] : memref<100000x128xf32, #tpu.memory_space<hbm>> -> memref<100000x128xf32, #tpu.memory_space<hbm>>
      tpu.wait_indirect_dma semaphore(%arg29 : memref<!tpu.dma_semaphore, #tpu.memory_space<semaphore_mem>>) src(%arg26 : memref<128x128xf32, #tpu.memory_space<vmem>>) dst(%dma_wait3A_237 : memref<100000x128xf32, #tpu.memory_space<hbm>>)
      %dma_start3A_238 = arith.constant 22 : i32
      %dma_start3A_239 = arith.constant 0 : i32
      %dma_start3A_240 = tpu.memref_slice %arg20[%dma_start3A_238, %dma_start3A_239] : memref<25x128xi32, #tpu.memory_space<vmem>> -> memref<1x128xi32, #tpu.memory_space<vmem>>
      %dma_start3A_241 = tpu.memref_squeeze %dma_start3A_240 : memref<1x128xi32, #tpu.memory_space<vmem>> -> memref<128xi32, #tpu.memory_space<vmem>>
      %dma_start3A_242 = arith.constant 0 : i32
      %dma_start3A_243 = tpu.memref_slice %arg8[%dma_start3A_242] : memref<16384xi32, #tpu.memory_space<hbm>> -> memref<16384xi32, #tpu.memory_space<hbm>>
      tpu.enqueue_indirect_dma source(%dma_start3A_243 : memref<16384xi32, #tpu.memory_space<hbm>>) target(%arg21 : memref<128xi32, #tpu.memory_space<vmem>>) offsets(%dma_start3A_241 : memref<128xi32, #tpu.memory_space<vmem>>) semaphore(%arg29 : memref<!tpu.dma_semaphore, #tpu.memory_space<semaphore_mem>>)
      %dma_wait3A_244 = arith.constant 22 : i32
      %dma_wait3A_245 = arith.constant 0 : i32
      %dma_wait3A_246 = tpu.memref_slice %arg20[%dma_wait3A_244, %dma_wait3A_245] : memref<25x128xi32, #tpu.memory_space<vmem>> -> memref<1x128xi32, #tpu.memory_space<vmem>>
      %dma_wait3A_247 = tpu.memref_squeeze %dma_wait3A_246 : memref<1x128xi32, #tpu.memory_space<vmem>> -> memref<128xi32, #tpu.memory_space<vmem>>
      %dma_wait3A_248 = arith.constant 0 : i32
      %dma_wait3A_249 = tpu.memref_slice %arg8[%dma_wait3A_248] : memref<16384xi32, #tpu.memory_space<hbm>> -> memref<16384xi32, #tpu.memory_space<hbm>>
      tpu.wait_indirect_dma semaphore(%arg29 : memref<!tpu.dma_semaphore, #tpu.memory_space<semaphore_mem>>) src(%dma_wait3A_249 : memref<16384xi32, #tpu.memory_space<hbm>>) dst(%arg21 : memref<128xi32, #tpu.memory_space<vmem>>)
      %dma_start3A_250 = arith.constant 22 : i32
      %dma_start3A_251 = arith.constant 0 : i32
      %dma_start3A_252 = tpu.memref_slice %arg19[%dma_start3A_250, %dma_start3A_251] : memref<25x128xi32, #tpu.memory_space<vmem>> -> memref<1x128xi32, #tpu.memory_space<vmem>>
      %dma_start3A_253 = tpu.memref_squeeze %dma_start3A_252 : memref<1x128xi32, #tpu.memory_space<vmem>> -> memref<128xi32, #tpu.memory_space<vmem>>
      %dma_start3A_254 = arith.constant 0 : i32
      %dma_start3A_255 = tpu.memref_slice %arg12[%dma_start3A_254] : memref<100000xi32, #tpu.memory_space<hbm>> -> memref<100000xi32, #tpu.memory_space<hbm>>
      tpu.enqueue_indirect_dma source(%arg21 : memref<128xi32, #tpu.memory_space<vmem>>) target(%dma_start3A_255 : memref<100000xi32, #tpu.memory_space<hbm>>) offsets(%dma_start3A_253 : memref<128xi32, #tpu.memory_space<vmem>>) semaphore(%arg29 : memref<!tpu.dma_semaphore, #tpu.memory_space<semaphore_mem>>)
      %dma_wait3A_256 = arith.constant 22 : i32
      %dma_wait3A_257 = arith.constant 0 : i32
      %dma_wait3A_258 = tpu.memref_slice %arg19[%dma_wait3A_256, %dma_wait3A_257] : memref<25x128xi32, #tpu.memory_space<vmem>> -> memref<1x128xi32, #tpu.memory_space<vmem>>
      %dma_wait3A_259 = tpu.memref_squeeze %dma_wait3A_258 : memref<1x128xi32, #tpu.memory_space<vmem>> -> memref<128xi32, #tpu.memory_space<vmem>>
      %dma_wait3A_260 = arith.constant 0 : i32
      %dma_wait3A_261 = tpu.memref_slice %arg12[%dma_wait3A_260] : memref<100000xi32, #tpu.memory_space<hbm>> -> memref<100000xi32, #tpu.memory_space<hbm>>
      tpu.wait_indirect_dma semaphore(%arg29 : memref<!tpu.dma_semaphore, #tpu.memory_space<semaphore_mem>>) src(%arg21 : memref<128xi32, #tpu.memory_space<vmem>>) dst(%dma_wait3A_261 : memref<100000xi32, #tpu.memory_space<hbm>>)
      %dma_start3A_262 = arith.constant 22 : i32
      %dma_start3A_263 = arith.constant 0 : i32
      %dma_start3A_264 = tpu.memref_slice %arg19[%dma_start3A_262, %dma_start3A_263] : memref<25x128xi32, #tpu.memory_space<vmem>> -> memref<1x128xi32, #tpu.memory_space<vmem>>
      %dma_start3A_265 = tpu.memref_squeeze %dma_start3A_264 : memref<1x128xi32, #tpu.memory_space<vmem>> -> memref<128xi32, #tpu.memory_space<vmem>>
      %dma_start3A_266 = arith.constant 0 : i32
      %dma_start3A_267 = tpu.memref_slice %arg13[%dma_start3A_266] : memref<100000xi32, #tpu.memory_space<hbm>> -> memref<100000xi32, #tpu.memory_space<hbm>>
      tpu.enqueue_indirect_dma source(%arg22 : memref<128xi32, #tpu.memory_space<vmem>>) target(%dma_start3A_267 : memref<100000xi32, #tpu.memory_space<hbm>>) offsets(%dma_start3A_265 : memref<128xi32, #tpu.memory_space<vmem>>) semaphore(%arg29 : memref<!tpu.dma_semaphore, #tpu.memory_space<semaphore_mem>>)
      %dma_wait3A_268 = arith.constant 22 : i32
      %dma_wait3A_269 = arith.constant 0 : i32
      %dma_wait3A_270 = tpu.memref_slice %arg19[%dma_wait3A_268, %dma_wait3A_269] : memref<25x128xi32, #tpu.memory_space<vmem>> -> memref<1x128xi32, #tpu.memory_space<vmem>>
      %dma_wait3A_271 = tpu.memref_squeeze %dma_wait3A_270 : memref<1x128xi32, #tpu.memory_space<vmem>> -> memref<128xi32, #tpu.memory_space<vmem>>
      %dma_wait3A_272 = arith.constant 0 : i32
      %dma_wait3A_273 = tpu.memref_slice %arg13[%dma_wait3A_272] : memref<100000xi32, #tpu.memory_space<hbm>> -> memref<100000xi32, #tpu.memory_space<hbm>>
      tpu.wait_indirect_dma semaphore(%arg29 : memref<!tpu.dma_semaphore, #tpu.memory_space<semaphore_mem>>) src(%arg22 : memref<128xi32, #tpu.memory_space<vmem>>) dst(%dma_wait3A_273 : memref<100000xi32, #tpu.memory_space<hbm>>)
    } else {
    }
    %gt3A_202 = arith.constant 2944 : i32
    %gt3A_203 = arith.cmpi sgt, %scan3A_53, %gt3A_202 : i32
    %convert_element_type3A_204 = arith.extui %gt3A_203 : i1 to i32
    %cond3A_205 = arith.constant 0 : i32
    %cond3A_206 = arith.cmpi ne, %convert_element_type3A_204, %cond3A_205 : i32
    scf.if %cond3A_206 {
      %dma_start3A = arith.constant 23 : i32
      %dma_start3A_212 = arith.constant 0 : i32
      %dma_start3A_213 = tpu.memref_slice %arg20[%dma_start3A, %dma_start3A_212] : memref<25x128xi32, #tpu.memory_space<vmem>> -> memref<1x128xi32, #tpu.memory_space<vmem>>
      %dma_start3A_214 = tpu.memref_squeeze %dma_start3A_213 : memref<1x128xi32, #tpu.memory_space<vmem>> -> memref<128xi32, #tpu.memory_space<vmem>>
      %dma_start3A_215 = arith.constant 0 : i32
      %dma_start3A_216 = arith.constant 0 : i32
      %dma_start3A_217 = tpu.memref_slice %arg6[%dma_start3A_215, %dma_start3A_216] : memref<16384x128xf32, #tpu.memory_space<hbm>> -> memref<16384x128xf32, #tpu.memory_space<hbm>>
      tpu.enqueue_indirect_dma source(%dma_start3A_217 : memref<16384x128xf32, #tpu.memory_space<hbm>>) target(%arg26 : memref<128x128xf32, #tpu.memory_space<vmem>>) offsets(%dma_start3A_214 : memref<128xi32, #tpu.memory_space<vmem>>) semaphore(%arg29 : memref<!tpu.dma_semaphore, #tpu.memory_space<semaphore_mem>>)
      %dma_wait3A = arith.constant 23 : i32
      %dma_wait3A_218 = arith.constant 0 : i32
      %dma_wait3A_219 = tpu.memref_slice %arg20[%dma_wait3A, %dma_wait3A_218] : memref<25x128xi32, #tpu.memory_space<vmem>> -> memref<1x128xi32, #tpu.memory_space<vmem>>
      %dma_wait3A_220 = tpu.memref_squeeze %dma_wait3A_219 : memref<1x128xi32, #tpu.memory_space<vmem>> -> memref<128xi32, #tpu.memory_space<vmem>>
      %dma_wait3A_221 = arith.constant 0 : i32
      %dma_wait3A_222 = arith.constant 0 : i32
      %dma_wait3A_223 = tpu.memref_slice %arg6[%dma_wait3A_221, %dma_wait3A_222] : memref<16384x128xf32, #tpu.memory_space<hbm>> -> memref<16384x128xf32, #tpu.memory_space<hbm>>
      tpu.wait_indirect_dma semaphore(%arg29 : memref<!tpu.dma_semaphore, #tpu.memory_space<semaphore_mem>>) src(%dma_wait3A_223 : memref<16384x128xf32, #tpu.memory_space<hbm>>) dst(%arg26 : memref<128x128xf32, #tpu.memory_space<vmem>>)
      %dma_start3A_224 = arith.constant 23 : i32
      %dma_start3A_225 = arith.constant 0 : i32
      %dma_start3A_226 = tpu.memref_slice %arg19[%dma_start3A_224, %dma_start3A_225] : memref<25x128xi32, #tpu.memory_space<vmem>> -> memref<1x128xi32, #tpu.memory_space<vmem>>
      %dma_start3A_227 = tpu.memref_squeeze %dma_start3A_226 : memref<1x128xi32, #tpu.memory_space<vmem>> -> memref<128xi32, #tpu.memory_space<vmem>>
      %dma_start3A_228 = arith.constant 0 : i32
      %dma_start3A_229 = arith.constant 0 : i32
      %dma_start3A_230 = tpu.memref_slice %arg11[%dma_start3A_228, %dma_start3A_229] : memref<100000x128xf32, #tpu.memory_space<hbm>> -> memref<100000x128xf32, #tpu.memory_space<hbm>>
      tpu.enqueue_indirect_dma source(%arg26 : memref<128x128xf32, #tpu.memory_space<vmem>>) target(%dma_start3A_230 : memref<100000x128xf32, #tpu.memory_space<hbm>>) offsets(%dma_start3A_227 : memref<128xi32, #tpu.memory_space<vmem>>) semaphore(%arg29 : memref<!tpu.dma_semaphore, #tpu.memory_space<semaphore_mem>>)
      %dma_wait3A_231 = arith.constant 23 : i32
      %dma_wait3A_232 = arith.constant 0 : i32
      %dma_wait3A_233 = tpu.memref_slice %arg19[%dma_wait3A_231, %dma_wait3A_232] : memref<25x128xi32, #tpu.memory_space<vmem>> -> memref<1x128xi32, #tpu.memory_space<vmem>>
      %dma_wait3A_234 = tpu.memref_squeeze %dma_wait3A_233 : memref<1x128xi32, #tpu.memory_space<vmem>> -> memref<128xi32, #tpu.memory_space<vmem>>
      %dma_wait3A_235 = arith.constant 0 : i32
      %dma_wait3A_236 = arith.constant 0 : i32
      %dma_wait3A_237 = tpu.memref_slice %arg11[%dma_wait3A_235, %dma_wait3A_236] : memref<100000x128xf32, #tpu.memory_space<hbm>> -> memref<100000x128xf32, #tpu.memory_space<hbm>>
      tpu.wait_indirect_dma semaphore(%arg29 : memref<!tpu.dma_semaphore, #tpu.memory_space<semaphore_mem>>) src(%arg26 : memref<128x128xf32, #tpu.memory_space<vmem>>) dst(%dma_wait3A_237 : memref<100000x128xf32, #tpu.memory_space<hbm>>)
      %dma_start3A_238 = arith.constant 23 : i32
      %dma_start3A_239 = arith.constant 0 : i32
      %dma_start3A_240 = tpu.memref_slice %arg20[%dma_start3A_238, %dma_start3A_239] : memref<25x128xi32, #tpu.memory_space<vmem>> -> memref<1x128xi32, #tpu.memory_space<vmem>>
      %dma_start3A_241 = tpu.memref_squeeze %dma_start3A_240 : memref<1x128xi32, #tpu.memory_space<vmem>> -> memref<128xi32, #tpu.memory_space<vmem>>
      %dma_start3A_242 = arith.constant 0 : i32
      %dma_start3A_243 = tpu.memref_slice %arg8[%dma_start3A_242] : memref<16384xi32, #tpu.memory_space<hbm>> -> memref<16384xi32, #tpu.memory_space<hbm>>
      tpu.enqueue_indirect_dma source(%dma_start3A_243 : memref<16384xi32, #tpu.memory_space<hbm>>) target(%arg21 : memref<128xi32, #tpu.memory_space<vmem>>) offsets(%dma_start3A_241 : memref<128xi32, #tpu.memory_space<vmem>>) semaphore(%arg29 : memref<!tpu.dma_semaphore, #tpu.memory_space<semaphore_mem>>)
      %dma_wait3A_244 = arith.constant 23 : i32
      %dma_wait3A_245 = arith.constant 0 : i32
      %dma_wait3A_246 = tpu.memref_slice %arg20[%dma_wait3A_244, %dma_wait3A_245] : memref<25x128xi32, #tpu.memory_space<vmem>> -> memref<1x128xi32, #tpu.memory_space<vmem>>
      %dma_wait3A_247 = tpu.memref_squeeze %dma_wait3A_246 : memref<1x128xi32, #tpu.memory_space<vmem>> -> memref<128xi32, #tpu.memory_space<vmem>>
      %dma_wait3A_248 = arith.constant 0 : i32
      %dma_wait3A_249 = tpu.memref_slice %arg8[%dma_wait3A_248] : memref<16384xi32, #tpu.memory_space<hbm>> -> memref<16384xi32, #tpu.memory_space<hbm>>
      tpu.wait_indirect_dma semaphore(%arg29 : memref<!tpu.dma_semaphore, #tpu.memory_space<semaphore_mem>>) src(%dma_wait3A_249 : memref<16384xi32, #tpu.memory_space<hbm>>) dst(%arg21 : memref<128xi32, #tpu.memory_space<vmem>>)
      %dma_start3A_250 = arith.constant 23 : i32
      %dma_start3A_251 = arith.constant 0 : i32
      %dma_start3A_252 = tpu.memref_slice %arg19[%dma_start3A_250, %dma_start3A_251] : memref<25x128xi32, #tpu.memory_space<vmem>> -> memref<1x128xi32, #tpu.memory_space<vmem>>
      %dma_start3A_253 = tpu.memref_squeeze %dma_start3A_252 : memref<1x128xi32, #tpu.memory_space<vmem>> -> memref<128xi32, #tpu.memory_space<vmem>>
      %dma_start3A_254 = arith.constant 0 : i32
      %dma_start3A_255 = tpu.memref_slice %arg12[%dma_start3A_254] : memref<100000xi32, #tpu.memory_space<hbm>> -> memref<100000xi32, #tpu.memory_space<hbm>>
      tpu.enqueue_indirect_dma source(%arg21 : memref<128xi32, #tpu.memory_space<vmem>>) target(%dma_start3A_255 : memref<100000xi32, #tpu.memory_space<hbm>>) offsets(%dma_start3A_253 : memref<128xi32, #tpu.memory_space<vmem>>) semaphore(%arg29 : memref<!tpu.dma_semaphore, #tpu.memory_space<semaphore_mem>>)
      %dma_wait3A_256 = arith.constant 23 : i32
      %dma_wait3A_257 = arith.constant 0 : i32
      %dma_wait3A_258 = tpu.memref_slice %arg19[%dma_wait3A_256, %dma_wait3A_257] : memref<25x128xi32, #tpu.memory_space<vmem>> -> memref<1x128xi32, #tpu.memory_space<vmem>>
      %dma_wait3A_259 = tpu.memref_squeeze %dma_wait3A_258 : memref<1x128xi32, #tpu.memory_space<vmem>> -> memref<128xi32, #tpu.memory_space<vmem>>
      %dma_wait3A_260 = arith.constant 0 : i32
      %dma_wait3A_261 = tpu.memref_slice %arg12[%dma_wait3A_260] : memref<100000xi32, #tpu.memory_space<hbm>> -> memref<100000xi32, #tpu.memory_space<hbm>>
      tpu.wait_indirect_dma semaphore(%arg29 : memref<!tpu.dma_semaphore, #tpu.memory_space<semaphore_mem>>) src(%arg21 : memref<128xi32, #tpu.memory_space<vmem>>) dst(%dma_wait3A_261 : memref<100000xi32, #tpu.memory_space<hbm>>)
      %dma_start3A_262 = arith.constant 23 : i32
      %dma_start3A_263 = arith.constant 0 : i32
      %dma_start3A_264 = tpu.memref_slice %arg19[%dma_start3A_262, %dma_start3A_263] : memref<25x128xi32, #tpu.memory_space<vmem>> -> memref<1x128xi32, #tpu.memory_space<vmem>>
      %dma_start3A_265 = tpu.memref_squeeze %dma_start3A_264 : memref<1x128xi32, #tpu.memory_space<vmem>> -> memref<128xi32, #tpu.memory_space<vmem>>
      %dma_start3A_266 = arith.constant 0 : i32
      %dma_start3A_267 = tpu.memref_slice %arg13[%dma_start3A_266] : memref<100000xi32, #tpu.memory_space<hbm>> -> memref<100000xi32, #tpu.memory_space<hbm>>
      tpu.enqueue_indirect_dma source(%arg22 : memref<128xi32, #tpu.memory_space<vmem>>) target(%dma_start3A_267 : memref<100000xi32, #tpu.memory_space<hbm>>) offsets(%dma_start3A_265 : memref<128xi32, #tpu.memory_space<vmem>>) semaphore(%arg29 : memref<!tpu.dma_semaphore, #tpu.memory_space<semaphore_mem>>)
      %dma_wait3A_268 = arith.constant 23 : i32
      %dma_wait3A_269 = arith.constant 0 : i32
      %dma_wait3A_270 = tpu.memref_slice %arg19[%dma_wait3A_268, %dma_wait3A_269] : memref<25x128xi32, #tpu.memory_space<vmem>> -> memref<1x128xi32, #tpu.memory_space<vmem>>
      %dma_wait3A_271 = tpu.memref_squeeze %dma_wait3A_270 : memref<1x128xi32, #tpu.memory_space<vmem>> -> memref<128xi32, #tpu.memory_space<vmem>>
      %dma_wait3A_272 = arith.constant 0 : i32
      %dma_wait3A_273 = tpu.memref_slice %arg13[%dma_wait3A_272] : memref<100000xi32, #tpu.memory_space<hbm>> -> memref<100000xi32, #tpu.memory_space<hbm>>
      tpu.wait_indirect_dma semaphore(%arg29 : memref<!tpu.dma_semaphore, #tpu.memory_space<semaphore_mem>>) src(%arg22 : memref<128xi32, #tpu.memory_space<vmem>>) dst(%dma_wait3A_273 : memref<100000xi32, #tpu.memory_space<hbm>>)
    } else {
    }
    %gt3A_207 = arith.constant 3072 : i32
    %gt3A_208 = arith.cmpi sgt, %scan3A_53, %gt3A_207 : i32
    %convert_element_type3A_209 = arith.extui %gt3A_208 : i1 to i32
    %cond3A_210 = arith.constant 0 : i32
    %cond3A_211 = arith.cmpi ne, %convert_element_type3A_209, %cond3A_210 : i32
    scf.if %cond3A_211 {
      %dma_start3A = arith.constant 24 : i32
      %dma_start3A_212 = arith.constant 0 : i32
      %dma_start3A_213 = tpu.memref_slice %arg20[%dma_start3A, %dma_start3A_212] : memref<25x128xi32, #tpu.memory_space<vmem>> -> memref<1x128xi32, #tpu.memory_space<vmem>>
      %dma_start3A_214 = tpu.memref_squeeze %dma_start3A_213 : memref<1x128xi32, #tpu.memory_space<vmem>> -> memref<128xi32, #tpu.memory_space<vmem>>
      %dma_start3A_215 = arith.constant 0 : i32
      %dma_start3A_216 = arith.constant 0 : i32
      %dma_start3A_217 = tpu.memref_slice %arg6[%dma_start3A_215, %dma_start3A_216] : memref<16384x128xf32, #tpu.memory_space<hbm>> -> memref<16384x128xf32, #tpu.memory_space<hbm>>
      tpu.enqueue_indirect_dma source(%dma_start3A_217 : memref<16384x128xf32, #tpu.memory_space<hbm>>) target(%arg26 : memref<128x128xf32, #tpu.memory_space<vmem>>) offsets(%dma_start3A_214 : memref<128xi32, #tpu.memory_space<vmem>>) semaphore(%arg29 : memref<!tpu.dma_semaphore, #tpu.memory_space<semaphore_mem>>)
      %dma_wait3A = arith.constant 24 : i32
      %dma_wait3A_218 = arith.constant 0 : i32
      %dma_wait3A_219 = tpu.memref_slice %arg20[%dma_wait3A, %dma_wait3A_218] : memref<25x128xi32, #tpu.memory_space<vmem>> -> memref<1x128xi32, #tpu.memory_space<vmem>>
      %dma_wait3A_220 = tpu.memref_squeeze %dma_wait3A_219 : memref<1x128xi32, #tpu.memory_space<vmem>> -> memref<128xi32, #tpu.memory_space<vmem>>
      %dma_wait3A_221 = arith.constant 0 : i32
      %dma_wait3A_222 = arith.constant 0 : i32
      %dma_wait3A_223 = tpu.memref_slice %arg6[%dma_wait3A_221, %dma_wait3A_222] : memref<16384x128xf32, #tpu.memory_space<hbm>> -> memref<16384x128xf32, #tpu.memory_space<hbm>>
      tpu.wait_indirect_dma semaphore(%arg29 : memref<!tpu.dma_semaphore, #tpu.memory_space<semaphore_mem>>) src(%dma_wait3A_223 : memref<16384x128xf32, #tpu.memory_space<hbm>>) dst(%arg26 : memref<128x128xf32, #tpu.memory_space<vmem>>)
      %dma_start3A_224 = arith.constant 24 : i32
      %dma_start3A_225 = arith.constant 0 : i32
      %dma_start3A_226 = tpu.memref_slice %arg19[%dma_start3A_224, %dma_start3A_225] : memref<25x128xi32, #tpu.memory_space<vmem>> -> memref<1x128xi32, #tpu.memory_space<vmem>>
      %dma_start3A_227 = tpu.memref_squeeze %dma_start3A_226 : memref<1x128xi32, #tpu.memory_space<vmem>> -> memref<128xi32, #tpu.memory_space<vmem>>
      %dma_start3A_228 = arith.constant 0 : i32
      %dma_start3A_229 = arith.constant 0 : i32
      %dma_start3A_230 = tpu.memref_slice %arg11[%dma_start3A_228, %dma_start3A_229] : memref<100000x128xf32, #tpu.memory_space<hbm>> -> memref<100000x128xf32, #tpu.memory_space<hbm>>
      tpu.enqueue_indirect_dma source(%arg26 : memref<128x128xf32, #tpu.memory_space<vmem>>) target(%dma_start3A_230 : memref<100000x128xf32, #tpu.memory_space<hbm>>) offsets(%dma_start3A_227 : memref<128xi32, #tpu.memory_space<vmem>>) semaphore(%arg29 : memref<!tpu.dma_semaphore, #tpu.memory_space<semaphore_mem>>)
      %dma_wait3A_231 = arith.constant 24 : i32
      %dma_wait3A_232 = arith.constant 0 : i32
      %dma_wait3A_233 = tpu.memref_slice %arg19[%dma_wait3A_231, %dma_wait3A_232] : memref<25x128xi32, #tpu.memory_space<vmem>> -> memref<1x128xi32, #tpu.memory_space<vmem>>
      %dma_wait3A_234 = tpu.memref_squeeze %dma_wait3A_233 : memref<1x128xi32, #tpu.memory_space<vmem>> -> memref<128xi32, #tpu.memory_space<vmem>>
      %dma_wait3A_235 = arith.constant 0 : i32
      %dma_wait3A_236 = arith.constant 0 : i32
      %dma_wait3A_237 = tpu.memref_slice %arg11[%dma_wait3A_235, %dma_wait3A_236] : memref<100000x128xf32, #tpu.memory_space<hbm>> -> memref<100000x128xf32, #tpu.memory_space<hbm>>
      tpu.wait_indirect_dma semaphore(%arg29 : memref<!tpu.dma_semaphore, #tpu.memory_space<semaphore_mem>>) src(%arg26 : memref<128x128xf32, #tpu.memory_space<vmem>>) dst(%dma_wait3A_237 : memref<100000x128xf32, #tpu.memory_space<hbm>>)
      %dma_start3A_238 = arith.constant 24 : i32
      %dma_start3A_239 = arith.constant 0 : i32
      %dma_start3A_240 = tpu.memref_slice %arg20[%dma_start3A_238, %dma_start3A_239] : memref<25x128xi32, #tpu.memory_space<vmem>> -> memref<1x128xi32, #tpu.memory_space<vmem>>
      %dma_start3A_241 = tpu.memref_squeeze %dma_start3A_240 : memref<1x128xi32, #tpu.memory_space<vmem>> -> memref<128xi32, #tpu.memory_space<vmem>>
      %dma_start3A_242 = arith.constant 0 : i32
      %dma_start3A_243 = tpu.memref_slice %arg8[%dma_start3A_242] : memref<16384xi32, #tpu.memory_space<hbm>> -> memref<16384xi32, #tpu.memory_space<hbm>>
      tpu.enqueue_indirect_dma source(%dma_start3A_243 : memref<16384xi32, #tpu.memory_space<hbm>>) target(%arg21 : memref<128xi32, #tpu.memory_space<vmem>>) offsets(%dma_start3A_241 : memref<128xi32, #tpu.memory_space<vmem>>) semaphore(%arg29 : memref<!tpu.dma_semaphore, #tpu.memory_space<semaphore_mem>>)
      %dma_wait3A_244 = arith.constant 24 : i32
      %dma_wait3A_245 = arith.constant 0 : i32
      %dma_wait3A_246 = tpu.memref_slice %arg20[%dma_wait3A_244, %dma_wait3A_245] : memref<25x128xi32, #tpu.memory_space<vmem>> -> memref<1x128xi32, #tpu.memory_space<vmem>>
      %dma_wait3A_247 = tpu.memref_squeeze %dma_wait3A_246 : memref<1x128xi32, #tpu.memory_space<vmem>> -> memref<128xi32, #tpu.memory_space<vmem>>
      %dma_wait3A_248 = arith.constant 0 : i32
      %dma_wait3A_249 = tpu.memref_slice %arg8[%dma_wait3A_248] : memref<16384xi32, #tpu.memory_space<hbm>> -> memref<16384xi32, #tpu.memory_space<hbm>>
      tpu.wait_indirect_dma semaphore(%arg29 : memref<!tpu.dma_semaphore, #tpu.memory_space<semaphore_mem>>) src(%dma_wait3A_249 : memref<16384xi32, #tpu.memory_space<hbm>>) dst(%arg21 : memref<128xi32, #tpu.memory_space<vmem>>)
      %dma_start3A_250 = arith.constant 24 : i32
      %dma_start3A_251 = arith.constant 0 : i32
      %dma_start3A_252 = tpu.memref_slice %arg19[%dma_start3A_250, %dma_start3A_251] : memref<25x128xi32, #tpu.memory_space<vmem>> -> memref<1x128xi32, #tpu.memory_space<vmem>>
      %dma_start3A_253 = tpu.memref_squeeze %dma_start3A_252 : memref<1x128xi32, #tpu.memory_space<vmem>> -> memref<128xi32, #tpu.memory_space<vmem>>
      %dma_start3A_254 = arith.constant 0 : i32
      %dma_start3A_255 = tpu.memref_slice %arg12[%dma_start3A_254] : memref<100000xi32, #tpu.memory_space<hbm>> -> memref<100000xi32, #tpu.memory_space<hbm>>
      tpu.enqueue_indirect_dma source(%arg21 : memref<128xi32, #tpu.memory_space<vmem>>) target(%dma_start3A_255 : memref<100000xi32, #tpu.memory_space<hbm>>) offsets(%dma_start3A_253 : memref<128xi32, #tpu.memory_space<vmem>>) semaphore(%arg29 : memref<!tpu.dma_semaphore, #tpu.memory_space<semaphore_mem>>)
      %dma_wait3A_256 = arith.constant 24 : i32
      %dma_wait3A_257 = arith.constant 0 : i32
      %dma_wait3A_258 = tpu.memref_slice %arg19[%dma_wait3A_256, %dma_wait3A_257] : memref<25x128xi32, #tpu.memory_space<vmem>> -> memref<1x128xi32, #tpu.memory_space<vmem>>
      %dma_wait3A_259 = tpu.memref_squeeze %dma_wait3A_258 : memref<1x128xi32, #tpu.memory_space<vmem>> -> memref<128xi32, #tpu.memory_space<vmem>>
      %dma_wait3A_260 = arith.constant 0 : i32
      %dma_wait3A_261 = tpu.memref_slice %arg12[%dma_wait3A_260] : memref<100000xi32, #tpu.memory_space<hbm>> -> memref<100000xi32, #tpu.memory_space<hbm>>
      tpu.wait_indirect_dma semaphore(%arg29 : memref<!tpu.dma_semaphore, #tpu.memory_space<semaphore_mem>>) src(%arg21 : memref<128xi32, #tpu.memory_space<vmem>>) dst(%dma_wait3A_261 : memref<100000xi32, #tpu.memory_space<hbm>>)
      %dma_start3A_262 = arith.constant 24 : i32
      %dma_start3A_263 = arith.constant 0 : i32
      %dma_start3A_264 = tpu.memref_slice %arg19[%dma_start3A_262, %dma_start3A_263] : memref<25x128xi32, #tpu.memory_space<vmem>> -> memref<1x128xi32, #tpu.memory_space<vmem>>
      %dma_start3A_265 = tpu.memref_squeeze %dma_start3A_264 : memref<1x128xi32, #tpu.memory_space<vmem>> -> memref<128xi32, #tpu.memory_space<vmem>>
      %dma_start3A_266 = arith.constant 0 : i32
      %dma_start3A_267 = tpu.memref_slice %arg13[%dma_start3A_266] : memref<100000xi32, #tpu.memory_space<hbm>> -> memref<100000xi32, #tpu.memory_space<hbm>>
      tpu.enqueue_indirect_dma source(%arg22 : memref<128xi32, #tpu.memory_space<vmem>>) target(%dma_start3A_267 : memref<100000xi32, #tpu.memory_space<hbm>>) offsets(%dma_start3A_265 : memref<128xi32, #tpu.memory_space<vmem>>) semaphore(%arg29 : memref<!tpu.dma_semaphore, #tpu.memory_space<semaphore_mem>>)
      %dma_wait3A_268 = arith.constant 24 : i32
      %dma_wait3A_269 = arith.constant 0 : i32
      %dma_wait3A_270 = tpu.memref_slice %arg19[%dma_wait3A_268, %dma_wait3A_269] : memref<25x128xi32, #tpu.memory_space<vmem>> -> memref<1x128xi32, #tpu.memory_space<vmem>>
      %dma_wait3A_271 = tpu.memref_squeeze %dma_wait3A_270 : memref<1x128xi32, #tpu.memory_space<vmem>> -> memref<128xi32, #tpu.memory_space<vmem>>
      %dma_wait3A_272 = arith.constant 0 : i32
      %dma_wait3A_273 = tpu.memref_slice %arg13[%dma_wait3A_272] : memref<100000xi32, #tpu.memory_space<hbm>> -> memref<100000xi32, #tpu.memory_space<hbm>>
      tpu.wait_indirect_dma semaphore(%arg29 : memref<!tpu.dma_semaphore, #tpu.memory_space<semaphore_mem>>) src(%arg22 : memref<128xi32, #tpu.memory_space<vmem>>) dst(%dma_wait3A_273 : memref<100000xi32, #tpu.memory_space<hbm>>)
    } else {
    }
    return
  }
}

</mosaic_0001>

<sc_bundles>
// kernel: _run.3.cloned.1.call-start
scs
__scs_entry_jumppad:
0x0: {  	(pc) =	sbr.rel $0x88, $3  }
0x1: {  	(tag) =	ssettag $0x0;
	lr =	simm.s32 $0x1  }
0x2: {  	[smem:$0x3F98] =	sst lr;
	_ =	strace $0xD0000000  }
0x3: {  	_ = 	snop  }
0x4: {  	_ = 	snop  }
0x5: {  	_ = 	snop  }
0x6: {  	_ = 	snop  }
0x7: {  	_ = 	snop  }
__scs_overlays_trampoline_lowered:
0x8: {  	[smem:$0x3FA7] =	sst s0  }
0x9: {  	[smem:$0x3FA8] =	sst s1  }
0xa: {  	[smem:$0x3FA9] =	sst s2  }
0xb: {  	[smem:$0x3FAA] =	sst s3  }
0xc: {  	[smem:$0x3FAB] =	sst s4  }
0xd: {  	[smem:$0x3FAC] =	sst s5  }
0xe: {  	[smem:$0x3FAD] =	sst s6  }
0xf: {  	[smem:$0x3FAE] =	sst s7  }
0x10: {  	[smem:$0x3FAF] =	sst s8  }
0x11: {  	[smem:$0x3FB0] =	sst s9;
	s0 =	simm.s32 @!p0 $0x0  }
0x12: {  	s1 =	sld [smem:$0x3F96];
	s0 =	simm.s32 @p0 $0x1  }
0x13: {  	[smem:$0x3FB1] =	sst s0;
	s0 =	simm.s32 @!p1 $0x0  }
0x14: {  	s2 =	sld [smem:$0x3F95];
	s0 =	simm.s32 @p1 $0x1  }
0x15: {  	[smem:$0x3FB2] =	sst s0;
	s0 =	simm.s32 @!p2 $0x0  }
0x16: {  	s3 =	sld [smem:$0x3FDB];
	s0 =	simm.s32 @p2 $0x1  }
0x17: {  	s4 =	simm.s32 $0x1BF5;
	[smem:$0x3FB4] =	sst s0  }
0x18: {  	s0 =	sld [smem:$0x3F97];
	_ =	swait.ge [sflag:s4], $0x0  }
0x19: {  	s7 =	sld [smem:$0x3F98]  }
0x1a: {  	s8 =	sadd.s32 $0xFFFFE003, lr  }
0x1b: {  	s9 =	sadd.s32 $0xFFFFFEF7, lr;
	s5 =	simm.s32 $0xFFFFFFFF;
	p2 =	slt.u32 s8, $0xFFFFF086  }
0x1c: {  	p1 =	slt.u32 s9, $0xF7A;
	s5 =	simm.s32 @!p2 $0x0  }
0x1d: {  	s5 =	simm.s32 @p1 $0x1;
	p0 =	seq.s32 s7, s2  }
0x1e: {  	s7 =	smul.u32 @!p0 $0xF7A, s2;
	p2 =	seq.s32 @!p0 s5, $0x0  }
0x1f: {  	s9 =	smul.u32 $0xF7A, s1;
	s8 =	simm.s32 @!p0 $0x1BF5;
	p2 =	por !p2, p0  }
0x20: {  	[sflag:s8] =	ssyncset.s32 @!p0 $0xFFFFF086;
	s6 =	sadd.s32 @!p0 s3, s7;
	s7 =	simm.s32 @!p0 $0x108  }
0x21: {  	s3 =	sadd.s32 s3, s9;
	s6 =	sadd.s32 @!p0 $0x88, s6;
	s7 =	simm.s32 @p2 $0x1082  }
0x22: {  	[simem:s7], [sflag:s8] =	dma.local @!p0 [hbm:s6], $0xF7A  }
0x23: {  	s9 =	sor.u32 $0xD0000000, s2;
	s6 =	simm.s32 $0x108;
	_ =	swait.ge @!p0 [sflag:s8], $0x0  }
0x24: {  	s3 =	sadd.s32 $0x88, s3;
	s6 =	simm.s32 @!p1 $0x1082;
	[sflag:s4] =	ssyncset.s32 $0xFFFFF086  }
0x25: {  	[simem:s6], [sflag:s4] =	dma.local [hbm:s3], $0xF7A  }
0x26: {  	[smem:$0x3F98] =	sst s1;
	(tag) =	ssettag s2;
	_ =	strace s9  }
0x27: {  	s1 =	sld [smem:$0x3FA8]  }
0x28: {  	s2 =	sld [smem:$0x3FA9]  }
0x29: {  	s4 =	sld [smem:$0x3FAB]  }
0x2a: {  	p0 =	seq.s32 s5, $0x0;
	s5 =	sld [smem:$0x3FAC]  }
0x2b: {  	s6 =	sld [smem:$0x3FAD]  }
0x2c: {  	s7 =	sld [smem:$0x3FAE]  }
0x2d: {  	s3 =	simm.s32 $0x108;
	s8 =	sld [smem:$0x3FAF]  }
0x2e: {  	s3 =	simm.s32 @!p0 $0x1082;
	s9 =	sld [smem:$0x3FB0]  }
0x2f: {  	lr =	sadd.s32 s0, s3;
	s0 =	sld [smem:$0x3FA7]  }
0x30: {  	s3 =	sld [smem:$0x3FAA]  }
0x31: {  	[smem:$0x3FB3] =	sst s10  }
0x32: {  	s10 =	sld [smem:$0x3FB1];
	_ =	sdelay $0x3  }
0x33: {  	p0 =	seq.s32 s10, $0x1;
	s10 =	sld [smem:$0x3FB3];
	_ =	sdelay $0x3  }
0x34: {  	[smem:$0x3FB3] =	sst s10  }
0x35: {  	s10 =	sld [smem:$0x3FB2];
	_ =	sdelay $0x3  }
0x36: {  	p1 =	seq.s32 s10, $0x1;
	s10 =	sld [smem:$0x3FB3];
	_ =	sdelay $0x3  }
0x37: {  	[smem:$0x3FB3] =	sst s10  }
0x38: {  	s10 =	sld [smem:$0x3FB4]  }
0x39: {  	_ = 	snop;
	(pc) =	sbr.ind lr, $3  }
0x3a: {  	_ = 	snop  }
0x3b: {  	_ = 	snop  }
0x3c: {  	p2 =	seq.s32 s10, $0x1;
	s10 =	sld [smem:$0x3FB3]  }
0x3d: {  	_ =	shalt  }
0x3e: {  	_ =	shalt  }
0x3f: {  	_ =	shalt  }
0x40: {  	_ =	shalt  }
0x41: {  	_ =	shalt  }
0x42: {  	_ =	shalt  }
0x43: {  	_ =	shalt  }
0x44: {  	_ =	shalt  }
0x45: {  	_ =	shalt  }
0x46: {  	_ =	shalt  }
0x47: {  	_ =	shalt  }
0x48: {  	_ =	shalt  }
0x49: {  	_ =	shalt  }
0x4a: {  	_ =	shalt  }
0x4b: {  	_ =	shalt  }
0x4c: {  	_ =	shalt  }
0x4d: {  	_ =	shalt  }
0x4e: {  	_ =	shalt  }
0x4f: {  	_ =	shalt  }
0x50: {  	_ =	shalt  }
0x51: {  	_ =	shalt  }
0x52: {  	_ =	shalt  }
0x53: {  	_ =	shalt  }
0x54: {  	_ =	shalt  }
0x55: {  	_ =	shalt  }
0x56: {  	_ =	shalt  }
0x57: {  	_ =	shalt  }
0x58: {  	_ =	shalt  }
0x59: {  	_ =	shalt  }
0x5a: {  	_ =	shalt  }
0x5b: {  	_ =	shalt  }
0x5c: {  	_ =	shalt  }
0x5d: {  	_ =	shalt  }
0x5e: {  	_ =	shalt  }
0x5f: {  	_ =	shalt  }
0x60: {  	_ =	shalt  }
0x61: {  	_ =	shalt  }
0x62: {  	_ =	shalt  }
0x63: {  	_ =	shalt  }
0x64: {  	_ =	shalt  }
0x65: {  	_ =	shalt  }
0x66: {  	_ =	shalt  }
0x67: {  	_ =	shalt  }
0x68: {  	_ =	shalt  }
0x69: {  	_ =	shalt  }
0x6a: {  	_ =	shalt  }
0x6b: {  	_ =	shalt  }
0x6c: {  	_ =	shalt  }
0x6d: {  	_ =	shalt  }
0x6e: {  	_ =	shalt  }
0x6f: {  	_ =	shalt  }
0x70: {  	_ =	shalt  }
0x71: {  	_ =	shalt  }
0x72: {  	_ =	shalt  }
0x73: {  	_ =	shalt  }
0x74: {  	_ =	shalt  }
0x75: {  	_ =	shalt  }
0x76: {  	_ =	shalt  }
0x77: {  	_ =	shalt  }
0x78: {  	_ =	shalt  }
0x79: {  	_ =	shalt  }
0x7a: {  	_ =	shalt  }
0x7b: {  	_ =	shalt  }
0x7c: {  	_ =	shalt  }
0x7d: {  	_ =	shalt  }
0x7e: {  	_ =	shalt  }
0x7f: {  	_ =	shalt  }
0x80: {  	_ =	shalt  }
0x81: {  	_ =	shalt  }
0x82: {  	_ =	shalt  }
0x83: {  	_ =	shalt  }
0x84: {  	_ =	shalt  }
0x85: {  	_ =	shalt  }
0x86: {  	_ =	shalt  }
0x87: {  	_ =	shalt  }
.Lfunc_end0:
.L_simem_size_0:
called_computation_lowered:
.L_overlay_start_0:
0x88: {  	s2 =	sld [smem:$0x3FD9]  }
0x89: {  	s3 =	sld [smem:$0x3FFE];
	_ =	sdelay $0x1  }
0x8a: {  	s1 =	srdreg.scid  }
0x8b: {  	s0 =	sand.u32 $0x1, s1  }
0x8c: {  	s28 =	sshll.u32 s0, $0xA;
	s2 =	sadd.s32 s3, s2  }
0x8d: {  	s2 =	sadd.s32 s2, s28  }
0x8e: {  	[smem:$0x3FBF] =	sst s2  }
0x8f: {  	_ = 	snop  }
0x90: {  	s6 =	sld [smem:$0x3FC9]  }
0x91: {  	s2 =	sld [smem:$0x3FC7]  }
0x92: {  	s29 =	sld [smem:$0x3FC6]  }
0x93: {  	s4 =	sld [smem:$0x3FC5]  }
0x94: {  	s5 =	sld [smem:$0x3FC4]  }
0x95: {  	s7 =	sld [smem:$0x3FD0]  }
0x96: {  	s8 =	sld [smem:$0x3FC3]  }
0x97: {  	s9 =	sld [smem:$0x3FC2]  }
0x98: {  	s11 =	simm.s32 $0xA;
	s12 =	simm.s32 $0x10;
	s10 =	sld [smem:$0x3FC1]  }
0x99: {  	[smem:s12], [sflag:s11] =	dma.local [hbm:s7], $0x1  }
0x9a: {  	_ =	swait.eq [sflag:s11], $0x1  }
0x9b: {  	s30 =	sld [smem:$0x10];
	[sflag:s11] =	ssyncset.done $0x0  }
0x9c: {  	s31 =	sld [smem:$0x11];
	[sflag:s11] =	ssyncadd.s32 $0xFFFFFFFF  }
0x9d: {  	s18 =	sld [smem:$0x12];
	(tm) =	ssettm $0x1  }
0x9e: {  	s13 =	sld [smem:$0x3FFB];
	_ =	sdelay $0x3  }
0x9f: {  	_ =	strace s13  }
0xa0: {  	s13 =	sld [smem:$0x3FFC];
	_ =	sdelay $0x3  }
0xa1: {  	_ =	strace s13  }
0xa2: {  	s13 =	sld [smem:$0x3FFD];
	_ =	sdelay $0x3  }
0xa3: {  	_ =	strace s13  }
0xa4: {  	_ =	strace $0x8FFFFFFF  }
0xa5: {  	s19 =	sld [smem:$0x3FDB];
	_ =	sdelay $0x1  }
0xa6: {  	s14 =	simm.s32 $_scs_section_size  }
0xa7: {  	s15 =	simm.s32 $_size__tile_overlayer_lowered;
	s16 =	simm.s32 $_tile_overlayer_lowered  }
0xa8: {  	s22 =	simm.s32 $0x1BFF;
	s21 =	sshll.u32 s16, $0x1;
	s13 =	sadd.s32 s14, s19  }
0xa9: {  	s17 =	simm.s32 $0x0;
	s20 =	sshll.u32 s15, $0x1;
	s15 =	sadd.s32 s21, s13  }
0xaa: {  	[timem:s17], [sflag:s22] =	dma.local [hbm:s15], s20  }
0xab: {  	_ =	swait.ge [sflag:s22], s20  }
0xac: {  	s14 =	ssub.s32 $0x0, s20;
	[sflag:s22] =	ssyncset.done $0x0  }
0xad: {  	[sflag:s22] =	ssyncadd.s32 s14;
	_ =	sdelay $0x1  }
0xae: {  	s23 =	simm.s32 $0x1B8B  }
0xaf: {  	_ =	swait.ge [sflag:s23], $0x1  }
0xb0: {  	[sflag:s23] =	ssyncset.done $0x0  }
0xb1: {  	s25 =	simm.s32 $0x1B8E;
	s24 =	sld [smem:$0x3FFE];
	[sflag:s23] =	ssyncadd.s32 $0xFFFFFFFF  }
0xb2: {  	s26 =	simm.s32 $execute0_lowered;
	[smem:$0x3FD2] =	sst s25  }
0xb3: {  	s15 =	sshll.u32 s26, $0x1;
	_ =	strace $0x80000046;
	[dreg:$0x1] =	wrdreg $0xFFFFFFFF  }
0xb4: {  	s28 =	simm.s32 $_size_execute0_lowered;
	s13 =	sadd.s32 s13, s15;
	[dreg:$0x0] =	wrdreg $0x0  }
0xb5: {  	s15 =	sshll.u32 s28, $0x1;
	[dreg:$0x2] =	wrdreg s13  }
0xb6: {  	[dreg:$0x3] =	wrdreg s15  }
0xb7: {  	[dreg:$0x4] =	wrdreg $0xC0  }
0xb8: {  	_ =	task [dreg:s17], $0x5FFFF  }
0xb9: {  	[dreg:$0x1] =	wrdreg $0xFFFFFFFF  }
0xba: {  	[dreg:$0x0] =	wrdreg $0x60  }
0xbb: {  	[dreg:$0x2] =	wrdreg s6  }
0xbc: {  	[dreg:$0x3] =	wrdreg s24  }
0xbd: {  	[dreg:$0x4] =	wrdreg s2  }
0xbe: {  	[dreg:$0x5] =	wrdreg s29  }
0xbf: {  	[dreg:$0x6] =	wrdreg s4  }
0xc0: {  	[dreg:$0x7] =	wrdreg s5  }
0xc1: {  	[dreg:$0x8] =	wrdreg s8  }
0xc2: {  	[dreg:$0x9] =	wrdreg s9  }
0xc3: {  	[dreg:$0xa] =	wrdreg s10  }
0xc4: {  	[dreg:$0xb] =	wrdreg s30  }
0xc5: {  	[dreg:$0xc] =	wrdreg s31  }
0xc6: {  	[dreg:$0xd] =	wrdreg s18  }
0xc7: {  	[dreg:$0xe] =	wrdreg $0x9  }
0xc8: {  	_ =	task.clear_ibuf [dreg:s17], $0xFFFFF;
	_ =	strace $0x90000046  }
0xc9: {  	s29 =	simm.s32 $0x9;
	_ =	strace $0x80000048  }
0xca: {  	_ =	swait.ge [sflag:s29], $0x1  }
0xcb: {  	[sflag:s29] =	ssyncadd.s32 $0xFFFFFFFF  }
0xcc: {  	_ =	strace $0x90000048  }
0xcd: {  	_ =	sfence  }
0xce: {  	s30 =	sld [smem:$0x0];
	_ =	sdelay $0x2  }
0xcf: {  	s31 =	sshll.u32 s1, $0xD;
	s1 =	sshrl.u32 s1, $0x2  }
0xd0: {  	s3 =	sand.u32 $0x4000, s31;
	s1 =	sadd.s32 s1, s30  }
0xd1: {  	s0 =	sor.u32 s3, s0;
	s1 =	sshll.u32 s1, $0x11  }
0xd2: {  	s0 =	sor.u32 s1, s0  }
0xd3: {  	s0 =	sadd.s32 $0x8F2B, s0  }
0xd4: {  	[sflag:s0] =	ssyncadd.remote.s32 $0x1  }
0xd5: {  	_ =	sfence.sel $0xFFFF  }
0xd6: {  	[dreg:$0x0] =	wrdreg $0xFFFFFFFF;
	(pc) =	sbr.abs _section_cstart, $3  }
0xd7: {  	[dreg:$0x1] =	wrdreg $0xFFFFFFFF  }
0xd8: {  	_ =	task.clear_ibuf [dreg:s17], $0x2FFFF;
	_ =	strace $0x9FFFFFFF  }
0xd9: {  	(tm) =	ssettm $0x7FFFFFFF  }
tec
execute0_lowered:
.L_overlay_start_1:
0x0: {  	(tag) =	ssettag $0x1  }
0x1: {  	s9 =	rddreg [dreg:$0x0]  }
0x2: {  	s1 =	rddreg [dreg:$0x1]  }
0x3: {  	s3 =	rddreg [dreg:$0x2]  }
0x4: {  	s4 =	rddreg [dreg:$0x3]  }
0x5: {  	s10 =	rddreg [dreg:$0x4]  }
0x6: {  	s2 =	rddreg [dreg:$0x5]  }
0x7: {  	s12 =	rddreg [dreg:$0x6]  }
0x8: {  	s0 =	rddreg [dreg:$0x7]  }
0x9: {  	s13 =	rddreg [dreg:$0x9]  }
0xa: {  	s15 =	rddreg [dreg:$0xa]  }
0xb: {  	s16 =	rddreg [dreg:$0xb];
	s19 =	simm.s32 $0x0  }
0xc: {  	s5 =	srdreg.scid;
	s7 =	stileid.u32;
	s8 =	simm.s32 $0xC08  }
0xd: {  	[smem:$0x7FF] =	sst s19;
	s5 =	sand.u32 $0x1, s5;
	s24 =	smul.u32 $0xC38, s7  }
0xe: {  	s21 =	sadd.s32 $0x800, s1;
	s23 =	sadd.s32 $0x187200, s1;
	s6 =	smul.u32 $0xC350, s5  }
0xf: {  	p0 =	seq.s32 s7, $0xF;
	_ =	strace $0x80000047;
	s5 =	ssub.s32 $0x2, s5  }
0x10: {  	[dreg:$0xd] =	wrdreg s21;
	s11 =	sshrl.u32 s5, $0x1;
	s14 =	sadd.s32 s24, s6  }
0x11: {  	[dreg:$0xe] =	wrdreg s23;
	s1 =	ssub.s32 s5, s11;
	s25 =	sadd.s32 $0xBB0, s14  }
0x12: {  	s24 =	simm.s32 $0x16;
	s1 =	smax.u32 s1, $0x1;
	[dreg:$0x10] =	wrdreg s25  }
0x13: {  	s24 =	simm.s32 @!p0 $0x17;
	s6 =	sshrl.u32 s14, $0x3;
	[dreg:$0x19] =	wrdreg s1  }
0x14: {  	s31 =	simm.s32 $0x2900;
	s3 =	sadd.s32 s3, s6;
	[dreg:$0xf] =	wrdreg s24  }
0x15: {  	s28 =	simm.s32 $0x3580;
	s26 =	sadd.s32 s15, s6;
	[dreg:$0x11] =	wrdreg s3  }
0x16: {  	s29 =	simm.s32 $0x5700;
	s4 =	sadd.s32 s4, s6;
	[dreg:$0x12] =	wrdreg s26  }
0x17: {  	s30 =	simm.s32 $0x9B00;
	s17 =	sadd.s32 s16, s6;
	[dreg:$0x13] =	wrdreg s4  }
0x18: {  	s11 =	sshll.u32 s25, $0x4;
	s25 =	sadd.s32 $0x200, s0;
	[dreg:$0x14] =	wrdreg s17  }
0x19: {  	s8 =	simm.s32 @!p0 $0xC38;
	s18 =	sadd.s32 s9, s11;
	[dreg:$0x1a] =	wrdreg s25  }
0x1a: {  	v2 =	vimm.s32 $0xFFFFFFFF;
	v3 =	vlaneseq.u32;
	s5 =	sadd.s32 s8, s14;
	s20 =	sadd.s32 s13, s11;
	[dreg:$0x15] =	wrdreg s18  }
0x1b: {  	v4 =	vimm.f32 $0.0e+00;
	v5 =	vimm.s32 $0x0;
	vm1 =	vcmask $0x704;
	p0 =	sne.s32 s7, $0xF;
	s22 =	sadd.s32 s21, s11;
	[dreg:$0x16] =	wrdreg s20  }
.Ltmp0:
0x1c: {  	vm2 =	vcmask $0xB08;
	vm3 =	vcmask $0xF0C;
	vm4 =	vcmask $0x1310;
	s3 =	sadd.s32 s23, s11;
	[dreg:$0x17] =	wrdreg s22;
	(pc) =	sbr.rel .LBB2_1-.Ltmp0, $4  }
0x1d: {  	vm5 =	vcmask $0x1714;
	vm6 =	vcmask $0x1B18;
	vm7 =	vcmask $0x1F1C;
	s7 =	simm.s32 $0x0;
	s26 =	sadd.s32 $0x400, s0;
	[dreg:$0x18] =	wrdreg s3  }
0x1e: {  	vm8 =	vcmask $0x2320;
	vm9 =	vcmask $0x2724;
	vm10 =	vcmask $0x2B28;
	s6 =	simm.s32 $0x1C80;
	s0 =	sadd.s32 $0x600, s0;
	[dreg:$0x1b] =	wrdreg s26  }
0x1f: {  	vm11 =	vcmask $0x2F2C;
	vm12 =	vcmask $0x3330;
	vm13 =	vcmask $0x3734;
	s25 =	sadd.s32 $0xC08, s14;
	s11 =	simm.s32 $0x1000;
	[dreg:$0x1c] =	wrdreg s0  }
0x20: {  	vm14 =	vcmask $0x3B38;
	v1 =	vmov s14;
	v0 =	vmov s5;
	s26 =	simm.s32 $0x2;
	s22 =	simm.s32 $0x4580;
	[dreg:$0x1d] =	wrdreg s25  }
.LBB2_42:
0x21: {  	s7 =	sadd.s32 $0x1, s7;
	s0 =	rddreg [dreg:$0x19]  }
0x22: {  	p1 =	sne.s32 s7, s0  }
.Ltmp1:
0x23: {  	_ = 	snop;
	(pc) =	sbr.rel @!p1 .LBB2_43-.Ltmp1, $1  }
0x24: {  	_ =	sdelay $0x3  }
.LBB2_1:
0x25: {  	[dreg:$0x1e] =	wrdreg s7  }
0x26: {  	s0 =	rddreg [dreg:$0x8];
	s1 =	simm.s32 $0x5680  }
0x27: {  	[tilespmem:s1], [sflag:$0x2] =	stream.linear.gather [hbm4b:s0+s19], $0x80, $0x38;
	[tilespmem:$0x16B80] =	vst v63  }
0x28: {  	_ =	swait.ge [sflag:s26], $0x80  }
0x29: {  	[sflag:s26] =	ssyncset.done $0x0  }
0x2a: {  	s4 =	simm.s32 $0x0;
	s1 =	simm.s32 $0x40;
	[sflag:s26] =	ssyncadd.s32 $0xFFFFFF80  }
.LBB2_2:
0x2b: {  	p1 =	sne.s32 s1, $0x30C0;
	[tilespmem:s4+$0x1000] =	vst v2;
	s4 =	smov.u32 s1;
	s1 =	sadd.s32 $0x40, s1  }
.Ltmp2:
0x2c: {  	(pc) =	sbr.rel @p1 .LBB2_2-.Ltmp2, $2  }
0x2d: {  	_ =	sdelay $0x2  }
0x2e: {  	s4 =	sshra.s32 s4, $0x2  }
0x2f: {  	[tilespmem:s4+$0x1000] =	vst v2  }
0x30: {  	v6 =	vld [tilespmem:$0x5680];
	_ =	sdelay $0x1  }
0x31: {  	v7 =	vld [tilespmem:$0x5680];
	_ =	sdelay $0x1  }
0x32: {  	v8 =	vld [tilespmem:$0x5680]  }
0x33: {  	[tilespmem:$0x5600] =	vst v6  }
0x34: {  	[tilespmem:$0x5610] =	vst v6;
	v6 =	vld [tilespmem:$0x5680]  }
0x35: {  	[tilespmem:$0x5620] =	vst v7  }
0x36: {  	[tilespmem:$0x5630] =	vst v7  }
0x37: {  	[tilespmem:$0x5640] =	vst v8  }
0x38: {  	[tilespmem:$0x5650] =	vst v8  }
0x39: {  	[tilespmem:$0x5660] =	vst v6  }
.Ltmp3:
0x3a: {  	s1 =	simm.s32 $0x0;
	s0 =	rddreg [dreg:$0x7];
	[tilespmem:$0x5670] =	vst v6;
	(pc) =	sbr.rel .LBB2_4-.Ltmp3, $4  }
0x3b: {  	[tilespmem:s1], [sflag:$0x2] =	stream.linear.gather [hbm4b:s0+s1], $0x1000, $0x38;
	[tilespmem:$0x16B80] =	vst v63  }
0x3c: {  	_ =	swait.ge [sflag:s26], $0x1000  }
0x3d: {  	[sflag:s26] =	ssyncset.done $0x0  }
0x3e: {  	[sflag:s26] =	ssyncadd.s32 $0xFFFFF000  }
.LBB2_7:
0x3f: {  	s1 =	sadd.s32 $0x1, s1  }
0x40: {  	p1 =	sne.s32 s1, $0x100  }
.Ltmp4:
0x41: {  	_ = 	snop;
	(pc) =	sbr.rel @!p1 .LBB2_8-.Ltmp4, $1  }
0x42: {  	_ =	sdelay $0x3  }
.LBB2_4:
0x43: {  	s4 =	sshll.u32 s1, $0x4  }
0x44: {  	v6 =	vld [tilespmem:s4+$0x0];
	_ =	sdelay $0x4  }
0x45: {  	vm15 =	vge.s32 v6, v1;
	vm0 =	vlt.s32 v6, v0  }
0x46: {  	vm15 =	vmand vm15, vm0  }
0x47: {  	v7 =	vsel vm15, $0x3F800000, v4  }
0x48: {  	(xrf0) =	vmax.scan.msk.f32 $0xffff, v7;
	_ =	sdelay $0x5  }
0x49: {  	v7, _, _ =	vpop (xrf0)  }
0x4a: {  	(v2sf) =	vpush v7, $0xF;
	_ =	sdelay $0xe  }
0x4b: {  	s5 =	spop (v2sf)  }
0x4c: {  	p1 =	sgt.f32 s5, $0.0e+00  }
.Ltmp5:
0x4d: {  	_ = 	snop;
	(pc) =	sbr.rel @!p1 .LBB2_7-.Ltmp5, $1  }
0x4e: {  	_ =	sdelay $0x3  }
0x4f: {  	v6 =	vsub.s32 v6, v1  }
0x50: {  	vm0 =	vgt.s32 v6, $0x0  }
0x51: {  	v7 =	vnsel vm0, $0x0, v6  }
0x52: {  	v7 =	vmin.u32 v7, $0xC3F;
	_ =	sdelay $0x3  }
0x53: {  	v6 =	vor.u32 s4, v3  }
.LBB2_6:
0x54: {  	[tilespmem:v7+s11+$0x0] =	vst.idx.msk vm15, v6  }
0x55: {  	v8 =	vld.idx.msk [tilespmem:v7+s11+$0x0], vm15;
	_ =	sdelay $0x4  }
0x56: {  	vm0 =	vlt.s32 v8, v6  }
0x57: {  	vm15 =	vmand vm15, vm0  }
0x58: {  	v8 =	vsel vm15, $0x3F800000, v4  }
0x59: {  	(xrf0) =	vmax.scan.msk.f32 $0xffff, v8;
	_ =	sdelay $0x5  }
0x5a: {  	v8, _, _ =	vpop (xrf0)  }
0x5b: {  	(v2sf) =	vpush v8, $0xF;
	_ =	sdelay $0xe  }
0x5c: {  	s4 =	spop (v2sf)  }
0x5d: {  	p1 =	sgt.f32 s4, $0.0e+00  }
.Ltmp6:
0x5e: {  	_ = 	snop;
	(pc) =	sbr.rel @p1 .LBB2_6-.Ltmp6, $1  }
0x5f: {  	_ =	sdelay $0x3  }
.Ltmp7:
0x60: {  	_ = 	snop;
	(pc) =	sbr.rel .LBB2_7-.Ltmp7, $1  }
0x61: {  	_ =	sdelay $0x3  }
.LBB2_8:
.Ltmp8:
0x62: {  	s1 =	simm.s32 $0x0;
	s0 =	rddreg [dreg:$0x1a];
	(pc) =	sbr.rel .LBB2_9-.Ltmp8, $4  }
0x63: {  	[tilespmem:s1], [sflag:$0x2] =	stream.linear.gather [hbm4b:s0+s1], $0x1000, $0x38;
	[tilespmem:$0x16B80] =	vst v63  }
0x64: {  	_ =	swait.ge [sflag:s26], $0x1000  }
0x65: {  	[sflag:s26] =	ssyncset.done $0x0  }
0x66: {  	[sflag:s26] =	ssyncadd.s32 $0xFFFFF000  }
.LBB2_12:
0x67: {  	s1 =	sadd.s32 $0x1, s1  }
0x68: {  	p1 =	sne.s32 s1, $0x100  }
.Ltmp9:
0x69: {  	_ = 	snop;
	(pc) =	sbr.rel @!p1 .LBB2_13-.Ltmp9, $1  }
0x6a: {  	_ =	sdelay $0x3  }
.LBB2_9:
0x6b: {  	s4 =	sshll.u32 s1, $0x4  }
0x6c: {  	v6 =	vld [tilespmem:s4+$0x0];
	_ =	sdelay $0x4  }
0x6d: {  	vm0 =	vge.s32 v6, v1;
	vm15 =	vlt.s32 v6, v0  }
0x6e: {  	vm15 =	vmand vm0, vm15  }
0x6f: {  	v7 =	vsel vm15, $0x3F800000, v4  }
0x70: {  	(xrf0) =	vmax.scan.msk.f32 $0xffff, v7;
	_ =	sdelay $0x5  }
0x71: {  	v7, _, _ =	vpop (xrf0)  }
0x72: {  	(v2sf) =	vpush v7, $0xF;
	_ =	sdelay $0xe  }
0x73: {  	s5 =	spop (v2sf)  }
0x74: {  	p1 =	sgt.f32 s5, $0.0e+00  }
.Ltmp10:
0x75: {  	_ = 	snop;
	(pc) =	sbr.rel @!p1 .LBB2_12-.Ltmp10, $1  }
0x76: {  	_ =	sdelay $0x3  }
0x77: {  	v6 =	vsub.s32 v6, v1  }
0x78: {  	vm0 =	vgt.s32 v6, $0x0  }
0x79: {  	v7 =	vnsel vm0, $0x0, v6  }
0x7a: {  	v7 =	vmin.u32 v7, $0xC3F;
	_ =	sdelay $0x2  }
0x7b: {  	s4 =	sor.u32 $0x1000, s4  }
0x7c: {  	v6 =	vor.u32 s4, v3  }
.LBB2_11:
0x7d: {  	[tilespmem:v7+s11+$0x0] =	vst.idx.msk vm15, v6  }
0x7e: {  	v8 =	vld.idx.msk [tilespmem:v7+s11+$0x0], vm15;
	_ =	sdelay $0x4  }
0x7f: {  	vm0 =	vlt.s32 v8, v6  }
0x80: {  	vm15 =	vmand vm15, vm0  }
0x81: {  	v8 =	vsel vm15, $0x3F800000, v4  }
0x82: {  	(xrf0) =	vmax.scan.msk.f32 $0xffff, v8;
	_ =	sdelay $0x5  }
0x83: {  	v8, _, _ =	vpop (xrf0)  }
0x84: {  	(v2sf) =	vpush v8, $0xF;
	_ =	sdelay $0xe  }
0x85: {  	s4 =	spop (v2sf)  }
0x86: {  	p1 =	sgt.f32 s4, $0.0e+00  }
.Ltmp11:
0x87: {  	_ = 	snop;
	(pc) =	sbr.rel @p1 .LBB2_11-.Ltmp11, $1  }
0x88: {  	_ =	sdelay $0x3  }
.Ltmp12:
0x89: {  	_ = 	snop;
	(pc) =	sbr.rel .LBB2_12-.Ltmp12, $1  }
0x8a: {  	_ =	sdelay $0x3  }
.LBB2_13:
.Ltmp13:
0x8b: {  	s1 =	simm.s32 $0x0;
	s0 =	rddreg [dreg:$0x1b];
	(pc) =	sbr.rel .LBB2_14-.Ltmp13, $4  }
0x8c: {  	[tilespmem:s1], [sflag:$0x2] =	stream.linear.gather [hbm4b:s0+s1], $0x1000, $0x38;
	[tilespmem:$0x16B80] =	vst v63  }
0x8d: {  	_ =	swait.ge [sflag:s26], $0x1000  }
0x8e: {  	[sflag:s26] =	ssyncset.done $0x0  }
0x8f: {  	[sflag:s26] =	ssyncadd.s32 $0xFFFFF000  }
.LBB2_17:
0x90: {  	s1 =	sadd.s32 $0x1, s1  }
0x91: {  	p1 =	sne.s32 s1, $0x100  }
.Ltmp14:
0x92: {  	_ = 	snop;
	(pc) =	sbr.rel @!p1 .LBB2_18-.Ltmp14, $1  }
0x93: {  	_ =	sdelay $0x3  }
.LBB2_14:
0x94: {  	s4 =	sshll.u32 s1, $0x4  }
0x95: {  	v6 =	vld [tilespmem:s4+$0x0];
	_ =	sdelay $0x4  }
0x96: {  	vm0 =	vge.s32 v6, v1;
	vm15 =	vlt.s32 v6, v0  }
0x97: {  	vm15 =	vmand vm0, vm15  }
0x98: {  	v7 =	vsel vm15, $0x3F800000, v4  }
0x99: {  	(xrf0) =	vmax.scan.msk.f32 $0xffff, v7;
	_ =	sdelay $0x5  }
0x9a: {  	v7, _, _ =	vpop (xrf0)  }
0x9b: {  	(v2sf) =	vpush v7, $0xF;
	_ =	sdelay $0xe  }
0x9c: {  	s5 =	spop (v2sf)  }
0x9d: {  	p1 =	sgt.f32 s5, $0.0e+00  }
.Ltmp15:
0x9e: {  	_ = 	snop;
	(pc) =	sbr.rel @!p1 .LBB2_17-.Ltmp15, $1  }
0x9f: {  	_ =	sdelay $0x3  }
0xa0: {  	v6 =	vsub.s32 v6, v1  }
0xa1: {  	vm0 =	vgt.s32 v6, $0x0  }
0xa2: {  	v7 =	vnsel vm0, $0x0, v6  }
0xa3: {  	v7 =	vmin.u32 v7, $0xC3F;
	_ =	sdelay $0x2  }
0xa4: {  	s4 =	sor.u32 $0x2000, s4  }
0xa5: {  	v6 =	vor.u32 s4, v3  }
.LBB2_16:
0xa6: {  	[tilespmem:v7+s11+$0x0] =	vst.idx.msk vm15, v6  }
0xa7: {  	v8 =	vld.idx.msk [tilespmem:v7+s11+$0x0], vm15;
	_ =	sdelay $0x4  }
0xa8: {  	vm0 =	vlt.s32 v8, v6  }
0xa9: {  	vm15 =	vmand vm15, vm0  }
0xaa: {  	v8 =	vsel vm15, $0x3F800000, v4  }
0xab: {  	(xrf0) =	vmax.scan.msk.f32 $0xffff, v8;
	_ =	sdelay $0x5  }
0xac: {  	v8, _, _ =	vpop (xrf0)  }
0xad: {  	(v2sf) =	vpush v8, $0xF;
	_ =	sdelay $0xe  }
0xae: {  	s4 =	spop (v2sf)  }
0xaf: {  	p1 =	sgt.f32 s4, $0.0e+00  }
.Ltmp16:
0xb0: {  	_ = 	snop;
	(pc) =	sbr.rel @p1 .LBB2_16-.Ltmp16, $1  }
0xb1: {  	_ =	sdelay $0x3  }
.Ltmp17:
0xb2: {  	_ = 	snop;
	(pc) =	sbr.rel .LBB2_17-.Ltmp17, $1  }
0xb3: {  	_ =	sdelay $0x3  }
.LBB2_18:
.Ltmp18:
0xb4: {  	s1 =	simm.s32 $0x0;
	s0 =	rddreg [dreg:$0x1c];
	(pc) =	sbr.rel .LBB2_19-.Ltmp18, $4  }
0xb5: {  	[tilespmem:s1], [sflag:$0x2] =	stream.linear.gather [hbm4b:s0+s1], $0x1000, $0x38;
	[tilespmem:$0x16B80] =	vst v63  }
0xb6: {  	_ =	swait.ge [sflag:s26], $0x1000  }
0xb7: {  	[sflag:s26] =	ssyncset.done $0x0  }
0xb8: {  	[sflag:s26] =	ssyncadd.s32 $0xFFFFF000  }
.LBB2_22:
0xb9: {  	s1 =	sadd.s32 $0x1, s1  }
0xba: {  	p1 =	sne.s32 s1, $0x100  }
.Ltmp19:
0xbb: {  	_ = 	snop;
	(pc) =	sbr.rel @!p1 .LBB2_23-.Ltmp19, $1  }
0xbc: {  	_ =	sdelay $0x3  }
.LBB2_19:
0xbd: {  	s4 =	sshll.u32 s1, $0x4  }
0xbe: {  	v6 =	vld [tilespmem:s4+$0x0];
	_ =	sdelay $0x4  }
0xbf: {  	vm0 =	vge.s32 v6, v1;
	vm15 =	vlt.s32 v6, v0  }
0xc0: {  	vm15 =	vmand vm0, vm15  }
0xc1: {  	v7 =	vsel vm15, $0x3F800000, v4  }
0xc2: {  	(xrf0) =	vmax.scan.msk.f32 $0xffff, v7;
	_ =	sdelay $0x5  }
0xc3: {  	v7, _, _ =	vpop (xrf0)  }
0xc4: {  	(v2sf) =	vpush v7, $0xF;
	_ =	sdelay $0xe  }
0xc5: {  	s5 =	spop (v2sf)  }
0xc6: {  	p1 =	sgt.f32 s5, $0.0e+00  }
.Ltmp20:
0xc7: {  	_ = 	snop;
	(pc) =	sbr.rel @!p1 .LBB2_22-.Ltmp20, $1  }
0xc8: {  	_ =	sdelay $0x3  }
0xc9: {  	v6 =	vsub.s32 v6, v1  }
0xca: {  	vm0 =	vgt.s32 v6, $0x0  }
0xcb: {  	v7 =	vnsel vm0, $0x0, v6  }
0xcc: {  	v7 =	vmin.u32 v7, $0xC3F;
	_ =	sdelay $0x2  }
0xcd: {  	s4 =	sor.u32 $0x3000, s4  }
0xce: {  	v6 =	vor.u32 s4, v3  }
.LBB2_21:
0xcf: {  	[tilespmem:v7+s11+$0x0] =	vst.idx.msk vm15, v6  }
0xd0: {  	v8 =	vld.idx.msk [tilespmem:v7+s11+$0x0], vm15;
	_ =	sdelay $0x4  }
0xd1: {  	vm0 =	vlt.s32 v8, v6  }
0xd2: {  	vm15 =	vmand vm15, vm0  }
0xd3: {  	v8 =	vsel vm15, $0x3F800000, v4  }
0xd4: {  	(xrf0) =	vmax.scan.msk.f32 $0xffff, v8;
	_ =	sdelay $0x5  }
0xd5: {  	v8, _, _ =	vpop (xrf0)  }
0xd6: {  	(v2sf) =	vpush v8, $0xF;
	_ =	sdelay $0xe  }
0xd7: {  	s4 =	spop (v2sf)  }
0xd8: {  	p1 =	sgt.f32 s4, $0.0e+00  }
.Ltmp21:
0xd9: {  	_ = 	snop;
	(pc) =	sbr.rel @p1 .LBB2_21-.Ltmp21, $1  }
0xda: {  	_ =	sdelay $0x3  }
.Ltmp22:
0xdb: {  	_ = 	snop;
	(pc) =	sbr.rel .LBB2_22-.Ltmp22, $1  }
0xdc: {  	_ =	sdelay $0x3  }
.LBB2_23:
0xdd: {  	s1 =	simm.s32 $0x1000  }
0xde: {  	v6 =	vld [tilespmem:s1+$0x0];
	_ =	sdelay $0x4  }
0xdf: {  	vm0 =	vgt.s32 v6, $0xFFFFFFFF  }
0xe0: {  	v7 =	vsel vm0, $0x1, v5  }
0xe1: {  	(xrf0) =	vadd.scan.msk.s32 $0xffff, v7;
	_ =	sdelay $0x5  }
0xe2: {  	v8, _, _ =	vpop (xrf0)  }
0xe3: {  	s1 =	simm.s32 $0x0;
	v7 =	vsub.s32 v8, v7;
	(v2sf) =	vpush v8, $0xF  }
0xe4: {  	v7 =	vadd.s32 s1, v7;
	_ =	sdelay $0x2  }
0xe5: {  	s4 =	sadd.s32 $0x0, s14  }
0xe6: {  	v8 =	vadd.s32 s4, v3  }
0xe7: {  	[tilespmem:v7+s6+$0x0] =	vst.idx.msk vm0, v8  }
0xe8: {  	[tilespmem:v7+s31+$0x0] =	vst.idx.msk vm0, v6  }
0xe9: {  	[tilespmem:v7+s28+$0x0] =	vst.idx.msk vm0, v8  }
0xea: {  	s5 =	simm.s32 $0x1010;
	[tilespmem:v7+s22+$0x0] =	vst.idx.msk vm0, v6  }
0xeb: {  	v6 =	vld [tilespmem:s5+$0x0];
	_ =	sdelay $0x4  }
0xec: {  	s8 =	simm.s32 $0x20;
	s4 =	simm.s32 $0x10;
	vm15 =	vgt.s32 v6, $0xFFFFFFFF;
	s17 =	spop (v2sf)  }
.LBB2_24:
0xed: {  	p1 =	sne.s32 s8, $0xC30  }
0xee: {  	v7 =	vsel vm15, $0x1, v5;
	s1 =	sadd.s32 s1, s17;
	s17 =	smov.u32 s8;
	s8 =	sadd.s32 $0x10, s8  }
0xef: {  	(xrf0) =	vadd.scan.msk.s32 $0xffff, v7;
	_ =	sdelay $0x5  }
0xf0: {  	v8, _, _ =	vpop (xrf0)  }
0xf1: {  	v7 =	vsub.s32 v8, v7;
	(v2sf) =	vpush v8, $0xF  }
0xf2: {  	v7 =	vadd.s32 s1, v7;
	_ =	sdelay $0x2  }
0xf3: {  	s18 =	sadd.s32 s14, s4;
	s4 =	smov.u32 s17  }
0xf4: {  	v8 =	vadd.s32 s18, v3  }
0xf5: {  	[tilespmem:v7+s6+$0x0] =	vst.idx.msk vm15, v8  }
0xf6: {  	[tilespmem:v7+s31+$0x0] =	vst.idx.msk vm15, v6  }
0xf7: {  	[tilespmem:v7+s28+$0x0] =	vst.idx.msk vm15, v8  }
0xf8: {  	s5 =	sadd.s32 $0x10, s5;
	[tilespmem:v7+s22+$0x0] =	vst.idx.msk vm15, v6  }
0xf9: {  	v6 =	vld [tilespmem:s5+$0x0]  }
.Ltmp23:
0xfa: {  	(pc) =	sbr.rel @p1 .LBB2_24-.Ltmp23, $2  }
0xfb: {  	_ =	sdelay $0x2  }
0xfc: {  	vm15 =	vgt.s32 v6, $0xFFFFFFFF;
	s17 =	spop (v2sf)  }
0xfd: {  	v7 =	vsel vm15, $0x1, v5  }
0xfe: {  	(xrf0) =	vadd.scan.msk.s32 $0xffff, v7;
	_ =	sdelay $0x5  }
0xff: {  	v8, _, _ =	vpop (xrf0)  }
0x100: {  	(v2sf) =	vpush v8, $0xF;
	_ =	sdelay $0xc  }
0x101: {  	s1 =	sadd.s32 s1, s17;
	v7 =	vsub.s32 v8, v7  }
0x102: {  	v7 =	vadd.s32 s1, v7  }
0x103: {  	s20 =	spop (v2sf)  }
0x104: {  	s20 =	sadd.s32 s1, s20  }
0x105: {  	s4 =	sadd.s32 s14, s4;
	p1 =	slt.s32 s20, $0x1  }
.Ltmp24:
0x106: {  	v63 =	vadd.s32 s4, v3;
	(pc) =	sbr.rel @p1 .LBB2_29-.Ltmp24, $4  }
0x107: {  	[tilespmem:v7+s6+$0x0] =	vst.idx.msk vm15, v63  }
0x108: {  	[tilespmem:v7+s31+$0x0] =	vst.idx.msk vm15, v6  }
0x109: {  	[tilespmem:v7+s28+$0x0] =	vst.idx.msk vm15, v63  }
0x10a: {  	vm0 =	vcmask $0x300;
	[tilespmem:v7+s22+$0x0] =	vst.idx.msk vm15, v6  }
0x10b: {  	v6 =	vmov s20  }
0x10c: {  	(v2sf) =	vpush v6, $0xE  }
0x10d: {  	(v2sf) =	vpush v6, $0xD  }
0x10e: {  	(v2sf) =	vpush v6, $0xC  }
0x10f: {  	(v2sf) =	vpush v6, $0xB  }
0x110: {  	(v2sf) =	vpush v6, $0xA  }
0x111: {  	(v2sf) =	vpush v6, $0x9  }
0x112: {  	(v2sf) =	vpush v6, $0x8  }
0x113: {  	(v2sf) =	vpush v6, $0x7  }
0x114: {  	(v2sf) =	vpush v6, $0x6  }
0x115: {  	(v2sf) =	vpush v6, $0x5  }
0x116: {  	(v2sf) =	vpush v6, $0x4  }
0x117: {  	(v2sf) =	vpush v6, $0x3  }
0x118: {  	(v2sf) =	vpush v6, $0x2  }
0x119: {  	(v2sf) =	vpush v6, $0x1  }
0x11a: {  	s1 =	simm.s32 $0x0;
	(v2sf) =	vpush v6, $0x0  }
0x11b: {  	v7 =	vor.u32 s1, v3;
	(v2sf) =	vpush v6, $0xF;
	s3 =	spop (v2sf)  }
0x11c: {  	s10 =	spop (v2sf);
	(v2sf) =	vpush v7, $0xE  }
0x11d: {  	s21 =	spop (v2sf);
	(v2sf) =	vpush v7, $0xD  }
0x11e: {  	s23 =	spop (v2sf);
	(v2sf) =	vpush v7, $0xC  }
0x11f: {  	s17 =	spop (v2sf);
	(v2sf) =	vpush v7, $0xB  }
0x120: {  	s18 =	spop (v2sf);
	(v2sf) =	vpush v7, $0xA  }
0x121: {  	s19 =	spop (v2sf);
	(v2sf) =	vpush v7, $0x9  }
0x122: {  	(v2sf) =	vpush v7, $0xF;
	s25 =	spop (v2sf)  }
0x123: {  	(v2sf) =	vpush v7, $0x0;
	s26 =	spop (v2sf)  }
0x124: {  	(v2sf) =	vpush v7, $0x1;
	s28 =	spop (v2sf)  }
0x125: {  	(v2sf) =	vpush v7, $0x2;
	s29 =	spop (v2sf)  }
0x126: {  	(v2sf) =	vpush v7, $0x3;
	s9 =	spop (v2sf)  }
0x127: {  	s0 =	spop (v2sf);
	(v2sf) =	vpush v7, $0x4  }
0x128: {  	s7 =	spop (v2sf);
	(v2sf) =	vpush v7, $0x5  }
0x129: {  	s16 =	spop (v2sf);
	(v2sf) =	vpush v7, $0x6  }
0x12a: {  	s12 =	spop (v2sf);
	(v2sf) =	vpush v7, $0x7  }
0x12b: {  	(v2sf) =	vpush v7, $0x8;
	s5 =	spop (v2sf)  }
0x12c: {  	s4 =	spop (v2sf)  }
0x12d: {  	s1 =	spop (v2sf)  }
0x12e: {  	s13 =	spop (v2sf)  }
0x12f: {  	s30 =	spop (v2sf)  }
0x130: {  	s15 =	spop (v2sf)  }
0x131: {  	s8 =	spop (v2sf)  }
0x132: {  	(drf) =	srem.u32 s8, s12;
	s12 =	spop (v2sf)  }
0x133: {  	(drf) =	srem.u32 s12, s16;
	s16 =	spop (v2sf)  }
0x134: {  	(drf) =	srem.u32 s16, s7;
	s24 =	spop (v2sf)  }
0x135: {  	(drf) =	srem.u32 s24, s0;
	s7 =	spop (v2sf)  }
0x136: {  	(drf) =	srem.u32 s7, s9;
	s8 =	spop (v2sf)  }
0x137: {  	(drf) =	srem.u32 s8, s29;
	s9 =	spop (v2sf)  }
0x138: {  	(drf) =	srem.u32 s9, s28;
	s12 =	spop (v2sf)  }
0x139: {  	(drf) =	srem.u32 s12, s26;
	s16 =	spop (v2sf)  }
0x13a: {  	(drf) =	srem.u32 s16, s25;
	s24 =	spop (v2sf)  }
0x13b: {  	(drf) =	srem.u32 s24, s19;
	s25 =	spop (drf)  }
0x13c: {  	(v2sf) =	vpush v6, $0xE;
	(drf) =	srem.u32 s15, s18;
	s26 =	spop (drf)  }
0x13d: {  	(v2sf) =	vpush v6, $0xD;
	v8 =	vmov s25;
	(drf) =	srem.u32 s30, s17;
	s8 =	spop (drf)  }
0x13e: {  	(v2sf) =	vpush v6, $0xC;
	v8 =	vsel vm0, s26, v8;
	(drf) =	srem.u32 s13, s23;
	s9 =	spop (drf)  }
0x13f: {  	(v2sf) =	vpush v6, $0xB;
	v8 =	vsel vm1, s8, v8;
	s12 =	spop (drf);
	(drf) =	srem.u32 s1, s21  }
0x140: {  	(v2sf) =	vpush v6, $0xA;
	v8 =	vsel vm2, s9, v8;
	s13 =	spop (drf);
	(drf) =	srem.u32 s4, s10  }
0x141: {  	(v2sf) =	vpush v6, $0x9;
	v8 =	vsel vm3, s12, v8;
	s15 =	spop (drf);
	(drf) =	srem.u32 s5, s3  }
0x142: {  	(v2sf) =	vpush v6, $0x8;
	v8 =	vsel vm4, s13, v8;
	s16 =	spop (drf)  }
0x143: {  	(v2sf) =	vpush v6, $0x7;
	v8 =	vsel vm5, s15, v8;
	s17 =	spop (drf)  }
0x144: {  	(v2sf) =	vpush v6, $0x6;
	v8 =	vsel vm6, s16, v8;
	s18 =	spop (drf)  }
0x145: {  	(v2sf) =	vpush v6, $0x5;
	v8 =	vsel vm7, s17, v8;
	s19 =	spop (drf)  }
0x146: {  	(v2sf) =	vpush v6, $0x4;
	v8 =	vsel vm8, s18, v8;
	s21 =	spop (drf)  }
0x147: {  	(v2sf) =	vpush v6, $0x3;
	v8 =	vsel vm9, s19, v8;
	s23 =	spop (drf)  }
0x148: {  	(v2sf) =	vpush v6, $0x2;
	v8 =	vsel vm10, s21, v8;
	s24 =	spop (drf)  }
0x149: {  	(v2sf) =	vpush v6, $0x1;
	v8 =	vsel vm11, s23, v8;
	s25 =	spop (drf)  }
0x14a: {  	s26 =	simm.s32 $0x10;
	(v2sf) =	vpush v6, $0x0;
	v8 =	vsel vm12, s24, v8;
	s30 =	spop (drf)  }
0x14b: {  	(v2sf) =	vpush v6, $0xF;
	v9 =	vsel vm13, s25, v8;
	v8 =	vor.u32 s26, v3;
	s25 =	spop (v2sf)  }
0x14c: {  	v10 =	vsel vm14, s30, v9;
	s26 =	spop (v2sf);
	(v2sf) =	vpush v8, $0xE  }
0x14d: {  	s28 =	spop (v2sf);
	(v2sf) =	vpush v8, $0xD  }
0x14e: {  	s17 =	spop (v2sf);
	(v2sf) =	vpush v8, $0xC  }
0x14f: {  	s5 =	spop (v2sf);
	(v2sf) =	vpush v8, $0xB  }
0x150: {  	vm15 =	vge.s32 v7, v6;
	s18 =	spop (v2sf);
	(v2sf) =	vpush v8, $0xA  }
0x151: {  	s22 =	simm.s32 $0x3580;
	v9 =	vld.idx.msk [tilespmem:v10+s6+$0x0], $0xffff;
	s19 =	spop (v2sf);
	(v2sf) =	vpush v8, $0x9  }
0x152: {  	s2 =	simm.s32 $0x4580;
	s29 =	simm.s32 $0x20;
	v10 =	vld.idx.msk [tilespmem:v10+s31+$0x0], $0xffff;
	(v2sf) =	vpush v8, $0xF;
	s1 =	spop (v2sf)  }
.LBB2_27:
0x153: {  	p2 =	sne.s32 s29, $0xC70;
	(v2sf) =	vpush v8, $0x0;
	s0 =	spop (v2sf)  }
0x154: {  	(v2sf) =	vpush v8, $0x1;
	s7 =	spop (v2sf)  }
0x155: {  	(v2sf) =	vpush v8, $0x2;
	s9 =	spop (v2sf)  }
0x156: {  	(v2sf) =	vpush v8, $0x3;
	s12 =	spop (v2sf);
	[tilespmem:v7+s22+$0x0] =	vst.idx.msk vm15, v9  }
0x157: {  	s13 =	spop (v2sf);
	(v2sf) =	vpush v8, $0x4;
	[tilespmem:v7+s2+$0x0] =	vst.idx.msk vm15, v10;
	v7 =	vmov v8  }
0x158: {  	s15 =	spop (v2sf);
	(v2sf) =	vpush v7, $0x5  }
0x159: {  	s16 =	spop (v2sf);
	(v2sf) =	vpush v7, $0x6  }
0x15a: {  	s30 =	spop (v2sf);
	(v2sf) =	vpush v7, $0x7  }
0x15b: {  	(v2sf) =	vpush v7, $0x8;
	s4 =	spop (v2sf)  }
0x15c: {  	s8 =	spop (v2sf)  }
0x15d: {  	s23 =	spop (v2sf)  }
0x15e: {  	s24 =	spop (v2sf)  }
0x15f: {  	s10 =	spop (v2sf)  }
0x160: {  	s3 =	spop (v2sf)  }
0x161: {  	s31 =	spop (v2sf)  }
0x162: {  	s21 =	spop (v2sf);
	(drf) =	srem.u32 s31, s30;
	s31 =	simm.s32 $0x2900  }
0x163: {  	(drf) =	srem.u32 s21, s16;
	s16 =	spop (v2sf)  }
0x164: {  	(drf) =	srem.u32 s16, s15;
	s15 =	spop (v2sf)  }
0x165: {  	(drf) =	srem.u32 s15, s13;
	s13 =	spop (v2sf)  }
0x166: {  	(drf) =	srem.u32 s13, s12;
	s12 =	spop (v2sf)  }
0x167: {  	(drf) =	srem.u32 s12, s9;
	s9 =	spop (v2sf)  }
0x168: {  	(drf) =	srem.u32 s9, s7;
	s7 =	spop (v2sf)  }
0x169: {  	(drf) =	srem.u32 s7, s0;
	s0 =	spop (v2sf)  }
0x16a: {  	(drf) =	srem.u32 s0, s1;
	s0 =	spop (v2sf)  }
0x16b: {  	s1 =	spop (drf);
	(drf) =	srem.u32 s0, s19  }
0x16c: {  	(v2sf) =	vpush v6, $0xE;
	v8 =	vmov s1;
	s0 =	spop (drf);
	(drf) =	srem.u32 s3, s18  }
0x16d: {  	(v2sf) =	vpush v6, $0xD;
	v8 =	vsel vm0, s0, v8;
	s0 =	spop (drf);
	(drf) =	srem.u32 s10, s5  }
0x16e: {  	(v2sf) =	vpush v6, $0xC;
	v8 =	vsel vm1, s0, v8;
	s0 =	spop (drf);
	(drf) =	srem.u32 s24, s17  }
0x16f: {  	(v2sf) =	vpush v6, $0xB;
	v8 =	vsel vm2, s0, v8;
	s0 =	spop (drf);
	(drf) =	srem.u32 s23, s28  }
0x170: {  	(v2sf) =	vpush v6, $0xA;
	v8 =	vsel vm3, s0, v8;
	s0 =	spop (drf);
	(drf) =	srem.u32 s8, s26  }
0x171: {  	(v2sf) =	vpush v6, $0x9;
	v8 =	vsel vm4, s0, v8;
	s0 =	spop (drf);
	(drf) =	srem.u32 s4, s25  }
0x172: {  	(v2sf) =	vpush v6, $0x8;
	v8 =	vsel vm5, s0, v8;
	s0 =	spop (drf)  }
0x173: {  	(v2sf) =	vpush v6, $0x7;
	v8 =	vsel vm6, s0, v8;
	s0 =	spop (drf)  }
0x174: {  	(v2sf) =	vpush v6, $0x6;
	v8 =	vsel vm7, s0, v8;
	s0 =	spop (drf)  }
0x175: {  	(v2sf) =	vpush v6, $0x5;
	v8 =	vsel vm8, s0, v8;
	s0 =	spop (drf)  }
0x176: {  	(v2sf) =	vpush v6, $0x4;
	v8 =	vsel vm9, s0, v8;
	s0 =	spop (drf)  }
0x177: {  	(v2sf) =	vpush v6, $0x3;
	v8 =	vsel vm10, s0, v8;
	s0 =	spop (drf)  }
0x178: {  	(v2sf) =	vpush v6, $0x2;
	v8 =	vsel vm11, s0, v8;
	s0 =	spop (drf)  }
0x179: {  	(v2sf) =	vpush v6, $0x1;
	v8 =	vsel vm12, s0, v8;
	s0 =	spop (drf)  }
0x17a: {  	(v2sf) =	vpush v6, $0x0;
	v9 =	vsel vm13, s0, v8;
	s0 =	spop (drf)  }
0x17b: {  	v8 =	vor.u32 s29, v3;
	(v2sf) =	vpush v6, $0xF;
	s25 =	spop (v2sf);
	v10 =	vsel vm14, s0, v9  }
0x17c: {  	s26 =	spop (v2sf);
	(v2sf) =	vpush v8, $0xE  }
0x17d: {  	s28 =	spop (v2sf);
	(v2sf) =	vpush v8, $0xD  }
.Ltmp25:
0x17e: {  	s17 =	spop (v2sf);
	(v2sf) =	vpush v8, $0xC;
	(pc) =	sbr.rel @p2 .LBB2_27-.Ltmp25, $4  }
0x17f: {  	s5 =	spop (v2sf);
	(v2sf) =	vpush v8, $0xB  }
0x180: {  	vm15 =	vge.s32 v7, v6;
	s18 =	spop (v2sf);
	(v2sf) =	vpush v8, $0xA;
	v9 =	vld.idx.msk [tilespmem:v10+s6+$0x0], $0xffff  }
0x181: {  	s19 =	spop (v2sf);
	(v2sf) =	vpush v8, $0x9;
	v10 =	vld.idx.msk [tilespmem:v10+s31+$0x0], $0xffff  }
0x182: {  	s29 =	sadd.s32 $0x10, s29;
	(v2sf) =	vpush v8, $0xF;
	s1 =	spop (v2sf)  }
0x183: {  	(v2sf) =	vpush v8, $0x0;
	s0 =	spop (v2sf)  }
0x184: {  	(v2sf) =	vpush v8, $0x1;
	s3 =	spop (v2sf)  }
0x185: {  	(v2sf) =	vpush v8, $0x2;
	s4 =	spop (v2sf)  }
0x186: {  	(v2sf) =	vpush v8, $0x3;
	s7 =	spop (v2sf)  }
0x187: {  	s8 =	spop (v2sf);
	(v2sf) =	vpush v8, $0x4  }
0x188: {  	s9 =	spop (v2sf);
	(v2sf) =	vpush v8, $0x5  }
0x189: {  	s10 =	spop (v2sf);
	(v2sf) =	vpush v8, $0x6  }
0x18a: {  	s12 =	spop (v2sf);
	(v2sf) =	vpush v8, $0x7  }
0x18b: {  	(v2sf) =	vpush v8, $0x8;
	s13 =	spop (v2sf)  }
0x18c: {  	s15 =	spop (v2sf)  }
0x18d: {  	s16 =	spop (v2sf)  }
0x18e: {  	s21 =	spop (v2sf)  }
0x18f: {  	s23 =	spop (v2sf)  }
0x190: {  	s24 =	spop (v2sf)  }
0x191: {  	s29 =	spop (v2sf)  }
0x192: {  	(drf) =	srem.u32 s29, s12;
	s12 =	spop (v2sf)  }
0x193: {  	(drf) =	srem.u32 s12, s10;
	s12 =	spop (v2sf)  }
0x194: {  	(drf) =	srem.u32 s12, s9;
	s10 =	spop (v2sf)  }
0x195: {  	(drf) =	srem.u32 s10, s8;
	s12 =	spop (v2sf)  }
0x196: {  	(drf) =	srem.u32 s12, s7;
	s8 =	spop (v2sf)  }
0x197: {  	(drf) =	srem.u32 s8, s4;
	s9 =	spop (v2sf)  }
0x198: {  	(drf) =	srem.u32 s9, s3;
	s10 =	spop (v2sf)  }
0x199: {  	(drf) =	srem.u32 s10, s0;
	s12 =	spop (v2sf)  }
0x19a: {  	(drf) =	srem.u32 s12, s1;
	s3 =	spop (v2sf)  }
0x19b: {  	(drf) =	srem.u32 s3, s19;
	s4 =	spop (drf)  }
0x19c: {  	(drf) =	srem.u32 s24, s18;
	v11 =	vmov s4;
	s7 =	spop (drf)  }
0x19d: {  	(drf) =	srem.u32 s23, s5;
	v11 =	vsel vm0, s7, v11;
	s8 =	spop (drf)  }
0x19e: {  	(drf) =	srem.u32 s21, s17;
	v11 =	vsel vm1, s8, v11;
	s9 =	spop (drf)  }
0x19f: {  	(drf) =	srem.u32 s16, s28;
	v11 =	vsel vm2, s9, v11;
	s10 =	spop (drf)  }
0x1a0: {  	(drf) =	srem.u32 s15, s26;
	v11 =	vsel vm3, s10, v11;
	s12 =	spop (drf)  }
0x1a1: {  	(drf) =	srem.u32 s13, s25;
	v11 =	vsel vm4, s12, v11;
	s15 =	spop (drf)  }
0x1a2: {  	v11 =	vsel vm5, s15, v11;
	s16 =	spop (drf)  }
0x1a3: {  	v11 =	vsel vm6, s16, v11;
	s17 =	spop (drf)  }
0x1a4: {  	v11 =	vsel vm7, s17, v11;
	s18 =	spop (drf)  }
0x1a5: {  	v11 =	vsel vm8, s18, v11;
	s19 =	spop (drf)  }
0x1a6: {  	v11 =	vsel vm9, s19, v11;
	s21 =	spop (drf)  }
0x1a7: {  	v11 =	vsel vm10, s21, v11;
	s23 =	spop (drf)  }
0x1a8: {  	v11 =	vsel vm11, s23, v11;
	s24 =	spop (drf)  }
0x1a9: {  	v11 =	vsel vm12, s24, v11;
	s25 =	spop (drf)  }
0x1aa: {  	v11 =	vsel vm13, s25, v11;
	s26 =	spop (drf)  }
0x1ab: {  	v11 =	vsel vm14, s26, v11  }
0x1ac: {  	s9 =	rddreg [dreg:$0x0]  }
0x1ad: {  	s10 =	rddreg [dreg:$0x4]  }
0x1ae: {  	[tilespmem:v7+s22+$0x0] =	vst.idx.msk vm15, v9;
	s12 =	rddreg [dreg:$0x6]  }
0x1af: {  	[tilespmem:v7+s2+$0x0] =	vst.idx.msk vm15, v10;
	vm0 =	vge.s32 v8, v6;
	s13 =	rddreg [dreg:$0x9]  }
0x1b0: {  	s15 =	rddreg [dreg:$0xa];
	v6 =	vld.idx.msk [tilespmem:v11+s6+$0x0], $0xffff  }
0x1b1: {  	s16 =	rddreg [dreg:$0xb];
	v7 =	vld.idx.msk [tilespmem:v11+s31+$0x0], $0xffff  }
0x1b2: {  	s21 =	rddreg [dreg:$0xd]  }
0x1b3: {  	s23 =	rddreg [dreg:$0xe]  }
0x1b4: {  	s30 =	simm.s32 $0x9B00;
	s29 =	simm.s32 $0x5700;
	s24 =	rddreg [dreg:$0xf]  }
0x1b5: {  	s28 =	simm.s32 $0x3580;
	s19 =	simm.s32 $0x0;
	s25 =	rddreg [dreg:$0x1d];
	[tilespmem:v8+s22+$0x0] =	vst.idx.msk vm0, v6  }
0x1b6: {  	s26 =	simm.s32 $0x2;
	s22 =	simm.s32 $0x4580;
	[tilespmem:v8+s2+$0x0] =	vst.idx.msk vm0, v7;
	s2 =	rddreg [dreg:$0x5]  }
.LBB2_29:
.Ltmp26:
0x1b7: {  	(pc) =	sbr.rel .LBB2_30-.Ltmp26, $2  }
0x1b8: {  	_ =	sdelay $0x2  }
0x1b9: {  	s5 =	simm.s32 $0x0;
	s1 =	simm.s32 $0x0  }
.LBB2_33:
0x1ba: {  	s1 =	sadd.s32 $0x1, s1  }
0x1bb: {  	p2 =	sne.s32 s1, s24  }
.Ltmp27:
0x1bc: {  	s0 =	sadd.s32 s23, s4;
	(pc) =	sbr.rel @!p2 .LBB2_34-.Ltmp27, $4  }
0x1bd: {  	[hbm4b:s0+s19] =	stream.linear.scatter [tilespmem:s30], [sflag:$0x2], $0x4400, $0x38;
	[tilespmem:$0x16B80] =	vst v63  }
0x1be: {  	_ =	swait.ge [sflag:s26], $0x4400  }
0x1bf: {  	[sflag:s26] =	ssyncset.done $0x0  }
0x1c0: {  	[sflag:s26] =	ssyncadd.s32 $0xFFFFBC00  }
.LBB2_30:
0x1c1: {  	s0 =	smul.u32 $0x88, s1;
	_ =	sdelay $0x1  }
0x1c2: {  	s8 =	sadd.s32 s14, s0  }
0x1c3: {  	s4 =	sshll.u32 s8, $0x4  }
0x1c4: {  	s3 =	sadd.s32 s9, s4  }
0x1c5: {  	[tilespmem:s29], [sflag:$0x2] =	stream.linear.gather [hbm4b:s3+s19], $0x4400, $0x38;
	[tilespmem:$0x16B80] =	vst v63  }
0x1c6: {  	_ =	swait.ge [sflag:s26], $0x4400  }
0x1c7: {  	[sflag:s26] =	ssyncset.done $0x0  }
0x1c8: {  	s7 =	sadd.s32 s13, s4;
	[sflag:s26] =	ssyncadd.s32 $0xFFFFBC00  }
0x1c9: {  	[hbm4b:s7+s19] =	stream.linear.scatter [tilespmem:s29], [sflag:$0x2], $0x4400, $0x38;
	[tilespmem:$0x16B80] =	vst v63  }
0x1ca: {  	_ =	swait.ge [sflag:s26], $0x4400  }
0x1cb: {  	[sflag:s26] =	ssyncset.done $0x0  }
0x1cc: {  	s17 =	sadd.s32 s21, s4;
	[sflag:s26] =	ssyncadd.s32 $0xFFFFBC00  }
0x1cd: {  	[tilespmem:s30], [sflag:$0x2] =	stream.linear.gather [hbm4b:s17+s19], $0x4400, $0x38;
	[tilespmem:$0x16B80] =	vst v63  }
0x1ce: {  	s18 =	sshll.u32 s5, $0x2;
	_ =	swait.ge [sflag:s26], $0x4400  }
0x1cf: {  	s0 =	sshra.s32 s18, $0x2;
	[sflag:s26] =	ssyncset.done $0x0  }
0x1d0: {  	s18 =	sadd.s32 $0x88, s8;
	s17 =	sadd.s32 $0x4580, s0;
	[sflag:s26] =	ssyncadd.s32 $0xFFFFBC00  }
.LBB2_31:
0x1d1: {  	v6 =	vmov s5;
	_ =	sdelay $0x4  }
0x1d2: {  	v7 =	vld.idx.msk [tilespmem:v6+s6+$0x0], $0xffff;
	_ =	sdelay $0x4  }
0x1d3: {  	(v2sf) =	vpush v7, $0x0;
	_ =	sdelay $0xe  }
0x1d4: {  	p2 =	sge.s32 s5, s20;
	s0 =	spop (v2sf)  }
0x1d5: {  	p3 =	sge.s32 @!p2 s0, s18  }
0x1d6: {  	p2 =	por p2, p3  }
.Ltmp28:
0x1d7: {  	_ = 	snop;
	(pc) =	sbr.rel @p2 .LBB2_33-.Ltmp28, $1  }
0x1d8: {  	_ =	sdelay $0x3  }
0x1d9: {  	s0 =	sand.u32 $0x7F, s5  }
0x1da: {  	p2 =	sne.s32 s0, $0x0  }
0x1db: {  	s3 =	simm.s32 @!p2 $0x80;
	s7 =	simm.s32 @!p2 $0x11F00  }
0x1dc: {  	[tilespmem:s7], [sflag:$0x1] =	stream.indirect.gather @!p2 [hbm4b:s2+s3], $0x80, s17, s3, $0xb8;
	[tilespmem:$0x16B80] =	vst v63  }
0x1dd: {  	s3 =	simm.s32 @!p2 $0x1  }
0x1de: {  	_ =	swait.ge @!p2 [sflag:s3], $0x4000  }
0x1df: {  	[sflag:s3] =	ssyncset.done @!p2 $0x0  }
0x1e0: {  	[sflag:s3] =	ssyncadd.s32 @!p2 $0xFFFFC000  }
0x1e1: {  	v6 =	vld.idx.msk [tilespmem:v6+s6+$0x0], $0xffff;
	_ =	sdelay $0x4  }
0x1e2: {  	(v2sf) =	vpush v6, $0x0;
	_ =	sdelay $0xc  }
0x1e3: {  	s0 =	sshll.u32 s0, $0x7  }
0x1e4: {  	v6 =	vld [tilespmem:s0+$0x11F00]  }
0x1e5: {  	s7 =	spop (v2sf)  }
0x1e6: {  	s3 =	ssub.s32 s7, s8  }
0x1e7: {  	s3 =	sshll.u32 s3, $0x9  }
0x1e8: {  	s3 =	sshra.s32 s3, $0x2  }
0x1e9: {  	[tilespmem:s3+$0x9B00] =	vst v6  }
0x1ea: {  	v6 =	vld [tilespmem:s0+$0x11F10];
	_ =	sdelay $0x4  }
0x1eb: {  	[tilespmem:s3+$0x9B10] =	vst v6  }
0x1ec: {  	v6 =	vld [tilespmem:s0+$0x11F20];
	_ =	sdelay $0x4  }
0x1ed: {  	[tilespmem:s3+$0x9B20] =	vst v6  }
0x1ee: {  	v6 =	vld [tilespmem:s0+$0x11F30];
	_ =	sdelay $0x4  }
0x1ef: {  	[tilespmem:s3+$0x9B30] =	vst v6  }
0x1f0: {  	v6 =	vld [tilespmem:s0+$0x11F40];
	_ =	sdelay $0x4  }
0x1f1: {  	[tilespmem:s3+$0x9B40] =	vst v6  }
0x1f2: {  	v6 =	vld [tilespmem:s0+$0x11F50];
	_ =	sdelay $0x4  }
0x1f3: {  	[tilespmem:s3+$0x9B50] =	vst v6  }
0x1f4: {  	v6 =	vld [tilespmem:s0+$0x11F54]  }
.Ltmp29:
0x1f5: {  	_ = 	snop;
	(pc) =	sbr.rel .LBB2_31-.Ltmp29, $2  }
0x1f6: {  	_ =	sdelay $0x2  }
0x1f7: {  	s5 =	sadd.s32 $0x1, s5;
	s17 =	sadd.s32 $0x1, s17;
	[tilespmem:s3+$0x9B54] =	vst v6  }
.LBB2_34:
.Ltmp30:
0x1f8: {  	(pc) =	sbr.rel @p0 .LBB2_39-.Ltmp30, $1  }
0x1f9: {  	_ =	sdelay $0x3  }
0x1fa: {  	s0 =	rddreg [dreg:$0x15]  }
0x1fb: {  	[tilespmem:s29], [sflag:$0x2] =	stream.linear.gather [hbm4b:s0+s19], $0x2C00, $0x38;
	[tilespmem:$0x16B80] =	vst v63  }
0x1fc: {  	_ =	swait.ge [sflag:s26], $0x2C00  }
0x1fd: {  	[sflag:s26] =	ssyncset.done $0x0  }
0x1fe: {  	s8 =	rddreg [dreg:$0x16];
	[sflag:s26] =	ssyncadd.s32 $0xFFFFD400  }
0x1ff: {  	[hbm4b:s8+s19] =	stream.linear.scatter [tilespmem:s29], [sflag:$0x2], $0x2C00, $0x38;
	[tilespmem:$0x16B80] =	vst v63  }
0x200: {  	_ =	swait.ge [sflag:s26], $0x2C00  }
0x201: {  	[sflag:s26] =	ssyncset.done $0x0  }
0x202: {  	s18 =	rddreg [dreg:$0x17];
	[sflag:s26] =	ssyncadd.s32 $0xFFFFD400  }
0x203: {  	[tilespmem:s30], [sflag:$0x2] =	stream.linear.gather [hbm4b:s18+s19], $0x2C00, $0x38;
	[tilespmem:$0x16B80] =	vst v63  }
0x204: {  	_ =	swait.ge [sflag:s26], $0x2C00  }
0x205: {  	[sflag:s26] =	ssyncset.done $0x0  }
0x206: {  	s4 =	rddreg [dreg:$0x10];
	[sflag:s26] =	ssyncadd.s32 $0xFFFFD400  }
.LBB2_36:
0x207: {  	v6 =	vmov s5;
	_ =	sdelay $0x4  }
0x208: {  	v7 =	vld.idx.msk [tilespmem:v6+s6+$0x0], $0xffff;
	_ =	sdelay $0x4  }
0x209: {  	(v2sf) =	vpush v7, $0x0;
	_ =	sdelay $0xe  }
0x20a: {  	p2 =	sge.s32 s5, s20;
	s0 =	spop (v2sf)  }
0x20b: {  	p3 =	sge.s32 @!p2 s0, s25  }
0x20c: {  	p2 =	por p2, p3  }
.Ltmp31:
0x20d: {  	_ = 	snop;
	(pc) =	sbr.rel @p2 .LBB2_38-.Ltmp31, $1  }
0x20e: {  	_ =	sdelay $0x3  }
0x20f: {  	s0 =	sand.u32 $0x7F, s5  }
0x210: {  	p2 =	sne.s32 s0, $0x0  }
0x211: {  	s1 =	simm.s32 @!p2 $0x80;
	s3 =	simm.s32 @!p2 $0x11F00  }
0x212: {  	[tilespmem:s3], [sflag:$0x1] =	stream.indirect.gather @!p2 [hbm4b:s2+s1], $0x80, s17, s1, $0xb8;
	[tilespmem:$0x16B80] =	vst v63  }
0x213: {  	s1 =	simm.s32 @!p2 $0x1  }
0x214: {  	_ =	swait.ge @!p2 [sflag:s1], $0x4000  }
0x215: {  	[sflag:s1] =	ssyncset.done @!p2 $0x0  }
0x216: {  	[sflag:s1] =	ssyncadd.s32 @!p2 $0xFFFFC000  }
0x217: {  	v6 =	vld.idx.msk [tilespmem:v6+s6+$0x0], $0xffff;
	_ =	sdelay $0x4  }
0x218: {  	(v2sf) =	vpush v6, $0x0;
	_ =	sdelay $0xc  }
0x219: {  	s0 =	sshll.u32 s0, $0x7  }
0x21a: {  	v6 =	vld [tilespmem:s0+$0x11F00]  }
0x21b: {  	s18 =	spop (v2sf)  }
0x21c: {  	s1 =	ssub.s32 s18, s4  }
0x21d: {  	s1 =	sshll.u32 s1, $0x9  }
0x21e: {  	s1 =	sshra.s32 s1, $0x2  }
0x21f: {  	[tilespmem:s1+$0x9B00] =	vst v6  }
0x220: {  	v6 =	vld [tilespmem:s0+$0x11F10];
	_ =	sdelay $0x4  }
0x221: {  	[tilespmem:s1+$0x9B10] =	vst v6  }
0x222: {  	v6 =	vld [tilespmem:s0+$0x11F20];
	_ =	sdelay $0x4  }
0x223: {  	[tilespmem:s1+$0x9B20] =	vst v6  }
0x224: {  	v6 =	vld [tilespmem:s0+$0x11F30];
	_ =	sdelay $0x4  }
0x225: {  	[tilespmem:s1+$0x9B30] =	vst v6  }
0x226: {  	v6 =	vld [tilespmem:s0+$0x11F40];
	_ =	sdelay $0x4  }
0x227: {  	[tilespmem:s1+$0x9B40] =	vst v6  }
0x228: {  	v6 =	vld [tilespmem:s0+$0x11F50];
	_ =	sdelay $0x4  }
0x229: {  	[tilespmem:s1+$0x9B50] =	vst v6  }
0x22a: {  	v6 =	vld [tilespmem:s0+$0x11F54]  }
.Ltmp32:
0x22b: {  	_ = 	snop;
	(pc) =	sbr.rel .LBB2_36-.Ltmp32, $2  }
0x22c: {  	_ =	sdelay $0x2  }
0x22d: {  	s5 =	sadd.s32 $0x1, s5;
	s17 =	sadd.s32 $0x1, s17;
	[tilespmem:s1+$0x9B54] =	vst v6  }
.LBB2_39:
0x22e: {  	s0 =	rddreg [dreg:$0x11];
	s1 =	simm.s32 $0x15F00  }
0x22f: {  	[tilespmem:s1], [sflag:$0x2] =	stream.linear.gather [hbm4b:s0+s19], $0xC38, $0x38;
	[tilespmem:$0x16B80] =	vst v63  }
0x230: {  	_ =	swait.ge [sflag:s26], $0xC38  }
0x231: {  	[sflag:s26] =	ssyncset.done $0x0  }
0x232: {  	s8 =	rddreg [dreg:$0x12];
	[sflag:s26] =	ssyncadd.s32 $0xFFFFF3C8  }
0x233: {  	[hbm4b:s8+s19] =	stream.linear.scatter [tilespmem:s1], [sflag:$0x2], $0xC38, $0x38;
	[tilespmem:$0x16B80] =	vst v63  }
0x234: {  	_ =	swait.ge [sflag:s26], $0xC38  }
0x235: {  	[sflag:s26] =	ssyncset.done $0x0  }
0x236: {  	s17 =	rddreg [dreg:$0x13];
	[sflag:s26] =	ssyncadd.s32 $0xFFFFF3C8  }
0x237: {  	[tilespmem:s1], [sflag:$0x2] =	stream.linear.gather [hbm4b:s17+s19], $0xC38, $0x38;
	[tilespmem:$0x16B80] =	vst v63  }
0x238: {  	_ =	swait.ge [sflag:s26], $0xC38  }
0x239: {  	[sflag:s26] =	ssyncset.done $0x0  }
.Ltmp33:
0x23a: {  	s18 =	rddreg [dreg:$0x14];
	[sflag:s26] =	ssyncadd.s32 $0xFFFFF3C8;
	(pc) =	sbr.rel .LBB2_40-.Ltmp33, $4  }
0x23b: {  	[hbm4b:s18+s19] =	stream.linear.scatter [tilespmem:s1], [sflag:$0x2], $0xC38, $0x38;
	[tilespmem:$0x16B80] =	vst v63  }
0x23c: {  	_ =	swait.ge [sflag:s26], $0xC38  }
0x23d: {  	[sflag:s26] =	ssyncset.done $0x0  }
0x23e: {  	[sflag:s26] =	ssyncadd.s32 $0xFFFFF3C8  }
.LBB2_38:
0x23f: {  	s0 =	rddreg [dreg:$0x18]  }
0x240: {  	[hbm4b:s0+s19] =	stream.linear.scatter [tilespmem:s30], [sflag:$0x2], $0x2C00, $0x38;
	[tilespmem:$0x16B80] =	vst v63  }
0x241: {  	_ =	swait.ge [sflag:s26], $0x2C00  }
0x242: {  	[sflag:s26] =	ssyncset.done $0x0  }
0x243: {  	s1 =	simm.s32 $0x15F00;
	s7 =	rddreg [dreg:$0x11];
	[sflag:s26] =	ssyncadd.s32 $0xFFFFD400  }
0x244: {  	[tilespmem:s1], [sflag:$0x2] =	stream.linear.gather [hbm4b:s7+s19], $0xC08, $0x38;
	[tilespmem:$0x16B80] =	vst v63  }
0x245: {  	_ =	swait.ge [sflag:s26], $0xC08  }
0x246: {  	[sflag:s26] =	ssyncset.done $0x0  }
0x247: {  	s8 =	rddreg [dreg:$0x12];
	[sflag:s26] =	ssyncadd.s32 $0xFFFFF3F8  }
0x248: {  	[hbm4b:s8+s19] =	stream.linear.scatter [tilespmem:s1], [sflag:$0x2], $0xC08, $0x38;
	[tilespmem:$0x16B80] =	vst v63  }
0x249: {  	_ =	swait.ge [sflag:s26], $0xC08  }
0x24a: {  	[sflag:s26] =	ssyncset.done $0x0  }
0x24b: {  	s17 =	rddreg [dreg:$0x13];
	[sflag:s26] =	ssyncadd.s32 $0xFFFFF3F8  }
0x24c: {  	[tilespmem:s1], [sflag:$0x2] =	stream.linear.gather [hbm4b:s17+s19], $0xC08, $0x38;
	[tilespmem:$0x16B80] =	vst v63  }
0x24d: {  	_ =	swait.ge [sflag:s26], $0xC08  }
0x24e: {  	[sflag:s26] =	ssyncset.done $0x0  }
0x24f: {  	s18 =	rddreg [dreg:$0x14];
	[sflag:s26] =	ssyncadd.s32 $0xFFFFF3F8  }
0x250: {  	[hbm4b:s18+s19] =	stream.linear.scatter [tilespmem:s1], [sflag:$0x2], $0xC08, $0x38;
	[tilespmem:$0x16B80] =	vst v63  }
0x251: {  	_ =	swait.ge [sflag:s26], $0xC08  }
0x252: {  	[sflag:s26] =	ssyncset.done $0x0  }
0x253: {  	[sflag:s26] =	ssyncadd.s32 $0xFFFFF3F8  }
.LBB2_40:
0x254: {  	s0 =	simm.s32 @!p1 $0x80  }
0x255: {  	s1 =	simm.s32 @!p1 $0x4580;
	s3 =	simm.s32 @!p1 $0xDF00;
	s4 =	simm.s32 @!p1 $0x1  }
0x256: {  	[tilespmem:s3], [sflag:$0x1] =	stream.indirect.gather @!p1 [hbm4b:s10+s0], $0x80, s1, s0, $0xb8;
	[tilespmem:$0x16B80] =	vst v63  }
0x257: {  	_ =	swait.ge @!p1 [sflag:s4], $0x4000  }
0x258: {  	[sflag:s4] =	ssyncset.done @!p1 $0x0  }
0x259: {  	s5 =	simm.s32 @!p1 $0x3580;
	[sflag:s4] =	ssyncadd.s32 @!p1 $0xFFFFC000  }
0x25a: {  	[hbm4b:s13+s0] =	stream.indirect.scatter @!p1 [tilespmem:s3], [sflag:$0x1], $0x80, s5, s0, $0xb8;
	[tilespmem:$0x16B80] =	vst v63  }
0x25b: {  	_ =	swait.ge @!p1 [sflag:s4], $0x4000  }
0x25c: {  	[sflag:s4] =	ssyncset.done @!p1 $0x0  }
0x25d: {  	s3 =	simm.s32 @!p1 $0x5580;
	[sflag:s4] =	ssyncadd.s32 @!p1 $0xFFFFC000  }
0x25e: {  	[tilespmem:s3], [sflag:$0x1] =	stream.indirect.gather @!p1 [hbm4b:s12+s0], $0x1, s1, s0, $0xb8;
	[tilespmem:$0x16B80] =	vst v63  }
0x25f: {  	_ =	swait.ge @!p1 [sflag:s4], $0x80  }
0x260: {  	[sflag:s4] =	ssyncset.done @!p1 $0x0  }
0x261: {  	[sflag:s4] =	ssyncadd.s32 @!p1 $0xFFFFFF80  }
0x262: {  	[hbm4b:s15+s0] =	stream.indirect.scatter @!p1 [tilespmem:s3], [sflag:$0x1], $0x1, s5, s0, $0xb8;
	[tilespmem:$0x16B80] =	vst v63  }
0x263: {  	_ =	swait.ge @!p1 [sflag:s4], $0x80  }
0x264: {  	[sflag:s4] =	ssyncset.done @!p1 $0x0  }
0x265: {  	s1 =	simm.s32 @!p1 $0x5600;
	[sflag:s4] =	ssyncadd.s32 @!p1 $0xFFFFFF80  }
0x266: {  	[hbm4b:s16+s0] =	stream.indirect.scatter @!p1 [tilespmem:s1], [sflag:$0x1], $0x1, s5, s0, $0xb8;
	[tilespmem:$0x16B80] =	vst v63  }
0x267: {  	_ =	swait.ge @!p1 [sflag:s4], $0x80  }
0x268: {  	p2 =	slt.u32 @!p1 s20, $0x81;
	[sflag:s4] =	ssyncset.done @!p1 $0x0  }
0x269: {  	[sflag:s4] =	ssyncadd.s32 @!p1 $0xFFFFFF80;
	p1 =	por p1, p2  }
0x26a: {  	s0 =	simm.s32 @!p1 $0x80  }
0x26b: {  	s1 =	simm.s32 @!p1 $0x4600;
	s3 =	simm.s32 @!p1 $0xDF00;
	s4 =	simm.s32 @!p1 $0x1  }
0x26c: {  	[tilespmem:s3], [sflag:$0x1] =	stream.indirect.gather @!p1 [hbm4b:s10+s0], $0x80, s1, s0, $0xb8;
	[tilespmem:$0x16B80] =	vst v63  }
0x26d: {  	_ =	swait.ge @!p1 [sflag:s4], $0x4000  }
0x26e: {  	[sflag:s4] =	ssyncset.done @!p1 $0x0  }
0x26f: {  	s5 =	simm.s32 @!p1 $0x3600;
	[sflag:s4] =	ssyncadd.s32 @!p1 $0xFFFFC000  }
0x270: {  	[hbm4b:s13+s0] =	stream.indirect.scatter @!p1 [tilespmem:s3], [sflag:$0x1], $0x80, s5, s0, $0xb8;
	[tilespmem:$0x16B80] =	vst v63  }
0x271: {  	_ =	swait.ge @!p1 [sflag:s4], $0x4000  }
0x272: {  	[sflag:s4] =	ssyncset.done @!p1 $0x0  }
0x273: {  	s3 =	simm.s32 @!p1 $0x5580;
	[sflag:s4] =	ssyncadd.s32 @!p1 $0xFFFFC000  }
0x274: {  	[tilespmem:s3], [sflag:$0x1] =	stream.indirect.gather @!p1 [hbm4b:s12+s0], $0x1, s1, s0, $0xb8;
	[tilespmem:$0x16B80] =	vst v63  }
0x275: {  	_ =	swait.ge @!p1 [sflag:s4], $0x80  }
0x276: {  	[sflag:s4] =	ssyncset.done @!p1 $0x0  }
0x277: {  	[sflag:s4] =	ssyncadd.s32 @!p1 $0xFFFFFF80  }
0x278: {  	[hbm4b:s15+s0] =	stream.indirect.scatter @!p1 [tilespmem:s3], [sflag:$0x1], $0x1, s5, s0, $0xb8;
	[tilespmem:$0x16B80] =	vst v63  }
0x279: {  	_ =	swait.ge @!p1 [sflag:s4], $0x80  }
0x27a: {  	[sflag:s4] =	ssyncset.done @!p1 $0x0  }
0x27b: {  	s1 =	simm.s32 @!p1 $0x5600;
	[sflag:s4] =	ssyncadd.s32 @!p1 $0xFFFFFF80  }
0x27c: {  	[hbm4b:s16+s0] =	stream.indirect.scatter @!p1 [tilespmem:s1], [sflag:$0x1], $0x1, s5, s0, $0xb8;
	[tilespmem:$0x16B80] =	vst v63  }
0x27d: {  	_ =	swait.ge @!p1 [sflag:s4], $0x80  }
0x27e: {  	p2 =	slt.u32 @!p1 s20, $0x101;
	[sflag:s4] =	ssyncset.done @!p1 $0x0  }
0x27f: {  	[sflag:s4] =	ssyncadd.s32 @!p1 $0xFFFFFF80;
	p1 =	por p1, p2  }
0x280: {  	s0 =	simm.s32 @!p1 $0x80  }
0x281: {  	s1 =	simm.s32 @!p1 $0x4680;
	s3 =	simm.s32 @!p1 $0xDF00;
	s4 =	simm.s32 @!p1 $0x1  }
0x282: {  	[tilespmem:s3], [sflag:$0x1] =	stream.indirect.gather @!p1 [hbm4b:s10+s0], $0x80, s1, s0, $0xb8;
	[tilespmem:$0x16B80] =	vst v63  }
0x283: {  	_ =	swait.ge @!p1 [sflag:s4], $0x4000  }
0x284: {  	[sflag:s4] =	ssyncset.done @!p1 $0x0  }
0x285: {  	s5 =	simm.s32 @!p1 $0x3680;
	[sflag:s4] =	ssyncadd.s32 @!p1 $0xFFFFC000  }
0x286: {  	[hbm4b:s13+s0] =	stream.indirect.scatter @!p1 [tilespmem:s3], [sflag:$0x1], $0x80, s5, s0, $0xb8;
	[tilespmem:$0x16B80] =	vst v63  }
0x287: {  	_ =	swait.ge @!p1 [sflag:s4], $0x4000  }
0x288: {  	[sflag:s4] =	ssyncset.done @!p1 $0x0  }
0x289: {  	s3 =	simm.s32 @!p1 $0x5580;
	[sflag:s4] =	ssyncadd.s32 @!p1 $0xFFFFC000  }
0x28a: {  	[tilespmem:s3], [sflag:$0x1] =	stream.indirect.gather @!p1 [hbm4b:s12+s0], $0x1, s1, s0, $0xb8;
	[tilespmem:$0x16B80] =	vst v63  }
0x28b: {  	_ =	swait.ge @!p1 [sflag:s4], $0x80  }
0x28c: {  	[sflag:s4] =	ssyncset.done @!p1 $0x0  }
0x28d: {  	[sflag:s4] =	ssyncadd.s32 @!p1 $0xFFFFFF80  }
0x28e: {  	[hbm4b:s15+s0] =	stream.indirect.scatter @!p1 [tilespmem:s3], [sflag:$0x1], $0x1, s5, s0, $0xb8;
	[tilespmem:$0x16B80] =	vst v63  }
0x28f: {  	_ =	swait.ge @!p1 [sflag:s4], $0x80  }
0x290: {  	[sflag:s4] =	ssyncset.done @!p1 $0x0  }
0x291: {  	s1 =	simm.s32 @!p1 $0x5600;
	[sflag:s4] =	ssyncadd.s32 @!p1 $0xFFFFFF80  }
0x292: {  	[hbm4b:s16+s0] =	stream.indirect.scatter @!p1 [tilespmem:s1], [sflag:$0x1], $0x1, s5, s0, $0xb8;
	[tilespmem:$0x16B80] =	vst v63  }
0x293: {  	_ =	swait.ge @!p1 [sflag:s4], $0x80  }
0x294: {  	p2 =	slt.u32 @!p1 s20, $0x181;
	[sflag:s4] =	ssyncset.done @!p1 $0x0  }
0x295: {  	[sflag:s4] =	ssyncadd.s32 @!p1 $0xFFFFFF80;
	p1 =	por p1, p2  }
0x296: {  	s0 =	simm.s32 @!p1 $0x80  }
0x297: {  	s1 =	simm.s32 @!p1 $0x4700;
	s3 =	simm.s32 @!p1 $0xDF00;
	s4 =	simm.s32 @!p1 $0x1  }
0x298: {  	[tilespmem:s3], [sflag:$0x1] =	stream.indirect.gather @!p1 [hbm4b:s10+s0], $0x80, s1, s0, $0xb8;
	[tilespmem:$0x16B80] =	vst v63  }
0x299: {  	_ =	swait.ge @!p1 [sflag:s4], $0x4000  }
0x29a: {  	[sflag:s4] =	ssyncset.done @!p1 $0x0  }
0x29b: {  	s5 =	simm.s32 @!p1 $0x3700;
	[sflag:s4] =	ssyncadd.s32 @!p1 $0xFFFFC000  }
0x29c: {  	[hbm4b:s13+s0] =	stream.indirect.scatter @!p1 [tilespmem:s3], [sflag:$0x1], $0x80, s5, s0, $0xb8;
	[tilespmem:$0x16B80] =	vst v63  }
0x29d: {  	_ =	swait.ge @!p1 [sflag:s4], $0x4000  }
0x29e: {  	[sflag:s4] =	ssyncset.done @!p1 $0x0  }
0x29f: {  	s3 =	simm.s32 @!p1 $0x5580;
	[sflag:s4] =	ssyncadd.s32 @!p1 $0xFFFFC000  }
0x2a0: {  	[tilespmem:s3], [sflag:$0x1] =	stream.indirect.gather @!p1 [hbm4b:s12+s0], $0x1, s1, s0, $0xb8;
	[tilespmem:$0x16B80] =	vst v63  }
0x2a1: {  	_ =	swait.ge @!p1 [sflag:s4], $0x80  }
0x2a2: {  	[sflag:s4] =	ssyncset.done @!p1 $0x0  }
0x2a3: {  	[sflag:s4] =	ssyncadd.s32 @!p1 $0xFFFFFF80  }
0x2a4: {  	[hbm4b:s15+s0] =	stream.indirect.scatter @!p1 [tilespmem:s3], [sflag:$0x1], $0x1, s5, s0, $0xb8;
	[tilespmem:$0x16B80] =	vst v63  }
0x2a5: {  	_ =	swait.ge @!p1 [sflag:s4], $0x80  }
0x2a6: {  	[sflag:s4] =	ssyncset.done @!p1 $0x0  }
0x2a7: {  	s1 =	simm.s32 @!p1 $0x5600;
	[sflag:s4] =	ssyncadd.s32 @!p1 $0xFFFFFF80  }
0x2a8: {  	[hbm4b:s16+s0] =	stream.indirect.scatter @!p1 [tilespmem:s1], [sflag:$0x1], $0x1, s5, s0, $0xb8;
	[tilespmem:$0x16B80] =	vst v63  }
0x2a9: {  	_ =	swait.ge @!p1 [sflag:s4], $0x80  }
0x2aa: {  	p2 =	slt.u32 @!p1 s20, $0x201;
	[sflag:s4] =	ssyncset.done @!p1 $0x0  }
0x2ab: {  	[sflag:s4] =	ssyncadd.s32 @!p1 $0xFFFFFF80;
	p1 =	por p1, p2  }
0x2ac: {  	s0 =	simm.s32 @!p1 $0x80  }
0x2ad: {  	s1 =	simm.s32 @!p1 $0x4780;
	s3 =	simm.s32 @!p1 $0xDF00;
	s4 =	simm.s32 @!p1 $0x1  }
0x2ae: {  	[tilespmem:s3], [sflag:$0x1] =	stream.indirect.gather @!p1 [hbm4b:s10+s0], $0x80, s1, s0, $0xb8;
	[tilespmem:$0x16B80] =	vst v63  }
0x2af: {  	_ =	swait.ge @!p1 [sflag:s4], $0x4000  }
0x2b0: {  	[sflag:s4] =	ssyncset.done @!p1 $0x0  }
0x2b1: {  	s5 =	simm.s32 @!p1 $0x3780;
	[sflag:s4] =	ssyncadd.s32 @!p1 $0xFFFFC000  }
0x2b2: {  	[hbm4b:s13+s0] =	stream.indirect.scatter @!p1 [tilespmem:s3], [sflag:$0x1], $0x80, s5, s0, $0xb8;
	[tilespmem:$0x16B80] =	vst v63  }
0x2b3: {  	_ =	swait.ge @!p1 [sflag:s4], $0x4000  }
0x2b4: {  	[sflag:s4] =	ssyncset.done @!p1 $0x0  }
0x2b5: {  	s3 =	simm.s32 @!p1 $0x5580;
	[sflag:s4] =	ssyncadd.s32 @!p1 $0xFFFFC000  }
0x2b6: {  	[tilespmem:s3], [sflag:$0x1] =	stream.indirect.gather @!p1 [hbm4b:s12+s0], $0x1, s1, s0, $0xb8;
	[tilespmem:$0x16B80] =	vst v63  }
0x2b7: {  	_ =	swait.ge @!p1 [sflag:s4], $0x80  }
0x2b8: {  	[sflag:s4] =	ssyncset.done @!p1 $0x0  }
0x2b9: {  	[sflag:s4] =	ssyncadd.s32 @!p1 $0xFFFFFF80  }
0x2ba: {  	[hbm4b:s15+s0] =	stream.indirect.scatter @!p1 [tilespmem:s3], [sflag:$0x1], $0x1, s5, s0, $0xb8;
	[tilespmem:$0x16B80] =	vst v63  }
0x2bb: {  	_ =	swait.ge @!p1 [sflag:s4], $0x80  }
0x2bc: {  	[sflag:s4] =	ssyncset.done @!p1 $0x0  }
0x2bd: {  	s1 =	simm.s32 @!p1 $0x5600;
	[sflag:s4] =	ssyncadd.s32 @!p1 $0xFFFFFF80  }
0x2be: {  	[hbm4b:s16+s0] =	stream.indirect.scatter @!p1 [tilespmem:s1], [sflag:$0x1], $0x1, s5, s0, $0xb8;
	[tilespmem:$0x16B80] =	vst v63  }
0x2bf: {  	_ =	swait.ge @!p1 [sflag:s4], $0x80  }
0x2c0: {  	p2 =	slt.u32 @!p1 s20, $0x281;
	[sflag:s4] =	ssyncset.done @!p1 $0x0  }
0x2c1: {  	[sflag:s4] =	ssyncadd.s32 @!p1 $0xFFFFFF80;
	p1 =	por p1, p2  }
0x2c2: {  	s0 =	simm.s32 @!p1 $0x80  }
0x2c3: {  	s1 =	simm.s32 @!p1 $0x4800;
	s3 =	simm.s32 @!p1 $0xDF00;
	s4 =	simm.s32 @!p1 $0x1  }
0x2c4: {  	[tilespmem:s3], [sflag:$0x1] =	stream.indirect.gather @!p1 [hbm4b:s10+s0], $0x80, s1, s0, $0xb8;
	[tilespmem:$0x16B80] =	vst v63  }
0x2c5: {  	_ =	swait.ge @!p1 [sflag:s4], $0x4000  }
0x2c6: {  	[sflag:s4] =	ssyncset.done @!p1 $0x0  }
0x2c7: {  	s5 =	simm.s32 @!p1 $0x3800;
	[sflag:s4] =	ssyncadd.s32 @!p1 $0xFFFFC000  }
0x2c8: {  	[hbm4b:s13+s0] =	stream.indirect.scatter @!p1 [tilespmem:s3], [sflag:$0x1], $0x80, s5, s0, $0xb8;
	[tilespmem:$0x16B80] =	vst v63  }
0x2c9: {  	_ =	swait.ge @!p1 [sflag:s4], $0x4000  }
0x2ca: {  	[sflag:s4] =	ssyncset.done @!p1 $0x0  }
0x2cb: {  	s3 =	simm.s32 @!p1 $0x5580;
	[sflag:s4] =	ssyncadd.s32 @!p1 $0xFFFFC000  }
0x2cc: {  	[tilespmem:s3], [sflag:$0x1] =	stream.indirect.gather @!p1 [hbm4b:s12+s0], $0x1, s1, s0, $0xb8;
	[tilespmem:$0x16B80] =	vst v63  }
0x2cd: {  	_ =	swait.ge @!p1 [sflag:s4], $0x80  }
0x2ce: {  	[sflag:s4] =	ssyncset.done @!p1 $0x0  }
0x2cf: {  	[sflag:s4] =	ssyncadd.s32 @!p1 $0xFFFFFF80  }
0x2d0: {  	[hbm4b:s15+s0] =	stream.indirect.scatter @!p1 [tilespmem:s3], [sflag:$0x1], $0x1, s5, s0, $0xb8;
	[tilespmem:$0x16B80] =	vst v63  }
0x2d1: {  	_ =	swait.ge @!p1 [sflag:s4], $0x80  }
0x2d2: {  	[sflag:s4] =	ssyncset.done @!p1 $0x0  }
0x2d3: {  	s1 =	simm.s32 @!p1 $0x5600;
	[sflag:s4] =	ssyncadd.s32 @!p1 $0xFFFFFF80  }
0x2d4: {  	[hbm4b:s16+s0] =	stream.indirect.scatter @!p1 [tilespmem:s1], [sflag:$0x1], $0x1, s5, s0, $0xb8;
	[tilespmem:$0x16B80] =	vst v63  }
0x2d5: {  	_ =	swait.ge @!p1 [sflag:s4], $0x80  }
0x2d6: {  	p2 =	slt.u32 @!p1 s20, $0x301;
	[sflag:s4] =	ssyncset.done @!p1 $0x0  }
0x2d7: {  	[sflag:s4] =	ssyncadd.s32 @!p1 $0xFFFFFF80;
	p1 =	por p1, p2  }
0x2d8: {  	s0 =	simm.s32 @!p1 $0x80  }
0x2d9: {  	s1 =	simm.s32 @!p1 $0x4880;
	s3 =	simm.s32 @!p1 $0xDF00;
	s4 =	simm.s32 @!p1 $0x1  }
0x2da: {  	[tilespmem:s3], [sflag:$0x1] =	stream.indirect.gather @!p1 [hbm4b:s10+s0], $0x80, s1, s0, $0xb8;
	[tilespmem:$0x16B80] =	vst v63  }
0x2db: {  	_ =	swait.ge @!p1 [sflag:s4], $0x4000  }
0x2dc: {  	[sflag:s4] =	ssyncset.done @!p1 $0x0  }
0x2dd: {  	s5 =	simm.s32 @!p1 $0x3880;
	[sflag:s4] =	ssyncadd.s32 @!p1 $0xFFFFC000  }
0x2de: {  	[hbm4b:s13+s0] =	stream.indirect.scatter @!p1 [tilespmem:s3], [sflag:$0x1], $0x80, s5, s0, $0xb8;
	[tilespmem:$0x16B80] =	vst v63  }
0x2df: {  	_ =	swait.ge @!p1 [sflag:s4], $0x4000  }
0x2e0: {  	[sflag:s4] =	ssyncset.done @!p1 $0x0  }
0x2e1: {  	s3 =	simm.s32 @!p1 $0x5580;
	[sflag:s4] =	ssyncadd.s32 @!p1 $0xFFFFC000  }
0x2e2: {  	[tilespmem:s3], [sflag:$0x1] =	stream.indirect.gather @!p1 [hbm4b:s12+s0], $0x1, s1, s0, $0xb8;
	[tilespmem:$0x16B80] =	vst v63  }
0x2e3: {  	_ =	swait.ge @!p1 [sflag:s4], $0x80  }
0x2e4: {  	[sflag:s4] =	ssyncset.done @!p1 $0x0  }
0x2e5: {  	[sflag:s4] =	ssyncadd.s32 @!p1 $0xFFFFFF80  }
0x2e6: {  	[hbm4b:s15+s0] =	stream.indirect.scatter @!p1 [tilespmem:s3], [sflag:$0x1], $0x1, s5, s0, $0xb8;
	[tilespmem:$0x16B80] =	vst v63  }
0x2e7: {  	_ =	swait.ge @!p1 [sflag:s4], $0x80  }
0x2e8: {  	[sflag:s4] =	ssyncset.done @!p1 $0x0  }
0x2e9: {  	s1 =	simm.s32 @!p1 $0x5600;
	[sflag:s4] =	ssyncadd.s32 @!p1 $0xFFFFFF80  }
0x2ea: {  	[hbm4b:s16+s0] =	stream.indirect.scatter @!p1 [tilespmem:s1], [sflag:$0x1], $0x1, s5, s0, $0xb8;
	[tilespmem:$0x16B80] =	vst v63  }
0x2eb: {  	_ =	swait.ge @!p1 [sflag:s4], $0x80  }
0x2ec: {  	p2 =	slt.u32 @!p1 s20, $0x381;
	[sflag:s4] =	ssyncset.done @!p1 $0x0  }
0x2ed: {  	[sflag:s4] =	ssyncadd.s32 @!p1 $0xFFFFFF80;
	p1 =	por p1, p2  }
0x2ee: {  	s0 =	simm.s32 @!p1 $0x80  }
0x2ef: {  	s1 =	simm.s32 @!p1 $0x4900;
	s3 =	simm.s32 @!p1 $0xDF00;
	s4 =	simm.s32 @!p1 $0x1  }
0x2f0: {  	[tilespmem:s3], [sflag:$0x1] =	stream.indirect.gather @!p1 [hbm4b:s10+s0], $0x80, s1, s0, $0xb8;
	[tilespmem:$0x16B80] =	vst v63  }
0x2f1: {  	_ =	swait.ge @!p1 [sflag:s4], $0x4000  }
0x2f2: {  	[sflag:s4] =	ssyncset.done @!p1 $0x0  }
0x2f3: {  	s5 =	simm.s32 @!p1 $0x3900;
	[sflag:s4] =	ssyncadd.s32 @!p1 $0xFFFFC000  }
0x2f4: {  	[hbm4b:s13+s0] =	stream.indirect.scatter @!p1 [tilespmem:s3], [sflag:$0x1], $0x80, s5, s0, $0xb8;
	[tilespmem:$0x16B80] =	vst v63  }
0x2f5: {  	_ =	swait.ge @!p1 [sflag:s4], $0x4000  }
0x2f6: {  	[sflag:s4] =	ssyncset.done @!p1 $0x0  }
0x2f7: {  	s3 =	simm.s32 @!p1 $0x5580;
	[sflag:s4] =	ssyncadd.s32 @!p1 $0xFFFFC000  }
0x2f8: {  	[tilespmem:s3], [sflag:$0x1] =	stream.indirect.gather @!p1 [hbm4b:s12+s0], $0x1, s1, s0, $0xb8;
	[tilespmem:$0x16B80] =	vst v63  }
0x2f9: {  	_ =	swait.ge @!p1 [sflag:s4], $0x80  }
0x2fa: {  	[sflag:s4] =	ssyncset.done @!p1 $0x0  }
0x2fb: {  	[sflag:s4] =	ssyncadd.s32 @!p1 $0xFFFFFF80  }
0x2fc: {  	[hbm4b:s15+s0] =	stream.indirect.scatter @!p1 [tilespmem:s3], [sflag:$0x1], $0x1, s5, s0, $0xb8;
	[tilespmem:$0x16B80] =	vst v63  }
0x2fd: {  	_ =	swait.ge @!p1 [sflag:s4], $0x80  }
0x2fe: {  	[sflag:s4] =	ssyncset.done @!p1 $0x0  }
0x2ff: {  	s1 =	simm.s32 @!p1 $0x5600;
	[sflag:s4] =	ssyncadd.s32 @!p1 $0xFFFFFF80  }
0x300: {  	[hbm4b:s16+s0] =	stream.indirect.scatter @!p1 [tilespmem:s1], [sflag:$0x1], $0x1, s5, s0, $0xb8;
	[tilespmem:$0x16B80] =	vst v63  }
0x301: {  	_ =	swait.ge @!p1 [sflag:s4], $0x80  }
0x302: {  	p2 =	slt.u32 @!p1 s20, $0x401;
	[sflag:s4] =	ssyncset.done @!p1 $0x0  }
0x303: {  	[sflag:s4] =	ssyncadd.s32 @!p1 $0xFFFFFF80;
	p1 =	por p1, p2  }
0x304: {  	s0 =	simm.s32 @!p1 $0x80  }
0x305: {  	s1 =	simm.s32 @!p1 $0x4980;
	s3 =	simm.s32 @!p1 $0xDF00;
	s4 =	simm.s32 @!p1 $0x1  }
0x306: {  	[tilespmem:s3], [sflag:$0x1] =	stream.indirect.gather @!p1 [hbm4b:s10+s0], $0x80, s1, s0, $0xb8;
	[tilespmem:$0x16B80] =	vst v63  }
0x307: {  	_ =	swait.ge @!p1 [sflag:s4], $0x4000  }
0x308: {  	[sflag:s4] =	ssyncset.done @!p1 $0x0  }
0x309: {  	s5 =	simm.s32 @!p1 $0x3980;
	[sflag:s4] =	ssyncadd.s32 @!p1 $0xFFFFC000  }
0x30a: {  	[hbm4b:s13+s0] =	stream.indirect.scatter @!p1 [tilespmem:s3], [sflag:$0x1], $0x80, s5, s0, $0xb8;
	[tilespmem:$0x16B80] =	vst v63  }
0x30b: {  	_ =	swait.ge @!p1 [sflag:s4], $0x4000  }
0x30c: {  	[sflag:s4] =	ssyncset.done @!p1 $0x0  }
0x30d: {  	s3 =	simm.s32 @!p1 $0x5580;
	[sflag:s4] =	ssyncadd.s32 @!p1 $0xFFFFC000  }
0x30e: {  	[tilespmem:s3], [sflag:$0x1] =	stream.indirect.gather @!p1 [hbm4b:s12+s0], $0x1, s1, s0, $0xb8;
	[tilespmem:$0x16B80] =	vst v63  }
0x30f: {  	_ =	swait.ge @!p1 [sflag:s4], $0x80  }
0x310: {  	[sflag:s4] =	ssyncset.done @!p1 $0x0  }
0x311: {  	[sflag:s4] =	ssyncadd.s32 @!p1 $0xFFFFFF80  }
0x312: {  	[hbm4b:s15+s0] =	stream.indirect.scatter @!p1 [tilespmem:s3], [sflag:$0x1], $0x1, s5, s0, $0xb8;
	[tilespmem:$0x16B80] =	vst v63  }
0x313: {  	_ =	swait.ge @!p1 [sflag:s4], $0x80  }
0x314: {  	[sflag:s4] =	ssyncset.done @!p1 $0x0  }
0x315: {  	s1 =	simm.s32 @!p1 $0x5600;
	[sflag:s4] =	ssyncadd.s32 @!p1 $0xFFFFFF80  }
0x316: {  	[hbm4b:s16+s0] =	stream.indirect.scatter @!p1 [tilespmem:s1], [sflag:$0x1], $0x1, s5, s0, $0xb8;
	[tilespmem:$0x16B80] =	vst v63  }
0x317: {  	_ =	swait.ge @!p1 [sflag:s4], $0x80  }
0x318: {  	p2 =	slt.u32 @!p1 s20, $0x481;
	[sflag:s4] =	ssyncset.done @!p1 $0x0  }
0x319: {  	[sflag:s4] =	ssyncadd.s32 @!p1 $0xFFFFFF80;
	p1 =	por p1, p2  }
0x31a: {  	s0 =	simm.s32 @!p1 $0x80  }
0x31b: {  	s1 =	simm.s32 @!p1 $0x4A00;
	s3 =	simm.s32 @!p1 $0xDF00;
	s4 =	simm.s32 @!p1 $0x1  }
0x31c: {  	[tilespmem:s3], [sflag:$0x1] =	stream.indirect.gather @!p1 [hbm4b:s10+s0], $0x80, s1, s0, $0xb8;
	[tilespmem:$0x16B80] =	vst v63  }
0x31d: {  	_ =	swait.ge @!p1 [sflag:s4], $0x4000  }
0x31e: {  	[sflag:s4] =	ssyncset.done @!p1 $0x0  }
0x31f: {  	s5 =	simm.s32 @!p1 $0x3A00;
	[sflag:s4] =	ssyncadd.s32 @!p1 $0xFFFFC000  }
0x320: {  	[hbm4b:s13+s0] =	stream.indirect.scatter @!p1 [tilespmem:s3], [sflag:$0x1], $0x80, s5, s0, $0xb8;
	[tilespmem:$0x16B80] =	vst v63  }
0x321: {  	_ =	swait.ge @!p1 [sflag:s4], $0x4000  }
0x322: {  	[sflag:s4] =	ssyncset.done @!p1 $0x0  }
0x323: {  	s3 =	simm.s32 @!p1 $0x5580;
	[sflag:s4] =	ssyncadd.s32 @!p1 $0xFFFFC000  }
0x324: {  	[tilespmem:s3], [sflag:$0x1] =	stream.indirect.gather @!p1 [hbm4b:s12+s0], $0x1, s1, s0, $0xb8;
	[tilespmem:$0x16B80] =	vst v63  }
0x325: {  	_ =	swait.ge @!p1 [sflag:s4], $0x80  }
0x326: {  	[sflag:s4] =	ssyncset.done @!p1 $0x0  }
0x327: {  	[sflag:s4] =	ssyncadd.s32 @!p1 $0xFFFFFF80  }
0x328: {  	[hbm4b:s15+s0] =	stream.indirect.scatter @!p1 [tilespmem:s3], [sflag:$0x1], $0x1, s5, s0, $0xb8;
	[tilespmem:$0x16B80] =	vst v63  }
0x329: {  	_ =	swait.ge @!p1 [sflag:s4], $0x80  }
0x32a: {  	[sflag:s4] =	ssyncset.done @!p1 $0x0  }
0x32b: {  	s1 =	simm.s32 @!p1 $0x5600;
	[sflag:s4] =	ssyncadd.s32 @!p1 $0xFFFFFF80  }
0x32c: {  	[hbm4b:s16+s0] =	stream.indirect.scatter @!p1 [tilespmem:s1], [sflag:$0x1], $0x1, s5, s0, $0xb8;
	[tilespmem:$0x16B80] =	vst v63  }
0x32d: {  	_ =	swait.ge @!p1 [sflag:s4], $0x80  }
0x32e: {  	p2 =	slt.u32 @!p1 s20, $0x501;
	[sflag:s4] =	ssyncset.done @!p1 $0x0  }
0x32f: {  	[sflag:s4] =	ssyncadd.s32 @!p1 $0xFFFFFF80;
	p1 =	por p1, p2  }
0x330: {  	s0 =	simm.s32 @!p1 $0x80  }
0x331: {  	s1 =	simm.s32 @!p1 $0x4A80;
	s3 =	simm.s32 @!p1 $0xDF00;
	s4 =	simm.s32 @!p1 $0x1  }
0x332: {  	[tilespmem:s3], [sflag:$0x1] =	stream.indirect.gather @!p1 [hbm4b:s10+s0], $0x80, s1, s0, $0xb8;
	[tilespmem:$0x16B80] =	vst v63  }
0x333: {  	_ =	swait.ge @!p1 [sflag:s4], $0x4000  }
0x334: {  	[sflag:s4] =	ssyncset.done @!p1 $0x0  }
0x335: {  	s5 =	simm.s32 @!p1 $0x3A80;
	[sflag:s4] =	ssyncadd.s32 @!p1 $0xFFFFC000  }
0x336: {  	[hbm4b:s13+s0] =	stream.indirect.scatter @!p1 [tilespmem:s3], [sflag:$0x1], $0x80, s5, s0, $0xb8;
	[tilespmem:$0x16B80] =	vst v63  }
0x337: {  	_ =	swait.ge @!p1 [sflag:s4], $0x4000  }
0x338: {  	[sflag:s4] =	ssyncset.done @!p1 $0x0  }
0x339: {  	s3 =	simm.s32 @!p1 $0x5580;
	[sflag:s4] =	ssyncadd.s32 @!p1 $0xFFFFC000  }
0x33a: {  	[tilespmem:s3], [sflag:$0x1] =	stream.indirect.gather @!p1 [hbm4b:s12+s0], $0x1, s1, s0, $0xb8;
	[tilespmem:$0x16B80] =	vst v63  }
0x33b: {  	_ =	swait.ge @!p1 [sflag:s4], $0x80  }
0x33c: {  	[sflag:s4] =	ssyncset.done @!p1 $0x0  }
0x33d: {  	[sflag:s4] =	ssyncadd.s32 @!p1 $0xFFFFFF80  }
0x33e: {  	[hbm4b:s15+s0] =	stream.indirect.scatter @!p1 [tilespmem:s3], [sflag:$0x1], $0x1, s5, s0, $0xb8;
	[tilespmem:$0x16B80] =	vst v63  }
0x33f: {  	_ =	swait.ge @!p1 [sflag:s4], $0x80  }
0x340: {  	[sflag:s4] =	ssyncset.done @!p1 $0x0  }
0x341: {  	s1 =	simm.s32 @!p1 $0x5600;
	[sflag:s4] =	ssyncadd.s32 @!p1 $0xFFFFFF80  }
0x342: {  	[hbm4b:s16+s0] =	stream.indirect.scatter @!p1 [tilespmem:s1], [sflag:$0x1], $0x1, s5, s0, $0xb8;
	[tilespmem:$0x16B80] =	vst v63  }
0x343: {  	_ =	swait.ge @!p1 [sflag:s4], $0x80  }
0x344: {  	p2 =	slt.u32 @!p1 s20, $0x581;
	[sflag:s4] =	ssyncset.done @!p1 $0x0  }
0x345: {  	[sflag:s4] =	ssyncadd.s32 @!p1 $0xFFFFFF80;
	p1 =	por p1, p2  }
0x346: {  	s0 =	simm.s32 @!p1 $0x80  }
0x347: {  	s1 =	simm.s32 @!p1 $0x4B00;
	s3 =	simm.s32 @!p1 $0xDF00;
	s4 =	simm.s32 @!p1 $0x1  }
0x348: {  	[tilespmem:s3], [sflag:$0x1] =	stream.indirect.gather @!p1 [hbm4b:s10+s0], $0x80, s1, s0, $0xb8;
	[tilespmem:$0x16B80] =	vst v63  }
0x349: {  	_ =	swait.ge @!p1 [sflag:s4], $0x4000  }
0x34a: {  	[sflag:s4] =	ssyncset.done @!p1 $0x0  }
0x34b: {  	s5 =	simm.s32 @!p1 $0x3B00;
	[sflag:s4] =	ssyncadd.s32 @!p1 $0xFFFFC000  }
0x34c: {  	[hbm4b:s13+s0] =	stream.indirect.scatter @!p1 [tilespmem:s3], [sflag:$0x1], $0x80, s5, s0, $0xb8;
	[tilespmem:$0x16B80] =	vst v63  }
0x34d: {  	_ =	swait.ge @!p1 [sflag:s4], $0x4000  }
0x34e: {  	[sflag:s4] =	ssyncset.done @!p1 $0x0  }
0x34f: {  	s3 =	simm.s32 @!p1 $0x5580;
	[sflag:s4] =	ssyncadd.s32 @!p1 $0xFFFFC000  }
0x350: {  	[tilespmem:s3], [sflag:$0x1] =	stream.indirect.gather @!p1 [hbm4b:s12+s0], $0x1, s1, s0, $0xb8;
	[tilespmem:$0x16B80] =	vst v63  }
0x351: {  	_ =	swait.ge @!p1 [sflag:s4], $0x80  }
0x352: {  	[sflag:s4] =	ssyncset.done @!p1 $0x0  }
0x353: {  	[sflag:s4] =	ssyncadd.s32 @!p1 $0xFFFFFF80  }
0x354: {  	[hbm4b:s15+s0] =	stream.indirect.scatter @!p1 [tilespmem:s3], [sflag:$0x1], $0x1, s5, s0, $0xb8;
	[tilespmem:$0x16B80] =	vst v63  }
0x355: {  	_ =	swait.ge @!p1 [sflag:s4], $0x80  }
0x356: {  	[sflag:s4] =	ssyncset.done @!p1 $0x0  }
0x357: {  	s1 =	simm.s32 @!p1 $0x5600;
	[sflag:s4] =	ssyncadd.s32 @!p1 $0xFFFFFF80  }
0x358: {  	[hbm4b:s16+s0] =	stream.indirect.scatter @!p1 [tilespmem:s1], [sflag:$0x1], $0x1, s5, s0, $0xb8;
	[tilespmem:$0x16B80] =	vst v63  }
0x359: {  	_ =	swait.ge @!p1 [sflag:s4], $0x80  }
0x35a: {  	p2 =	slt.u32 @!p1 s20, $0x601;
	[sflag:s4] =	ssyncset.done @!p1 $0x0  }
0x35b: {  	[sflag:s4] =	ssyncadd.s32 @!p1 $0xFFFFFF80;
	p1 =	por p1, p2  }
0x35c: {  	s0 =	simm.s32 @!p1 $0x80  }
0x35d: {  	s1 =	simm.s32 @!p1 $0x4B80;
	s3 =	simm.s32 @!p1 $0xDF00;
	s4 =	simm.s32 @!p1 $0x1  }
0x35e: {  	[tilespmem:s3], [sflag:$0x1] =	stream.indirect.gather @!p1 [hbm4b:s10+s0], $0x80, s1, s0, $0xb8;
	[tilespmem:$0x16B80] =	vst v63  }
0x35f: {  	_ =	swait.ge @!p1 [sflag:s4], $0x4000  }
0x360: {  	[sflag:s4] =	ssyncset.done @!p1 $0x0  }
0x361: {  	s5 =	simm.s32 @!p1 $0x3B80;
	[sflag:s4] =	ssyncadd.s32 @!p1 $0xFFFFC000  }
0x362: {  	[hbm4b:s13+s0] =	stream.indirect.scatter @!p1 [tilespmem:s3], [sflag:$0x1], $0x80, s5, s0, $0xb8;
	[tilespmem:$0x16B80] =	vst v63  }
0x363: {  	_ =	swait.ge @!p1 [sflag:s4], $0x4000  }
0x364: {  	[sflag:s4] =	ssyncset.done @!p1 $0x0  }
0x365: {  	s3 =	simm.s32 @!p1 $0x5580;
	[sflag:s4] =	ssyncadd.s32 @!p1 $0xFFFFC000  }
0x366: {  	[tilespmem:s3], [sflag:$0x1] =	stream.indirect.gather @!p1 [hbm4b:s12+s0], $0x1, s1, s0, $0xb8;
	[tilespmem:$0x16B80] =	vst v63  }
0x367: {  	_ =	swait.ge @!p1 [sflag:s4], $0x80  }
0x368: {  	[sflag:s4] =	ssyncset.done @!p1 $0x0  }
0x369: {  	[sflag:s4] =	ssyncadd.s32 @!p1 $0xFFFFFF80  }
0x36a: {  	[hbm4b:s15+s0] =	stream.indirect.scatter @!p1 [tilespmem:s3], [sflag:$0x1], $0x1, s5, s0, $0xb8;
	[tilespmem:$0x16B80] =	vst v63  }
0x36b: {  	_ =	swait.ge @!p1 [sflag:s4], $0x80  }
0x36c: {  	[sflag:s4] =	ssyncset.done @!p1 $0x0  }
0x36d: {  	s1 =	simm.s32 @!p1 $0x5600;
	[sflag:s4] =	ssyncadd.s32 @!p1 $0xFFFFFF80  }
0x36e: {  	[hbm4b:s16+s0] =	stream.indirect.scatter @!p1 [tilespmem:s1], [sflag:$0x1], $0x1, s5, s0, $0xb8;
	[tilespmem:$0x16B80] =	vst v63  }
0x36f: {  	_ =	swait.ge @!p1 [sflag:s4], $0x80  }
0x370: {  	p2 =	slt.u32 @!p1 s20, $0x681;
	[sflag:s4] =	ssyncset.done @!p1 $0x0  }
0x371: {  	[sflag:s4] =	ssyncadd.s32 @!p1 $0xFFFFFF80;
	p1 =	por p1, p2  }
0x372: {  	s0 =	simm.s32 @!p1 $0x80  }
0x373: {  	s1 =	simm.s32 @!p1 $0x4C00;
	s3 =	simm.s32 @!p1 $0xDF00;
	s4 =	simm.s32 @!p1 $0x1  }
0x374: {  	[tilespmem:s3], [sflag:$0x1] =	stream.indirect.gather @!p1 [hbm4b:s10+s0], $0x80, s1, s0, $0xb8;
	[tilespmem:$0x16B80] =	vst v63  }
0x375: {  	_ =	swait.ge @!p1 [sflag:s4], $0x4000  }
0x376: {  	[sflag:s4] =	ssyncset.done @!p1 $0x0  }
0x377: {  	s5 =	simm.s32 @!p1 $0x3C00;
	[sflag:s4] =	ssyncadd.s32 @!p1 $0xFFFFC000  }
0x378: {  	[hbm4b:s13+s0] =	stream.indirect.scatter @!p1 [tilespmem:s3], [sflag:$0x1], $0x80, s5, s0, $0xb8;
	[tilespmem:$0x16B80] =	vst v63  }
0x379: {  	_ =	swait.ge @!p1 [sflag:s4], $0x4000  }
0x37a: {  	[sflag:s4] =	ssyncset.done @!p1 $0x0  }
0x37b: {  	s3 =	simm.s32 @!p1 $0x5580;
	[sflag:s4] =	ssyncadd.s32 @!p1 $0xFFFFC000  }
0x37c: {  	[tilespmem:s3], [sflag:$0x1] =	stream.indirect.gather @!p1 [hbm4b:s12+s0], $0x1, s1, s0, $0xb8;
	[tilespmem:$0x16B80] =	vst v63  }
0x37d: {  	_ =	swait.ge @!p1 [sflag:s4], $0x80  }
0x37e: {  	[sflag:s4] =	ssyncset.done @!p1 $0x0  }
0x37f: {  	[sflag:s4] =	ssyncadd.s32 @!p1 $0xFFFFFF80  }
0x380: {  	[hbm4b:s15+s0] =	stream.indirect.scatter @!p1 [tilespmem:s3], [sflag:$0x1], $0x1, s5, s0, $0xb8;
	[tilespmem:$0x16B80] =	vst v63  }
0x381: {  	_ =	swait.ge @!p1 [sflag:s4], $0x80  }
0x382: {  	[sflag:s4] =	ssyncset.done @!p1 $0x0  }
0x383: {  	s1 =	simm.s32 @!p1 $0x5600;
	[sflag:s4] =	ssyncadd.s32 @!p1 $0xFFFFFF80  }
0x384: {  	[hbm4b:s16+s0] =	stream.indirect.scatter @!p1 [tilespmem:s1], [sflag:$0x1], $0x1, s5, s0, $0xb8;
	[tilespmem:$0x16B80] =	vst v63  }
0x385: {  	_ =	swait.ge @!p1 [sflag:s4], $0x80  }
0x386: {  	p2 =	slt.u32 @!p1 s20, $0x701;
	[sflag:s4] =	ssyncset.done @!p1 $0x0  }
0x387: {  	[sflag:s4] =	ssyncadd.s32 @!p1 $0xFFFFFF80;
	p1 =	por p1, p2  }
0x388: {  	s0 =	simm.s32 @!p1 $0x80  }
0x389: {  	s1 =	simm.s32 @!p1 $0x4C80;
	s3 =	simm.s32 @!p1 $0xDF00;
	s4 =	simm.s32 @!p1 $0x1  }
0x38a: {  	[tilespmem:s3], [sflag:$0x1] =	stream.indirect.gather @!p1 [hbm4b:s10+s0], $0x80, s1, s0, $0xb8;
	[tilespmem:$0x16B80] =	vst v63  }
0x38b: {  	_ =	swait.ge @!p1 [sflag:s4], $0x4000  }
0x38c: {  	[sflag:s4] =	ssyncset.done @!p1 $0x0  }
0x38d: {  	s5 =	simm.s32 @!p1 $0x3C80;
	[sflag:s4] =	ssyncadd.s32 @!p1 $0xFFFFC000  }
0x38e: {  	[hbm4b:s13+s0] =	stream.indirect.scatter @!p1 [tilespmem:s3], [sflag:$0x1], $0x80, s5, s0, $0xb8;
	[tilespmem:$0x16B80] =	vst v63  }
0x38f: {  	_ =	swait.ge @!p1 [sflag:s4], $0x4000  }
0x390: {  	[sflag:s4] =	ssyncset.done @!p1 $0x0  }
0x391: {  	s3 =	simm.s32 @!p1 $0x5580;
	[sflag:s4] =	ssyncadd.s32 @!p1 $0xFFFFC000  }
0x392: {  	[tilespmem:s3], [sflag:$0x1] =	stream.indirect.gather @!p1 [hbm4b:s12+s0], $0x1, s1, s0, $0xb8;
	[tilespmem:$0x16B80] =	vst v63  }
0x393: {  	_ =	swait.ge @!p1 [sflag:s4], $0x80  }
0x394: {  	[sflag:s4] =	ssyncset.done @!p1 $0x0  }
0x395: {  	[sflag:s4] =	ssyncadd.s32 @!p1 $0xFFFFFF80  }
0x396: {  	[hbm4b:s15+s0] =	stream.indirect.scatter @!p1 [tilespmem:s3], [sflag:$0x1], $0x1, s5, s0, $0xb8;
	[tilespmem:$0x16B80] =	vst v63  }
0x397: {  	_ =	swait.ge @!p1 [sflag:s4], $0x80  }
0x398: {  	[sflag:s4] =	ssyncset.done @!p1 $0x0  }
0x399: {  	s1 =	simm.s32 @!p1 $0x5600;
	[sflag:s4] =	ssyncadd.s32 @!p1 $0xFFFFFF80  }
0x39a: {  	[hbm4b:s16+s0] =	stream.indirect.scatter @!p1 [tilespmem:s1], [sflag:$0x1], $0x1, s5, s0, $0xb8;
	[tilespmem:$0x16B80] =	vst v63  }
0x39b: {  	_ =	swait.ge @!p1 [sflag:s4], $0x80  }
0x39c: {  	p2 =	slt.u32 @!p1 s20, $0x781;
	[sflag:s4] =	ssyncset.done @!p1 $0x0  }
0x39d: {  	[sflag:s4] =	ssyncadd.s32 @!p1 $0xFFFFFF80;
	p1 =	por p1, p2  }
0x39e: {  	s0 =	simm.s32 @!p1 $0x80  }
0x39f: {  	s1 =	simm.s32 @!p1 $0x4D00;
	s3 =	simm.s32 @!p1 $0xDF00;
	s4 =	simm.s32 @!p1 $0x1  }
0x3a0: {  	[tilespmem:s3], [sflag:$0x1] =	stream.indirect.gather @!p1 [hbm4b:s10+s0], $0x80, s1, s0, $0xb8;
	[tilespmem:$0x16B80] =	vst v63  }
0x3a1: {  	_ =	swait.ge @!p1 [sflag:s4], $0x4000  }
0x3a2: {  	[sflag:s4] =	ssyncset.done @!p1 $0x0  }
0x3a3: {  	s5 =	simm.s32 @!p1 $0x3D00;
	[sflag:s4] =	ssyncadd.s32 @!p1 $0xFFFFC000  }
0x3a4: {  	[hbm4b:s13+s0] =	stream.indirect.scatter @!p1 [tilespmem:s3], [sflag:$0x1], $0x80, s5, s0, $0xb8;
	[tilespmem:$0x16B80] =	vst v63  }
0x3a5: {  	_ =	swait.ge @!p1 [sflag:s4], $0x4000  }
0x3a6: {  	[sflag:s4] =	ssyncset.done @!p1 $0x0  }
0x3a7: {  	s3 =	simm.s32 @!p1 $0x5580;
	[sflag:s4] =	ssyncadd.s32 @!p1 $0xFFFFC000  }
0x3a8: {  	[tilespmem:s3], [sflag:$0x1] =	stream.indirect.gather @!p1 [hbm4b:s12+s0], $0x1, s1, s0, $0xb8;
	[tilespmem:$0x16B80] =	vst v63  }
0x3a9: {  	_ =	swait.ge @!p1 [sflag:s4], $0x80  }
0x3aa: {  	[sflag:s4] =	ssyncset.done @!p1 $0x0  }
0x3ab: {  	[sflag:s4] =	ssyncadd.s32 @!p1 $0xFFFFFF80  }
0x3ac: {  	[hbm4b:s15+s0] =	stream.indirect.scatter @!p1 [tilespmem:s3], [sflag:$0x1], $0x1, s5, s0, $0xb8;
	[tilespmem:$0x16B80] =	vst v63  }
0x3ad: {  	_ =	swait.ge @!p1 [sflag:s4], $0x80  }
0x3ae: {  	[sflag:s4] =	ssyncset.done @!p1 $0x0  }
0x3af: {  	s1 =	simm.s32 @!p1 $0x5600;
	[sflag:s4] =	ssyncadd.s32 @!p1 $0xFFFFFF80  }
0x3b0: {  	[hbm4b:s16+s0] =	stream.indirect.scatter @!p1 [tilespmem:s1], [sflag:$0x1], $0x1, s5, s0, $0xb8;
	[tilespmem:$0x16B80] =	vst v63  }
0x3b1: {  	_ =	swait.ge @!p1 [sflag:s4], $0x80  }
0x3b2: {  	p2 =	slt.u32 @!p1 s20, $0x801;
	[sflag:s4] =	ssyncset.done @!p1 $0x0  }
0x3b3: {  	[sflag:s4] =	ssyncadd.s32 @!p1 $0xFFFFFF80;
	p1 =	por p1, p2  }
0x3b4: {  	s0 =	simm.s32 @!p1 $0x80  }
0x3b5: {  	s1 =	simm.s32 @!p1 $0x4D80;
	s3 =	simm.s32 @!p1 $0xDF00;
	s4 =	simm.s32 @!p1 $0x1  }
0x3b6: {  	[tilespmem:s3], [sflag:$0x1] =	stream.indirect.gather @!p1 [hbm4b:s10+s0], $0x80, s1, s0, $0xb8;
	[tilespmem:$0x16B80] =	vst v63  }
0x3b7: {  	_ =	swait.ge @!p1 [sflag:s4], $0x4000  }
0x3b8: {  	[sflag:s4] =	ssyncset.done @!p1 $0x0  }
0x3b9: {  	s5 =	simm.s32 @!p1 $0x3D80;
	[sflag:s4] =	ssyncadd.s32 @!p1 $0xFFFFC000  }
0x3ba: {  	[hbm4b:s13+s0] =	stream.indirect.scatter @!p1 [tilespmem:s3], [sflag:$0x1], $0x80, s5, s0, $0xb8;
	[tilespmem:$0x16B80] =	vst v63  }
0x3bb: {  	_ =	swait.ge @!p1 [sflag:s4], $0x4000  }
0x3bc: {  	[sflag:s4] =	ssyncset.done @!p1 $0x0  }
0x3bd: {  	s3 =	simm.s32 @!p1 $0x5580;
	[sflag:s4] =	ssyncadd.s32 @!p1 $0xFFFFC000  }
0x3be: {  	[tilespmem:s3], [sflag:$0x1] =	stream.indirect.gather @!p1 [hbm4b:s12+s0], $0x1, s1, s0, $0xb8;
	[tilespmem:$0x16B80] =	vst v63  }
0x3bf: {  	_ =	swait.ge @!p1 [sflag:s4], $0x80  }
0x3c0: {  	[sflag:s4] =	ssyncset.done @!p1 $0x0  }
0x3c1: {  	[sflag:s4] =	ssyncadd.s32 @!p1 $0xFFFFFF80  }
0x3c2: {  	[hbm4b:s15+s0] =	stream.indirect.scatter @!p1 [tilespmem:s3], [sflag:$0x1], $0x1, s5, s0, $0xb8;
	[tilespmem:$0x16B80] =	vst v63  }
0x3c3: {  	_ =	swait.ge @!p1 [sflag:s4], $0x80  }
0x3c4: {  	[sflag:s4] =	ssyncset.done @!p1 $0x0  }
0x3c5: {  	s1 =	simm.s32 @!p1 $0x5600;
	[sflag:s4] =	ssyncadd.s32 @!p1 $0xFFFFFF80  }
0x3c6: {  	[hbm4b:s16+s0] =	stream.indirect.scatter @!p1 [tilespmem:s1], [sflag:$0x1], $0x1, s5, s0, $0xb8;
	[tilespmem:$0x16B80] =	vst v63  }
0x3c7: {  	_ =	swait.ge @!p1 [sflag:s4], $0x80  }
0x3c8: {  	p2 =	slt.u32 @!p1 s20, $0x881;
	[sflag:s4] =	ssyncset.done @!p1 $0x0  }
0x3c9: {  	[sflag:s4] =	ssyncadd.s32 @!p1 $0xFFFFFF80;
	p1 =	por p1, p2  }
0x3ca: {  	s0 =	simm.s32 @!p1 $0x80  }
0x3cb: {  	s1 =	simm.s32 @!p1 $0x4E00;
	s3 =	simm.s32 @!p1 $0xDF00;
	s4 =	simm.s32 @!p1 $0x1  }
0x3cc: {  	[tilespmem:s3], [sflag:$0x1] =	stream.indirect.gather @!p1 [hbm4b:s10+s0], $0x80, s1, s0, $0xb8;
	[tilespmem:$0x16B80] =	vst v63  }
0x3cd: {  	_ =	swait.ge @!p1 [sflag:s4], $0x4000  }
0x3ce: {  	[sflag:s4] =	ssyncset.done @!p1 $0x0  }
0x3cf: {  	s5 =	simm.s32 @!p1 $0x3E00;
	[sflag:s4] =	ssyncadd.s32 @!p1 $0xFFFFC000  }
0x3d0: {  	[hbm4b:s13+s0] =	stream.indirect.scatter @!p1 [tilespmem:s3], [sflag:$0x1], $0x80, s5, s0, $0xb8;
	[tilespmem:$0x16B80] =	vst v63  }
0x3d1: {  	_ =	swait.ge @!p1 [sflag:s4], $0x4000  }
0x3d2: {  	[sflag:s4] =	ssyncset.done @!p1 $0x0  }
0x3d3: {  	s3 =	simm.s32 @!p1 $0x5580;
	[sflag:s4] =	ssyncadd.s32 @!p1 $0xFFFFC000  }
0x3d4: {  	[tilespmem:s3], [sflag:$0x1] =	stream.indirect.gather @!p1 [hbm4b:s12+s0], $0x1, s1, s0, $0xb8;
	[tilespmem:$0x16B80] =	vst v63  }
0x3d5: {  	_ =	swait.ge @!p1 [sflag:s4], $0x80  }
0x3d6: {  	[sflag:s4] =	ssyncset.done @!p1 $0x0  }
0x3d7: {  	[sflag:s4] =	ssyncadd.s32 @!p1 $0xFFFFFF80  }
0x3d8: {  	[hbm4b:s15+s0] =	stream.indirect.scatter @!p1 [tilespmem:s3], [sflag:$0x1], $0x1, s5, s0, $0xb8;
	[tilespmem:$0x16B80] =	vst v63  }
0x3d9: {  	_ =	swait.ge @!p1 [sflag:s4], $0x80  }
0x3da: {  	[sflag:s4] =	ssyncset.done @!p1 $0x0  }
0x3db: {  	s1 =	simm.s32 @!p1 $0x5600;
	[sflag:s4] =	ssyncadd.s32 @!p1 $0xFFFFFF80  }
0x3dc: {  	[hbm4b:s16+s0] =	stream.indirect.scatter @!p1 [tilespmem:s1], [sflag:$0x1], $0x1, s5, s0, $0xb8;
	[tilespmem:$0x16B80] =	vst v63  }
0x3dd: {  	_ =	swait.ge @!p1 [sflag:s4], $0x80  }
0x3de: {  	p2 =	slt.u32 @!p1 s20, $0x901;
	[sflag:s4] =	ssyncset.done @!p1 $0x0  }
0x3df: {  	[sflag:s4] =	ssyncadd.s32 @!p1 $0xFFFFFF80;
	p1 =	por p1, p2  }
0x3e0: {  	s0 =	simm.s32 @!p1 $0x80  }
0x3e1: {  	s1 =	simm.s32 @!p1 $0x4E80;
	s3 =	simm.s32 @!p1 $0xDF00;
	s4 =	simm.s32 @!p1 $0x1  }
0x3e2: {  	[tilespmem:s3], [sflag:$0x1] =	stream.indirect.gather @!p1 [hbm4b:s10+s0], $0x80, s1, s0, $0xb8;
	[tilespmem:$0x16B80] =	vst v63  }
0x3e3: {  	_ =	swait.ge @!p1 [sflag:s4], $0x4000  }
0x3e4: {  	[sflag:s4] =	ssyncset.done @!p1 $0x0  }
0x3e5: {  	s5 =	simm.s32 @!p1 $0x3E80;
	[sflag:s4] =	ssyncadd.s32 @!p1 $0xFFFFC000  }
0x3e6: {  	[hbm4b:s13+s0] =	stream.indirect.scatter @!p1 [tilespmem:s3], [sflag:$0x1], $0x80, s5, s0, $0xb8;
	[tilespmem:$0x16B80] =	vst v63  }
0x3e7: {  	_ =	swait.ge @!p1 [sflag:s4], $0x4000  }
0x3e8: {  	[sflag:s4] =	ssyncset.done @!p1 $0x0  }
0x3e9: {  	s3 =	simm.s32 @!p1 $0x5580;
	[sflag:s4] =	ssyncadd.s32 @!p1 $0xFFFFC000  }
0x3ea: {  	[tilespmem:s3], [sflag:$0x1] =	stream.indirect.gather @!p1 [hbm4b:s12+s0], $0x1, s1, s0, $0xb8;
	[tilespmem:$0x16B80] =	vst v63  }
0x3eb: {  	_ =	swait.ge @!p1 [sflag:s4], $0x80  }
0x3ec: {  	[sflag:s4] =	ssyncset.done @!p1 $0x0  }
0x3ed: {  	[sflag:s4] =	ssyncadd.s32 @!p1 $0xFFFFFF80  }
0x3ee: {  	[hbm4b:s15+s0] =	stream.indirect.scatter @!p1 [tilespmem:s3], [sflag:$0x1], $0x1, s5, s0, $0xb8;
	[tilespmem:$0x16B80] =	vst v63  }
0x3ef: {  	_ =	swait.ge @!p1 [sflag:s4], $0x80  }
0x3f0: {  	[sflag:s4] =	ssyncset.done @!p1 $0x0  }
0x3f1: {  	s1 =	simm.s32 @!p1 $0x5600;
	[sflag:s4] =	ssyncadd.s32 @!p1 $0xFFFFFF80  }
0x3f2: {  	[hbm4b:s16+s0] =	stream.indirect.scatter @!p1 [tilespmem:s1], [sflag:$0x1], $0x1, s5, s0, $0xb8;
	[tilespmem:$0x16B80] =	vst v63  }
0x3f3: {  	_ =	swait.ge @!p1 [sflag:s4], $0x80  }
0x3f4: {  	p2 =	slt.u32 @!p1 s20, $0x981;
	[sflag:s4] =	ssyncset.done @!p1 $0x0  }
0x3f5: {  	[sflag:s4] =	ssyncadd.s32 @!p1 $0xFFFFFF80;
	p1 =	por p1, p2  }
0x3f6: {  	s0 =	simm.s32 @!p1 $0x80  }
0x3f7: {  	s1 =	simm.s32 @!p1 $0x4F00;
	s3 =	simm.s32 @!p1 $0xDF00;
	s4 =	simm.s32 @!p1 $0x1  }
0x3f8: {  	[tilespmem:s3], [sflag:$0x1] =	stream.indirect.gather @!p1 [hbm4b:s10+s0], $0x80, s1, s0, $0xb8;
	[tilespmem:$0x16B80] =	vst v63  }
0x3f9: {  	_ =	swait.ge @!p1 [sflag:s4], $0x4000  }
0x3fa: {  	[sflag:s4] =	ssyncset.done @!p1 $0x0  }
0x3fb: {  	s5 =	simm.s32 @!p1 $0x3F00;
	[sflag:s4] =	ssyncadd.s32 @!p1 $0xFFFFC000  }
0x3fc: {  	[hbm4b:s13+s0] =	stream.indirect.scatter @!p1 [tilespmem:s3], [sflag:$0x1], $0x80, s5, s0, $0xb8;
	[tilespmem:$0x16B80] =	vst v63  }
0x3fd: {  	_ =	swait.ge @!p1 [sflag:s4], $0x4000  }
0x3fe: {  	[sflag:s4] =	ssyncset.done @!p1 $0x0  }
0x3ff: {  	s3 =	simm.s32 @!p1 $0x5580;
	[sflag:s4] =	ssyncadd.s32 @!p1 $0xFFFFC000  }
0x400: {  	[tilespmem:s3], [sflag:$0x1] =	stream.indirect.gather @!p1 [hbm4b:s12+s0], $0x1, s1, s0, $0xb8;
	[tilespmem:$0x16B80] =	vst v63  }
0x401: {  	_ =	swait.ge @!p1 [sflag:s4], $0x80  }
0x402: {  	[sflag:s4] =	ssyncset.done @!p1 $0x0  }
0x403: {  	[sflag:s4] =	ssyncadd.s32 @!p1 $0xFFFFFF80  }
0x404: {  	[hbm4b:s15+s0] =	stream.indirect.scatter @!p1 [tilespmem:s3], [sflag:$0x1], $0x1, s5, s0, $0xb8;
	[tilespmem:$0x16B80] =	vst v63  }
0x405: {  	_ =	swait.ge @!p1 [sflag:s4], $0x80  }
0x406: {  	[sflag:s4] =	ssyncset.done @!p1 $0x0  }
0x407: {  	s1 =	simm.s32 @!p1 $0x5600;
	[sflag:s4] =	ssyncadd.s32 @!p1 $0xFFFFFF80  }
0x408: {  	[hbm4b:s16+s0] =	stream.indirect.scatter @!p1 [tilespmem:s1], [sflag:$0x1], $0x1, s5, s0, $0xb8;
	[tilespmem:$0x16B80] =	vst v63  }
0x409: {  	_ =	swait.ge @!p1 [sflag:s4], $0x80  }
0x40a: {  	p2 =	slt.u32 @!p1 s20, $0xA01;
	[sflag:s4] =	ssyncset.done @!p1 $0x0  }
0x40b: {  	[sflag:s4] =	ssyncadd.s32 @!p1 $0xFFFFFF80;
	p1 =	por p1, p2  }
0x40c: {  	s0 =	simm.s32 @!p1 $0x80  }
0x40d: {  	s1 =	simm.s32 @!p1 $0x4F80;
	s3 =	simm.s32 @!p1 $0xDF00;
	s4 =	simm.s32 @!p1 $0x1  }
0x40e: {  	[tilespmem:s3], [sflag:$0x1] =	stream.indirect.gather @!p1 [hbm4b:s10+s0], $0x80, s1, s0, $0xb8;
	[tilespmem:$0x16B80] =	vst v63  }
0x40f: {  	_ =	swait.ge @!p1 [sflag:s4], $0x4000  }
0x410: {  	[sflag:s4] =	ssyncset.done @!p1 $0x0  }
0x411: {  	s5 =	simm.s32 @!p1 $0x3F80;
	[sflag:s4] =	ssyncadd.s32 @!p1 $0xFFFFC000  }
0x412: {  	[hbm4b:s13+s0] =	stream.indirect.scatter @!p1 [tilespmem:s3], [sflag:$0x1], $0x80, s5, s0, $0xb8;
	[tilespmem:$0x16B80] =	vst v63  }
0x413: {  	_ =	swait.ge @!p1 [sflag:s4], $0x4000  }
0x414: {  	[sflag:s4] =	ssyncset.done @!p1 $0x0  }
0x415: {  	s3 =	simm.s32 @!p1 $0x5580;
	[sflag:s4] =	ssyncadd.s32 @!p1 $0xFFFFC000  }
0x416: {  	[tilespmem:s3], [sflag:$0x1] =	stream.indirect.gather @!p1 [hbm4b:s12+s0], $0x1, s1, s0, $0xb8;
	[tilespmem:$0x16B80] =	vst v63  }
0x417: {  	_ =	swait.ge @!p1 [sflag:s4], $0x80  }
0x418: {  	[sflag:s4] =	ssyncset.done @!p1 $0x0  }
0x419: {  	[sflag:s4] =	ssyncadd.s32 @!p1 $0xFFFFFF80  }
0x41a: {  	[hbm4b:s15+s0] =	stream.indirect.scatter @!p1 [tilespmem:s3], [sflag:$0x1], $0x1, s5, s0, $0xb8;
	[tilespmem:$0x16B80] =	vst v63  }
0x41b: {  	_ =	swait.ge @!p1 [sflag:s4], $0x80  }
0x41c: {  	[sflag:s4] =	ssyncset.done @!p1 $0x0  }
0x41d: {  	s1 =	simm.s32 @!p1 $0x5600;
	[sflag:s4] =	ssyncadd.s32 @!p1 $0xFFFFFF80  }
0x41e: {  	[hbm4b:s16+s0] =	stream.indirect.scatter @!p1 [tilespmem:s1], [sflag:$0x1], $0x1, s5, s0, $0xb8;
	[tilespmem:$0x16B80] =	vst v63  }
0x41f: {  	_ =	swait.ge @!p1 [sflag:s4], $0x80  }
0x420: {  	p2 =	slt.u32 @!p1 s20, $0xA81;
	[sflag:s4] =	ssyncset.done @!p1 $0x0  }
0x421: {  	[sflag:s4] =	ssyncadd.s32 @!p1 $0xFFFFFF80;
	p1 =	por p1, p2  }
0x422: {  	s0 =	simm.s32 @!p1 $0x80  }
0x423: {  	s1 =	simm.s32 @!p1 $0x5000;
	s3 =	simm.s32 @!p1 $0xDF00;
	s4 =	simm.s32 @!p1 $0x1  }
0x424: {  	[tilespmem:s3], [sflag:$0x1] =	stream.indirect.gather @!p1 [hbm4b:s10+s0], $0x80, s1, s0, $0xb8;
	[tilespmem:$0x16B80] =	vst v63  }
0x425: {  	_ =	swait.ge @!p1 [sflag:s4], $0x4000  }
0x426: {  	[sflag:s4] =	ssyncset.done @!p1 $0x0  }
0x427: {  	s5 =	simm.s32 @!p1 $0x4000;
	[sflag:s4] =	ssyncadd.s32 @!p1 $0xFFFFC000  }
0x428: {  	[hbm4b:s13+s0] =	stream.indirect.scatter @!p1 [tilespmem:s3], [sflag:$0x1], $0x80, s5, s0, $0xb8;
	[tilespmem:$0x16B80] =	vst v63  }
0x429: {  	_ =	swait.ge @!p1 [sflag:s4], $0x4000  }
0x42a: {  	[sflag:s4] =	ssyncset.done @!p1 $0x0  }
0x42b: {  	s3 =	simm.s32 @!p1 $0x5580;
	[sflag:s4] =	ssyncadd.s32 @!p1 $0xFFFFC000  }
0x42c: {  	[tilespmem:s3], [sflag:$0x1] =	stream.indirect.gather @!p1 [hbm4b:s12+s0], $0x1, s1, s0, $0xb8;
	[tilespmem:$0x16B80] =	vst v63  }
0x42d: {  	_ =	swait.ge @!p1 [sflag:s4], $0x80  }
0x42e: {  	[sflag:s4] =	ssyncset.done @!p1 $0x0  }
0x42f: {  	[sflag:s4] =	ssyncadd.s32 @!p1 $0xFFFFFF80  }
0x430: {  	[hbm4b:s15+s0] =	stream.indirect.scatter @!p1 [tilespmem:s3], [sflag:$0x1], $0x1, s5, s0, $0xb8;
	[tilespmem:$0x16B80] =	vst v63  }
0x431: {  	p2 =	slt.u32 @!p1 s20, $0xB01;
	_ =	swait.ge @!p1 [sflag:s4], $0x80  }
0x432: {  	p2 =	por p1, p2;
	[sflag:s4] =	ssyncset.done @!p1 $0x0  }
.Ltmp34:
0x433: {  	s1 =	simm.s32 @!p1 $0x5600;
	[sflag:s4] =	ssyncadd.s32 @!p1 $0xFFFFFF80;
	(pc) =	sbr.rel @p2 .LBB2_42-.Ltmp34, $4  }
0x434: {  	[hbm4b:s16+s0] =	stream.indirect.scatter @!p1 [tilespmem:s1], [sflag:$0x1], $0x1, s5, s0, $0xb8;
	[tilespmem:$0x16B80] =	vst v63  }
0x435: {  	_ =	swait.ge @!p1 [sflag:s4], $0x80  }
0x436: {  	[sflag:s4] =	ssyncset.done @!p1 $0x0  }
0x437: {  	s7 =	rddreg [dreg:$0x1e];
	[sflag:s4] =	ssyncadd.s32 @!p1 $0xFFFFFF80  }
0x438: {  	s0 =	simm.s32 $0x80  }
0x439: {  	s1 =	simm.s32 $0x5080;
	s3 =	simm.s32 $0xDF00;
	s4 =	simm.s32 $0x1  }
0x43a: {  	[tilespmem:s3], [sflag:$0x1] =	stream.indirect.gather [hbm4b:s10+s0], $0x80, s1, s0, $0xb8;
	[tilespmem:$0x16B80] =	vst v63  }
0x43b: {  	_ =	swait.ge [sflag:s4], $0x4000  }
0x43c: {  	[sflag:s4] =	ssyncset.done $0x0  }
0x43d: {  	s5 =	simm.s32 $0x4080;
	[sflag:s4] =	ssyncadd.s32 $0xFFFFC000  }
0x43e: {  	[hbm4b:s13+s0] =	stream.indirect.scatter [tilespmem:s3], [sflag:$0x1], $0x80, s5, s0, $0xb8;
	[tilespmem:$0x16B80] =	vst v63  }
0x43f: {  	_ =	swait.ge [sflag:s4], $0x4000  }
0x440: {  	[sflag:s4] =	ssyncset.done $0x0  }
0x441: {  	s17 =	simm.s32 $0x5580;
	[sflag:s4] =	ssyncadd.s32 $0xFFFFC000  }
0x442: {  	[tilespmem:s17], [sflag:$0x1] =	stream.indirect.gather [hbm4b:s12+s0], $0x1, s1, s0, $0xb8;
	[tilespmem:$0x16B80] =	vst v63  }
0x443: {  	_ =	swait.ge [sflag:s4], $0x80  }
0x444: {  	[sflag:s4] =	ssyncset.done $0x0  }
0x445: {  	[sflag:s4] =	ssyncadd.s32 $0xFFFFFF80  }
0x446: {  	[hbm4b:s15+s0] =	stream.indirect.scatter [tilespmem:s17], [sflag:$0x1], $0x1, s5, s0, $0xb8;
	[tilespmem:$0x16B80] =	vst v63  }
0x447: {  	_ =	swait.ge [sflag:s4], $0x80  }
0x448: {  	[sflag:s4] =	ssyncset.done $0x0  }
0x449: {  	s18 =	simm.s32 $0x5600;
	[sflag:s4] =	ssyncadd.s32 $0xFFFFFF80  }
0x44a: {  	[hbm4b:s16+s0] =	stream.indirect.scatter [tilespmem:s18], [sflag:$0x1], $0x1, s5, s0, $0xb8;
	[tilespmem:$0x16B80] =	vst v63  }
0x44b: {  	p1 =	slt.u32 s20, $0xB81;
	_ =	swait.ge [sflag:s4], $0x80  }
0x44c: {  	s3 =	simm.s32 @!p1 $0xDF00;
	s1 =	simm.s32 @!p1 $0x5100;
	[sflag:s4] =	ssyncset.done $0x0  }
0x44d: {  	s0 =	simm.s32 @!p1 $0x80;
	[sflag:s4] =	ssyncadd.s32 $0xFFFFFF80;
	s4 =	simm.s32 @!p1 $0x1  }
0x44e: {  	[tilespmem:s3], [sflag:$0x1] =	stream.indirect.gather @!p1 [hbm4b:s10+s0], $0x80, s1, s0, $0xb8;
	[tilespmem:$0x16B80] =	vst v63  }
0x44f: {  	_ =	swait.ge @!p1 [sflag:s4], $0x4000  }
0x450: {  	[sflag:s4] =	ssyncset.done @!p1 $0x0  }
0x451: {  	s5 =	simm.s32 @!p1 $0x4100;
	[sflag:s4] =	ssyncadd.s32 @!p1 $0xFFFFC000  }
0x452: {  	[hbm4b:s13+s0] =	stream.indirect.scatter @!p1 [tilespmem:s3], [sflag:$0x1], $0x80, s5, s0, $0xb8;
	[tilespmem:$0x16B80] =	vst v63  }
0x453: {  	_ =	swait.ge @!p1 [sflag:s4], $0x4000  }
0x454: {  	[sflag:s4] =	ssyncset.done @!p1 $0x0  }
0x455: {  	s3 =	simm.s32 @!p1 $0x5580;
	[sflag:s4] =	ssyncadd.s32 @!p1 $0xFFFFC000  }
0x456: {  	[tilespmem:s3], [sflag:$0x1] =	stream.indirect.gather @!p1 [hbm4b:s12+s0], $0x1, s1, s0, $0xb8;
	[tilespmem:$0x16B80] =	vst v63  }
0x457: {  	_ =	swait.ge @!p1 [sflag:s4], $0x80  }
0x458: {  	[sflag:s4] =	ssyncset.done @!p1 $0x0  }
0x459: {  	[sflag:s4] =	ssyncadd.s32 @!p1 $0xFFFFFF80  }
0x45a: {  	[hbm4b:s15+s0] =	stream.indirect.scatter @!p1 [tilespmem:s3], [sflag:$0x1], $0x1, s5, s0, $0xb8;
	[tilespmem:$0x16B80] =	vst v63  }
0x45b: {  	_ =	swait.ge @!p1 [sflag:s4], $0x80  }
0x45c: {  	[sflag:s4] =	ssyncset.done @!p1 $0x0  }
0x45d: {  	s1 =	simm.s32 @!p1 $0x5600;
	[sflag:s4] =	ssyncadd.s32 @!p1 $0xFFFFFF80  }
0x45e: {  	[hbm4b:s16+s0] =	stream.indirect.scatter @!p1 [tilespmem:s1], [sflag:$0x1], $0x1, s5, s0, $0xb8;
	[tilespmem:$0x16B80] =	vst v63  }
0x45f: {  	_ =	swait.ge @!p1 [sflag:s4], $0x80  }
0x460: {  	p2 =	slt.u32 @!p1 s20, $0xC01;
	[sflag:s4] =	ssyncset.done @!p1 $0x0  }
0x461: {  	[sflag:s4] =	ssyncadd.s32 @!p1 $0xFFFFFF80;
	p1 =	por p2, p1  }
0x462: {  	s0 =	simm.s32 @!p1 $0x80  }
0x463: {  	s1 =	simm.s32 @!p1 $0x5180;
	s3 =	simm.s32 @!p1 $0xDF00;
	s4 =	simm.s32 @!p1 $0x1  }
0x464: {  	[tilespmem:s3], [sflag:$0x1] =	stream.indirect.gather @!p1 [hbm4b:s10+s0], $0x80, s1, s0, $0xb8;
	[tilespmem:$0x16B80] =	vst v63  }
0x465: {  	_ =	swait.ge @!p1 [sflag:s4], $0x4000  }
0x466: {  	[sflag:s4] =	ssyncset.done @!p1 $0x0  }
0x467: {  	s5 =	simm.s32 @!p1 $0x4180;
	[sflag:s4] =	ssyncadd.s32 @!p1 $0xFFFFC000  }
0x468: {  	[hbm4b:s13+s0] =	stream.indirect.scatter @!p1 [tilespmem:s3], [sflag:$0x1], $0x80, s5, s0, $0xb8;
	[tilespmem:$0x16B80] =	vst v63  }
0x469: {  	_ =	swait.ge @!p1 [sflag:s4], $0x4000  }
0x46a: {  	[sflag:s4] =	ssyncset.done @!p1 $0x0  }
0x46b: {  	s3 =	simm.s32 @!p1 $0x5580;
	[sflag:s4] =	ssyncadd.s32 @!p1 $0xFFFFC000  }
0x46c: {  	[tilespmem:s3], [sflag:$0x1] =	stream.indirect.gather @!p1 [hbm4b:s12+s0], $0x1, s1, s0, $0xb8;
	[tilespmem:$0x16B80] =	vst v63  }
0x46d: {  	_ =	swait.ge @!p1 [sflag:s4], $0x80  }
0x46e: {  	[sflag:s4] =	ssyncset.done @!p1 $0x0  }
0x46f: {  	[sflag:s4] =	ssyncadd.s32 @!p1 $0xFFFFFF80  }
0x470: {  	[hbm4b:s15+s0] =	stream.indirect.scatter @!p1 [tilespmem:s3], [sflag:$0x1], $0x1, s5, s0, $0xb8;
	[tilespmem:$0x16B80] =	vst v63  }
0x471: {  	_ =	swait.ge @!p1 [sflag:s4], $0x80  }
0x472: {  	[sflag:s4] =	ssyncset.done @!p1 $0x0  }
.Ltmp35:
0x473: {  	s1 =	simm.s32 @!p1 $0x5600;
	[sflag:s4] =	ssyncadd.s32 @!p1 $0xFFFFFF80;
	(pc) =	sbr.rel .LBB2_42-.Ltmp35, $4  }
0x474: {  	[hbm4b:s16+s0] =	stream.indirect.scatter @!p1 [tilespmem:s1], [sflag:$0x1], $0x1, s5, s0, $0xb8;
	[tilespmem:$0x16B80] =	vst v63  }
0x475: {  	_ =	swait.ge @!p1 [sflag:s4], $0x80  }
0x476: {  	[sflag:s4] =	ssyncset.done @!p1 $0x0  }
0x477: {  	[sflag:s4] =	ssyncadd.s32 @!p1 $0xFFFFFF80  }
.LBB2_43:
0x478: {  	_ =	sfence.sel $0x180000  }
0x479: {  	[bflag:$0x0] =	sbarrier.arrive $0xFFFF  }
0x47a: {  	_ =	strace $0x90000047  }
0x47b: {  	s0 =	stileid.u32;
	[bflag:$0x2] =	sbarrier.arrive $0xFFFF  }
0x47c: {  	p0 =	sne.s32 s0, $0x0;
	s0 =	rddreg [dreg:$0xc]  }
0x47d: {  	s0 =	sadd.s32 @!p0 $0x100000, s0  }
0x47e: {  	[sflag:s0] =	ssyncadd.tile.s32 @!p0 $0x1;
	_ =	shalt  }
.Lfunc_end2:
_tile_overlayer_lowered:
.L_overlay_start_2:
0x47f: {  	(tag) =	ssettag $0x2  }
0x480: {  	s0 =	rddreg [dreg:$0x0];
	s2 =	stileid.u32  }
0x481: {  	s1 =	rddreg [dreg:$0x1];
	p0 =	sne.s32 s2, $0x0  }
0x482: {  	s3 =	rddreg [dreg:$0x2];
	[bflag:$0x3] =	sbarrier.arrive $0xFFFF;
	s2 =	simm.s32 @!p0 $0x1C02  }
0x483: {  	[timem:s3], [sflag:s2] =	dma.local @!p0 [hbm:s0], s1  }
0x484: {  	s0 =	simm.s32 @!p0 $0x2  }
0x485: {  	_ =	swait.ge @!p0 [sflag:s0], s1  }
0x486: {  	s1 =	ssub.s32 @!p0 $0x0, s1;
	[sflag:s0] =	ssyncset.done @!p0 $0x0  }
0x487: {  	[sflag:s0] =	ssyncadd.s32 @!p0 s1  }
0x488: {  	[bflag:$0x3] =	sbarrier.arrive $0xFFFF  }
0x489: {  	_ =	shalt  }

</sc_bundles>
